<compile_context>
chip_gen: v7x
topology: tpu7x:2x2x1
jax: 0.10.2.dev20260603
libtpu: 0.0.44.dev20260713+nightly
codegen_flags: <defaults>
</compile_context>

<pallas_src>
import functools

import jax
import jax.numpy as jnp
from jax import lax
from jax.experimental import pallas as pl
from jax.experimental.pallas import tpu as pltpu, tpu_sc as plsc

N = 10000
E = 320000
D = 128

NC, NS = 2, 16
NW = NC * NS
EPW = E // NW
K = 80
NCH = EPW // K
CP = 80
NZC = N // CP
MAXZ = -(-NZC // NS)

_mesh = plsc.VectorSubcoreMesh(core_axis_name="c", subcore_axis_name="s")


def _seg_body(g_hbm, src_hbm, dst_hbm, acc_out,
              acc_sh, idx_s, idx_d, rows0, rows1, sg0, sg1):
    c = lax.axis_index("c")
    s = lax.axis_index("s")
    wid = s * NC + c

    def _zrow(i, _):
        r = i // 8
        q = i % 8
        rows0[r, pl.ds(q * 16, 16)] = jnp.zeros((16,), jnp.float32)
        return 0
    lax.fori_loop(0, CP * 8, _zrow, 0)

    for m in range(MAXZ):
        ch = m * NS + s

        @pl.when(ch < NZC)
        def _():
            pltpu.sync_copy(rows0.at[pl.ds(0, CP)], acc_sh.at[pl.ds(ch * CP, CP)])

    plsc.subcore_barrier()

    pltpu.sync_copy(src_hbm.at[wid], idx_s)
    pltpu.sync_copy(dst_hbm.at[wid], idx_d)

    pltpu.async_copy(g_hbm.at[idx_s.at[pl.ds(0, K)]], rows0, sg0)
    pltpu.async_copy(g_hbm.at[idx_s.at[pl.ds(K, K)]], rows1, sg1)

    def _pair(jj, _):
        a = 2 * jj
        b = a + 1
        pltpu.make_async_copy(g_hbm.at[idx_s.at[pl.ds(a * K, K)]], rows0, sg0).wait()
        pltpu.sync_copy(rows0, acc_sh.at[idx_d.at[a]], add=True)

        @pl.when(a + 2 < NCH)
        def _():
            pltpu.async_copy(g_hbm.at[idx_s.at[pl.ds((a + 2) * K, K)]], rows0, sg0)

        @pl.when(b < NCH)
        def _():
            pltpu.make_async_copy(g_hbm.at[idx_s.at[pl.ds(b * K, K)]], rows1, sg1).wait()
            pltpu.sync_copy(rows1, acc_sh.at[idx_d.at[b]], add=True)

            @pl.when(b + 2 < NCH)
            def _():
                pltpu.async_copy(g_hbm.at[idx_s.at[pl.ds((b + 2) * K, K)]], rows1, sg1)
        return 0
    lax.fori_loop(0, (NCH + 1) // 2, _pair, 0)

    plsc.subcore_barrier()

    for m in range(MAXZ):
        ch = m * NS + s

        @pl.when(ch < NZC)
        def _():
            off = ch * CP
            pltpu.sync_copy(acc_sh.at[pl.ds(off, CP)], rows0.at[pl.ds(0, CP)])
            pltpu.sync_copy(rows0.at[pl.ds(0, CP)], acc_out.at[pl.ds(c * N + off, CP)])


_seg_sum = pl.kernel(
    _seg_body,
    out_type=jax.ShapeDtypeStruct((2 * N, D), jnp.float32),
    mesh=_mesh,
    scratch_types=[
        pltpu.VMEM_SHARED((N, D), jnp.float32),
        pltpu.VMEM((EPW,), jnp.int32),
        pltpu.VMEM((NCH, K), jnp.int32),
        pltpu.VMEM((K, D), jnp.float32),
        pltpu.VMEM((K, D), jnp.float32),
        pltpu.SemaphoreType.DMA,
        pltpu.SemaphoreType.DMA,
    ],
)


DK = 80
DNCH = EPW // DK


def _deg_body(dst_hbm, deg_out,
              deg_sh, idx_d, ones_v):
    c = lax.axis_index("c")
    s = lax.axis_index("s")
    wid = s * NC + c

    def _fill(val, i, _):
        r = i // 8
        q = i % 8
        ones_v[r, pl.ds(q * 16, 16)] = jnp.full((16,), val, jnp.float32)
        return 0

    lax.fori_loop(0, CP * 8, functools.partial(_fill, 0.0), 0)
    for m in range(MAXZ):
        ch = m * NS + s

        @pl.when(ch < NZC)
        def _():
            pltpu.sync_copy(ones_v.at[pl.ds(0, CP)], deg_sh.at[pl.ds(ch * CP, CP)])

    lax.fori_loop(0, DK * 8, functools.partial(_fill, 1.0), 0)
    pltpu.sync_copy(dst_hbm.at[wid], idx_d)

    plsc.subcore_barrier()

    def _chunk(j, _):
        pltpu.sync_copy(ones_v, deg_sh.at[idx_d.at[j]], add=True)
        return 0
    lax.fori_loop(0, DNCH, _chunk, 0)

    plsc.subcore_barrier()

    for m in range(MAXZ):
        ch = m * NS + s

        @pl.when(ch < NZC)
        def _():
            off = ch * CP
            pltpu.sync_copy(deg_sh.at[pl.ds(off, CP)], ones_v.at[pl.ds(0, CP)])
            pltpu.sync_copy(ones_v.at[pl.ds(0, CP)], deg_out.at[pl.ds(c * N + off, CP)])


_deg_sum = pl.kernel(
    _deg_body,
    out_type=jax.ShapeDtypeStruct((2 * N, D), jnp.float32),
    mesh=_mesh,
    scratch_types=[
        pltpu.VMEM_SHARED((N, D), jnp.float32),
        pltpu.VMEM((DNCH, DK), jnp.int32),
        pltpu.VMEM((DK, D), jnp.float32),
    ],
)



_RB = 400
_GRID = N // _RB

_row_spec = pl.BlockSpec((_RB, D), lambda i: (i, 0))
_w_spec = pl.BlockSpec((D, D), lambda i: (0, 0))
_b_spec = pl.BlockSpec((1, D), lambda i: (0, 0))


def _pre_body(x_ref, wn_ref, ws_ref, g_ref, s_ref):
    x = x_ref[...]
    g_ref[...] = jnp.dot(x, wn_ref[...], preferred_element_type=jnp.float32)
    s_ref[...] = jnp.dot(x, ws_ref[...], preferred_element_type=jnp.float32)


_pre_tc = pl.pallas_call(
    _pre_body,
    grid=(_GRID,),
    in_specs=[_row_spec, _w_spec, _w_spec],
    out_specs=[_row_spec, _row_spec],
    out_shape=[jax.ShapeDtypeStruct((N, D), jnp.float32),
               jax.ShapeDtypeStruct((N, D), jnp.float32)],
)


def _layer_body(a0_ref, a1_ref, d0_ref, d1_ref, sprev_ref, b_ref,
                wn_ref, ws_ref, g_ref, s_ref):
    deg = d0_ref[...] + d1_ref[...]
    mean = (a0_ref[...] + a1_ref[...]) / jnp.maximum(deg, 1.0)
    h = jnp.maximum(mean + sprev_ref[...] + b_ref[...], 0.0)
    g_ref[...] = jnp.dot(h, wn_ref[...], preferred_element_type=jnp.float32)
    s_ref[...] = jnp.dot(h, ws_ref[...], preferred_element_type=jnp.float32)


_layer_tc = pl.pallas_call(
    _layer_body,
    grid=(_GRID,),
    in_specs=[_row_spec, _row_spec, _row_spec, _row_spec, _row_spec,
              _b_spec, _w_spec, _w_spec],
    out_specs=[_row_spec, _row_spec],
    out_shape=[jax.ShapeDtypeStruct((N, D), jnp.float32),
               jax.ShapeDtypeStruct((N, D), jnp.float32)],
)


def _final_body(a0_ref, a1_ref, d0_ref, d1_ref, sprev_ref, b_ref, o_ref):
    deg = d0_ref[...] + d1_ref[...]
    mean = (a0_ref[...] + a1_ref[...]) / jnp.maximum(deg, 1.0)
    o_ref[...] = mean + sprev_ref[...] + b_ref[...]


_final_tc = pl.pallas_call(
    _final_body,
    grid=(_GRID,),
    in_specs=[_row_spec, _row_spec, _row_spec, _row_spec, _row_spec, _b_spec],
    out_specs=_row_spec,
    out_shape=jax.ShapeDtypeStruct((N, D), jnp.float32),
)


def kernel(x, edge_index, W0n, W0s, b0, W1n, W1s, b1, W2n, W2s, b2):
    src = edge_index[0].astype(jnp.int32).reshape(NW, EPW)
    dst = edge_index[1].astype(jnp.int32).reshape(NW, NCH, K)
    dst_deg = dst.reshape(NW, DNCH, DK)
    b0r = b0.reshape(1, D)
    b1r = b1.reshape(1, D)
    b2r = b2.reshape(1, D)

    dg = _deg_sum(dst_deg)
    g0, s0 = _pre_tc(x, W0n, W0s)
    dg0, dg1 = dg[:N], dg[N:]
    a0 = _seg_sum(g0, src, dst)
    g1, s1 = _layer_tc(a0[:N], a0[N:], dg0, dg1, s0, b0r, W1n, W1s)
    a1 = _seg_sum(g1, src, dst)
    g2, s2 = _layer_tc(a1[:N], a1[N:], dg0, dg1, s1, b1r, W2n, W2s)
    a2 = _seg_sum(g2, src, dst)
    return _final_tc(a2[:N], a2[N:], dg0, dg1, s2, b2r)

# --- scband reference (transcript-rebuilt; emitter-appended) ---
"""Pipeline reference for scband-graph-sage-5119601017098 (READ-ONLY COPY).

The authoritative reference and input builder live on the scoring server;
editing this copy changes nothing except your own understanding.
"""

import jax, jax.numpy as jnp
import numpy as np

N_NODES = 10000
N_EDGES = 320000
D = 128

def setup_inputs(seed: int = 0) -> dict:
    key = jax.random.key(seed)
    ks = jax.random.split(key, 12)
    x = jax.random.normal(ks[0], (N_NODES, D), dtype=jnp.float32)
    edge_index = jax.random.randint(ks[1], (2, N_EDGES), 0, N_NODES, dtype=jnp.int64)
    inp = {"x": x, "edge_index": edge_index}
    # 3 SAGEConv layers, each 128->128: W_neigh (lin_l on aggregated neighbors), W_self (lin_r on root), bias
    for i in range(3):
        inp[f"W{i}n"] = jax.random.normal(ks[2 + 3 * i], (D, D), dtype=jnp.float32) * 0.05
        inp[f"W{i}s"] = jax.random.normal(ks[3 + 3 * i], (D, D), dtype=jnp.float32) * 0.05
        inp[f"b{i}"] = jnp.zeros((D,), dtype=jnp.float32)
    return inp

def _sage_conv(h, src, dst, Wn, Ws, b):
    # mean aggregation of neighbor features (messages flow src -> dst)
    msg = jnp.take(h, src, axis=0)
    agg = jax.ops.segment_sum(msg, dst, num_segments=N_NODES)
    deg = jax.ops.segment_sum(jnp.ones((src.shape[0],), dtype=h.dtype), dst, num_segments=N_NODES)
    mean = agg / jnp.clip(deg, 1.0, None)[:, None]
    return mean @ Wn + h @ Ws + b

def reference(x, edge_index, W0n, W0s, b0, W1n, W1s, b1, W2n, W2s, b2):
    src = edge_index[0]
    dst = edge_index[1]
    h = x
    # layer 0 + relu (dropout is identity in eval mode)
    h = _sage_conv(h, src, dst, W0n, W0s, b0)
    h = jax.nn.relu(h)
    # layer 1 + relu
    h = _sage_conv(h, src, dst, W1n, W1s, b1)
    h = jax.nn.relu(h)
    # final layer, no activation
    h = _sage_conv(h, src, dst, W2n, W2s, b2)
    return h

if __name__ == "__main__":
    import jax
    _d = setup_inputs()
    print(jax.jit(kernel)(*tuple(_d.values())))

</pallas_src>

<mosaic_0001>
#map = affine_map<(d0, d1) -> (0, 0)>
#map1 = affine_map<(d0, d1) -> (0, 0, 0)>
module attributes {stable_mosaic.version = 14 : i64} {
  func.func @_seg_body(%arg0: i32, %arg1: i32, %arg2: memref<10000x128xf32, #tpu.memory_space<hbm>>, %arg3: memref<32x10000xi32, #tpu.memory_space<hbm>>, %arg4: memref<32x125x80xi32, #tpu.memory_space<hbm>>, %arg5: memref<20000x128xf32, #tpu.memory_space<hbm>>, %arg6: memref<10000x128xf32, #tpu.memory_space<vmem_shared>>, %arg7: memref<10000xi32, #tpu.memory_space<vmem>>, %arg8: memref<125x80xi32, #tpu.memory_space<vmem>>, %arg9: memref<80x128xf32, #tpu.memory_space<vmem>>, %arg10: memref<80x128xf32, #tpu.memory_space<vmem>>, %arg11: memref<!tpu.dma_semaphore, #tpu.memory_space<semaphore_mem>>, %arg12: memref<!tpu.dma_semaphore, #tpu.memory_space<semaphore_mem>>) attributes {dimension_semantics = [#tpu.dimension_semantics<core_parallel>, #tpu.dimension_semantics<subcore_parallel>], iteration_bounds = array<i64: 2, 16>, scalar_prefetch = 0 : i64, scratch_operands = 7 : i64, tpu.core_type = #tpu.core_type<sc_vector_subcore>, window_params = [{transform_indices = #map}, {transform_indices = #map}, {transform_indices = #map1}, {transform_indices = #map}]} {
    %mul3A = arith.constant 2 : i32
    %mul3A_0 = arith.muli %arg1, %mul3A : i32
    %add3A = arith.addi %mul3A_0, %arg0 : i32
    %scan3A = arith.constant 0 : i32
    %scan3A_1 = arith.constant 0 : i32
    %scan3A_2 = arith.constant 640 : i32
    %scan3A_3 = arith.addi %scan3A_1, %scan3A_2 : i32
    %scan3A_4 = arith.constant 1 : i32
    %scan3A_5 = scf.for %scan3A_133 = %scan3A_1 to %scan3A_3 step %scan3A_4 iter_args(%scan3A_134 = %scan3A) -> (i32)  : i32 {
      %jit3A = arith.constant 8 : i32
      %div3A = arith.divsi %scan3A_133, %jit3A : i32
      %sign3A = arith.constant 0 : i32
      %sign3A_135 = arith.cmpi sgt, %scan3A_133, %sign3A : i32
      %sign3A_136 = arith.extui %sign3A_135 : i1 to i32
      %sign3A_137 = arith.constant 0 : i32
      %sign3A_138 = arith.cmpi slt, %scan3A_133, %sign3A_137 : i32
      %sign3A_139 = arith.extui %sign3A_138 : i1 to i32
      %sign3A_140 = arith.subi %sign3A_136, %sign3A_139 : i32
      %sign3A_141 = arith.constant 0 : i32
      %sign3A_142 = arith.cmpi sgt, %jit3A, %sign3A_141 : i32
      %sign3A_143 = arith.extui %sign3A_142 : i1 to i32
      %sign3A_144 = arith.constant 0 : i32
      %sign3A_145 = arith.cmpi slt, %jit3A, %sign3A_144 : i32
      %sign3A_146 = arith.extui %sign3A_145 : i1 to i32
      %sign3A_147 = arith.subi %sign3A_143, %sign3A_146 : i32
      %ne3A = arith.cmpi ne, %sign3A_140, %sign3A_147 : i32
      %rem3A = arith.remsi %scan3A_133, %jit3A : i32
      %ne3A_148 = arith.constant 0 : i32
      %ne3A_149 = arith.cmpi ne, %rem3A, %ne3A_148 : i32
      %and3A = arith.andi %ne3A, %ne3A_149 : i1
      %sub3A = arith.constant 1 : i32
      %sub3A_150 = arith.subi %div3A, %sub3A : i32
      %select_n3A = arith.select %and3A, %sub3A_150, %div3A : i32
      %jit3A_151 = arith.constant 8 : i32
      %eq3A = arith.constant 0 : i32
      %eq3A_152 = arith.cmpi eq, %jit3A_151, %eq3A : i32
      %jit3A_153 = arith.constant 1 : i32
      %select_n3A_154 = arith.select %eq3A_152, %jit3A_153, %jit3A_151 : i32
      %rem3A_155 = arith.remsi %scan3A_133, %select_n3A_154 : i32
      %ne3A_156 = arith.constant 0 : i32
      %ne3A_157 = arith.cmpi ne, %rem3A_155, %ne3A_156 : i32
      %lt3A_158 = arith.constant 0 : i32
      %lt3A_159 = arith.cmpi slt, %rem3A_155, %lt3A_158 : i32
      %lt3A_160 = arith.constant 0 : i32
      %lt3A_161 = arith.cmpi slt, %select_n3A_154, %lt3A_160 : i32
      %ne3A_162 = arith.xori %lt3A_159, %lt3A_161 : i1
      %and3A_163 = arith.andi %ne3A_162, %ne3A_157 : i1
      %add3A_164 = arith.addi %rem3A_155, %select_n3A_154 : i32
      %select_n3A_165 = arith.select %and3A_163, %add3A_164, %rem3A_155 : i32
      %broadcast_in_dim3A = arith.constant 0.000000e+00 : f32
      %broadcast_in_dim3A_166 = vector.broadcast %broadcast_in_dim3A : f32 to vector<16xf32>
      %mul3A_167 = arith.constant 16 : i32
      %mul3A_168 = arith.muli %select_n3A_165, %mul3A_167 : i32
      %swap3A = arith.index_cast %select_n3A : i32 to index
      %swap3A_169 = arith.index_cast %mul3A_168 : i32 to index
      %swap3A_170 = tpu.vector_load %arg9[%swap3A, %swap3A_169] {strides = array<i32>} : memref<80x128xf32, #tpu.memory_space<vmem>>, vector<1x16xf32>,
      %swap3A_171 = vector.shape_cast %swap3A_170 : vector<1x16xf32> to vector<16xf32>
      %swap3A_172 = vector.shape_cast %broadcast_in_dim3A_166 : vector<16xf32> to vector<1x16xf32>
      tpu.vector_store %arg9[%swap3A, %swap3A_169], %swap3A_172 {strides = array<i32>} : memref<80x128xf32, #tpu.memory_space<vmem>>, vector<1x16xf32>,
      %scan3A_173 = arith.constant 0 : i32
      scf.yield %scan3A_173 : i32
    }
    %scan3A_6 = arith.constant 640 : i32
    %add3A_7 = arith.constant 0 : i32
    %add3A_8 = arith.addi %add3A_7, %arg1 : i32
    %lt3A = arith.constant 125 : i32
    %lt3A_9 = arith.cmpi slt, %add3A_8, %lt3A : i32
    %convert_element_type3A = arith.extui %lt3A_9 : i1 to i32
    %cond3A = arith.constant 0 : i32
    %cond3A_10 = arith.cmpi ne, %convert_element_type3A, %cond3A : i32
    scf.if %cond3A_10 {
      %mul3A_133 = arith.constant 80 : i32
      %mul3A_134 = arith.muli %add3A_8, %mul3A_133 : i32
      "tpu.region"() ({
        %run_scoped3A = tpu.sem_alloc : memref<!tpu.dma_semaphore, #tpu.memory_space<semaphore_mem>>
        %dma_start3A_135 = arith.constant 0 : i32
        %dma_start3A_136 = arith.constant 0 : i32
        %dma_start3A_137 = tpu.memref_slice %arg9[%dma_start3A_135, %dma_start3A_136] : memref<80x128xf32, #tpu.memory_space<vmem>> -> memref<80x128xf32, #tpu.memory_space<vmem>>
        %dma_start3A_138 = arith.constant 0 : i32
        %dma_start3A_139 = tpu.memref_slice %arg6[%mul3A_134, %dma_start3A_138] : memref<10000x128xf32, #tpu.memory_space<vmem_shared>> -> memref<80x128xf32, #tpu.memory_space<vmem_shared>>
        %dma_start3A_140 = arith.constant 0 : i32
        %dma_start3A_141 = tpu.memref_slice %arg6[%mul3A_134, %dma_start3A_140] : memref<10000x128xf32, #tpu.memory_space<vmem_shared>> -> memref<80x128xf32, #tpu.memory_space<vmem_shared>>
        %dma_start3A_142 = arith.constant 0 : i32
        %dma_start3A_143 = arith.constant 0 : i32
        %dma_start3A_144 = tpu.memref_slice %arg9[%dma_start3A_142, %dma_start3A_143] : memref<80x128xf32, #tpu.memory_space<vmem>> -> memref<80x128xf32, #tpu.memory_space<vmem>>
        tpu.enqueue_dma source(%dma_start3A_144 : memref<80x128xf32, #tpu.memory_space<vmem>>) target(%dma_start3A_141 : memref<80x128xf32, #tpu.memory_space<vmem_shared>>) target_semaphore(%run_scoped3A : memref<!tpu.dma_semaphore, #tpu.memory_space<semaphore_mem>>)
        %dma_wait3A = arith.constant 0 : i32
        %dma_wait3A_145 = arith.constant 0 : i32
        %dma_wait3A_146 = tpu.memref_slice %arg9[%dma_wait3A, %dma_wait3A_145] : memref<80x128xf32, #tpu.memory_space<vmem>> -> memref<80x128xf32, #tpu.memory_space<vmem>>
        %dma_wait3A_147 = arith.constant 0 : i32
        %dma_wait3A_148 = tpu.memref_slice %arg6[%mul3A_134, %dma_wait3A_147] : memref<10000x128xf32, #tpu.memory_space<vmem_shared>> -> memref<80x128xf32, #tpu.memory_space<vmem_shared>>
        %dma_wait3A_149 = arith.constant 0 : i32
        %dma_wait3A_150 = tpu.memref_slice %arg6[%mul3A_134, %dma_wait3A_149] : memref<10000x128xf32, #tpu.memory_space<vmem_shared>> -> memref<80x128xf32, #tpu.memory_space<vmem_shared>>
        %dma_wait3A_151 = arith.constant 0 : i32
        %dma_wait3A_152 = arith.constant 0 : i32
        %dma_wait3A_153 = tpu.memref_slice %arg9[%dma_wait3A_151, %dma_wait3A_152] : memref<80x128xf32, #tpu.memory_space<vmem>> -> memref<80x128xf32, #tpu.memory_space<vmem>>
        tpu.wait_dma2 semaphore(%run_scoped3A : memref<!tpu.dma_semaphore, #tpu.memory_space<semaphore_mem>>) src(%dma_wait3A_153 : memref<80x128xf32, #tpu.memory_space<vmem>>) dst(%dma_wait3A_150 : memref<80x128xf32, #tpu.memory_space<vmem_shared>>)
        tpu.yield
      }) : () -> ()
    } else {
    }
    %add3A_11 = arith.constant 16 : i32
    %add3A_12 = arith.addi %add3A_11, %arg1 : i32
    %lt3A_13 = arith.constant 125 : i32
    %lt3A_14 = arith.cmpi slt, %add3A_12, %lt3A_13 : i32
    %convert_element_type3A_15 = arith.extui %lt3A_14 : i1 to i32
    %cond3A_16 = arith.constant 0 : i32
    %cond3A_17 = arith.cmpi ne, %convert_element_type3A_15, %cond3A_16 : i32
    scf.if %cond3A_17 {
      %mul3A_133 = arith.constant 80 : i32
      %mul3A_134 = arith.muli %add3A_12, %mul3A_133 : i32
      "tpu.region"() ({
        %run_scoped3A = tpu.sem_alloc : memref<!tpu.dma_semaphore, #tpu.memory_space<semaphore_mem>>
        %dma_start3A_135 = arith.constant 0 : i32
        %dma_start3A_136 = arith.constant 0 : i32
        %dma_start3A_137 = tpu.memref_slice %arg9[%dma_start3A_135, %dma_start3A_136] : memref<80x128xf32, #tpu.memory_space<vmem>> -> memref<80x128xf32, #tpu.memory_space<vmem>>
        %dma_start3A_138 = arith.constant 0 : i32
        %dma_start3A_139 = tpu.memref_slice %arg6[%mul3A_134, %dma_start3A_138] : memref<10000x128xf32, #tpu.memory_space<vmem_shared>> -> memref<80x128xf32, #tpu.memory_space<vmem_shared>>
        %dma_start3A_140 = arith.constant 0 : i32
        %dma_start3A_141 = tpu.memref_slice %arg6[%mul3A_134, %dma_start3A_140] : memref<10000x128xf32, #tpu.memory_space<vmem_shared>> -> memref<80x128xf32, #tpu.memory_space<vmem_shared>>
        %dma_start3A_142 = arith.constant 0 : i32
        %dma_start3A_143 = arith.constant 0 : i32
        %dma_start3A_144 = tpu.memref_slice %arg9[%dma_start3A_142, %dma_start3A_143] : memref<80x128xf32, #tpu.memory_space<vmem>> -> memref<80x128xf32, #tpu.memory_space<vmem>>
        tpu.enqueue_dma source(%dma_start3A_144 : memref<80x128xf32, #tpu.memory_space<vmem>>) target(%dma_start3A_141 : memref<80x128xf32, #tpu.memory_space<vmem_shared>>) target_semaphore(%run_scoped3A : memref<!tpu.dma_semaphore, #tpu.memory_space<semaphore_mem>>)
        %dma_wait3A = arith.constant 0 : i32
        %dma_wait3A_145 = arith.constant 0 : i32
        %dma_wait3A_146 = tpu.memref_slice %arg9[%dma_wait3A, %dma_wait3A_145] : memref<80x128xf32, #tpu.memory_space<vmem>> -> memref<80x128xf32, #tpu.memory_space<vmem>>
        %dma_wait3A_147 = arith.constant 0 : i32
        %dma_wait3A_148 = tpu.memref_slice %arg6[%mul3A_134, %dma_wait3A_147] : memref<10000x128xf32, #tpu.memory_space<vmem_shared>> -> memref<80x128xf32, #tpu.memory_space<vmem_shared>>
        %dma_wait3A_149 = arith.constant 0 : i32
        %dma_wait3A_150 = tpu.memref_slice %arg6[%mul3A_134, %dma_wait3A_149] : memref<10000x128xf32, #tpu.memory_space<vmem_shared>> -> memref<80x128xf32, #tpu.memory_space<vmem_shared>>
        %dma_wait3A_151 = arith.constant 0 : i32
        %dma_wait3A_152 = arith.constant 0 : i32
        %dma_wait3A_153 = tpu.memref_slice %arg9[%dma_wait3A_151, %dma_wait3A_152] : memref<80x128xf32, #tpu.memory_space<vmem>> -> memref<80x128xf32, #tpu.memory_space<vmem>>
        tpu.wait_dma2 semaphore(%run_scoped3A : memref<!tpu.dma_semaphore, #tpu.memory_space<semaphore_mem>>) src(%dma_wait3A_153 : memref<80x128xf32, #tpu.memory_space<vmem>>) dst(%dma_wait3A_150 : memref<80x128xf32, #tpu.memory_space<vmem_shared>>)
        tpu.yield
      }) : () -> ()
    } else {
    }
    %add3A_18 = arith.constant 32 : i32
    %add3A_19 = arith.addi %add3A_18, %arg1 : i32
    %lt3A_20 = arith.constant 125 : i32
    %lt3A_21 = arith.cmpi slt, %add3A_19, %lt3A_20 : i32
    %convert_element_type3A_22 = arith.extui %lt3A_21 : i1 to i32
    %cond3A_23 = arith.constant 0 : i32
    %cond3A_24 = arith.cmpi ne, %convert_element_type3A_22, %cond3A_23 : i32
    scf.if %cond3A_24 {
      %mul3A_133 = arith.constant 80 : i32
      %mul3A_134 = arith.muli %add3A_19, %mul3A_133 : i32
      "tpu.region"() ({
        %run_scoped3A = tpu.sem_alloc : memref<!tpu.dma_semaphore, #tpu.memory_space<semaphore_mem>>
        %dma_start3A_135 = arith.constant 0 : i32
        %dma_start3A_136 = arith.constant 0 : i32
        %dma_start3A_137 = tpu.memref_slice %arg9[%dma_start3A_135, %dma_start3A_136] : memref<80x128xf32, #tpu.memory_space<vmem>> -> memref<80x128xf32, #tpu.memory_space<vmem>>
        %dma_start3A_138 = arith.constant 0 : i32
        %dma_start3A_139 = tpu.memref_slice %arg6[%mul3A_134, %dma_start3A_138] : memref<10000x128xf32, #tpu.memory_space<vmem_shared>> -> memref<80x128xf32, #tpu.memory_space<vmem_shared>>
        %dma_start3A_140 = arith.constant 0 : i32
        %dma_start3A_141 = tpu.memref_slice %arg6[%mul3A_134, %dma_start3A_140] : memref<10000x128xf32, #tpu.memory_space<vmem_shared>> -> memref<80x128xf32, #tpu.memory_space<vmem_shared>>
        %dma_start3A_142 = arith.constant 0 : i32
        %dma_start3A_143 = arith.constant 0 : i32
        %dma_start3A_144 = tpu.memref_slice %arg9[%dma_start3A_142, %dma_start3A_143] : memref<80x128xf32, #tpu.memory_space<vmem>> -> memref<80x128xf32, #tpu.memory_space<vmem>>
        tpu.enqueue_dma source(%dma_start3A_144 : memref<80x128xf32, #tpu.memory_space<vmem>>) target(%dma_start3A_141 : memref<80x128xf32, #tpu.memory_space<vmem_shared>>) target_semaphore(%run_scoped3A : memref<!tpu.dma_semaphore, #tpu.memory_space<semaphore_mem>>)
        %dma_wait3A = arith.constant 0 : i32
        %dma_wait3A_145 = arith.constant 0 : i32
        %dma_wait3A_146 = tpu.memref_slice %arg9[%dma_wait3A, %dma_wait3A_145] : memref<80x128xf32, #tpu.memory_space<vmem>> -> memref<80x128xf32, #tpu.memory_space<vmem>>
        %dma_wait3A_147 = arith.constant 0 : i32
        %dma_wait3A_148 = tpu.memref_slice %arg6[%mul3A_134, %dma_wait3A_147] : memref<10000x128xf32, #tpu.memory_space<vmem_shared>> -> memref<80x128xf32, #tpu.memory_space<vmem_shared>>
        %dma_wait3A_149 = arith.constant 0 : i32
        %dma_wait3A_150 = tpu.memref_slice %arg6[%mul3A_134, %dma_wait3A_149] : memref<10000x128xf32, #tpu.memory_space<vmem_shared>> -> memref<80x128xf32, #tpu.memory_space<vmem_shared>>
        %dma_wait3A_151 = arith.constant 0 : i32
        %dma_wait3A_152 = arith.constant 0 : i32
        %dma_wait3A_153 = tpu.memref_slice %arg9[%dma_wait3A_151, %dma_wait3A_152] : memref<80x128xf32, #tpu.memory_space<vmem>> -> memref<80x128xf32, #tpu.memory_space<vmem>>
        tpu.wait_dma2 semaphore(%run_scoped3A : memref<!tpu.dma_semaphore, #tpu.memory_space<semaphore_mem>>) src(%dma_wait3A_153 : memref<80x128xf32, #tpu.memory_space<vmem>>) dst(%dma_wait3A_150 : memref<80x128xf32, #tpu.memory_space<vmem_shared>>)
        tpu.yield
      }) : () -> ()
    } else {
    }
    %add3A_25 = arith.constant 48 : i32
    %add3A_26 = arith.addi %add3A_25, %arg1 : i32
    %lt3A_27 = arith.constant 125 : i32
    %lt3A_28 = arith.cmpi slt, %add3A_26, %lt3A_27 : i32
    %convert_element_type3A_29 = arith.extui %lt3A_28 : i1 to i32
    %cond3A_30 = arith.constant 0 : i32
    %cond3A_31 = arith.cmpi ne, %convert_element_type3A_29, %cond3A_30 : i32
    scf.if %cond3A_31 {
      %mul3A_133 = arith.constant 80 : i32
      %mul3A_134 = arith.muli %add3A_26, %mul3A_133 : i32
      "tpu.region"() ({
        %run_scoped3A = tpu.sem_alloc : memref<!tpu.dma_semaphore, #tpu.memory_space<semaphore_mem>>
        %dma_start3A_135 = arith.constant 0 : i32
        %dma_start3A_136 = arith.constant 0 : i32
        %dma_start3A_137 = tpu.memref_slice %arg9[%dma_start3A_135, %dma_start3A_136] : memref<80x128xf32, #tpu.memory_space<vmem>> -> memref<80x128xf32, #tpu.memory_space<vmem>>
        %dma_start3A_138 = arith.constant 0 : i32
        %dma_start3A_139 = tpu.memref_slice %arg6[%mul3A_134, %dma_start3A_138] : memref<10000x128xf32, #tpu.memory_space<vmem_shared>> -> memref<80x128xf32, #tpu.memory_space<vmem_shared>>
        %dma_start3A_140 = arith.constant 0 : i32
        %dma_start3A_141 = tpu.memref_slice %arg6[%mul3A_134, %dma_start3A_140] : memref<10000x128xf32, #tpu.memory_space<vmem_shared>> -> memref<80x128xf32, #tpu.memory_space<vmem_shared>>
        %dma_start3A_142 = arith.constant 0 : i32
        %dma_start3A_143 = arith.constant 0 : i32
        %dma_start3A_144 = tpu.memref_slice %arg9[%dma_start3A_142, %dma_start3A_143] : memref<80x128xf32, #tpu.memory_space<vmem>> -> memref<80x128xf32, #tpu.memory_space<vmem>>
        tpu.enqueue_dma source(%dma_start3A_144 : memref<80x128xf32, #tpu.memory_space<vmem>>) target(%dma_start3A_141 : memref<80x128xf32, #tpu.memory_space<vmem_shared>>) target_semaphore(%run_scoped3A : memref<!tpu.dma_semaphore, #tpu.memory_space<semaphore_mem>>)
        %dma_wait3A = arith.constant 0 : i32
        %dma_wait3A_145 = arith.constant 0 : i32
        %dma_wait3A_146 = tpu.memref_slice %arg9[%dma_wait3A, %dma_wait3A_145] : memref<80x128xf32, #tpu.memory_space<vmem>> -> memref<80x128xf32, #tpu.memory_space<vmem>>
        %dma_wait3A_147 = arith.constant 0 : i32
        %dma_wait3A_148 = tpu.memref_slice %arg6[%mul3A_134, %dma_wait3A_147] : memref<10000x128xf32, #tpu.memory_space<vmem_shared>> -> memref<80x128xf32, #tpu.memory_space<vmem_shared>>
        %dma_wait3A_149 = arith.constant 0 : i32
        %dma_wait3A_150 = tpu.memref_slice %arg6[%mul3A_134, %dma_wait3A_149] : memref<10000x128xf32, #tpu.memory_space<vmem_shared>> -> memref<80x128xf32, #tpu.memory_space<vmem_shared>>
        %dma_wait3A_151 = arith.constant 0 : i32
        %dma_wait3A_152 = arith.constant 0 : i32
        %dma_wait3A_153 = tpu.memref_slice %arg9[%dma_wait3A_151, %dma_wait3A_152] : memref<80x128xf32, #tpu.memory_space<vmem>> -> memref<80x128xf32, #tpu.memory_space<vmem>>
        tpu.wait_dma2 semaphore(%run_scoped3A : memref<!tpu.dma_semaphore, #tpu.memory_space<semaphore_mem>>) src(%dma_wait3A_153 : memref<80x128xf32, #tpu.memory_space<vmem>>) dst(%dma_wait3A_150 : memref<80x128xf32, #tpu.memory_space<vmem_shared>>)
        tpu.yield
      }) : () -> ()
    } else {
    }
    %add3A_32 = arith.constant 64 : i32
    %add3A_33 = arith.addi %add3A_32, %arg1 : i32
    %lt3A_34 = arith.constant 125 : i32
    %lt3A_35 = arith.cmpi slt, %add3A_33, %lt3A_34 : i32
    %convert_element_type3A_36 = arith.extui %lt3A_35 : i1 to i32
    %cond3A_37 = arith.constant 0 : i32
    %cond3A_38 = arith.cmpi ne, %convert_element_type3A_36, %cond3A_37 : i32
    scf.if %cond3A_38 {
      %mul3A_133 = arith.constant 80 : i32
      %mul3A_134 = arith.muli %add3A_33, %mul3A_133 : i32
      "tpu.region"() ({
        %run_scoped3A = tpu.sem_alloc : memref<!tpu.dma_semaphore, #tpu.memory_space<semaphore_mem>>
        %dma_start3A_135 = arith.constant 0 : i32
        %dma_start3A_136 = arith.constant 0 : i32
        %dma_start3A_137 = tpu.memref_slice %arg9[%dma_start3A_135, %dma_start3A_136] : memref<80x128xf32, #tpu.memory_space<vmem>> -> memref<80x128xf32, #tpu.memory_space<vmem>>
        %dma_start3A_138 = arith.constant 0 : i32
        %dma_start3A_139 = tpu.memref_slice %arg6[%mul3A_134, %dma_start3A_138] : memref<10000x128xf32, #tpu.memory_space<vmem_shared>> -> memref<80x128xf32, #tpu.memory_space<vmem_shared>>
        %dma_start3A_140 = arith.constant 0 : i32
        %dma_start3A_141 = tpu.memref_slice %arg6[%mul3A_134, %dma_start3A_140] : memref<10000x128xf32, #tpu.memory_space<vmem_shared>> -> memref<80x128xf32, #tpu.memory_space<vmem_shared>>
        %dma_start3A_142 = arith.constant 0 : i32
        %dma_start3A_143 = arith.constant 0 : i32
        %dma_start3A_144 = tpu.memref_slice %arg9[%dma_start3A_142, %dma_start3A_143] : memref<80x128xf32, #tpu.memory_space<vmem>> -> memref<80x128xf32, #tpu.memory_space<vmem>>
        tpu.enqueue_dma source(%dma_start3A_144 : memref<80x128xf32, #tpu.memory_space<vmem>>) target(%dma_start3A_141 : memref<80x128xf32, #tpu.memory_space<vmem_shared>>) target_semaphore(%run_scoped3A : memref<!tpu.dma_semaphore, #tpu.memory_space<semaphore_mem>>)
        %dma_wait3A = arith.constant 0 : i32
        %dma_wait3A_145 = arith.constant 0 : i32
        %dma_wait3A_146 = tpu.memref_slice %arg9[%dma_wait3A, %dma_wait3A_145] : memref<80x128xf32, #tpu.memory_space<vmem>> -> memref<80x128xf32, #tpu.memory_space<vmem>>
        %dma_wait3A_147 = arith.constant 0 : i32
        %dma_wait3A_148 = tpu.memref_slice %arg6[%mul3A_134, %dma_wait3A_147] : memref<10000x128xf32, #tpu.memory_space<vmem_shared>> -> memref<80x128xf32, #tpu.memory_space<vmem_shared>>
        %dma_wait3A_149 = arith.constant 0 : i32
        %dma_wait3A_150 = tpu.memref_slice %arg6[%mul3A_134, %dma_wait3A_149] : memref<10000x128xf32, #tpu.memory_space<vmem_shared>> -> memref<80x128xf32, #tpu.memory_space<vmem_shared>>
        %dma_wait3A_151 = arith.constant 0 : i32
        %dma_wait3A_152 = arith.constant 0 : i32
        %dma_wait3A_153 = tpu.memref_slice %arg9[%dma_wait3A_151, %dma_wait3A_152] : memref<80x128xf32, #tpu.memory_space<vmem>> -> memref<80x128xf32, #tpu.memory_space<vmem>>
        tpu.wait_dma2 semaphore(%run_scoped3A : memref<!tpu.dma_semaphore, #tpu.memory_space<semaphore_mem>>) src(%dma_wait3A_153 : memref<80x128xf32, #tpu.memory_space<vmem>>) dst(%dma_wait3A_150 : memref<80x128xf32, #tpu.memory_space<vmem_shared>>)
        tpu.yield
      }) : () -> ()
    } else {
    }
    %add3A_39 = arith.constant 80 : i32
    %add3A_40 = arith.addi %add3A_39, %arg1 : i32
    %lt3A_41 = arith.constant 125 : i32
    %lt3A_42 = arith.cmpi slt, %add3A_40, %lt3A_41 : i32
    %convert_element_type3A_43 = arith.extui %lt3A_42 : i1 to i32
    %cond3A_44 = arith.constant 0 : i32
    %cond3A_45 = arith.cmpi ne, %convert_element_type3A_43, %cond3A_44 : i32
    scf.if %cond3A_45 {
      %mul3A_133 = arith.constant 80 : i32
      %mul3A_134 = arith.muli %add3A_40, %mul3A_133 : i32
      "tpu.region"() ({
        %run_scoped3A = tpu.sem_alloc : memref<!tpu.dma_semaphore, #tpu.memory_space<semaphore_mem>>
        %dma_start3A_135 = arith.constant 0 : i32
        %dma_start3A_136 = arith.constant 0 : i32
        %dma_start3A_137 = tpu.memref_slice %arg9[%dma_start3A_135, %dma_start3A_136] : memref<80x128xf32, #tpu.memory_space<vmem>> -> memref<80x128xf32, #tpu.memory_space<vmem>>
        %dma_start3A_138 = arith.constant 0 : i32
        %dma_start3A_139 = tpu.memref_slice %arg6[%mul3A_134, %dma_start3A_138] : memref<10000x128xf32, #tpu.memory_space<vmem_shared>> -> memref<80x128xf32, #tpu.memory_space<vmem_shared>>
        %dma_start3A_140 = arith.constant 0 : i32
        %dma_start3A_141 = tpu.memref_slice %arg6[%mul3A_134, %dma_start3A_140] : memref<10000x128xf32, #tpu.memory_space<vmem_shared>> -> memref<80x128xf32, #tpu.memory_space<vmem_shared>>
        %dma_start3A_142 = arith.constant 0 : i32
        %dma_start3A_143 = arith.constant 0 : i32
        %dma_start3A_144 = tpu.memref_slice %arg9[%dma_start3A_142, %dma_start3A_143] : memref<80x128xf32, #tpu.memory_space<vmem>> -> memref<80x128xf32, #tpu.memory_space<vmem>>
        tpu.enqueue_dma source(%dma_start3A_144 : memref<80x128xf32, #tpu.memory_space<vmem>>) target(%dma_start3A_141 : memref<80x128xf32, #tpu.memory_space<vmem_shared>>) target_semaphore(%run_scoped3A : memref<!tpu.dma_semaphore, #tpu.memory_space<semaphore_mem>>)
        %dma_wait3A = arith.constant 0 : i32
        %dma_wait3A_145 = arith.constant 0 : i32
        %dma_wait3A_146 = tpu.memref_slice %arg9[%dma_wait3A, %dma_wait3A_145] : memref<80x128xf32, #tpu.memory_space<vmem>> -> memref<80x128xf32, #tpu.memory_space<vmem>>
        %dma_wait3A_147 = arith.constant 0 : i32
        %dma_wait3A_148 = tpu.memref_slice %arg6[%mul3A_134, %dma_wait3A_147] : memref<10000x128xf32, #tpu.memory_space<vmem_shared>> -> memref<80x128xf32, #tpu.memory_space<vmem_shared>>
        %dma_wait3A_149 = arith.constant 0 : i32
        %dma_wait3A_150 = tpu.memref_slice %arg6[%mul3A_134, %dma_wait3A_149] : memref<10000x128xf32, #tpu.memory_space<vmem_shared>> -> memref<80x128xf32, #tpu.memory_space<vmem_shared>>
        %dma_wait3A_151 = arith.constant 0 : i32
        %dma_wait3A_152 = arith.constant 0 : i32
        %dma_wait3A_153 = tpu.memref_slice %arg9[%dma_wait3A_151, %dma_wait3A_152] : memref<80x128xf32, #tpu.memory_space<vmem>> -> memref<80x128xf32, #tpu.memory_space<vmem>>
        tpu.wait_dma2 semaphore(%run_scoped3A : memref<!tpu.dma_semaphore, #tpu.memory_space<semaphore_mem>>) src(%dma_wait3A_153 : memref<80x128xf32, #tpu.memory_space<vmem>>) dst(%dma_wait3A_150 : memref<80x128xf32, #tpu.memory_space<vmem_shared>>)
        tpu.yield
      }) : () -> ()
    } else {
    }
    %add3A_46 = arith.constant 96 : i32
    %add3A_47 = arith.addi %add3A_46, %arg1 : i32
    %lt3A_48 = arith.constant 125 : i32
    %lt3A_49 = arith.cmpi slt, %add3A_47, %lt3A_48 : i32
    %convert_element_type3A_50 = arith.extui %lt3A_49 : i1 to i32
    %cond3A_51 = arith.constant 0 : i32
    %cond3A_52 = arith.cmpi ne, %convert_element_type3A_50, %cond3A_51 : i32
    scf.if %cond3A_52 {
      %mul3A_133 = arith.constant 80 : i32
      %mul3A_134 = arith.muli %add3A_47, %mul3A_133 : i32
      "tpu.region"() ({
        %run_scoped3A = tpu.sem_alloc : memref<!tpu.dma_semaphore, #tpu.memory_space<semaphore_mem>>
        %dma_start3A_135 = arith.constant 0 : i32
        %dma_start3A_136 = arith.constant 0 : i32
        %dma_start3A_137 = tpu.memref_slice %arg9[%dma_start3A_135, %dma_start3A_136] : memref<80x128xf32, #tpu.memory_space<vmem>> -> memref<80x128xf32, #tpu.memory_space<vmem>>
        %dma_start3A_138 = arith.constant 0 : i32
        %dma_start3A_139 = tpu.memref_slice %arg6[%mul3A_134, %dma_start3A_138] : memref<10000x128xf32, #tpu.memory_space<vmem_shared>> -> memref<80x128xf32, #tpu.memory_space<vmem_shared>>
        %dma_start3A_140 = arith.constant 0 : i32
        %dma_start3A_141 = tpu.memref_slice %arg6[%mul3A_134, %dma_start3A_140] : memref<10000x128xf32, #tpu.memory_space<vmem_shared>> -> memref<80x128xf32, #tpu.memory_space<vmem_shared>>
        %dma_start3A_142 = arith.constant 0 : i32
        %dma_start3A_143 = arith.constant 0 : i32
        %dma_start3A_144 = tpu.memref_slice %arg9[%dma_start3A_142, %dma_start3A_143] : memref<80x128xf32, #tpu.memory_space<vmem>> -> memref<80x128xf32, #tpu.memory_space<vmem>>
        tpu.enqueue_dma source(%dma_start3A_144 : memref<80x128xf32, #tpu.memory_space<vmem>>) target(%dma_start3A_141 : memref<80x128xf32, #tpu.memory_space<vmem_shared>>) target_semaphore(%run_scoped3A : memref<!tpu.dma_semaphore, #tpu.memory_space<semaphore_mem>>)
        %dma_wait3A = arith.constant 0 : i32
        %dma_wait3A_145 = arith.constant 0 : i32
        %dma_wait3A_146 = tpu.memref_slice %arg9[%dma_wait3A, %dma_wait3A_145] : memref<80x128xf32, #tpu.memory_space<vmem>> -> memref<80x128xf32, #tpu.memory_space<vmem>>
        %dma_wait3A_147 = arith.constant 0 : i32
        %dma_wait3A_148 = tpu.memref_slice %arg6[%mul3A_134, %dma_wait3A_147] : memref<10000x128xf32, #tpu.memory_space<vmem_shared>> -> memref<80x128xf32, #tpu.memory_space<vmem_shared>>
        %dma_wait3A_149 = arith.constant 0 : i32
        %dma_wait3A_150 = tpu.memref_slice %arg6[%mul3A_134, %dma_wait3A_149] : memref<10000x128xf32, #tpu.memory_space<vmem_shared>> -> memref<80x128xf32, #tpu.memory_space<vmem_shared>>
        %dma_wait3A_151 = arith.constant 0 : i32
        %dma_wait3A_152 = arith.constant 0 : i32
        %dma_wait3A_153 = tpu.memref_slice %arg9[%dma_wait3A_151, %dma_wait3A_152] : memref<80x128xf32, #tpu.memory_space<vmem>> -> memref<80x128xf32, #tpu.memory_space<vmem>>
        tpu.wait_dma2 semaphore(%run_scoped3A : memref<!tpu.dma_semaphore, #tpu.memory_space<semaphore_mem>>) src(%dma_wait3A_153 : memref<80x128xf32, #tpu.memory_space<vmem>>) dst(%dma_wait3A_150 : memref<80x128xf32, #tpu.memory_space<vmem_shared>>)
        tpu.yield
      }) : () -> ()
    } else {
    }
    %add3A_53 = arith.constant 112 : i32
    %add3A_54 = arith.addi %add3A_53, %arg1 : i32
    %lt3A_55 = arith.constant 125 : i32
    %lt3A_56 = arith.cmpi slt, %add3A_54, %lt3A_55 : i32
    %convert_element_type3A_57 = arith.extui %lt3A_56 : i1 to i32
    %cond3A_58 = arith.constant 0 : i32
    %cond3A_59 = arith.cmpi ne, %convert_element_type3A_57, %cond3A_58 : i32
    scf.if %cond3A_59 {
      %mul3A_133 = arith.constant 80 : i32
      %mul3A_134 = arith.muli %add3A_54, %mul3A_133 : i32
      "tpu.region"() ({
        %run_scoped3A = tpu.sem_alloc : memref<!tpu.dma_semaphore, #tpu.memory_space<semaphore_mem>>
        %dma_start3A_135 = arith.constant 0 : i32
        %dma_start3A_136 = arith.constant 0 : i32
        %dma_start3A_137 = tpu.memref_slice %arg9[%dma_start3A_135, %dma_start3A_136] : memref<80x128xf32, #tpu.memory_space<vmem>> -> memref<80x128xf32, #tpu.memory_space<vmem>>
        %dma_start3A_138 = arith.constant 0 : i32
        %dma_start3A_139 = tpu.memref_slice %arg6[%mul3A_134, %dma_start3A_138] : memref<10000x128xf32, #tpu.memory_space<vmem_shared>> -> memref<80x128xf32, #tpu.memory_space<vmem_shared>>
        %dma_start3A_140 = arith.constant 0 : i32
        %dma_start3A_141 = tpu.memref_slice %arg6[%mul3A_134, %dma_start3A_140] : memref<10000x128xf32, #tpu.memory_space<vmem_shared>> -> memref<80x128xf32, #tpu.memory_space<vmem_shared>>
        %dma_start3A_142 = arith.constant 0 : i32
        %dma_start3A_143 = arith.constant 0 : i32
        %dma_start3A_144 = tpu.memref_slice %arg9[%dma_start3A_142, %dma_start3A_143] : memref<80x128xf32, #tpu.memory_space<vmem>> -> memref<80x128xf32, #tpu.memory_space<vmem>>
        tpu.enqueue_dma source(%dma_start3A_144 : memref<80x128xf32, #tpu.memory_space<vmem>>) target(%dma_start3A_141 : memref<80x128xf32, #tpu.memory_space<vmem_shared>>) target_semaphore(%run_scoped3A : memref<!tpu.dma_semaphore, #tpu.memory_space<semaphore_mem>>)
        %dma_wait3A = arith.constant 0 : i32
        %dma_wait3A_145 = arith.constant 0 : i32
        %dma_wait3A_146 = tpu.memref_slice %arg9[%dma_wait3A, %dma_wait3A_145] : memref<80x128xf32, #tpu.memory_space<vmem>> -> memref<80x128xf32, #tpu.memory_space<vmem>>
        %dma_wait3A_147 = arith.constant 0 : i32
        %dma_wait3A_148 = tpu.memref_slice %arg6[%mul3A_134, %dma_wait3A_147] : memref<10000x128xf32, #tpu.memory_space<vmem_shared>> -> memref<80x128xf32, #tpu.memory_space<vmem_shared>>
        %dma_wait3A_149 = arith.constant 0 : i32
        %dma_wait3A_150 = tpu.memref_slice %arg6[%mul3A_134, %dma_wait3A_149] : memref<10000x128xf32, #tpu.memory_space<vmem_shared>> -> memref<80x128xf32, #tpu.memory_space<vmem_shared>>
        %dma_wait3A_151 = arith.constant 0 : i32
        %dma_wait3A_152 = arith.constant 0 : i32
        %dma_wait3A_153 = tpu.memref_slice %arg9[%dma_wait3A_151, %dma_wait3A_152] : memref<80x128xf32, #tpu.memory_space<vmem>> -> memref<80x128xf32, #tpu.memory_space<vmem>>
        tpu.wait_dma2 semaphore(%run_scoped3A : memref<!tpu.dma_semaphore, #tpu.memory_space<semaphore_mem>>) src(%dma_wait3A_153 : memref<80x128xf32, #tpu.memory_space<vmem>>) dst(%dma_wait3A_150 : memref<80x128xf32, #tpu.memory_space<vmem_shared>>)
        tpu.yield
      }) : () -> ()
    } else {
    }
    %barrier3A = arith.constant 0 : index
    tpu.barrier barrier_id(%barrier3A)
    "tpu.region"() ({
      %run_scoped3A = tpu.sem_alloc : memref<!tpu.dma_semaphore, #tpu.memory_space<semaphore_mem>>
      %dma_start3A_133 = arith.constant 0 : i32
      %dma_start3A_134 = tpu.memref_slice %arg3[%add3A, %dma_start3A_133] : memref<32x10000xi32, #tpu.memory_space<hbm>> -> memref<1x10000xi32, #tpu.memory_space<hbm>>
      %dma_start3A_135 = tpu.memref_squeeze %dma_start3A_134 : memref<1x10000xi32, #tpu.memory_space<hbm>> -> memref<10000xi32, #tpu.memory_space<hbm>>
      %dma_start3A_136 = arith.constant 0 : i32
      %dma_start3A_137 = tpu.memref_slice %arg3[%add3A, %dma_start3A_136] : memref<32x10000xi32, #tpu.memory_space<hbm>> -> memref<1x10000xi32, #tpu.memory_space<hbm>>
      %dma_start3A_138 = tpu.memref_squeeze %dma_start3A_137 : memref<1x10000xi32, #tpu.memory_space<hbm>> -> memref<10000xi32, #tpu.memory_space<hbm>>
      tpu.enqueue_dma source(%dma_start3A_138 : memref<10000xi32, #tpu.memory_space<hbm>>) target(%arg7 : memref<10000xi32, #tpu.memory_space<vmem>>) target_semaphore(%run_scoped3A : memref<!tpu.dma_semaphore, #tpu.memory_space<semaphore_mem>>)
      %dma_wait3A = arith.constant 0 : i32
      %dma_wait3A_139 = tpu.memref_slice %arg3[%add3A, %dma_wait3A] : memref<32x10000xi32, #tpu.memory_space<hbm>> -> memref<1x10000xi32, #tpu.memory_space<hbm>>
      %dma_wait3A_140 = tpu.memref_squeeze %dma_wait3A_139 : memref<1x10000xi32, #tpu.memory_space<hbm>> -> memref<10000xi32, #tpu.memory_space<hbm>>
      %dma_wait3A_141 = arith.constant 0 : i32
      %dma_wait3A_142 = tpu.memref_slice %arg3[%add3A, %dma_wait3A_141] : memref<32x10000xi32, #tpu.memory_space<hbm>> -> memref<1x10000xi32, #tpu.memory_space<hbm>>
      %dma_wait3A_143 = tpu.memref_squeeze %dma_wait3A_142 : memref<1x10000xi32, #tpu.memory_space<hbm>> -> memref<10000xi32, #tpu.memory_space<hbm>>
      tpu.wait_dma2 semaphore(%run_scoped3A : memref<!tpu.dma_semaphore, #tpu.memory_space<semaphore_mem>>) src(%dma_wait3A_143 : memref<10000xi32, #tpu.memory_space<hbm>>) dst(%arg7 : memref<10000xi32, #tpu.memory_space<vmem>>)
      tpu.yield
    }) : () -> ()
    "tpu.region"() ({
      %run_scoped3A = tpu.sem_alloc : memref<!tpu.dma_semaphore, #tpu.memory_space<semaphore_mem>>
      %dma_start3A_133 = arith.constant 0 : i32
      %dma_start3A_134 = arith.constant 0 : i32
      %dma_start3A_135 = tpu.memref_slice %arg4[%add3A, %dma_start3A_133, %dma_start3A_134] : memref<32x125x80xi32, #tpu.memory_space<hbm>> -> memref<1x125x80xi32, #tpu.memory_space<hbm>>
      %dma_start3A_136 = tpu.memref_squeeze %dma_start3A_135 : memref<1x125x80xi32, #tpu.memory_space<hbm>> -> memref<125x80xi32, #tpu.memory_space<hbm>>
      %dma_start3A_137 = arith.constant 0 : i32
      %dma_start3A_138 = arith.constant 0 : i32
      %dma_start3A_139 = tpu.memref_slice %arg4[%add3A, %dma_start3A_137, %dma_start3A_138] : memref<32x125x80xi32, #tpu.memory_space<hbm>> -> memref<1x125x80xi32, #tpu.memory_space<hbm>>
      %dma_start3A_140 = tpu.memref_squeeze %dma_start3A_139 : memref<1x125x80xi32, #tpu.memory_space<hbm>> -> memref<125x80xi32, #tpu.memory_space<hbm>>
      tpu.enqueue_dma source(%dma_start3A_140 : memref<125x80xi32, #tpu.memory_space<hbm>>) target(%arg8 : memref<125x80xi32, #tpu.memory_space<vmem>>) target_semaphore(%run_scoped3A : memref<!tpu.dma_semaphore, #tpu.memory_space<semaphore_mem>>)
      %dma_wait3A = arith.constant 0 : i32
      %dma_wait3A_141 = arith.constant 0 : i32
      %dma_wait3A_142 = tpu.memref_slice %arg4[%add3A, %dma_wait3A, %dma_wait3A_141] : memref<32x125x80xi32, #tpu.memory_space<hbm>> -> memref<1x125x80xi32, #tpu.memory_space<hbm>>
      %dma_wait3A_143 = tpu.memref_squeeze %dma_wait3A_142 : memref<1x125x80xi32, #tpu.memory_space<hbm>> -> memref<125x80xi32, #tpu.memory_space<hbm>>
      %dma_wait3A_144 = arith.constant 0 : i32
      %dma_wait3A_145 = arith.constant 0 : i32
      %dma_wait3A_146 = tpu.memref_slice %arg4[%add3A, %dma_wait3A_144, %dma_wait3A_145] : memref<32x125x80xi32, #tpu.memory_space<hbm>> -> memref<1x125x80xi32, #tpu.memory_space<hbm>>
      %dma_wait3A_147 = tpu.memref_squeeze %dma_wait3A_146 : memref<1x125x80xi32, #tpu.memory_space<hbm>> -> memref<125x80xi32, #tpu.memory_space<hbm>>
      tpu.wait_dma2 semaphore(%run_scoped3A : memref<!tpu.dma_semaphore, #tpu.memory_space<semaphore_mem>>) src(%dma_wait3A_147 : memref<125x80xi32, #tpu.memory_space<hbm>>) dst(%arg8 : memref<125x80xi32, #tpu.memory_space<vmem>>)
      tpu.yield
    }) : () -> ()
    %dma_start3A = arith.constant 0 : i32
    %dma_start3A_60 = tpu.memref_slice %arg7[%dma_start3A] : memref<10000xi32, #tpu.memory_space<vmem>> -> memref<80xi32, #tpu.memory_space<vmem>>
    %dma_start3A_61 = arith.constant 0 : i32
    %dma_start3A_62 = arith.constant 0 : i32
    %dma_start3A_63 = tpu.memref_slice %arg2[%dma_start3A_61, %dma_start3A_62] : memref<10000x128xf32, #tpu.memory_space<hbm>> -> memref<10000x128xf32, #tpu.memory_space<hbm>>
    tpu.enqueue_indirect_dma source(%dma_start3A_63 : memref<10000x128xf32, #tpu.memory_space<hbm>>) target(%arg9 : memref<80x128xf32, #tpu.memory_space<vmem>>) offsets(%dma_start3A_60 : memref<80xi32, #tpu.memory_space<vmem>>) semaphore(%arg11 : memref<!tpu.dma_semaphore, #tpu.memory_space<semaphore_mem>>)
    %dma_start3A_64 = arith.constant 80 : i32
    %dma_start3A_65 = tpu.memref_slice %arg7[%dma_start3A_64] : memref<10000xi32, #tpu.memory_space<vmem>> -> memref<80xi32, #tpu.memory_space<vmem>>
    %dma_start3A_66 = arith.constant 0 : i32
    %dma_start3A_67 = arith.constant 0 : i32
    %dma_start3A_68 = tpu.memref_slice %arg2[%dma_start3A_66, %dma_start3A_67] : memref<10000x128xf32, #tpu.memory_space<hbm>> -> memref<10000x128xf32, #tpu.memory_space<hbm>>
    tpu.enqueue_indirect_dma source(%dma_start3A_68 : memref<10000x128xf32, #tpu.memory_space<hbm>>) target(%arg10 : memref<80x128xf32, #tpu.memory_space<vmem>>) offsets(%dma_start3A_65 : memref<80xi32, #tpu.memory_space<vmem>>) semaphore(%arg12 : memref<!tpu.dma_semaphore, #tpu.memory_space<semaphore_mem>>)
    %scan3A_69 = arith.constant 0 : i32
    %scan3A_70 = arith.constant 0 : i32
    %scan3A_71 = arith.constant 63 : i32
    %scan3A_72 = arith.addi %scan3A_70, %scan3A_71 : i32
    %scan3A_73 = arith.constant 1 : i32
    %scan3A_74 = scf.for %scan3A_133 = %scan3A_70 to %scan3A_72 step %scan3A_73 iter_args(%scan3A_134 = %scan3A_69) -> (i32)  : i32 {
      %mul3A_135 = arith.constant 2 : i32
      %mul3A_136 = arith.muli %mul3A_135, %scan3A_133 : i32
      %add3A_137 = arith.constant 1 : i32
      %add3A_138 = arith.addi %mul3A_136, %add3A_137 : i32
      %mul3A_139 = arith.constant 80 : i32
      %mul3A_140 = arith.muli %mul3A_136, %mul3A_139 : i32
      %dma_wait3A = tpu.memref_slice %arg7[%mul3A_140] : memref<10000xi32, #tpu.memory_space<vmem>> -> memref<80xi32, #tpu.memory_space<vmem>>
      %dma_wait3A_141 = arith.constant 0 : i32
      %dma_wait3A_142 = arith.constant 0 : i32
      %dma_wait3A_143 = tpu.memref_slice %arg2[%dma_wait3A_141, %dma_wait3A_142] : memref<10000x128xf32, #tpu.memory_space<hbm>> -> memref<10000x128xf32, #tpu.memory_space<hbm>>
      tpu.wait_indirect_dma semaphore(%arg11 : memref<!tpu.dma_semaphore, #tpu.memory_space<semaphore_mem>>) src(%dma_wait3A_143 : memref<10000x128xf32, #tpu.memory_space<hbm>>) dst(%arg9 : memref<80x128xf32, #tpu.memory_space<vmem>>)
      "tpu.region"() ({
        %run_scoped3A = tpu.sem_alloc : memref<!tpu.dma_semaphore, #tpu.memory_space<semaphore_mem>>
        %dma_start3A_157 = arith.constant 0 : i32
        %dma_start3A_158 = tpu.memref_slice %arg8[%mul3A_136, %dma_start3A_157] : memref<125x80xi32, #tpu.memory_space<vmem>> -> memref<1x80xi32, #tpu.memory_space<vmem>>
        %dma_start3A_159 = tpu.memref_squeeze %dma_start3A_158 : memref<1x80xi32, #tpu.memory_space<vmem>> -> memref<80xi32, #tpu.memory_space<vmem>>
        %dma_start3A_160 = arith.constant 0 : i32
        %dma_start3A_161 = arith.constant 0 : i32
        %dma_start3A_162 = tpu.memref_slice %arg6[%dma_start3A_160, %dma_start3A_161] : memref<10000x128xf32, #tpu.memory_space<vmem_shared>> -> memref<10000x128xf32, #tpu.memory_space<vmem_shared>>
        tpu.enqueue_indirect_dma source(%arg9 : memref<80x128xf32, #tpu.memory_space<vmem>>) target(%dma_start3A_162 : memref<10000x128xf32, #tpu.memory_space<vmem_shared>>) offsets(%dma_start3A_159 : memref<80xi32, #tpu.memory_space<vmem>>) semaphore(%run_scoped3A : memref<!tpu.dma_semaphore, #tpu.memory_space<semaphore_mem>>) {add = true}
        %dma_wait3A_163 = arith.constant 0 : i32
        %dma_wait3A_164 = tpu.memref_slice %arg8[%mul3A_136, %dma_wait3A_163] : memref<125x80xi32, #tpu.memory_space<vmem>> -> memref<1x80xi32, #tpu.memory_space<vmem>>
        %dma_wait3A_165 = tpu.memref_squeeze %dma_wait3A_164 : memref<1x80xi32, #tpu.memory_space<vmem>> -> memref<80xi32, #tpu.memory_space<vmem>>
        %dma_wait3A_166 = arith.constant 0 : i32
        %dma_wait3A_167 = arith.constant 0 : i32
        %dma_wait3A_168 = tpu.memref_slice %arg6[%dma_wait3A_166, %dma_wait3A_167] : memref<10000x128xf32, #tpu.memory_space<vmem_shared>> -> memref<10000x128xf32, #tpu.memory_space<vmem_shared>>
        tpu.wait_indirect_dma semaphore(%run_scoped3A : memref<!tpu.dma_semaphore, #tpu.memory_space<semaphore_mem>>) src(%arg9 : memref<80x128xf32, #tpu.memory_space<vmem>>) dst(%dma_wait3A_168 : memref<10000x128xf32, #tpu.memory_space<vmem_shared>>)
        tpu.yield
      }) : () -> ()
      %add3A_144 = arith.constant 2 : i32
      %add3A_145 = arith.addi %mul3A_136, %add3A_144 : i32
      %lt3A_146 = arith.constant 125 : i32
      %lt3A_147 = arith.cmpi slt, %add3A_145, %lt3A_146 : i32
      %convert_element_type3A_148 = arith.extui %lt3A_147 : i1 to i32
      %cond3A_149 = arith.constant 0 : i32
      %cond3A_150 = arith.cmpi ne, %convert_element_type3A_148, %cond3A_149 : i32
      scf.if %cond3A_150 {
        %add3A_157 = arith.constant 2 : i32
        %add3A_158 = arith.addi %mul3A_136, %add3A_157 : i32
        %mul3A_159 = arith.constant 80 : i32
        %mul3A_160 = arith.muli %add3A_158, %mul3A_159 : i32
        %dma_start3A_161 = tpu.memref_slice %arg7[%mul3A_160] : memref<10000xi32, #tpu.memory_space<vmem>> -> memref<80xi32, #tpu.memory_space<vmem>>
        %dma_start3A_162 = arith.constant 0 : i32
        %dma_start3A_163 = arith.constant 0 : i32
        %dma_start3A_164 = tpu.memref_slice %arg2[%dma_start3A_162, %dma_start3A_163] : memref<10000x128xf32, #tpu.memory_space<hbm>> -> memref<10000x128xf32, #tpu.memory_space<hbm>>
        tpu.enqueue_indirect_dma source(%dma_start3A_164 : memref<10000x128xf32, #tpu.memory_space<hbm>>) target(%arg9 : memref<80x128xf32, #tpu.memory_space<vmem>>) offsets(%dma_start3A_161 : memref<80xi32, #tpu.memory_space<vmem>>) semaphore(%arg11 : memref<!tpu.dma_semaphore, #tpu.memory_space<semaphore_mem>>)
      } else {
      }
      %lt3A_151 = arith.constant 125 : i32
      %lt3A_152 = arith.cmpi slt, %add3A_138, %lt3A_151 : i32
      %convert_element_type3A_153 = arith.extui %lt3A_152 : i1 to i32
      %cond3A_154 = arith.constant 0 : i32
      %cond3A_155 = arith.cmpi ne, %convert_element_type3A_153, %cond3A_154 : i32
      scf.if %cond3A_155 {
        %mul3A_157 = arith.constant 80 : i32
        %mul3A_158 = arith.muli %add3A_138, %mul3A_157 : i32
        %dma_wait3A_159 = tpu.memref_slice %arg7[%mul3A_158] : memref<10000xi32, #tpu.memory_space<vmem>> -> memref<80xi32, #tpu.memory_space<vmem>>
        %dma_wait3A_160 = arith.constant 0 : i32
        %dma_wait3A_161 = arith.constant 0 : i32
        %dma_wait3A_162 = tpu.memref_slice %arg2[%dma_wait3A_160, %dma_wait3A_161] : memref<10000x128xf32, #tpu.memory_space<hbm>> -> memref<10000x128xf32, #tpu.memory_space<hbm>>
        tpu.wait_indirect_dma semaphore(%arg12 : memref<!tpu.dma_semaphore, #tpu.memory_space<semaphore_mem>>) src(%dma_wait3A_162 : memref<10000x128xf32, #tpu.memory_space<hbm>>) dst(%arg10 : memref<80x128xf32, #tpu.memory_space<vmem>>)
        "tpu.region"() ({
          %run_scoped3A = tpu.sem_alloc : memref<!tpu.dma_semaphore, #tpu.memory_space<semaphore_mem>>
          %dma_start3A_170 = arith.constant 0 : i32
          %dma_start3A_171 = tpu.memref_slice %arg8[%add3A_138, %dma_start3A_170] : memref<125x80xi32, #tpu.memory_space<vmem>> -> memref<1x80xi32, #tpu.memory_space<vmem>>
          %dma_start3A_172 = tpu.memref_squeeze %dma_start3A_171 : memref<1x80xi32, #tpu.memory_space<vmem>> -> memref<80xi32, #tpu.memory_space<vmem>>
          %dma_start3A_173 = arith.constant 0 : i32
          %dma_start3A_174 = arith.constant 0 : i32
          %dma_start3A_175 = tpu.memref_slice %arg6[%dma_start3A_173, %dma_start3A_174] : memref<10000x128xf32, #tpu.memory_space<vmem_shared>> -> memref<10000x128xf32, #tpu.memory_space<vmem_shared>>
          tpu.enqueue_indirect_dma source(%arg10 : memref<80x128xf32, #tpu.memory_space<vmem>>) target(%dma_start3A_175 : memref<10000x128xf32, #tpu.memory_space<vmem_shared>>) offsets(%dma_start3A_172 : memref<80xi32, #tpu.memory_space<vmem>>) semaphore(%run_scoped3A : memref<!tpu.dma_semaphore, #tpu.memory_space<semaphore_mem>>) {add = true}
          %dma_wait3A_176 = arith.constant 0 : i32
          %dma_wait3A_177 = tpu.memref_slice %arg8[%add3A_138, %dma_wait3A_176] : memref<125x80xi32, #tpu.memory_space<vmem>> -> memref<1x80xi32, #tpu.memory_space<vmem>>
          %dma_wait3A_178 = tpu.memref_squeeze %dma_wait3A_177 : memref<1x80xi32, #tpu.memory_space<vmem>> -> memref<80xi32, #tpu.memory_space<vmem>>
          %dma_wait3A_179 = arith.constant 0 : i32
          %dma_wait3A_180 = arith.constant 0 : i32
          %dma_wait3A_181 = tpu.memref_slice %arg6[%dma_wait3A_179, %dma_wait3A_180] : memref<10000x128xf32, #tpu.memory_space<vmem_shared>> -> memref<10000x128xf32, #tpu.memory_space<vmem_shared>>
          tpu.wait_indirect_dma semaphore(%run_scoped3A : memref<!tpu.dma_semaphore, #tpu.memory_space<semaphore_mem>>) src(%arg10 : memref<80x128xf32, #tpu.memory_space<vmem>>) dst(%dma_wait3A_181 : memref<10000x128xf32, #tpu.memory_space<vmem_shared>>)
          tpu.yield
        }) : () -> ()
        %add3A_163 = arith.constant 2 : i32
        %add3A_164 = arith.addi %add3A_138, %add3A_163 : i32
        %lt3A_165 = arith.constant 125 : i32
        %lt3A_166 = arith.cmpi slt, %add3A_164, %lt3A_165 : i32
        %convert_element_type3A_167 = arith.extui %lt3A_166 : i1 to i32
        %cond3A_168 = arith.constant 0 : i32
        %cond3A_169 = arith.cmpi ne, %convert_element_type3A_167, %cond3A_168 : i32
        scf.if %cond3A_169 {
          %add3A_170 = arith.constant 2 : i32
          %add3A_171 = arith.addi %add3A_138, %add3A_170 : i32
          %mul3A_172 = arith.constant 80 : i32
          %mul3A_173 = arith.muli %add3A_171, %mul3A_172 : i32
          %dma_start3A_174 = tpu.memref_slice %arg7[%mul3A_173] : memref<10000xi32, #tpu.memory_space<vmem>> -> memref<80xi32, #tpu.memory_space<vmem>>
          %dma_start3A_175 = arith.constant 0 : i32
          %dma_start3A_176 = arith.constant 0 : i32
          %dma_start3A_177 = tpu.memref_slice %arg2[%dma_start3A_175, %dma_start3A_176] : memref<10000x128xf32, #tpu.memory_space<hbm>> -> memref<10000x128xf32, #tpu.memory_space<hbm>>
          tpu.enqueue_indirect_dma source(%dma_start3A_177 : memref<10000x128xf32, #tpu.memory_space<hbm>>) target(%arg10 : memref<80x128xf32, #tpu.memory_space<vmem>>) offsets(%dma_start3A_174 : memref<80xi32, #tpu.memory_space<vmem>>) semaphore(%arg12 : memref<!tpu.dma_semaphore, #tpu.memory_space<semaphore_mem>>)
        } else {
        }
      } else {
      }
      %scan3A_156 = arith.constant 0 : i32
      scf.yield %scan3A_156 : i32
    }
    %scan3A_75 = arith.constant 63 : i32
    %barrier3A_76 = arith.constant 0 : index
    tpu.barrier barrier_id(%barrier3A_76)
    %add3A_77 = arith.constant 0 : i32
    %add3A_78 = arith.addi %add3A_77, %arg1 : i32
    %lt3A_79 = arith.constant 125 : i32
    %lt3A_80 = arith.cmpi slt, %add3A_78, %lt3A_79 : i32
    %convert_element_type3A_81 = arith.extui %lt3A_80 : i1 to i32
    %cond3A_82 = arith.constant 0 : i32
    %cond3A_83 = arith.cmpi ne, %convert_element_type3A_81, %cond3A_82 : i32
    scf.if %cond3A_83 {
      %mul3A_133 = arith.constant 80 : i32
      %mul3A_134 = arith.muli %add3A_78, %mul3A_133 : i32
      "tpu.region"() ({
        %run_scoped3A = tpu.sem_alloc : memref<!tpu.dma_semaphore, #tpu.memory_space<semaphore_mem>>
        %dma_start3A_138 = arith.constant 0 : i32
        %dma_start3A_139 = arith.constant 0 : i32
        %dma_start3A_140 = tpu.memref_slice %arg9[%dma_start3A_138, %dma_start3A_139] : memref<80x128xf32, #tpu.memory_space<vmem>> -> memref<80x128xf32, #tpu.memory_space<vmem>>
        %dma_start3A_141 = arith.constant 0 : i32
        %dma_start3A_142 = tpu.memref_slice %arg6[%mul3A_134, %dma_start3A_141] : memref<10000x128xf32, #tpu.memory_space<vmem_shared>> -> memref<80x128xf32, #tpu.memory_space<vmem_shared>>
        %dma_start3A_143 = arith.constant 0 : i32
        %dma_start3A_144 = arith.constant 0 : i32
        %dma_start3A_145 = tpu.memref_slice %arg9[%dma_start3A_143, %dma_start3A_144] : memref<80x128xf32, #tpu.memory_space<vmem>> -> memref<80x128xf32, #tpu.memory_space<vmem>>
        %dma_start3A_146 = arith.constant 0 : i32
        %dma_start3A_147 = tpu.memref_slice %arg6[%mul3A_134, %dma_start3A_146] : memref<10000x128xf32, #tpu.memory_space<vmem_shared>> -> memref<80x128xf32, #tpu.memory_space<vmem_shared>>
        tpu.enqueue_dma source(%dma_start3A_147 : memref<80x128xf32, #tpu.memory_space<vmem_shared>>) target(%dma_start3A_145 : memref<80x128xf32, #tpu.memory_space<vmem>>) target_semaphore(%run_scoped3A : memref<!tpu.dma_semaphore, #tpu.memory_space<semaphore_mem>>)
        %dma_wait3A = arith.constant 0 : i32
        %dma_wait3A_148 = arith.constant 0 : i32
        %dma_wait3A_149 = tpu.memref_slice %arg9[%dma_wait3A, %dma_wait3A_148] : memref<80x128xf32, #tpu.memory_space<vmem>> -> memref<80x128xf32, #tpu.memory_space<vmem>>
        %dma_wait3A_150 = arith.constant 0 : i32
        %dma_wait3A_151 = tpu.memref_slice %arg6[%mul3A_134, %dma_wait3A_150] : memref<10000x128xf32, #tpu.memory_space<vmem_shared>> -> memref<80x128xf32, #tpu.memory_space<vmem_shared>>
        %dma_wait3A_152 = arith.constant 0 : i32
        %dma_wait3A_153 = arith.constant 0 : i32
        %dma_wait3A_154 = tpu.memref_slice %arg9[%dma_wait3A_152, %dma_wait3A_153] : memref<80x128xf32, #tpu.memory_space<vmem>> -> memref<80x128xf32, #tpu.memory_space<vmem>>
        %dma_wait3A_155 = arith.constant 0 : i32
        %dma_wait3A_156 = tpu.memref_slice %arg6[%mul3A_134, %dma_wait3A_155] : memref<10000x128xf32, #tpu.memory_space<vmem_shared>> -> memref<80x128xf32, #tpu.memory_space<vmem_shared>>
        tpu.wait_dma2 semaphore(%run_scoped3A : memref<!tpu.dma_semaphore, #tpu.memory_space<semaphore_mem>>) src(%dma_wait3A_156 : memref<80x128xf32, #tpu.memory_space<vmem_shared>>) dst(%dma_wait3A_154 : memref<80x128xf32, #tpu.memory_space<vmem>>)
        tpu.yield
      }) : () -> ()
      %mul3A_135 = arith.constant 10000 : i32
      %mul3A_136 = arith.muli %arg0, %mul3A_135 : i32
      %add3A_137 = arith.addi %mul3A_136, %mul3A_134 : i32
      "tpu.region"() ({
        %run_scoped3A = tpu.sem_alloc : memref<!tpu.dma_semaphore, #tpu.memory_space<semaphore_mem>>
        %dma_start3A_138 = arith.constant 0 : i32
        %dma_start3A_139 = arith.constant 0 : i32
        %dma_start3A_140 = tpu.memref_slice %arg9[%dma_start3A_138, %dma_start3A_139] : memref<80x128xf32, #tpu.memory_space<vmem>> -> memref<80x128xf32, #tpu.memory_space<vmem>>
        %dma_start3A_141 = arith.constant 0 : i32
        %dma_start3A_142 = tpu.memref_slice %arg5[%add3A_137, %dma_start3A_141] : memref<20000x128xf32, #tpu.memory_space<hbm>> -> memref<80x128xf32, #tpu.memory_space<hbm>>
        %dma_start3A_143 = arith.constant 0 : i32
        %dma_start3A_144 = tpu.memref_slice %arg5[%add3A_137, %dma_start3A_143] : memref<20000x128xf32, #tpu.memory_space<hbm>> -> memref<80x128xf32, #tpu.memory_space<hbm>>
        %dma_start3A_145 = arith.constant 0 : i32
        %dma_start3A_146 = arith.constant 0 : i32
        %dma_start3A_147 = tpu.memref_slice %arg9[%dma_start3A_145, %dma_start3A_146] : memref<80x128xf32, #tpu.memory_space<vmem>> -> memref<80x128xf32, #tpu.memory_space<vmem>>
        tpu.enqueue_dma source(%dma_start3A_147 : memref<80x128xf32, #tpu.memory_space<vmem>>) target(%dma_start3A_144 : memref<80x128xf32, #tpu.memory_space<hbm>>) target_semaphore(%run_scoped3A : memref<!tpu.dma_semaphore, #tpu.memory_space<semaphore_mem>>)
        %dma_wait3A = arith.constant 0 : i32
        %dma_wait3A_148 = arith.constant 0 : i32
        %dma_wait3A_149 = tpu.memref_slice %arg9[%dma_wait3A, %dma_wait3A_148] : memref<80x128xf32, #tpu.memory_space<vmem>> -> memref<80x128xf32, #tpu.memory_space<vmem>>
        %dma_wait3A_150 = arith.constant 0 : i32
        %dma_wait3A_151 = tpu.memref_slice %arg5[%add3A_137, %dma_wait3A_150] : memref<20000x128xf32, #tpu.memory_space<hbm>> -> memref<80x128xf32, #tpu.memory_space<hbm>>
        %dma_wait3A_152 = arith.constant 0 : i32
        %dma_wait3A_153 = tpu.memref_slice %arg5[%add3A_137, %dma_wait3A_152] : memref<20000x128xf32, #tpu.memory_space<hbm>> -> memref<80x128xf32, #tpu.memory_space<hbm>>
        %dma_wait3A_154 = arith.constant 0 : i32
        %dma_wait3A_155 = arith.constant 0 : i32
        %dma_wait3A_156 = tpu.memref_slice %arg9[%dma_wait3A_154, %dma_wait3A_155] : memref<80x128xf32, #tpu.memory_space<vmem>> -> memref<80x128xf32, #tpu.memory_space<vmem>>
        tpu.wait_dma2 semaphore(%run_scoped3A : memref<!tpu.dma_semaphore, #tpu.memory_space<semaphore_mem>>) src(%dma_wait3A_156 : memref<80x128xf32, #tpu.memory_space<vmem>>) dst(%dma_wait3A_153 : memref<80x128xf32, #tpu.memory_space<hbm>>)
        tpu.yield
      }) : () -> ()
    } else {
    }
    %add3A_84 = arith.constant 16 : i32
    %add3A_85 = arith.addi %add3A_84, %arg1 : i32
    %lt3A_86 = arith.constant 125 : i32
    %lt3A_87 = arith.cmpi slt, %add3A_85, %lt3A_86 : i32
    %convert_element_type3A_88 = arith.extui %lt3A_87 : i1 to i32
    %cond3A_89 = arith.constant 0 : i32
    %cond3A_90 = arith.cmpi ne, %convert_element_type3A_88, %cond3A_89 : i32
    scf.if %cond3A_90 {
      %mul3A_133 = arith.constant 80 : i32
      %mul3A_134 = arith.muli %add3A_85, %mul3A_133 : i32
      "tpu.region"() ({
        %run_scoped3A = tpu.sem_alloc : memref<!tpu.dma_semaphore, #tpu.memory_space<semaphore_mem>>
        %dma_start3A_138 = arith.constant 0 : i32
        %dma_start3A_139 = arith.constant 0 : i32
        %dma_start3A_140 = tpu.memref_slice %arg9[%dma_start3A_138, %dma_start3A_139] : memref<80x128xf32, #tpu.memory_space<vmem>> -> memref<80x128xf32, #tpu.memory_space<vmem>>
        %dma_start3A_141 = arith.constant 0 : i32
        %dma_start3A_142 = tpu.memref_slice %arg6[%mul3A_134, %dma_start3A_141] : memref<10000x128xf32, #tpu.memory_space<vmem_shared>> -> memref<80x128xf32, #tpu.memory_space<vmem_shared>>
        %dma_start3A_143 = arith.constant 0 : i32
        %dma_start3A_144 = arith.constant 0 : i32
        %dma_start3A_145 = tpu.memref_slice %arg9[%dma_start3A_143, %dma_start3A_144] : memref<80x128xf32, #tpu.memory_space<vmem>> -> memref<80x128xf32, #tpu.memory_space<vmem>>
        %dma_start3A_146 = arith.constant 0 : i32
        %dma_start3A_147 = tpu.memref_slice %arg6[%mul3A_134, %dma_start3A_146] : memref<10000x128xf32, #tpu.memory_space<vmem_shared>> -> memref<80x128xf32, #tpu.memory_space<vmem_shared>>
        tpu.enqueue_dma source(%dma_start3A_147 : memref<80x128xf32, #tpu.memory_space<vmem_shared>>) target(%dma_start3A_145 : memref<80x128xf32, #tpu.memory_space<vmem>>) target_semaphore(%run_scoped3A : memref<!tpu.dma_semaphore, #tpu.memory_space<semaphore_mem>>)
        %dma_wait3A = arith.constant 0 : i32
        %dma_wait3A_148 = arith.constant 0 : i32
        %dma_wait3A_149 = tpu.memref_slice %arg9[%dma_wait3A, %dma_wait3A_148] : memref<80x128xf32, #tpu.memory_space<vmem>> -> memref<80x128xf32, #tpu.memory_space<vmem>>
        %dma_wait3A_150 = arith.constant 0 : i32
        %dma_wait3A_151 = tpu.memref_slice %arg6[%mul3A_134, %dma_wait3A_150] : memref<10000x128xf32, #tpu.memory_space<vmem_shared>> -> memref<80x128xf32, #tpu.memory_space<vmem_shared>>
        %dma_wait3A_152 = arith.constant 0 : i32
        %dma_wait3A_153 = arith.constant 0 : i32
        %dma_wait3A_154 = tpu.memref_slice %arg9[%dma_wait3A_152, %dma_wait3A_153] : memref<80x128xf32, #tpu.memory_space<vmem>> -> memref<80x128xf32, #tpu.memory_space<vmem>>
        %dma_wait3A_155 = arith.constant 0 : i32
        %dma_wait3A_156 = tpu.memref_slice %arg6[%mul3A_134, %dma_wait3A_155] : memref<10000x128xf32, #tpu.memory_space<vmem_shared>> -> memref<80x128xf32, #tpu.memory_space<vmem_shared>>
        tpu.wait_dma2 semaphore(%run_scoped3A : memref<!tpu.dma_semaphore, #tpu.memory_space<semaphore_mem>>) src(%dma_wait3A_156 : memref<80x128xf32, #tpu.memory_space<vmem_shared>>) dst(%dma_wait3A_154 : memref<80x128xf32, #tpu.memory_space<vmem>>)
        tpu.yield
      }) : () -> ()
      %mul3A_135 = arith.constant 10000 : i32
      %mul3A_136 = arith.muli %arg0, %mul3A_135 : i32
      %add3A_137 = arith.addi %mul3A_136, %mul3A_134 : i32
      "tpu.region"() ({
        %run_scoped3A = tpu.sem_alloc : memref<!tpu.dma_semaphore, #tpu.memory_space<semaphore_mem>>
        %dma_start3A_138 = arith.constant 0 : i32
        %dma_start3A_139 = arith.constant 0 : i32
        %dma_start3A_140 = tpu.memref_slice %arg9[%dma_start3A_138, %dma_start3A_139] : memref<80x128xf32, #tpu.memory_space<vmem>> -> memref<80x128xf32, #tpu.memory_space<vmem>>
        %dma_start3A_141 = arith.constant 0 : i32
        %dma_start3A_142 = tpu.memref_slice %arg5[%add3A_137, %dma_start3A_141] : memref<20000x128xf32, #tpu.memory_space<hbm>> -> memref<80x128xf32, #tpu.memory_space<hbm>>
        %dma_start3A_143 = arith.constant 0 : i32
        %dma_start3A_144 = tpu.memref_slice %arg5[%add3A_137, %dma_start3A_143] : memref<20000x128xf32, #tpu.memory_space<hbm>> -> memref<80x128xf32, #tpu.memory_space<hbm>>
        %dma_start3A_145 = arith.constant 0 : i32
        %dma_start3A_146 = arith.constant 0 : i32
        %dma_start3A_147 = tpu.memref_slice %arg9[%dma_start3A_145, %dma_start3A_146] : memref<80x128xf32, #tpu.memory_space<vmem>> -> memref<80x128xf32, #tpu.memory_space<vmem>>
        tpu.enqueue_dma source(%dma_start3A_147 : memref<80x128xf32, #tpu.memory_space<vmem>>) target(%dma_start3A_144 : memref<80x128xf32, #tpu.memory_space<hbm>>) target_semaphore(%run_scoped3A : memref<!tpu.dma_semaphore, #tpu.memory_space<semaphore_mem>>)
        %dma_wait3A = arith.constant 0 : i32
        %dma_wait3A_148 = arith.constant 0 : i32
        %dma_wait3A_149 = tpu.memref_slice %arg9[%dma_wait3A, %dma_wait3A_148] : memref<80x128xf32, #tpu.memory_space<vmem>> -> memref<80x128xf32, #tpu.memory_space<vmem>>
        %dma_wait3A_150 = arith.constant 0 : i32
        %dma_wait3A_151 = tpu.memref_slice %arg5[%add3A_137, %dma_wait3A_150] : memref<20000x128xf32, #tpu.memory_space<hbm>> -> memref<80x128xf32, #tpu.memory_space<hbm>>
        %dma_wait3A_152 = arith.constant 0 : i32
        %dma_wait3A_153 = tpu.memref_slice %arg5[%add3A_137, %dma_wait3A_152] : memref<20000x128xf32, #tpu.memory_space<hbm>> -> memref<80x128xf32, #tpu.memory_space<hbm>>
        %dma_wait3A_154 = arith.constant 0 : i32
        %dma_wait3A_155 = arith.constant 0 : i32
        %dma_wait3A_156 = tpu.memref_slice %arg9[%dma_wait3A_154, %dma_wait3A_155] : memref<80x128xf32, #tpu.memory_space<vmem>> -> memref<80x128xf32, #tpu.memory_space<vmem>>
        tpu.wait_dma2 semaphore(%run_scoped3A : memref<!tpu.dma_semaphore, #tpu.memory_space<semaphore_mem>>) src(%dma_wait3A_156 : memref<80x128xf32, #tpu.memory_space<vmem>>) dst(%dma_wait3A_153 : memref<80x128xf32, #tpu.memory_space<hbm>>)
        tpu.yield
      }) : () -> ()
    } else {
    }
    %add3A_91 = arith.constant 32 : i32
    %add3A_92 = arith.addi %add3A_91, %arg1 : i32
    %lt3A_93 = arith.constant 125 : i32
    %lt3A_94 = arith.cmpi slt, %add3A_92, %lt3A_93 : i32
    %convert_element_type3A_95 = arith.extui %lt3A_94 : i1 to i32
    %cond3A_96 = arith.constant 0 : i32
    %cond3A_97 = arith.cmpi ne, %convert_element_type3A_95, %cond3A_96 : i32
    scf.if %cond3A_97 {
      %mul3A_133 = arith.constant 80 : i32
      %mul3A_134 = arith.muli %add3A_92, %mul3A_133 : i32
      "tpu.region"() ({
        %run_scoped3A = tpu.sem_alloc : memref<!tpu.dma_semaphore, #tpu.memory_space<semaphore_mem>>
        %dma_start3A_138 = arith.constant 0 : i32
        %dma_start3A_139 = arith.constant 0 : i32
        %dma_start3A_140 = tpu.memref_slice %arg9[%dma_start3A_138, %dma_start3A_139] : memref<80x128xf32, #tpu.memory_space<vmem>> -> memref<80x128xf32, #tpu.memory_space<vmem>>
        %dma_start3A_141 = arith.constant 0 : i32
        %dma_start3A_142 = tpu.memref_slice %arg6[%mul3A_134, %dma_start3A_141] : memref<10000x128xf32, #tpu.memory_space<vmem_shared>> -> memref<80x128xf32, #tpu.memory_space<vmem_shared>>
        %dma_start3A_143 = arith.constant 0 : i32
        %dma_start3A_144 = arith.constant 0 : i32
        %dma_start3A_145 = tpu.memref_slice %arg9[%dma_start3A_143, %dma_start3A_144] : memref<80x128xf32, #tpu.memory_space<vmem>> -> memref<80x128xf32, #tpu.memory_space<vmem>>
        %dma_start3A_146 = arith.constant 0 : i32
        %dma_start3A_147 = tpu.memref_slice %arg6[%mul3A_134, %dma_start3A_146] : memref<10000x128xf32, #tpu.memory_space<vmem_shared>> -> memref<80x128xf32, #tpu.memory_space<vmem_shared>>
        tpu.enqueue_dma source(%dma_start3A_147 : memref<80x128xf32, #tpu.memory_space<vmem_shared>>) target(%dma_start3A_145 : memref<80x128xf32, #tpu.memory_space<vmem>>) target_semaphore(%run_scoped3A : memref<!tpu.dma_semaphore, #tpu.memory_space<semaphore_mem>>)
        %dma_wait3A = arith.constant 0 : i32
        %dma_wait3A_148 = arith.constant 0 : i32
        %dma_wait3A_149 = tpu.memref_slice %arg9[%dma_wait3A, %dma_wait3A_148] : memref<80x128xf32, #tpu.memory_space<vmem>> -> memref<80x128xf32, #tpu.memory_space<vmem>>
        %dma_wait3A_150 = arith.constant 0 : i32
        %dma_wait3A_151 = tpu.memref_slice %arg6[%mul3A_134, %dma_wait3A_150] : memref<10000x128xf32, #tpu.memory_space<vmem_shared>> -> memref<80x128xf32, #tpu.memory_space<vmem_shared>>
        %dma_wait3A_152 = arith.constant 0 : i32
        %dma_wait3A_153 = arith.constant 0 : i32
        %dma_wait3A_154 = tpu.memref_slice %arg9[%dma_wait3A_152, %dma_wait3A_153] : memref<80x128xf32, #tpu.memory_space<vmem>> -> memref<80x128xf32, #tpu.memory_space<vmem>>
        %dma_wait3A_155 = arith.constant 0 : i32
        %dma_wait3A_156 = tpu.memref_slice %arg6[%mul3A_134, %dma_wait3A_155] : memref<10000x128xf32, #tpu.memory_space<vmem_shared>> -> memref<80x128xf32, #tpu.memory_space<vmem_shared>>
        tpu.wait_dma2 semaphore(%run_scoped3A : memref<!tpu.dma_semaphore, #tpu.memory_space<semaphore_mem>>) src(%dma_wait3A_156 : memref<80x128xf32, #tpu.memory_space<vmem_shared>>) dst(%dma_wait3A_154 : memref<80x128xf32, #tpu.memory_space<vmem>>)
        tpu.yield
      }) : () -> ()
      %mul3A_135 = arith.constant 10000 : i32
      %mul3A_136 = arith.muli %arg0, %mul3A_135 : i32
      %add3A_137 = arith.addi %mul3A_136, %mul3A_134 : i32
      "tpu.region"() ({
        %run_scoped3A = tpu.sem_alloc : memref<!tpu.dma_semaphore, #tpu.memory_space<semaphore_mem>>
        %dma_start3A_138 = arith.constant 0 : i32
        %dma_start3A_139 = arith.constant 0 : i32
        %dma_start3A_140 = tpu.memref_slice %arg9[%dma_start3A_138, %dma_start3A_139] : memref<80x128xf32, #tpu.memory_space<vmem>> -> memref<80x128xf32, #tpu.memory_space<vmem>>
        %dma_start3A_141 = arith.constant 0 : i32
        %dma_start3A_142 = tpu.memref_slice %arg5[%add3A_137, %dma_start3A_141] : memref<20000x128xf32, #tpu.memory_space<hbm>> -> memref<80x128xf32, #tpu.memory_space<hbm>>
        %dma_start3A_143 = arith.constant 0 : i32
        %dma_start3A_144 = tpu.memref_slice %arg5[%add3A_137, %dma_start3A_143] : memref<20000x128xf32, #tpu.memory_space<hbm>> -> memref<80x128xf32, #tpu.memory_space<hbm>>
        %dma_start3A_145 = arith.constant 0 : i32
        %dma_start3A_146 = arith.constant 0 : i32
        %dma_start3A_147 = tpu.memref_slice %arg9[%dma_start3A_145, %dma_start3A_146] : memref<80x128xf32, #tpu.memory_space<vmem>> -> memref<80x128xf32, #tpu.memory_space<vmem>>
        tpu.enqueue_dma source(%dma_start3A_147 : memref<80x128xf32, #tpu.memory_space<vmem>>) target(%dma_start3A_144 : memref<80x128xf32, #tpu.memory_space<hbm>>) target_semaphore(%run_scoped3A : memref<!tpu.dma_semaphore, #tpu.memory_space<semaphore_mem>>)
        %dma_wait3A = arith.constant 0 : i32
        %dma_wait3A_148 = arith.constant 0 : i32
        %dma_wait3A_149 = tpu.memref_slice %arg9[%dma_wait3A, %dma_wait3A_148] : memref<80x128xf32, #tpu.memory_space<vmem>> -> memref<80x128xf32, #tpu.memory_space<vmem>>
        %dma_wait3A_150 = arith.constant 0 : i32
        %dma_wait3A_151 = tpu.memref_slice %arg5[%add3A_137, %dma_wait3A_150] : memref<20000x128xf32, #tpu.memory_space<hbm>> -> memref<80x128xf32, #tpu.memory_space<hbm>>
        %dma_wait3A_152 = arith.constant 0 : i32
        %dma_wait3A_153 = tpu.memref_slice %arg5[%add3A_137, %dma_wait3A_152] : memref<20000x128xf32, #tpu.memory_space<hbm>> -> memref<80x128xf32, #tpu.memory_space<hbm>>
        %dma_wait3A_154 = arith.constant 0 : i32
        %dma_wait3A_155 = arith.constant 0 : i32
        %dma_wait3A_156 = tpu.memref_slice %arg9[%dma_wait3A_154, %dma_wait3A_155] : memref<80x128xf32, #tpu.memory_space<vmem>> -> memref<80x128xf32, #tpu.memory_space<vmem>>
        tpu.wait_dma2 semaphore(%run_scoped3A : memref<!tpu.dma_semaphore, #tpu.memory_space<semaphore_mem>>) src(%dma_wait3A_156 : memref<80x128xf32, #tpu.memory_space<vmem>>) dst(%dma_wait3A_153 : memref<80x128xf32, #tpu.memory_space<hbm>>)
        tpu.yield
      }) : () -> ()
    } else {
    }
    %add3A_98 = arith.constant 48 : i32
    %add3A_99 = arith.addi %add3A_98, %arg1 : i32
    %lt3A_100 = arith.constant 125 : i32
    %lt3A_101 = arith.cmpi slt, %add3A_99, %lt3A_100 : i32
    %convert_element_type3A_102 = arith.extui %lt3A_101 : i1 to i32
    %cond3A_103 = arith.constant 0 : i32
    %cond3A_104 = arith.cmpi ne, %convert_element_type3A_102, %cond3A_103 : i32
    scf.if %cond3A_104 {
      %mul3A_133 = arith.constant 80 : i32
      %mul3A_134 = arith.muli %add3A_99, %mul3A_133 : i32
      "tpu.region"() ({
        %run_scoped3A = tpu.sem_alloc : memref<!tpu.dma_semaphore, #tpu.memory_space<semaphore_mem>>
        %dma_start3A_138 = arith.constant 0 : i32
        %dma_start3A_139 = arith.constant 0 : i32
        %dma_start3A_140 = tpu.memref_slice %arg9[%dma_start3A_138, %dma_start3A_139] : memref<80x128xf32, #tpu.memory_space<vmem>> -> memref<80x128xf32, #tpu.memory_space<vmem>>
        %dma_start3A_141 = arith.constant 0 : i32
        %dma_start3A_142 = tpu.memref_slice %arg6[%mul3A_134, %dma_start3A_141] : memref<10000x128xf32, #tpu.memory_space<vmem_shared>> -> memref<80x128xf32, #tpu.memory_space<vmem_shared>>
        %dma_start3A_143 = arith.constant 0 : i32
        %dma_start3A_144 = arith.constant 0 : i32
        %dma_start3A_145 = tpu.memref_slice %arg9[%dma_start3A_143, %dma_start3A_144] : memref<80x128xf32, #tpu.memory_space<vmem>> -> memref<80x128xf32, #tpu.memory_space<vmem>>
        %dma_start3A_146 = arith.constant 0 : i32
        %dma_start3A_147 = tpu.memref_slice %arg6[%mul3A_134, %dma_start3A_146] : memref<10000x128xf32, #tpu.memory_space<vmem_shared>> -> memref<80x128xf32, #tpu.memory_space<vmem_shared>>
        tpu.enqueue_dma source(%dma_start3A_147 : memref<80x128xf32, #tpu.memory_space<vmem_shared>>) target(%dma_start3A_145 : memref<80x128xf32, #tpu.memory_space<vmem>>) target_semaphore(%run_scoped3A : memref<!tpu.dma_semaphore, #tpu.memory_space<semaphore_mem>>)
        %dma_wait3A = arith.constant 0 : i32
        %dma_wait3A_148 = arith.constant 0 : i32
        %dma_wait3A_149 = tpu.memref_slice %arg9[%dma_wait3A, %dma_wait3A_148] : memref<80x128xf32, #tpu.memory_space<vmem>> -> memref<80x128xf32, #tpu.memory_space<vmem>>
        %dma_wait3A_150 = arith.constant 0 : i32
        %dma_wait3A_151 = tpu.memref_slice %arg6[%mul3A_134, %dma_wait3A_150] : memref<10000x128xf32, #tpu.memory_space<vmem_shared>> -> memref<80x128xf32, #tpu.memory_space<vmem_shared>>
        %dma_wait3A_152 = arith.constant 0 : i32
        %dma_wait3A_153 = arith.constant 0 : i32
        %dma_wait3A_154 = tpu.memref_slice %arg9[%dma_wait3A_152, %dma_wait3A_153] : memref<80x128xf32, #tpu.memory_space<vmem>> -> memref<80x128xf32, #tpu.memory_space<vmem>>
        %dma_wait3A_155 = arith.constant 0 : i32
        %dma_wait3A_156 = tpu.memref_slice %arg6[%mul3A_134, %dma_wait3A_155] : memref<10000x128xf32, #tpu.memory_space<vmem_shared>> -> memref<80x128xf32, #tpu.memory_space<vmem_shared>>
        tpu.wait_dma2 semaphore(%run_scoped3A : memref<!tpu.dma_semaphore, #tpu.memory_space<semaphore_mem>>) src(%dma_wait3A_156 : memref<80x128xf32, #tpu.memory_space<vmem_shared>>) dst(%dma_wait3A_154 : memref<80x128xf32, #tpu.memory_space<vmem>>)
        tpu.yield
      }) : () -> ()
      %mul3A_135 = arith.constant 10000 : i32
      %mul3A_136 = arith.muli %arg0, %mul3A_135 : i32
      %add3A_137 = arith.addi %mul3A_136, %mul3A_134 : i32
      "tpu.region"() ({
        %run_scoped3A = tpu.sem_alloc : memref<!tpu.dma_semaphore, #tpu.memory_space<semaphore_mem>>
        %dma_start3A_138 = arith.constant 0 : i32
        %dma_start3A_139 = arith.constant 0 : i32
        %dma_start3A_140 = tpu.memref_slice %arg9[%dma_start3A_138, %dma_start3A_139] : memref<80x128xf32, #tpu.memory_space<vmem>> -> memref<80x128xf32, #tpu.memory_space<vmem>>
        %dma_start3A_141 = arith.constant 0 : i32
        %dma_start3A_142 = tpu.memref_slice %arg5[%add3A_137, %dma_start3A_141] : memref<20000x128xf32, #tpu.memory_space<hbm>> -> memref<80x128xf32, #tpu.memory_space<hbm>>
        %dma_start3A_143 = arith.constant 0 : i32
        %dma_start3A_144 = tpu.memref_slice %arg5[%add3A_137, %dma_start3A_143] : memref<20000x128xf32, #tpu.memory_space<hbm>> -> memref<80x128xf32, #tpu.memory_space<hbm>>
        %dma_start3A_145 = arith.constant 0 : i32
        %dma_start3A_146 = arith.constant 0 : i32
        %dma_start3A_147 = tpu.memref_slice %arg9[%dma_start3A_145, %dma_start3A_146] : memref<80x128xf32, #tpu.memory_space<vmem>> -> memref<80x128xf32, #tpu.memory_space<vmem>>
        tpu.enqueue_dma source(%dma_start3A_147 : memref<80x128xf32, #tpu.memory_space<vmem>>) target(%dma_start3A_144 : memref<80x128xf32, #tpu.memory_space<hbm>>) target_semaphore(%run_scoped3A : memref<!tpu.dma_semaphore, #tpu.memory_space<semaphore_mem>>)
        %dma_wait3A = arith.constant 0 : i32
        %dma_wait3A_148 = arith.constant 0 : i32
        %dma_wait3A_149 = tpu.memref_slice %arg9[%dma_wait3A, %dma_wait3A_148] : memref<80x128xf32, #tpu.memory_space<vmem>> -> memref<80x128xf32, #tpu.memory_space<vmem>>
        %dma_wait3A_150 = arith.constant 0 : i32
        %dma_wait3A_151 = tpu.memref_slice %arg5[%add3A_137, %dma_wait3A_150] : memref<20000x128xf32, #tpu.memory_space<hbm>> -> memref<80x128xf32, #tpu.memory_space<hbm>>
        %dma_wait3A_152 = arith.constant 0 : i32
        %dma_wait3A_153 = tpu.memref_slice %arg5[%add3A_137, %dma_wait3A_152] : memref<20000x128xf32, #tpu.memory_space<hbm>> -> memref<80x128xf32, #tpu.memory_space<hbm>>
        %dma_wait3A_154 = arith.constant 0 : i32
        %dma_wait3A_155 = arith.constant 0 : i32
        %dma_wait3A_156 = tpu.memref_slice %arg9[%dma_wait3A_154, %dma_wait3A_155] : memref<80x128xf32, #tpu.memory_space<vmem>> -> memref<80x128xf32, #tpu.memory_space<vmem>>
        tpu.wait_dma2 semaphore(%run_scoped3A : memref<!tpu.dma_semaphore, #tpu.memory_space<semaphore_mem>>) src(%dma_wait3A_156 : memref<80x128xf32, #tpu.memory_space<vmem>>) dst(%dma_wait3A_153 : memref<80x128xf32, #tpu.memory_space<hbm>>)
        tpu.yield
      }) : () -> ()
    } else {
    }
    %add3A_105 = arith.constant 64 : i32
    %add3A_106 = arith.addi %add3A_105, %arg1 : i32
    %lt3A_107 = arith.constant 125 : i32
    %lt3A_108 = arith.cmpi slt, %add3A_106, %lt3A_107 : i32
    %convert_element_type3A_109 = arith.extui %lt3A_108 : i1 to i32
    %cond3A_110 = arith.constant 0 : i32
    %cond3A_111 = arith.cmpi ne, %convert_element_type3A_109, %cond3A_110 : i32
    scf.if %cond3A_111 {
      %mul3A_133 = arith.constant 80 : i32
      %mul3A_134 = arith.muli %add3A_106, %mul3A_133 : i32
      "tpu.region"() ({
        %run_scoped3A = tpu.sem_alloc : memref<!tpu.dma_semaphore, #tpu.memory_space<semaphore_mem>>
        %dma_start3A_138 = arith.constant 0 : i32
        %dma_start3A_139 = arith.constant 0 : i32
        %dma_start3A_140 = tpu.memref_slice %arg9[%dma_start3A_138, %dma_start3A_139] : memref<80x128xf32, #tpu.memory_space<vmem>> -> memref<80x128xf32, #tpu.memory_space<vmem>>
        %dma_start3A_141 = arith.constant 0 : i32
        %dma_start3A_142 = tpu.memref_slice %arg6[%mul3A_134, %dma_start3A_141] : memref<10000x128xf32, #tpu.memory_space<vmem_shared>> -> memref<80x128xf32, #tpu.memory_space<vmem_shared>>
        %dma_start3A_143 = arith.constant 0 : i32
        %dma_start3A_144 = arith.constant 0 : i32
        %dma_start3A_145 = tpu.memref_slice %arg9[%dma_start3A_143, %dma_start3A_144] : memref<80x128xf32, #tpu.memory_space<vmem>> -> memref<80x128xf32, #tpu.memory_space<vmem>>
        %dma_start3A_146 = arith.constant 0 : i32
        %dma_start3A_147 = tpu.memref_slice %arg6[%mul3A_134, %dma_start3A_146] : memref<10000x128xf32, #tpu.memory_space<vmem_shared>> -> memref<80x128xf32, #tpu.memory_space<vmem_shared>>
        tpu.enqueue_dma source(%dma_start3A_147 : memref<80x128xf32, #tpu.memory_space<vmem_shared>>) target(%dma_start3A_145 : memref<80x128xf32, #tpu.memory_space<vmem>>) target_semaphore(%run_scoped3A : memref<!tpu.dma_semaphore, #tpu.memory_space<semaphore_mem>>)
        %dma_wait3A = arith.constant 0 : i32
        %dma_wait3A_148 = arith.constant 0 : i32
        %dma_wait3A_149 = tpu.memref_slice %arg9[%dma_wait3A, %dma_wait3A_148] : memref<80x128xf32, #tpu.memory_space<vmem>> -> memref<80x128xf32, #tpu.memory_space<vmem>>
        %dma_wait3A_150 = arith.constant 0 : i32
        %dma_wait3A_151 = tpu.memref_slice %arg6[%mul3A_134, %dma_wait3A_150] : memref<10000x128xf32, #tpu.memory_space<vmem_shared>> -> memref<80x128xf32, #tpu.memory_space<vmem_shared>>
        %dma_wait3A_152 = arith.constant 0 : i32
        %dma_wait3A_153 = arith.constant 0 : i32
        %dma_wait3A_154 = tpu.memref_slice %arg9[%dma_wait3A_152, %dma_wait3A_153] : memref<80x128xf32, #tpu.memory_space<vmem>> -> memref<80x128xf32, #tpu.memory_space<vmem>>
        %dma_wait3A_155 = arith.constant 0 : i32
        %dma_wait3A_156 = tpu.memref_slice %arg6[%mul3A_134, %dma_wait3A_155] : memref<10000x128xf32, #tpu.memory_space<vmem_shared>> -> memref<80x128xf32, #tpu.memory_space<vmem_shared>>
        tpu.wait_dma2 semaphore(%run_scoped3A : memref<!tpu.dma_semaphore, #tpu.memory_space<semaphore_mem>>) src(%dma_wait3A_156 : memref<80x128xf32, #tpu.memory_space<vmem_shared>>) dst(%dma_wait3A_154 : memref<80x128xf32, #tpu.memory_space<vmem>>)
        tpu.yield
      }) : () -> ()
      %mul3A_135 = arith.constant 10000 : i32
      %mul3A_136 = arith.muli %arg0, %mul3A_135 : i32
      %add3A_137 = arith.addi %mul3A_136, %mul3A_134 : i32
      "tpu.region"() ({
        %run_scoped3A = tpu.sem_alloc : memref<!tpu.dma_semaphore, #tpu.memory_space<semaphore_mem>>
        %dma_start3A_138 = arith.constant 0 : i32
        %dma_start3A_139 = arith.constant 0 : i32
        %dma_start3A_140 = tpu.memref_slice %arg9[%dma_start3A_138, %dma_start3A_139] : memref<80x128xf32, #tpu.memory_space<vmem>> -> memref<80x128xf32, #tpu.memory_space<vmem>>
        %dma_start3A_141 = arith.constant 0 : i32
        %dma_start3A_142 = tpu.memref_slice %arg5[%add3A_137, %dma_start3A_141] : memref<20000x128xf32, #tpu.memory_space<hbm>> -> memref<80x128xf32, #tpu.memory_space<hbm>>
        %dma_start3A_143 = arith.constant 0 : i32
        %dma_start3A_144 = tpu.memref_slice %arg5[%add3A_137, %dma_start3A_143] : memref<20000x128xf32, #tpu.memory_space<hbm>> -> memref<80x128xf32, #tpu.memory_space<hbm>>
        %dma_start3A_145 = arith.constant 0 : i32
        %dma_start3A_146 = arith.constant 0 : i32
        %dma_start3A_147 = tpu.memref_slice %arg9[%dma_start3A_145, %dma_start3A_146] : memref<80x128xf32, #tpu.memory_space<vmem>> -> memref<80x128xf32, #tpu.memory_space<vmem>>
        tpu.enqueue_dma source(%dma_start3A_147 : memref<80x128xf32, #tpu.memory_space<vmem>>) target(%dma_start3A_144 : memref<80x128xf32, #tpu.memory_space<hbm>>) target_semaphore(%run_scoped3A : memref<!tpu.dma_semaphore, #tpu.memory_space<semaphore_mem>>)
        %dma_wait3A = arith.constant 0 : i32
        %dma_wait3A_148 = arith.constant 0 : i32
        %dma_wait3A_149 = tpu.memref_slice %arg9[%dma_wait3A, %dma_wait3A_148] : memref<80x128xf32, #tpu.memory_space<vmem>> -> memref<80x128xf32, #tpu.memory_space<vmem>>
        %dma_wait3A_150 = arith.constant 0 : i32
        %dma_wait3A_151 = tpu.memref_slice %arg5[%add3A_137, %dma_wait3A_150] : memref<20000x128xf32, #tpu.memory_space<hbm>> -> memref<80x128xf32, #tpu.memory_space<hbm>>
        %dma_wait3A_152 = arith.constant 0 : i32
        %dma_wait3A_153 = tpu.memref_slice %arg5[%add3A_137, %dma_wait3A_152] : memref<20000x128xf32, #tpu.memory_space<hbm>> -> memref<80x128xf32, #tpu.memory_space<hbm>>
        %dma_wait3A_154 = arith.constant 0 : i32
        %dma_wait3A_155 = arith.constant 0 : i32
        %dma_wait3A_156 = tpu.memref_slice %arg9[%dma_wait3A_154, %dma_wait3A_155] : memref<80x128xf32, #tpu.memory_space<vmem>> -> memref<80x128xf32, #tpu.memory_space<vmem>>
        tpu.wait_dma2 semaphore(%run_scoped3A : memref<!tpu.dma_semaphore, #tpu.memory_space<semaphore_mem>>) src(%dma_wait3A_156 : memref<80x128xf32, #tpu.memory_space<vmem>>) dst(%dma_wait3A_153 : memref<80x128xf32, #tpu.memory_space<hbm>>)
        tpu.yield
      }) : () -> ()
    } else {
    }
    %add3A_112 = arith.constant 80 : i32
    %add3A_113 = arith.addi %add3A_112, %arg1 : i32
    %lt3A_114 = arith.constant 125 : i32
    %lt3A_115 = arith.cmpi slt, %add3A_113, %lt3A_114 : i32
    %convert_element_type3A_116 = arith.extui %lt3A_115 : i1 to i32
    %cond3A_117 = arith.constant 0 : i32
    %cond3A_118 = arith.cmpi ne, %convert_element_type3A_116, %cond3A_117 : i32
    scf.if %cond3A_118 {
      %mul3A_133 = arith.constant 80 : i32
      %mul3A_134 = arith.muli %add3A_113, %mul3A_133 : i32
      "tpu.region"() ({
        %run_scoped3A = tpu.sem_alloc : memref<!tpu.dma_semaphore, #tpu.memory_space<semaphore_mem>>
        %dma_start3A_138 = arith.constant 0 : i32
        %dma_start3A_139 = arith.constant 0 : i32
        %dma_start3A_140 = tpu.memref_slice %arg9[%dma_start3A_138, %dma_start3A_139] : memref<80x128xf32, #tpu.memory_space<vmem>> -> memref<80x128xf32, #tpu.memory_space<vmem>>
        %dma_start3A_141 = arith.constant 0 : i32
        %dma_start3A_142 = tpu.memref_slice %arg6[%mul3A_134, %dma_start3A_141] : memref<10000x128xf32, #tpu.memory_space<vmem_shared>> -> memref<80x128xf32, #tpu.memory_space<vmem_shared>>
        %dma_start3A_143 = arith.constant 0 : i32
        %dma_start3A_144 = arith.constant 0 : i32
        %dma_start3A_145 = tpu.memref_slice %arg9[%dma_start3A_143, %dma_start3A_144] : memref<80x128xf32, #tpu.memory_space<vmem>> -> memref<80x128xf32, #tpu.memory_space<vmem>>
        %dma_start3A_146 = arith.constant 0 : i32
        %dma_start3A_147 = tpu.memref_slice %arg6[%mul3A_134, %dma_start3A_146] : memref<10000x128xf32, #tpu.memory_space<vmem_shared>> -> memref<80x128xf32, #tpu.memory_space<vmem_shared>>
        tpu.enqueue_dma source(%dma_start3A_147 : memref<80x128xf32, #tpu.memory_space<vmem_shared>>) target(%dma_start3A_145 : memref<80x128xf32, #tpu.memory_space<vmem>>) target_semaphore(%run_scoped3A : memref<!tpu.dma_semaphore, #tpu.memory_space<semaphore_mem>>)
        %dma_wait3A = arith.constant 0 : i32
        %dma_wait3A_148 = arith.constant 0 : i32
        %dma_wait3A_149 = tpu.memref_slice %arg9[%dma_wait3A, %dma_wait3A_148] : memref<80x128xf32, #tpu.memory_space<vmem>> -> memref<80x128xf32, #tpu.memory_space<vmem>>
        %dma_wait3A_150 = arith.constant 0 : i32
        %dma_wait3A_151 = tpu.memref_slice %arg6[%mul3A_134, %dma_wait3A_150] : memref<10000x128xf32, #tpu.memory_space<vmem_shared>> -> memref<80x128xf32, #tpu.memory_space<vmem_shared>>
        %dma_wait3A_152 = arith.constant 0 : i32
        %dma_wait3A_153 = arith.constant 0 : i32
        %dma_wait3A_154 = tpu.memref_slice %arg9[%dma_wait3A_152, %dma_wait3A_153] : memref<80x128xf32, #tpu.memory_space<vmem>> -> memref<80x128xf32, #tpu.memory_space<vmem>>
        %dma_wait3A_155 = arith.constant 0 : i32
        %dma_wait3A_156 = tpu.memref_slice %arg6[%mul3A_134, %dma_wait3A_155] : memref<10000x128xf32, #tpu.memory_space<vmem_shared>> -> memref<80x128xf32, #tpu.memory_space<vmem_shared>>
        tpu.wait_dma2 semaphore(%run_scoped3A : memref<!tpu.dma_semaphore, #tpu.memory_space<semaphore_mem>>) src(%dma_wait3A_156 : memref<80x128xf32, #tpu.memory_space<vmem_shared>>) dst(%dma_wait3A_154 : memref<80x128xf32, #tpu.memory_space<vmem>>)
        tpu.yield
      }) : () -> ()
      %mul3A_135 = arith.constant 10000 : i32
      %mul3A_136 = arith.muli %arg0, %mul3A_135 : i32
      %add3A_137 = arith.addi %mul3A_136, %mul3A_134 : i32
      "tpu.region"() ({
        %run_scoped3A = tpu.sem_alloc : memref<!tpu.dma_semaphore, #tpu.memory_space<semaphore_mem>>
        %dma_start3A_138 = arith.constant 0 : i32
        %dma_start3A_139 = arith.constant 0 : i32
        %dma_start3A_140 = tpu.memref_slice %arg9[%dma_start3A_138, %dma_start3A_139] : memref<80x128xf32, #tpu.memory_space<vmem>> -> memref<80x128xf32, #tpu.memory_space<vmem>>
        %dma_start3A_141 = arith.constant 0 : i32
        %dma_start3A_142 = tpu.memref_slice %arg5[%add3A_137, %dma_start3A_141] : memref<20000x128xf32, #tpu.memory_space<hbm>> -> memref<80x128xf32, #tpu.memory_space<hbm>>
        %dma_start3A_143 = arith.constant 0 : i32
        %dma_start3A_144 = tpu.memref_slice %arg5[%add3A_137, %dma_start3A_143] : memref<20000x128xf32, #tpu.memory_space<hbm>> -> memref<80x128xf32, #tpu.memory_space<hbm>>
        %dma_start3A_145 = arith.constant 0 : i32
        %dma_start3A_146 = arith.constant 0 : i32
        %dma_start3A_147 = tpu.memref_slice %arg9[%dma_start3A_145, %dma_start3A_146] : memref<80x128xf32, #tpu.memory_space<vmem>> -> memref<80x128xf32, #tpu.memory_space<vmem>>
        tpu.enqueue_dma source(%dma_start3A_147 : memref<80x128xf32, #tpu.memory_space<vmem>>) target(%dma_start3A_144 : memref<80x128xf32, #tpu.memory_space<hbm>>) target_semaphore(%run_scoped3A : memref<!tpu.dma_semaphore, #tpu.memory_space<semaphore_mem>>)
        %dma_wait3A = arith.constant 0 : i32
        %dma_wait3A_148 = arith.constant 0 : i32
        %dma_wait3A_149 = tpu.memref_slice %arg9[%dma_wait3A, %dma_wait3A_148] : memref<80x128xf32, #tpu.memory_space<vmem>> -> memref<80x128xf32, #tpu.memory_space<vmem>>
        %dma_wait3A_150 = arith.constant 0 : i32
        %dma_wait3A_151 = tpu.memref_slice %arg5[%add3A_137, %dma_wait3A_150] : memref<20000x128xf32, #tpu.memory_space<hbm>> -> memref<80x128xf32, #tpu.memory_space<hbm>>
        %dma_wait3A_152 = arith.constant 0 : i32
        %dma_wait3A_153 = tpu.memref_slice %arg5[%add3A_137, %dma_wait3A_152] : memref<20000x128xf32, #tpu.memory_space<hbm>> -> memref<80x128xf32, #tpu.memory_space<hbm>>
        %dma_wait3A_154 = arith.constant 0 : i32
        %dma_wait3A_155 = arith.constant 0 : i32
        %dma_wait3A_156 = tpu.memref_slice %arg9[%dma_wait3A_154, %dma_wait3A_155] : memref<80x128xf32, #tpu.memory_space<vmem>> -> memref<80x128xf32, #tpu.memory_space<vmem>>
        tpu.wait_dma2 semaphore(%run_scoped3A : memref<!tpu.dma_semaphore, #tpu.memory_space<semaphore_mem>>) src(%dma_wait3A_156 : memref<80x128xf32, #tpu.memory_space<vmem>>) dst(%dma_wait3A_153 : memref<80x128xf32, #tpu.memory_space<hbm>>)
        tpu.yield
      }) : () -> ()
    } else {
    }
    %add3A_119 = arith.constant 96 : i32
    %add3A_120 = arith.addi %add3A_119, %arg1 : i32
    %lt3A_121 = arith.constant 125 : i32
    %lt3A_122 = arith.cmpi slt, %add3A_120, %lt3A_121 : i32
    %convert_element_type3A_123 = arith.extui %lt3A_122 : i1 to i32
    %cond3A_124 = arith.constant 0 : i32
    %cond3A_125 = arith.cmpi ne, %convert_element_type3A_123, %cond3A_124 : i32
    scf.if %cond3A_125 {
      %mul3A_133 = arith.constant 80 : i32
      %mul3A_134 = arith.muli %add3A_120, %mul3A_133 : i32
      "tpu.region"() ({
        %run_scoped3A = tpu.sem_alloc : memref<!tpu.dma_semaphore, #tpu.memory_space<semaphore_mem>>
        %dma_start3A_138 = arith.constant 0 : i32
        %dma_start3A_139 = arith.constant 0 : i32
        %dma_start3A_140 = tpu.memref_slice %arg9[%dma_start3A_138, %dma_start3A_139] : memref<80x128xf32, #tpu.memory_space<vmem>> -> memref<80x128xf32, #tpu.memory_space<vmem>>
        %dma_start3A_141 = arith.constant 0 : i32
        %dma_start3A_142 = tpu.memref_slice %arg6[%mul3A_134, %dma_start3A_141] : memref<10000x128xf32, #tpu.memory_space<vmem_shared>> -> memref<80x128xf32, #tpu.memory_space<vmem_shared>>
        %dma_start3A_143 = arith.constant 0 : i32
        %dma_start3A_144 = arith.constant 0 : i32
        %dma_start3A_145 = tpu.memref_slice %arg9[%dma_start3A_143, %dma_start3A_144] : memref<80x128xf32, #tpu.memory_space<vmem>> -> memref<80x128xf32, #tpu.memory_space<vmem>>
        %dma_start3A_146 = arith.constant 0 : i32
        %dma_start3A_147 = tpu.memref_slice %arg6[%mul3A_134, %dma_start3A_146] : memref<10000x128xf32, #tpu.memory_space<vmem_shared>> -> memref<80x128xf32, #tpu.memory_space<vmem_shared>>
        tpu.enqueue_dma source(%dma_start3A_147 : memref<80x128xf32, #tpu.memory_space<vmem_shared>>) target(%dma_start3A_145 : memref<80x128xf32, #tpu.memory_space<vmem>>) target_semaphore(%run_scoped3A : memref<!tpu.dma_semaphore, #tpu.memory_space<semaphore_mem>>)
        %dma_wait3A = arith.constant 0 : i32
        %dma_wait3A_148 = arith.constant 0 : i32
        %dma_wait3A_149 = tpu.memref_slice %arg9[%dma_wait3A, %dma_wait3A_148] : memref<80x128xf32, #tpu.memory_space<vmem>> -> memref<80x128xf32, #tpu.memory_space<vmem>>
        %dma_wait3A_150 = arith.constant 0 : i32
        %dma_wait3A_151 = tpu.memref_slice %arg6[%mul3A_134, %dma_wait3A_150] : memref<10000x128xf32, #tpu.memory_space<vmem_shared>> -> memref<80x128xf32, #tpu.memory_space<vmem_shared>>
        %dma_wait3A_152 = arith.constant 0 : i32
        %dma_wait3A_153 = arith.constant 0 : i32
        %dma_wait3A_154 = tpu.memref_slice %arg9[%dma_wait3A_152, %dma_wait3A_153] : memref<80x128xf32, #tpu.memory_space<vmem>> -> memref<80x128xf32, #tpu.memory_space<vmem>>
        %dma_wait3A_155 = arith.constant 0 : i32
        %dma_wait3A_156 = tpu.memref_slice %arg6[%mul3A_134, %dma_wait3A_155] : memref<10000x128xf32, #tpu.memory_space<vmem_shared>> -> memref<80x128xf32, #tpu.memory_space<vmem_shared>>
        tpu.wait_dma2 semaphore(%run_scoped3A : memref<!tpu.dma_semaphore, #tpu.memory_space<semaphore_mem>>) src(%dma_wait3A_156 : memref<80x128xf32, #tpu.memory_space<vmem_shared>>) dst(%dma_wait3A_154 : memref<80x128xf32, #tpu.memory_space<vmem>>)
        tpu.yield
      }) : () -> ()
      %mul3A_135 = arith.constant 10000 : i32
      %mul3A_136 = arith.muli %arg0, %mul3A_135 : i32
      %add3A_137 = arith.addi %mul3A_136, %mul3A_134 : i32
      "tpu.region"() ({
        %run_scoped3A = tpu.sem_alloc : memref<!tpu.dma_semaphore, #tpu.memory_space<semaphore_mem>>
        %dma_start3A_138 = arith.constant 0 : i32
        %dma_start3A_139 = arith.constant 0 : i32
        %dma_start3A_140 = tpu.memref_slice %arg9[%dma_start3A_138, %dma_start3A_139] : memref<80x128xf32, #tpu.memory_space<vmem>> -> memref<80x128xf32, #tpu.memory_space<vmem>>
        %dma_start3A_141 = arith.constant 0 : i32
        %dma_start3A_142 = tpu.memref_slice %arg5[%add3A_137, %dma_start3A_141] : memref<20000x128xf32, #tpu.memory_space<hbm>> -> memref<80x128xf32, #tpu.memory_space<hbm>>
        %dma_start3A_143 = arith.constant 0 : i32
        %dma_start3A_144 = tpu.memref_slice %arg5[%add3A_137, %dma_start3A_143] : memref<20000x128xf32, #tpu.memory_space<hbm>> -> memref<80x128xf32, #tpu.memory_space<hbm>>
        %dma_start3A_145 = arith.constant 0 : i32
        %dma_start3A_146 = arith.constant 0 : i32
        %dma_start3A_147 = tpu.memref_slice %arg9[%dma_start3A_145, %dma_start3A_146] : memref<80x128xf32, #tpu.memory_space<vmem>> -> memref<80x128xf32, #tpu.memory_space<vmem>>
        tpu.enqueue_dma source(%dma_start3A_147 : memref<80x128xf32, #tpu.memory_space<vmem>>) target(%dma_start3A_144 : memref<80x128xf32, #tpu.memory_space<hbm>>) target_semaphore(%run_scoped3A : memref<!tpu.dma_semaphore, #tpu.memory_space<semaphore_mem>>)
        %dma_wait3A = arith.constant 0 : i32
        %dma_wait3A_148 = arith.constant 0 : i32
        %dma_wait3A_149 = tpu.memref_slice %arg9[%dma_wait3A, %dma_wait3A_148] : memref<80x128xf32, #tpu.memory_space<vmem>> -> memref<80x128xf32, #tpu.memory_space<vmem>>
        %dma_wait3A_150 = arith.constant 0 : i32
        %dma_wait3A_151 = tpu.memref_slice %arg5[%add3A_137, %dma_wait3A_150] : memref<20000x128xf32, #tpu.memory_space<hbm>> -> memref<80x128xf32, #tpu.memory_space<hbm>>
        %dma_wait3A_152 = arith.constant 0 : i32
        %dma_wait3A_153 = tpu.memref_slice %arg5[%add3A_137, %dma_wait3A_152] : memref<20000x128xf32, #tpu.memory_space<hbm>> -> memref<80x128xf32, #tpu.memory_space<hbm>>
        %dma_wait3A_154 = arith.constant 0 : i32
        %dma_wait3A_155 = arith.constant 0 : i32
        %dma_wait3A_156 = tpu.memref_slice %arg9[%dma_wait3A_154, %dma_wait3A_155] : memref<80x128xf32, #tpu.memory_space<vmem>> -> memref<80x128xf32, #tpu.memory_space<vmem>>
        tpu.wait_dma2 semaphore(%run_scoped3A : memref<!tpu.dma_semaphore, #tpu.memory_space<semaphore_mem>>) src(%dma_wait3A_156 : memref<80x128xf32, #tpu.memory_space<vmem>>) dst(%dma_wait3A_153 : memref<80x128xf32, #tpu.memory_space<hbm>>)
        tpu.yield
      }) : () -> ()
    } else {
    }
    %add3A_126 = arith.constant 112 : i32
    %add3A_127 = arith.addi %add3A_126, %arg1 : i32
    %lt3A_128 = arith.constant 125 : i32
    %lt3A_129 = arith.cmpi slt, %add3A_127, %lt3A_128 : i32
    %convert_element_type3A_130 = arith.extui %lt3A_129 : i1 to i32
    %cond3A_131 = arith.constant 0 : i32
    %cond3A_132 = arith.cmpi ne, %convert_element_type3A_130, %cond3A_131 : i32
    scf.if %cond3A_132 {
      %mul3A_133 = arith.constant 80 : i32
      %mul3A_134 = arith.muli %add3A_127, %mul3A_133 : i32
      "tpu.region"() ({
        %run_scoped3A = tpu.sem_alloc : memref<!tpu.dma_semaphore, #tpu.memory_space<semaphore_mem>>
        %dma_start3A_138 = arith.constant 0 : i32
        %dma_start3A_139 = arith.constant 0 : i32
        %dma_start3A_140 = tpu.memref_slice %arg9[%dma_start3A_138, %dma_start3A_139] : memref<80x128xf32, #tpu.memory_space<vmem>> -> memref<80x128xf32, #tpu.memory_space<vmem>>
        %dma_start3A_141 = arith.constant 0 : i32
        %dma_start3A_142 = tpu.memref_slice %arg6[%mul3A_134, %dma_start3A_141] : memref<10000x128xf32, #tpu.memory_space<vmem_shared>> -> memref<80x128xf32, #tpu.memory_space<vmem_shared>>
        %dma_start3A_143 = arith.constant 0 : i32
        %dma_start3A_144 = arith.constant 0 : i32
        %dma_start3A_145 = tpu.memref_slice %arg9[%dma_start3A_143, %dma_start3A_144] : memref<80x128xf32, #tpu.memory_space<vmem>> -> memref<80x128xf32, #tpu.memory_space<vmem>>
        %dma_start3A_146 = arith.constant 0 : i32
        %dma_start3A_147 = tpu.memref_slice %arg6[%mul3A_134, %dma_start3A_146] : memref<10000x128xf32, #tpu.memory_space<vmem_shared>> -> memref<80x128xf32, #tpu.memory_space<vmem_shared>>
        tpu.enqueue_dma source(%dma_start3A_147 : memref<80x128xf32, #tpu.memory_space<vmem_shared>>) target(%dma_start3A_145 : memref<80x128xf32, #tpu.memory_space<vmem>>) target_semaphore(%run_scoped3A : memref<!tpu.dma_semaphore, #tpu.memory_space<semaphore_mem>>)
        %dma_wait3A = arith.constant 0 : i32
        %dma_wait3A_148 = arith.constant 0 : i32
        %dma_wait3A_149 = tpu.memref_slice %arg9[%dma_wait3A, %dma_wait3A_148] : memref<80x128xf32, #tpu.memory_space<vmem>> -> memref<80x128xf32, #tpu.memory_space<vmem>>
        %dma_wait3A_150 = arith.constant 0 : i32
        %dma_wait3A_151 = tpu.memref_slice %arg6[%mul3A_134, %dma_wait3A_150] : memref<10000x128xf32, #tpu.memory_space<vmem_shared>> -> memref<80x128xf32, #tpu.memory_space<vmem_shared>>
        %dma_wait3A_152 = arith.constant 0 : i32
        %dma_wait3A_153 = arith.constant 0 : i32
        %dma_wait3A_154 = tpu.memref_slice %arg9[%dma_wait3A_152, %dma_wait3A_153] : memref<80x128xf32, #tpu.memory_space<vmem>> -> memref<80x128xf32, #tpu.memory_space<vmem>>
        %dma_wait3A_155 = arith.constant 0 : i32
        %dma_wait3A_156 = tpu.memref_slice %arg6[%mul3A_134, %dma_wait3A_155] : memref<10000x128xf32, #tpu.memory_space<vmem_shared>> -> memref<80x128xf32, #tpu.memory_space<vmem_shared>>
        tpu.wait_dma2 semaphore(%run_scoped3A : memref<!tpu.dma_semaphore, #tpu.memory_space<semaphore_mem>>) src(%dma_wait3A_156 : memref<80x128xf32, #tpu.memory_space<vmem_shared>>) dst(%dma_wait3A_154 : memref<80x128xf32, #tpu.memory_space<vmem>>)
        tpu.yield
      }) : () -> ()
      %mul3A_135 = arith.constant 10000 : i32
      %mul3A_136 = arith.muli %arg0, %mul3A_135 : i32
      %add3A_137 = arith.addi %mul3A_136, %mul3A_134 : i32
      "tpu.region"() ({
        %run_scoped3A = tpu.sem_alloc : memref<!tpu.dma_semaphore, #tpu.memory_space<semaphore_mem>>
        %dma_start3A_138 = arith.constant 0 : i32
        %dma_start3A_139 = arith.constant 0 : i32
        %dma_start3A_140 = tpu.memref_slice %arg9[%dma_start3A_138, %dma_start3A_139] : memref<80x128xf32, #tpu.memory_space<vmem>> -> memref<80x128xf32, #tpu.memory_space<vmem>>
        %dma_start3A_141 = arith.constant 0 : i32
        %dma_start3A_142 = tpu.memref_slice %arg5[%add3A_137, %dma_start3A_141] : memref<20000x128xf32, #tpu.memory_space<hbm>> -> memref<80x128xf32, #tpu.memory_space<hbm>>
        %dma_start3A_143 = arith.constant 0 : i32
        %dma_start3A_144 = tpu.memref_slice %arg5[%add3A_137, %dma_start3A_143] : memref<20000x128xf32, #tpu.memory_space<hbm>> -> memref<80x128xf32, #tpu.memory_space<hbm>>
        %dma_start3A_145 = arith.constant 0 : i32
        %dma_start3A_146 = arith.constant 0 : i32
        %dma_start3A_147 = tpu.memref_slice %arg9[%dma_start3A_145, %dma_start3A_146] : memref<80x128xf32, #tpu.memory_space<vmem>> -> memref<80x128xf32, #tpu.memory_space<vmem>>
        tpu.enqueue_dma source(%dma_start3A_147 : memref<80x128xf32, #tpu.memory_space<vmem>>) target(%dma_start3A_144 : memref<80x128xf32, #tpu.memory_space<hbm>>) target_semaphore(%run_scoped3A : memref<!tpu.dma_semaphore, #tpu.memory_space<semaphore_mem>>)
        %dma_wait3A = arith.constant 0 : i32
        %dma_wait3A_148 = arith.constant 0 : i32
        %dma_wait3A_149 = tpu.memref_slice %arg9[%dma_wait3A, %dma_wait3A_148] : memref<80x128xf32, #tpu.memory_space<vmem>> -> memref<80x128xf32, #tpu.memory_space<vmem>>
        %dma_wait3A_150 = arith.constant 0 : i32
        %dma_wait3A_151 = tpu.memref_slice %arg5[%add3A_137, %dma_wait3A_150] : memref<20000x128xf32, #tpu.memory_space<hbm>> -> memref<80x128xf32, #tpu.memory_space<hbm>>
        %dma_wait3A_152 = arith.constant 0 : i32
        %dma_wait3A_153 = tpu.memref_slice %arg5[%add3A_137, %dma_wait3A_152] : memref<20000x128xf32, #tpu.memory_space<hbm>> -> memref<80x128xf32, #tpu.memory_space<hbm>>
        %dma_wait3A_154 = arith.constant 0 : i32
        %dma_wait3A_155 = arith.constant 0 : i32
        %dma_wait3A_156 = tpu.memref_slice %arg9[%dma_wait3A_154, %dma_wait3A_155] : memref<80x128xf32, #tpu.memory_space<vmem>> -> memref<80x128xf32, #tpu.memory_space<vmem>>
        tpu.wait_dma2 semaphore(%run_scoped3A : memref<!tpu.dma_semaphore, #tpu.memory_space<semaphore_mem>>) src(%dma_wait3A_156 : memref<80x128xf32, #tpu.memory_space<vmem>>) dst(%dma_wait3A_153 : memref<80x128xf32, #tpu.memory_space<hbm>>)
        tpu.yield
      }) : () -> ()
    } else {
    }
    return
  }
}

#map = affine_map<(d0, d1) -> (0, 0)>
#map1 = affine_map<(d0, d1) -> (0, 0, 0)>
module attributes {stable_mosaic.version = 14 : i64} {
  func.func @_seg_body(%arg0: i32, %arg1: i32, %arg2: memref<10000x128xf32, #tpu.memory_space<hbm>>, %arg3: memref<32x10000xi32, #tpu.memory_space<hbm>>, %arg4: memref<32x125x80xi32, #tpu.memory_space<hbm>>, %arg5: memref<20000x128xf32, #tpu.memory_space<hbm>>, %arg6: memref<10000x128xf32, #tpu.memory_space<vmem_shared>>, %arg7: memref<10000xi32, #tpu.memory_space<vmem>>, %arg8: memref<125x80xi32, #tpu.memory_space<vmem>>, %arg9: memref<80x128xf32, #tpu.memory_space<vmem>>, %arg10: memref<80x128xf32, #tpu.memory_space<vmem>>, %arg11: memref<!tpu.dma_semaphore, #tpu.memory_space<semaphore_mem>>, %arg12: memref<!tpu.dma_semaphore, #tpu.memory_space<semaphore_mem>>) attributes {dimension_semantics = [#tpu.dimension_semantics<core_parallel>, #tpu.dimension_semantics<subcore_parallel>], iteration_bounds = array<i64: 2, 16>, scalar_prefetch = 0 : i64, scratch_operands = 7 : i64, tpu.core_type = #tpu.core_type<sc_vector_subcore>, window_params = [{transform_indices = #map}, {transform_indices = #map}, {transform_indices = #map1}, {transform_indices = #map}]} {
    %mul3A = arith.constant 2 : i32
    %mul3A_0 = arith.muli %arg1, %mul3A : i32
    %add3A = arith.addi %mul3A_0, %arg0 : i32
    %scan3A = arith.constant 0 : i32
    %scan3A_1 = arith.constant 0 : i32
    %scan3A_2 = arith.constant 640 : i32
    %scan3A_3 = arith.addi %scan3A_1, %scan3A_2 : i32
    %scan3A_4 = arith.constant 1 : i32
    %scan3A_5 = scf.for %scan3A_133 = %scan3A_1 to %scan3A_3 step %scan3A_4 iter_args(%scan3A_134 = %scan3A) -> (i32)  : i32 {
      %jit3A = arith.constant 8 : i32
      %div3A = arith.divsi %scan3A_133, %jit3A : i32
      %sign3A = arith.constant 0 : i32
      %sign3A_135 = arith.cmpi sgt, %scan3A_133, %sign3A : i32
      %sign3A_136 = arith.extui %sign3A_135 : i1 to i32
      %sign3A_137 = arith.constant 0 : i32
      %sign3A_138 = arith.cmpi slt, %scan3A_133, %sign3A_137 : i32
      %sign3A_139 = arith.extui %sign3A_138 : i1 to i32
      %sign3A_140 = arith.subi %sign3A_136, %sign3A_139 : i32
      %sign3A_141 = arith.constant 0 : i32
      %sign3A_142 = arith.cmpi sgt, %jit3A, %sign3A_141 : i32
      %sign3A_143 = arith.extui %sign3A_142 : i1 to i32
      %sign3A_144 = arith.constant 0 : i32
      %sign3A_145 = arith.cmpi slt, %jit3A, %sign3A_144 : i32
      %sign3A_146 = arith.extui %sign3A_145 : i1 to i32
      %sign3A_147 = arith.subi %sign3A_143, %sign3A_146 : i32
      %ne3A = arith.cmpi ne, %sign3A_140, %sign3A_147 : i32
      %rem3A = arith.remsi %scan3A_133, %jit3A : i32
      %ne3A_148 = arith.constant 0 : i32
      %ne3A_149 = arith.cmpi ne, %rem3A, %ne3A_148 : i32
      %and3A = arith.andi %ne3A, %ne3A_149 : i1
      %sub3A = arith.constant 1 : i32
      %sub3A_150 = arith.subi %div3A, %sub3A : i32
      %select_n3A = arith.select %and3A, %sub3A_150, %div3A : i32
      %jit3A_151 = arith.constant 8 : i32
      %eq3A = arith.constant 0 : i32
      %eq3A_152 = arith.cmpi eq, %jit3A_151, %eq3A : i32
      %jit3A_153 = arith.constant 1 : i32
      %select_n3A_154 = arith.select %eq3A_152, %jit3A_153, %jit3A_151 : i32
      %rem3A_155 = arith.remsi %scan3A_133, %select_n3A_154 : i32
      %ne3A_156 = arith.constant 0 : i32
      %ne3A_157 = arith.cmpi ne, %rem3A_155, %ne3A_156 : i32
      %lt3A_158 = arith.constant 0 : i32
      %lt3A_159 = arith.cmpi slt, %rem3A_155, %lt3A_158 : i32
      %lt3A_160 = arith.constant 0 : i32
      %lt3A_161 = arith.cmpi slt, %select_n3A_154, %lt3A_160 : i32
      %ne3A_162 = arith.xori %lt3A_159, %lt3A_161 : i1
      %and3A_163 = arith.andi %ne3A_162, %ne3A_157 : i1
      %add3A_164 = arith.addi %rem3A_155, %select_n3A_154 : i32
      %select_n3A_165 = arith.select %and3A_163, %add3A_164, %rem3A_155 : i32
      %broadcast_in_dim3A = arith.constant 0.000000e+00 : f32
      %broadcast_in_dim3A_166 = vector.broadcast %broadcast_in_dim3A : f32 to vector<16xf32>
      %mul3A_167 = arith.constant 16 : i32
      %mul3A_168 = arith.muli %select_n3A_165, %mul3A_167 : i32
      %swap3A = arith.index_cast %select_n3A : i32 to index
      %swap3A_169 = arith.index_cast %mul3A_168 : i32 to index
      %swap3A_170 = tpu.vector_load %arg9[%swap3A, %swap3A_169] {strides = array<i32>} : memref<80x128xf32, #tpu.memory_space<vmem>>, vector<1x16xf32>,
      %swap3A_171 = vector.shape_cast %swap3A_170 : vector<1x16xf32> to vector<16xf32>
      %swap3A_172 = vector.shape_cast %broadcast_in_dim3A_166 : vector<16xf32> to vector<1x16xf32>
      tpu.vector_store %arg9[%swap3A, %swap3A_169], %swap3A_172 {strides = array<i32>} : memref<80x128xf32, #tpu.memory_space<vmem>>, vector<1x16xf32>,
      %scan3A_173 = arith.constant 0 : i32
      scf.yield %scan3A_173 : i32
    }
    %scan3A_6 = arith.constant 640 : i32
    %add3A_7 = arith.constant 0 : i32
    %add3A_8 = arith.addi %add3A_7, %arg1 : i32
    %lt3A = arith.constant 125 : i32
    %lt3A_9 = arith.cmpi slt, %add3A_8, %lt3A : i32
    %convert_element_type3A = arith.extui %lt3A_9 : i1 to i32
    %cond3A = arith.constant 0 : i32
    %cond3A_10 = arith.cmpi ne, %convert_element_type3A, %cond3A : i32
    scf.if %cond3A_10 {
      %mul3A_133 = arith.constant 80 : i32
      %mul3A_134 = arith.muli %add3A_8, %mul3A_133 : i32
      "tpu.region"() ({
        %run_scoped3A = tpu.sem_alloc : memref<!tpu.dma_semaphore, #tpu.memory_space<semaphore_mem>>
        %dma_start3A_135 = arith.constant 0 : i32
        %dma_start3A_136 = arith.constant 0 : i32
        %dma_start3A_137 = tpu.memref_slice %arg9[%dma_start3A_135, %dma_start3A_136] : memref<80x128xf32, #tpu.memory_space<vmem>> -> memref<80x128xf32, #tpu.memory_space<vmem>>
        %dma_start3A_138 = arith.constant 0 : i32
        %dma_start3A_139 = tpu.memref_slice %arg6[%mul3A_134, %dma_start3A_138] : memref<10000x128xf32, #tpu.memory_space<vmem_shared>> -> memref<80x128xf32, #tpu.memory_space<vmem_shared>>
        %dma_start3A_140 = arith.constant 0 : i32
        %dma_start3A_141 = tpu.memref_slice %arg6[%mul3A_134, %dma_start3A_140] : memref<10000x128xf32, #tpu.memory_space<vmem_shared>> -> memref<80x128xf32, #tpu.memory_space<vmem_shared>>
        %dma_start3A_142 = arith.constant 0 : i32
        %dma_start3A_143 = arith.constant 0 : i32
        %dma_start3A_144 = tpu.memref_slice %arg9[%dma_start3A_142, %dma_start3A_143] : memref<80x128xf32, #tpu.memory_space<vmem>> -> memref<80x128xf32, #tpu.memory_space<vmem>>
        tpu.enqueue_dma source(%dma_start3A_144 : memref<80x128xf32, #tpu.memory_space<vmem>>) target(%dma_start3A_141 : memref<80x128xf32, #tpu.memory_space<vmem_shared>>) target_semaphore(%run_scoped3A : memref<!tpu.dma_semaphore, #tpu.memory_space<semaphore_mem>>)
        %dma_wait3A = arith.constant 0 : i32
        %dma_wait3A_145 = arith.constant 0 : i32
        %dma_wait3A_146 = tpu.memref_slice %arg9[%dma_wait3A, %dma_wait3A_145] : memref<80x128xf32, #tpu.memory_space<vmem>> -> memref<80x128xf32, #tpu.memory_space<vmem>>
        %dma_wait3A_147 = arith.constant 0 : i32
        %dma_wait3A_148 = tpu.memref_slice %arg6[%mul3A_134, %dma_wait3A_147] : memref<10000x128xf32, #tpu.memory_space<vmem_shared>> -> memref<80x128xf32, #tpu.memory_space<vmem_shared>>
        %dma_wait3A_149 = arith.constant 0 : i32
        %dma_wait3A_150 = tpu.memref_slice %arg6[%mul3A_134, %dma_wait3A_149] : memref<10000x128xf32, #tpu.memory_space<vmem_shared>> -> memref<80x128xf32, #tpu.memory_space<vmem_shared>>
        %dma_wait3A_151 = arith.constant 0 : i32
        %dma_wait3A_152 = arith.constant 0 : i32
        %dma_wait3A_153 = tpu.memref_slice %arg9[%dma_wait3A_151, %dma_wait3A_152] : memref<80x128xf32, #tpu.memory_space<vmem>> -> memref<80x128xf32, #tpu.memory_space<vmem>>
        tpu.wait_dma2 semaphore(%run_scoped3A : memref<!tpu.dma_semaphore, #tpu.memory_space<semaphore_mem>>) src(%dma_wait3A_153 : memref<80x128xf32, #tpu.memory_space<vmem>>) dst(%dma_wait3A_150 : memref<80x128xf32, #tpu.memory_space<vmem_shared>>)
        tpu.yield
      }) : () -> ()
    } else {
    }
    %add3A_11 = arith.constant 16 : i32
    %add3A_12 = arith.addi %add3A_11, %arg1 : i32
    %lt3A_13 = arith.constant 125 : i32
    %lt3A_14 = arith.cmpi slt, %add3A_12, %lt3A_13 : i32
    %convert_element_type3A_15 = arith.extui %lt3A_14 : i1 to i32
    %cond3A_16 = arith.constant 0 : i32
    %cond3A_17 = arith.cmpi ne, %convert_element_type3A_15, %cond3A_16 : i32
    scf.if %cond3A_17 {
      %mul3A_133 = arith.constant 80 : i32
      %mul3A_134 = arith.muli %add3A_12, %mul3A_133 : i32
      "tpu.region"() ({
        %run_scoped3A = tpu.sem_alloc : memref<!tpu.dma_semaphore, #tpu.memory_space<semaphore_mem>>
        %dma_start3A_135 = arith.constant 0 : i32
        %dma_start3A_136 = arith.constant 0 : i32
        %dma_start3A_137 = tpu.memref_slice %arg9[%dma_start3A_135, %dma_start3A_136] : memref<80x128xf32, #tpu.memory_space<vmem>> -> memref<80x128xf32, #tpu.memory_space<vmem>>
        %dma_start3A_138 = arith.constant 0 : i32
        %dma_start3A_139 = tpu.memref_slice %arg6[%mul3A_134, %dma_start3A_138] : memref<10000x128xf32, #tpu.memory_space<vmem_shared>> -> memref<80x128xf32, #tpu.memory_space<vmem_shared>>
        %dma_start3A_140 = arith.constant 0 : i32
        %dma_start3A_141 = tpu.memref_slice %arg6[%mul3A_134, %dma_start3A_140] : memref<10000x128xf32, #tpu.memory_space<vmem_shared>> -> memref<80x128xf32, #tpu.memory_space<vmem_shared>>
        %dma_start3A_142 = arith.constant 0 : i32
        %dma_start3A_143 = arith.constant 0 : i32
        %dma_start3A_144 = tpu.memref_slice %arg9[%dma_start3A_142, %dma_start3A_143] : memref<80x128xf32, #tpu.memory_space<vmem>> -> memref<80x128xf32, #tpu.memory_space<vmem>>
        tpu.enqueue_dma source(%dma_start3A_144 : memref<80x128xf32, #tpu.memory_space<vmem>>) target(%dma_start3A_141 : memref<80x128xf32, #tpu.memory_space<vmem_shared>>) target_semaphore(%run_scoped3A : memref<!tpu.dma_semaphore, #tpu.memory_space<semaphore_mem>>)
        %dma_wait3A = arith.constant 0 : i32
        %dma_wait3A_145 = arith.constant 0 : i32
        %dma_wait3A_146 = tpu.memref_slice %arg9[%dma_wait3A, %dma_wait3A_145] : memref<80x128xf32, #tpu.memory_space<vmem>> -> memref<80x128xf32, #tpu.memory_space<vmem>>
        %dma_wait3A_147 = arith.constant 0 : i32
        %dma_wait3A_148 = tpu.memref_slice %arg6[%mul3A_134, %dma_wait3A_147] : memref<10000x128xf32, #tpu.memory_space<vmem_shared>> -> memref<80x128xf32, #tpu.memory_space<vmem_shared>>
        %dma_wait3A_149 = arith.constant 0 : i32
        %dma_wait3A_150 = tpu.memref_slice %arg6[%mul3A_134, %dma_wait3A_149] : memref<10000x128xf32, #tpu.memory_space<vmem_shared>> -> memref<80x128xf32, #tpu.memory_space<vmem_shared>>
        %dma_wait3A_151 = arith.constant 0 : i32
        %dma_wait3A_152 = arith.constant 0 : i32
        %dma_wait3A_153 = tpu.memref_slice %arg9[%dma_wait3A_151, %dma_wait3A_152] : memref<80x128xf32, #tpu.memory_space<vmem>> -> memref<80x128xf32, #tpu.memory_space<vmem>>
        tpu.wait_dma2 semaphore(%run_scoped3A : memref<!tpu.dma_semaphore, #tpu.memory_space<semaphore_mem>>) src(%dma_wait3A_153 : memref<80x128xf32, #tpu.memory_space<vmem>>) dst(%dma_wait3A_150 : memref<80x128xf32, #tpu.memory_space<vmem_shared>>)
        tpu.yield
      }) : () -> ()
    } else {
    }
    %add3A_18 = arith.constant 32 : i32
    %add3A_19 = arith.addi %add3A_18, %arg1 : i32
    %lt3A_20 = arith.constant 125 : i32
    %lt3A_21 = arith.cmpi slt, %add3A_19, %lt3A_20 : i32
    %convert_element_type3A_22 = arith.extui %lt3A_21 : i1 to i32
    %cond3A_23 = arith.constant 0 : i32
    %cond3A_24 = arith.cmpi ne, %convert_element_type3A_22, %cond3A_23 : i32
    scf.if %cond3A_24 {
      %mul3A_133 = arith.constant 80 : i32
      %mul3A_134 = arith.muli %add3A_19, %mul3A_133 : i32
      "tpu.region"() ({
        %run_scoped3A = tpu.sem_alloc : memref<!tpu.dma_semaphore, #tpu.memory_space<semaphore_mem>>
        %dma_start3A_135 = arith.constant 0 : i32
        %dma_start3A_136 = arith.constant 0 : i32
        %dma_start3A_137 = tpu.memref_slice %arg9[%dma_start3A_135, %dma_start3A_136] : memref<80x128xf32, #tpu.memory_space<vmem>> -> memref<80x128xf32, #tpu.memory_space<vmem>>
        %dma_start3A_138 = arith.constant 0 : i32
        %dma_start3A_139 = tpu.memref_slice %arg6[%mul3A_134, %dma_start3A_138] : memref<10000x128xf32, #tpu.memory_space<vmem_shared>> -> memref<80x128xf32, #tpu.memory_space<vmem_shared>>
        %dma_start3A_140 = arith.constant 0 : i32
        %dma_start3A_141 = tpu.memref_slice %arg6[%mul3A_134, %dma_start3A_140] : memref<10000x128xf32, #tpu.memory_space<vmem_shared>> -> memref<80x128xf32, #tpu.memory_space<vmem_shared>>
        %dma_start3A_142 = arith.constant 0 : i32
        %dma_start3A_143 = arith.constant 0 : i32
        %dma_start3A_144 = tpu.memref_slice %arg9[%dma_start3A_142, %dma_start3A_143] : memref<80x128xf32, #tpu.memory_space<vmem>> -> memref<80x128xf32, #tpu.memory_space<vmem>>
        tpu.enqueue_dma source(%dma_start3A_144 : memref<80x128xf32, #tpu.memory_space<vmem>>) target(%dma_start3A_141 : memref<80x128xf32, #tpu.memory_space<vmem_shared>>) target_semaphore(%run_scoped3A : memref<!tpu.dma_semaphore, #tpu.memory_space<semaphore_mem>>)
        %dma_wait3A = arith.constant 0 : i32
        %dma_wait3A_145 = arith.constant 0 : i32
        %dma_wait3A_146 = tpu.memref_slice %arg9[%dma_wait3A, %dma_wait3A_145] : memref<80x128xf32, #tpu.memory_space<vmem>> -> memref<80x128xf32, #tpu.memory_space<vmem>>
        %dma_wait3A_147 = arith.constant 0 : i32
        %dma_wait3A_148 = tpu.memref_slice %arg6[%mul3A_134, %dma_wait3A_147] : memref<10000x128xf32, #tpu.memory_space<vmem_shared>> -> memref<80x128xf32, #tpu.memory_space<vmem_shared>>
        %dma_wait3A_149 = arith.constant 0 : i32
        %dma_wait3A_150 = tpu.memref_slice %arg6[%mul3A_134, %dma_wait3A_149] : memref<10000x128xf32, #tpu.memory_space<vmem_shared>> -> memref<80x128xf32, #tpu.memory_space<vmem_shared>>
        %dma_wait3A_151 = arith.constant 0 : i32
        %dma_wait3A_152 = arith.constant 0 : i32
        %dma_wait3A_153 = tpu.memref_slice %arg9[%dma_wait3A_151, %dma_wait3A_152] : memref<80x128xf32, #tpu.memory_space<vmem>> -> memref<80x128xf32, #tpu.memory_space<vmem>>
        tpu.wait_dma2 semaphore(%run_scoped3A : memref<!tpu.dma_semaphore, #tpu.memory_space<semaphore_mem>>) src(%dma_wait3A_153 : memref<80x128xf32, #tpu.memory_space<vmem>>) dst(%dma_wait3A_150 : memref<80x128xf32, #tpu.memory_space<vmem_shared>>)
        tpu.yield
      }) : () -> ()
    } else {
    }
    %add3A_25 = arith.constant 48 : i32
    %add3A_26 = arith.addi %add3A_25, %arg1 : i32
    %lt3A_27 = arith.constant 125 : i32
    %lt3A_28 = arith.cmpi slt, %add3A_26, %lt3A_27 : i32
    %convert_element_type3A_29 = arith.extui %lt3A_28 : i1 to i32
    %cond3A_30 = arith.constant 0 : i32
    %cond3A_31 = arith.cmpi ne, %convert_element_type3A_29, %cond3A_30 : i32
    scf.if %cond3A_31 {
      %mul3A_133 = arith.constant 80 : i32
      %mul3A_134 = arith.muli %add3A_26, %mul3A_133 : i32
      "tpu.region"() ({
        %run_scoped3A = tpu.sem_alloc : memref<!tpu.dma_semaphore, #tpu.memory_space<semaphore_mem>>
        %dma_start3A_135 = arith.constant 0 : i32
        %dma_start3A_136 = arith.constant 0 : i32
        %dma_start3A_137 = tpu.memref_slice %arg9[%dma_start3A_135, %dma_start3A_136] : memref<80x128xf32, #tpu.memory_space<vmem>> -> memref<80x128xf32, #tpu.memory_space<vmem>>
        %dma_start3A_138 = arith.constant 0 : i32
        %dma_start3A_139 = tpu.memref_slice %arg6[%mul3A_134, %dma_start3A_138] : memref<10000x128xf32, #tpu.memory_space<vmem_shared>> -> memref<80x128xf32, #tpu.memory_space<vmem_shared>>
        %dma_start3A_140 = arith.constant 0 : i32
        %dma_start3A_141 = tpu.memref_slice %arg6[%mul3A_134, %dma_start3A_140] : memref<10000x128xf32, #tpu.memory_space<vmem_shared>> -> memref<80x128xf32, #tpu.memory_space<vmem_shared>>
        %dma_start3A_142 = arith.constant 0 : i32
        %dma_start3A_143 = arith.constant 0 : i32
        %dma_start3A_144 = tpu.memref_slice %arg9[%dma_start3A_142, %dma_start3A_143] : memref<80x128xf32, #tpu.memory_space<vmem>> -> memref<80x128xf32, #tpu.memory_space<vmem>>
        tpu.enqueue_dma source(%dma_start3A_144 : memref<80x128xf32, #tpu.memory_space<vmem>>) target(%dma_start3A_141 : memref<80x128xf32, #tpu.memory_space<vmem_shared>>) target_semaphore(%run_scoped3A : memref<!tpu.dma_semaphore, #tpu.memory_space<semaphore_mem>>)
        %dma_wait3A = arith.constant 0 : i32
        %dma_wait3A_145 = arith.constant 0 : i32
        %dma_wait3A_146 = tpu.memref_slice %arg9[%dma_wait3A, %dma_wait3A_145] : memref<80x128xf32, #tpu.memory_space<vmem>> -> memref<80x128xf32, #tpu.memory_space<vmem>>
        %dma_wait3A_147 = arith.constant 0 : i32
        %dma_wait3A_148 = tpu.memref_slice %arg6[%mul3A_134, %dma_wait3A_147] : memref<10000x128xf32, #tpu.memory_space<vmem_shared>> -> memref<80x128xf32, #tpu.memory_space<vmem_shared>>
        %dma_wait3A_149 = arith.constant 0 : i32
        %dma_wait3A_150 = tpu.memref_slice %arg6[%mul3A_134, %dma_wait3A_149] : memref<10000x128xf32, #tpu.memory_space<vmem_shared>> -> memref<80x128xf32, #tpu.memory_space<vmem_shared>>
        %dma_wait3A_151 = arith.constant 0 : i32
        %dma_wait3A_152 = arith.constant 0 : i32
        %dma_wait3A_153 = tpu.memref_slice %arg9[%dma_wait3A_151, %dma_wait3A_152] : memref<80x128xf32, #tpu.memory_space<vmem>> -> memref<80x128xf32, #tpu.memory_space<vmem>>
        tpu.wait_dma2 semaphore(%run_scoped3A : memref<!tpu.dma_semaphore, #tpu.memory_space<semaphore_mem>>) src(%dma_wait3A_153 : memref<80x128xf32, #tpu.memory_space<vmem>>) dst(%dma_wait3A_150 : memref<80x128xf32, #tpu.memory_space<vmem_shared>>)
        tpu.yield
      }) : () -> ()
    } else {
    }
    %add3A_32 = arith.constant 64 : i32
    %add3A_33 = arith.addi %add3A_32, %arg1 : i32
    %lt3A_34 = arith.constant 125 : i32
    %lt3A_35 = arith.cmpi slt, %add3A_33, %lt3A_34 : i32
    %convert_element_type3A_36 = arith.extui %lt3A_35 : i1 to i32
    %cond3A_37 = arith.constant 0 : i32
    %cond3A_38 = arith.cmpi ne, %convert_element_type3A_36, %cond3A_37 : i32
    scf.if %cond3A_38 {
      %mul3A_133 = arith.constant 80 : i32
      %mul3A_134 = arith.muli %add3A_33, %mul3A_133 : i32
      "tpu.region"() ({
        %run_scoped3A = tpu.sem_alloc : memref<!tpu.dma_semaphore, #tpu.memory_space<semaphore_mem>>
        %dma_start3A_135 = arith.constant 0 : i32
        %dma_start3A_136 = arith.constant 0 : i32
        %dma_start3A_137 = tpu.memref_slice %arg9[%dma_start3A_135, %dma_start3A_136] : memref<80x128xf32, #tpu.memory_space<vmem>> -> memref<80x128xf32, #tpu.memory_space<vmem>>
        %dma_start3A_138 = arith.constant 0 : i32
        %dma_start3A_139 = tpu.memref_slice %arg6[%mul3A_134, %dma_start3A_138] : memref<10000x128xf32, #tpu.memory_space<vmem_shared>> -> memref<80x128xf32, #tpu.memory_space<vmem_shared>>
        %dma_start3A_140 = arith.constant 0 : i32
        %dma_start3A_141 = tpu.memref_slice %arg6[%mul3A_134, %dma_start3A_140] : memref<10000x128xf32, #tpu.memory_space<vmem_shared>> -> memref<80x128xf32, #tpu.memory_space<vmem_shared>>
        %dma_start3A_142 = arith.constant 0 : i32
        %dma_start3A_143 = arith.constant 0 : i32
        %dma_start3A_144 = tpu.memref_slice %arg9[%dma_start3A_142, %dma_start3A_143] : memref<80x128xf32, #tpu.memory_space<vmem>> -> memref<80x128xf32, #tpu.memory_space<vmem>>
        tpu.enqueue_dma source(%dma_start3A_144 : memref<80x128xf32, #tpu.memory_space<vmem>>) target(%dma_start3A_141 : memref<80x128xf32, #tpu.memory_space<vmem_shared>>) target_semaphore(%run_scoped3A : memref<!tpu.dma_semaphore, #tpu.memory_space<semaphore_mem>>)
        %dma_wait3A = arith.constant 0 : i32
        %dma_wait3A_145 = arith.constant 0 : i32
        %dma_wait3A_146 = tpu.memref_slice %arg9[%dma_wait3A, %dma_wait3A_145] : memref<80x128xf32, #tpu.memory_space<vmem>> -> memref<80x128xf32, #tpu.memory_space<vmem>>
        %dma_wait3A_147 = arith.constant 0 : i32
        %dma_wait3A_148 = tpu.memref_slice %arg6[%mul3A_134, %dma_wait3A_147] : memref<10000x128xf32, #tpu.memory_space<vmem_shared>> -> memref<80x128xf32, #tpu.memory_space<vmem_shared>>
        %dma_wait3A_149 = arith.constant 0 : i32
        %dma_wait3A_150 = tpu.memref_slice %arg6[%mul3A_134, %dma_wait3A_149] : memref<10000x128xf32, #tpu.memory_space<vmem_shared>> -> memref<80x128xf32, #tpu.memory_space<vmem_shared>>
        %dma_wait3A_151 = arith.constant 0 : i32
        %dma_wait3A_152 = arith.constant 0 : i32
        %dma_wait3A_153 = tpu.memref_slice %arg9[%dma_wait3A_151, %dma_wait3A_152] : memref<80x128xf32, #tpu.memory_space<vmem>> -> memref<80x128xf32, #tpu.memory_space<vmem>>
        tpu.wait_dma2 semaphore(%run_scoped3A : memref<!tpu.dma_semaphore, #tpu.memory_space<semaphore_mem>>) src(%dma_wait3A_153 : memref<80x128xf32, #tpu.memory_space<vmem>>) dst(%dma_wait3A_150 : memref<80x128xf32, #tpu.memory_space<vmem_shared>>)
        tpu.yield
      }) : () -> ()
    } else {
    }
    %add3A_39 = arith.constant 80 : i32
    %add3A_40 = arith.addi %add3A_39, %arg1 : i32
    %lt3A_41 = arith.constant 125 : i32
    %lt3A_42 = arith.cmpi slt, %add3A_40, %lt3A_41 : i32
    %convert_element_type3A_43 = arith.extui %lt3A_42 : i1 to i32
    %cond3A_44 = arith.constant 0 : i32
    %cond3A_45 = arith.cmpi ne, %convert_element_type3A_43, %cond3A_44 : i32
    scf.if %cond3A_45 {
      %mul3A_133 = arith.constant 80 : i32
      %mul3A_134 = arith.muli %add3A_40, %mul3A_133 : i32
      "tpu.region"() ({
        %run_scoped3A = tpu.sem_alloc : memref<!tpu.dma_semaphore, #tpu.memory_space<semaphore_mem>>
        %dma_start3A_135 = arith.constant 0 : i32
        %dma_start3A_136 = arith.constant 0 : i32
        %dma_start3A_137 = tpu.memref_slice %arg9[%dma_start3A_135, %dma_start3A_136] : memref<80x128xf32, #tpu.memory_space<vmem>> -> memref<80x128xf32, #tpu.memory_space<vmem>>
        %dma_start3A_138 = arith.constant 0 : i32
        %dma_start3A_139 = tpu.memref_slice %arg6[%mul3A_134, %dma_start3A_138] : memref<10000x128xf32, #tpu.memory_space<vmem_shared>> -> memref<80x128xf32, #tpu.memory_space<vmem_shared>>
        %dma_start3A_140 = arith.constant 0 : i32
        %dma_start3A_141 = tpu.memref_slice %arg6[%mul3A_134, %dma_start3A_140] : memref<10000x128xf32, #tpu.memory_space<vmem_shared>> -> memref<80x128xf32, #tpu.memory_space<vmem_shared>>
        %dma_start3A_142 = arith.constant 0 : i32
        %dma_start3A_143 = arith.constant 0 : i32
        %dma_start3A_144 = tpu.memref_slice %arg9[%dma_start3A_142, %dma_start3A_143] : memref<80x128xf32, #tpu.memory_space<vmem>> -> memref<80x128xf32, #tpu.memory_space<vmem>>
        tpu.enqueue_dma source(%dma_start3A_144 : memref<80x128xf32, #tpu.memory_space<vmem>>) target(%dma_start3A_141 : memref<80x128xf32, #tpu.memory_space<vmem_shared>>) target_semaphore(%run_scoped3A : memref<!tpu.dma_semaphore, #tpu.memory_space<semaphore_mem>>)
        %dma_wait3A = arith.constant 0 : i32
        %dma_wait3A_145 = arith.constant 0 : i32
        %dma_wait3A_146 = tpu.memref_slice %arg9[%dma_wait3A, %dma_wait3A_145] : memref<80x128xf32, #tpu.memory_space<vmem>> -> memref<80x128xf32, #tpu.memory_space<vmem>>
        %dma_wait3A_147 = arith.constant 0 : i32
        %dma_wait3A_148 = tpu.memref_slice %arg6[%mul3A_134, %dma_wait3A_147] : memref<10000x128xf32, #tpu.memory_space<vmem_shared>> -> memref<80x128xf32, #tpu.memory_space<vmem_shared>>
        %dma_wait3A_149 = arith.constant 0 : i32
        %dma_wait3A_150 = tpu.memref_slice %arg6[%mul3A_134, %dma_wait3A_149] : memref<10000x128xf32, #tpu.memory_space<vmem_shared>> -> memref<80x128xf32, #tpu.memory_space<vmem_shared>>
        %dma_wait3A_151 = arith.constant 0 : i32
        %dma_wait3A_152 = arith.constant 0 : i32
        %dma_wait3A_153 = tpu.memref_slice %arg9[%dma_wait3A_151, %dma_wait3A_152] : memref<80x128xf32, #tpu.memory_space<vmem>> -> memref<80x128xf32, #tpu.memory_space<vmem>>
        tpu.wait_dma2 semaphore(%run_scoped3A : memref<!tpu.dma_semaphore, #tpu.memory_space<semaphore_mem>>) src(%dma_wait3A_153 : memref<80x128xf32, #tpu.memory_space<vmem>>) dst(%dma_wait3A_150 : memref<80x128xf32, #tpu.memory_space<vmem_shared>>)
        tpu.yield
      }) : () -> ()
    } else {
    }
    %add3A_46 = arith.constant 96 : i32
    %add3A_47 = arith.addi %add3A_46, %arg1 : i32
    %lt3A_48 = arith.constant 125 : i32
    %lt3A_49 = arith.cmpi slt, %add3A_47, %lt3A_48 : i32
    %convert_element_type3A_50 = arith.extui %lt3A_49 : i1 to i32
    %cond3A_51 = arith.constant 0 : i32
    %cond3A_52 = arith.cmpi ne, %convert_element_type3A_50, %cond3A_51 : i32
    scf.if %cond3A_52 {
      %mul3A_133 = arith.constant 80 : i32
      %mul3A_134 = arith.muli %add3A_47, %mul3A_133 : i32
      "tpu.region"() ({
        %run_scoped3A = tpu.sem_alloc : memref<!tpu.dma_semaphore, #tpu.memory_space<semaphore_mem>>
        %dma_start3A_135 = arith.constant 0 : i32
        %dma_start3A_136 = arith.constant 0 : i32
        %dma_start3A_137 = tpu.memref_slice %arg9[%dma_start3A_135, %dma_start3A_136] : memref<80x128xf32, #tpu.memory_space<vmem>> -> memref<80x128xf32, #tpu.memory_space<vmem>>
        %dma_start3A_138 = arith.constant 0 : i32
        %dma_start3A_139 = tpu.memref_slice %arg6[%mul3A_134, %dma_start3A_138] : memref<10000x128xf32, #tpu.memory_space<vmem_shared>> -> memref<80x128xf32, #tpu.memory_space<vmem_shared>>
        %dma_start3A_140 = arith.constant 0 : i32
        %dma_start3A_141 = tpu.memref_slice %arg6[%mul3A_134, %dma_start3A_140] : memref<10000x128xf32, #tpu.memory_space<vmem_shared>> -> memref<80x128xf32, #tpu.memory_space<vmem_shared>>
        %dma_start3A_142 = arith.constant 0 : i32
        %dma_start3A_143 = arith.constant 0 : i32
        %dma_start3A_144 = tpu.memref_slice %arg9[%dma_start3A_142, %dma_start3A_143] : memref<80x128xf32, #tpu.memory_space<vmem>> -> memref<80x128xf32, #tpu.memory_space<vmem>>
        tpu.enqueue_dma source(%dma_start3A_144 : memref<80x128xf32, #tpu.memory_space<vmem>>) target(%dma_start3A_141 : memref<80x128xf32, #tpu.memory_space<vmem_shared>>) target_semaphore(%run_scoped3A : memref<!tpu.dma_semaphore, #tpu.memory_space<semaphore_mem>>)
        %dma_wait3A = arith.constant 0 : i32
        %dma_wait3A_145 = arith.constant 0 : i32
        %dma_wait3A_146 = tpu.memref_slice %arg9[%dma_wait3A, %dma_wait3A_145] : memref<80x128xf32, #tpu.memory_space<vmem>> -> memref<80x128xf32, #tpu.memory_space<vmem>>
        %dma_wait3A_147 = arith.constant 0 : i32
        %dma_wait3A_148 = tpu.memref_slice %arg6[%mul3A_134, %dma_wait3A_147] : memref<10000x128xf32, #tpu.memory_space<vmem_shared>> -> memref<80x128xf32, #tpu.memory_space<vmem_shared>>
        %dma_wait3A_149 = arith.constant 0 : i32
        %dma_wait3A_150 = tpu.memref_slice %arg6[%mul3A_134, %dma_wait3A_149] : memref<10000x128xf32, #tpu.memory_space<vmem_shared>> -> memref<80x128xf32, #tpu.memory_space<vmem_shared>>
        %dma_wait3A_151 = arith.constant 0 : i32
        %dma_wait3A_152 = arith.constant 0 : i32
        %dma_wait3A_153 = tpu.memref_slice %arg9[%dma_wait3A_151, %dma_wait3A_152] : memref<80x128xf32, #tpu.memory_space<vmem>> -> memref<80x128xf32, #tpu.memory_space<vmem>>
        tpu.wait_dma2 semaphore(%run_scoped3A : memref<!tpu.dma_semaphore, #tpu.memory_space<semaphore_mem>>) src(%dma_wait3A_153 : memref<80x128xf32, #tpu.memory_space<vmem>>) dst(%dma_wait3A_150 : memref<80x128xf32, #tpu.memory_space<vmem_shared>>)
        tpu.yield
      }) : () -> ()
    } else {
    }
    %add3A_53 = arith.constant 112 : i32
    %add3A_54 = arith.addi %add3A_53, %arg1 : i32
    %lt3A_55 = arith.constant 125 : i32
    %lt3A_56 = arith.cmpi slt, %add3A_54, %lt3A_55 : i32
    %convert_element_type3A_57 = arith.extui %lt3A_56 : i1 to i32
    %cond3A_58 = arith.constant 0 : i32
    %cond3A_59 = arith.cmpi ne, %convert_element_type3A_57, %cond3A_58 : i32
    scf.if %cond3A_59 {
      %mul3A_133 = arith.constant 80 : i32
      %mul3A_134 = arith.muli %add3A_54, %mul3A_133 : i32
      "tpu.region"() ({
        %run_scoped3A = tpu.sem_alloc : memref<!tpu.dma_semaphore, #tpu.memory_space<semaphore_mem>>
        %dma_start3A_135 = arith.constant 0 : i32
        %dma_start3A_136 = arith.constant 0 : i32
        %dma_start3A_137 = tpu.memref_slice %arg9[%dma_start3A_135, %dma_start3A_136] : memref<80x128xf32, #tpu.memory_space<vmem>> -> memref<80x128xf32, #tpu.memory_space<vmem>>
        %dma_start3A_138 = arith.constant 0 : i32
        %dma_start3A_139 = tpu.memref_slice %arg6[%mul3A_134, %dma_start3A_138] : memref<10000x128xf32, #tpu.memory_space<vmem_shared>> -> memref<80x128xf32, #tpu.memory_space<vmem_shared>>
        %dma_start3A_140 = arith.constant 0 : i32
        %dma_start3A_141 = tpu.memref_slice %arg6[%mul3A_134, %dma_start3A_140] : memref<10000x128xf32, #tpu.memory_space<vmem_shared>> -> memref<80x128xf32, #tpu.memory_space<vmem_shared>>
        %dma_start3A_142 = arith.constant 0 : i32
        %dma_start3A_143 = arith.constant 0 : i32
        %dma_start3A_144 = tpu.memref_slice %arg9[%dma_start3A_142, %dma_start3A_143] : memref<80x128xf32, #tpu.memory_space<vmem>> -> memref<80x128xf32, #tpu.memory_space<vmem>>
        tpu.enqueue_dma source(%dma_start3A_144 : memref<80x128xf32, #tpu.memory_space<vmem>>) target(%dma_start3A_141 : memref<80x128xf32, #tpu.memory_space<vmem_shared>>) target_semaphore(%run_scoped3A : memref<!tpu.dma_semaphore, #tpu.memory_space<semaphore_mem>>)
        %dma_wait3A = arith.constant 0 : i32
        %dma_wait3A_145 = arith.constant 0 : i32
        %dma_wait3A_146 = tpu.memref_slice %arg9[%dma_wait3A, %dma_wait3A_145] : memref<80x128xf32, #tpu.memory_space<vmem>> -> memref<80x128xf32, #tpu.memory_space<vmem>>
        %dma_wait3A_147 = arith.constant 0 : i32
        %dma_wait3A_148 = tpu.memref_slice %arg6[%mul3A_134, %dma_wait3A_147] : memref<10000x128xf32, #tpu.memory_space<vmem_shared>> -> memref<80x128xf32, #tpu.memory_space<vmem_shared>>
        %dma_wait3A_149 = arith.constant 0 : i32
        %dma_wait3A_150 = tpu.memref_slice %arg6[%mul3A_134, %dma_wait3A_149] : memref<10000x128xf32, #tpu.memory_space<vmem_shared>> -> memref<80x128xf32, #tpu.memory_space<vmem_shared>>
        %dma_wait3A_151 = arith.constant 0 : i32
        %dma_wait3A_152 = arith.constant 0 : i32
        %dma_wait3A_153 = tpu.memref_slice %arg9[%dma_wait3A_151, %dma_wait3A_152] : memref<80x128xf32, #tpu.memory_space<vmem>> -> memref<80x128xf32, #tpu.memory_space<vmem>>
        tpu.wait_dma2 semaphore(%run_scoped3A : memref<!tpu.dma_semaphore, #tpu.memory_space<semaphore_mem>>) src(%dma_wait3A_153 : memref<80x128xf32, #tpu.memory_space<vmem>>) dst(%dma_wait3A_150 : memref<80x128xf32, #tpu.memory_space<vmem_shared>>)
        tpu.yield
      }) : () -> ()
    } else {
    }
    %barrier3A = arith.constant 0 : index
    tpu.barrier barrier_id(%barrier3A)
    "tpu.region"() ({
      %run_scoped3A = tpu.sem_alloc : memref<!tpu.dma_semaphore, #tpu.memory_space<semaphore_mem>>
      %dma_start3A_133 = arith.constant 0 : i32
      %dma_start3A_134 = tpu.memref_slice %arg3[%add3A, %dma_start3A_133] : memref<32x10000xi32, #tpu.memory_space<hbm>> -> memref<1x10000xi32, #tpu.memory_space<hbm>>
      %dma_start3A_135 = tpu.memref_squeeze %dma_start3A_134 : memref<1x10000xi32, #tpu.memory_space<hbm>> -> memref<10000xi32, #tpu.memory_space<hbm>>
      %dma_start3A_136 = arith.constant 0 : i32
      %dma_start3A_137 = tpu.memref_slice %arg3[%add3A, %dma_start3A_136] : memref<32x10000xi32, #tpu.memory_space<hbm>> -> memref<1x10000xi32, #tpu.memory_space<hbm>>
      %dma_start3A_138 = tpu.memref_squeeze %dma_start3A_137 : memref<1x10000xi32, #tpu.memory_space<hbm>> -> memref<10000xi32, #tpu.memory_space<hbm>>
      tpu.enqueue_dma source(%dma_start3A_138 : memref<10000xi32, #tpu.memory_space<hbm>>) target(%arg7 : memref<10000xi32, #tpu.memory_space<vmem>>) target_semaphore(%run_scoped3A : memref<!tpu.dma_semaphore, #tpu.memory_space<semaphore_mem>>)
      %dma_wait3A = arith.constant 0 : i32
      %dma_wait3A_139 = tpu.memref_slice %arg3[%add3A, %dma_wait3A] : memref<32x10000xi32, #tpu.memory_space<hbm>> -> memref<1x10000xi32, #tpu.memory_space<hbm>>
      %dma_wait3A_140 = tpu.memref_squeeze %dma_wait3A_139 : memref<1x10000xi32, #tpu.memory_space<hbm>> -> memref<10000xi32, #tpu.memory_space<hbm>>
      %dma_wait3A_141 = arith.constant 0 : i32
      %dma_wait3A_142 = tpu.memref_slice %arg3[%add3A, %dma_wait3A_141] : memref<32x10000xi32, #tpu.memory_space<hbm>> -> memref<1x10000xi32, #tpu.memory_space<hbm>>
      %dma_wait3A_143 = tpu.memref_squeeze %dma_wait3A_142 : memref<1x10000xi32, #tpu.memory_space<hbm>> -> memref<10000xi32, #tpu.memory_space<hbm>>
      tpu.wait_dma2 semaphore(%run_scoped3A : memref<!tpu.dma_semaphore, #tpu.memory_space<semaphore_mem>>) src(%dma_wait3A_143 : memref<10000xi32, #tpu.memory_space<hbm>>) dst(%arg7 : memref<10000xi32, #tpu.memory_space<vmem>>)
      tpu.yield
    }) : () -> ()
    "tpu.region"() ({
      %run_scoped3A = tpu.sem_alloc : memref<!tpu.dma_semaphore, #tpu.memory_space<semaphore_mem>>
      %dma_start3A_133 = arith.constant 0 : i32
      %dma_start3A_134 = arith.constant 0 : i32
      %dma_start3A_135 = tpu.memref_slice %arg4[%add3A, %dma_start3A_133, %dma_start3A_134] : memref<32x125x80xi32, #tpu.memory_space<hbm>> -> memref<1x125x80xi32, #tpu.memory_space<hbm>>
      %dma_start3A_136 = tpu.memref_squeeze %dma_start3A_135 : memref<1x125x80xi32, #tpu.memory_space<hbm>> -> memref<125x80xi32, #tpu.memory_space<hbm>>
      %dma_start3A_137 = arith.constant 0 : i32
      %dma_start3A_138 = arith.constant 0 : i32
      %dma_start3A_139 = tpu.memref_slice %arg4[%add3A, %dma_start3A_137, %dma_start3A_138] : memref<32x125x80xi32, #tpu.memory_space<hbm>> -> memref<1x125x80xi32, #tpu.memory_space<hbm>>
      %dma_start3A_140 = tpu.memref_squeeze %dma_start3A_139 : memref<1x125x80xi32, #tpu.memory_space<hbm>> -> memref<125x80xi32, #tpu.memory_space<hbm>>
      tpu.enqueue_dma source(%dma_start3A_140 : memref<125x80xi32, #tpu.memory_space<hbm>>) target(%arg8 : memref<125x80xi32, #tpu.memory_space<vmem>>) target_semaphore(%run_scoped3A : memref<!tpu.dma_semaphore, #tpu.memory_space<semaphore_mem>>)
      %dma_wait3A = arith.constant 0 : i32
      %dma_wait3A_141 = arith.constant 0 : i32
      %dma_wait3A_142 = tpu.memref_slice %arg4[%add3A, %dma_wait3A, %dma_wait3A_141] : memref<32x125x80xi32, #tpu.memory_space<hbm>> -> memref<1x125x80xi32, #tpu.memory_space<hbm>>
      %dma_wait3A_143 = tpu.memref_squeeze %dma_wait3A_142 : memref<1x125x80xi32, #tpu.memory_space<hbm>> -> memref<125x80xi32, #tpu.memory_space<hbm>>
      %dma_wait3A_144 = arith.constant 0 : i32
      %dma_wait3A_145 = arith.constant 0 : i32
      %dma_wait3A_146 = tpu.memref_slice %arg4[%add3A, %dma_wait3A_144, %dma_wait3A_145] : memref<32x125x80xi32, #tpu.memory_space<hbm>> -> memref<1x125x80xi32, #tpu.memory_space<hbm>>
      %dma_wait3A_147 = tpu.memref_squeeze %dma_wait3A_146 : memref<1x125x80xi32, #tpu.memory_space<hbm>> -> memref<125x80xi32, #tpu.memory_space<hbm>>
      tpu.wait_dma2 semaphore(%run_scoped3A : memref<!tpu.dma_semaphore, #tpu.memory_space<semaphore_mem>>) src(%dma_wait3A_147 : memref<125x80xi32, #tpu.memory_space<hbm>>) dst(%arg8 : memref<125x80xi32, #tpu.memory_space<vmem>>)
      tpu.yield
    }) : () -> ()
    %dma_start3A = arith.constant 0 : i32
    %dma_start3A_60 = tpu.memref_slice %arg7[%dma_start3A] : memref<10000xi32, #tpu.memory_space<vmem>> -> memref<80xi32, #tpu.memory_space<vmem>>
    %dma_start3A_61 = arith.constant 0 : i32
    %dma_start3A_62 = arith.constant 0 : i32
    %dma_start3A_63 = tpu.memref_slice %arg2[%dma_start3A_61, %dma_start3A_62] : memref<10000x128xf32, #tpu.memory_space<hbm>> -> memref<10000x128xf32, #tpu.memory_space<hbm>>
    tpu.enqueue_indirect_dma source(%dma_start3A_63 : memref<10000x128xf32, #tpu.memory_space<hbm>>) target(%arg9 : memref<80x128xf32, #tpu.memory_space<vmem>>) offsets(%dma_start3A_60 : memref<80xi32, #tpu.memory_space<vmem>>) semaphore(%arg11 : memref<!tpu.dma_semaphore, #tpu.memory_space<semaphore_mem>>)
    %dma_start3A_64 = arith.constant 80 : i32
    %dma_start3A_65 = tpu.memref_slice %arg7[%dma_start3A_64] : memref<10000xi32, #tpu.memory_space<vmem>> -> memref<80xi32, #tpu.memory_space<vmem>>
    %dma_start3A_66 = arith.constant 0 : i32
    %dma_start3A_67 = arith.constant 0 : i32
    %dma_start3A_68 = tpu.memref_slice %arg2[%dma_start3A_66, %dma_start3A_67] : memref<10000x128xf32, #tpu.memory_space<hbm>> -> memref<10000x128xf32, #tpu.memory_space<hbm>>
    tpu.enqueue_indirect_dma source(%dma_start3A_68 : memref<10000x128xf32, #tpu.memory_space<hbm>>) target(%arg10 : memref<80x128xf32, #tpu.memory_space<vmem>>) offsets(%dma_start3A_65 : memref<80xi32, #tpu.memory_space<vmem>>) semaphore(%arg12 : memref<!tpu.dma_semaphore, #tpu.memory_space<semaphore_mem>>)
    %scan3A_69 = arith.constant 0 : i32
    %scan3A_70 = arith.constant 0 : i32
    %scan3A_71 = arith.constant 63 : i32
    %scan3A_72 = arith.addi %scan3A_70, %scan3A_71 : i32
    %scan3A_73 = arith.constant 1 : i32
    %scan3A_74 = scf.for %scan3A_133 = %scan3A_70 to %scan3A_72 step %scan3A_73 iter_args(%scan3A_134 = %scan3A_69) -> (i32)  : i32 {
      %mul3A_135 = arith.constant 2 : i32
      %mul3A_136 = arith.muli %mul3A_135, %scan3A_133 : i32
      %add3A_137 = arith.constant 1 : i32
      %add3A_138 = arith.addi %mul3A_136, %add3A_137 : i32
      %mul3A_139 = arith.constant 80 : i32
      %mul3A_140 = arith.muli %mul3A_136, %mul3A_139 : i32
      %dma_wait3A = tpu.memref_slice %arg7[%mul3A_140] : memref<10000xi32, #tpu.memory_space<vmem>> -> memref<80xi32, #tpu.memory_space<vmem>>
      %dma_wait3A_141 = arith.constant 0 : i32
      %dma_wait3A_142 = arith.constant 0 : i32
      %dma_wait3A_143 = tpu.memref_slice %arg2[%dma_wait3A_141, %dma_wait3A_142] : memref<10000x128xf32, #tpu.memory_space<hbm>> -> memref<10000x128xf32, #tpu.memory_space<hbm>>
      tpu.wait_indirect_dma semaphore(%arg11 : memref<!tpu.dma_semaphore, #tpu.memory_space<semaphore_mem>>) src(%dma_wait3A_143 : memref<10000x128xf32, #tpu.memory_space<hbm>>) dst(%arg9 : memref<80x128xf32, #tpu.memory_space<vmem>>)
      "tpu.region"() ({
        %run_scoped3A = tpu.sem_alloc : memref<!tpu.dma_semaphore, #tpu.memory_space<semaphore_mem>>
        %dma_start3A_157 = arith.constant 0 : i32
        %dma_start3A_158 = tpu.memref_slice %arg8[%mul3A_136, %dma_start3A_157] : memref<125x80xi32, #tpu.memory_space<vmem>> -> memref<1x80xi32, #tpu.memory_space<vmem>>
        %dma_start3A_159 = tpu.memref_squeeze %dma_start3A_158 : memref<1x80xi32, #tpu.memory_space<vmem>> -> memref<80xi32, #tpu.memory_space<vmem>>
        %dma_start3A_160 = arith.constant 0 : i32
        %dma_start3A_161 = arith.constant 0 : i32
        %dma_start3A_162 = tpu.memref_slice %arg6[%dma_start3A_160, %dma_start3A_161] : memref<10000x128xf32, #tpu.memory_space<vmem_shared>> -> memref<10000x128xf32, #tpu.memory_space<vmem_shared>>
        tpu.enqueue_indirect_dma source(%arg9 : memref<80x128xf32, #tpu.memory_space<vmem>>) target(%dma_start3A_162 : memref<10000x128xf32, #tpu.memory_space<vmem_shared>>) offsets(%dma_start3A_159 : memref<80xi32, #tpu.memory_space<vmem>>) semaphore(%run_scoped3A : memref<!tpu.dma_semaphore, #tpu.memory_space<semaphore_mem>>) {add = true}
        %dma_wait3A_163 = arith.constant 0 : i32
        %dma_wait3A_164 = tpu.memref_slice %arg8[%mul3A_136, %dma_wait3A_163] : memref<125x80xi32, #tpu.memory_space<vmem>> -> memref<1x80xi32, #tpu.memory_space<vmem>>
        %dma_wait3A_165 = tpu.memref_squeeze %dma_wait3A_164 : memref<1x80xi32, #tpu.memory_space<vmem>> -> memref<80xi32, #tpu.memory_space<vmem>>
        %dma_wait3A_166 = arith.constant 0 : i32
        %dma_wait3A_167 = arith.constant 0 : i32
        %dma_wait3A_168 = tpu.memref_slice %arg6[%dma_wait3A_166, %dma_wait3A_167] : memref<10000x128xf32, #tpu.memory_space<vmem_shared>> -> memref<10000x128xf32, #tpu.memory_space<vmem_shared>>
        tpu.wait_indirect_dma semaphore(%run_scoped3A : memref<!tpu.dma_semaphore, #tpu.memory_space<semaphore_mem>>) src(%arg9 : memref<80x128xf32, #tpu.memory_space<vmem>>) dst(%dma_wait3A_168 : memref<10000x128xf32, #tpu.memory_space<vmem_shared>>)
        tpu.yield
      }) : () -> ()
      %add3A_144 = arith.constant 2 : i32
      %add3A_145 = arith.addi %mul3A_136, %add3A_144 : i32
      %lt3A_146 = arith.constant 125 : i32
      %lt3A_147 = arith.cmpi slt, %add3A_145, %lt3A_146 : i32
      %convert_element_type3A_148 = arith.extui %lt3A_147 : i1 to i32
      %cond3A_149 = arith.constant 0 : i32
      %cond3A_150 = arith.cmpi ne, %convert_element_type3A_148, %cond3A_149 : i32
      scf.if %cond3A_150 {
        %add3A_157 = arith.constant 2 : i32
        %add3A_158 = arith.addi %mul3A_136, %add3A_157 : i32
        %mul3A_159 = arith.constant 80 : i32
        %mul3A_160 = arith.muli %add3A_158, %mul3A_159 : i32
        %dma_start3A_161 = tpu.memref_slice %arg7[%mul3A_160] : memref<10000xi32, #tpu.memory_space<vmem>> -> memref<80xi32, #tpu.memory_space<vmem>>
        %dma_start3A_162 = arith.constant 0 : i32
        %dma_start3A_163 = arith.constant 0 : i32
        %dma_start3A_164 = tpu.memref_slice %arg2[%dma_start3A_162, %dma_start3A_163] : memref<10000x128xf32, #tpu.memory_space<hbm>> -> memref<10000x128xf32, #tpu.memory_space<hbm>>
        tpu.enqueue_indirect_dma source(%dma_start3A_164 : memref<10000x128xf32, #tpu.memory_space<hbm>>) target(%arg9 : memref<80x128xf32, #tpu.memory_space<vmem>>) offsets(%dma_start3A_161 : memref<80xi32, #tpu.memory_space<vmem>>) semaphore(%arg11 : memref<!tpu.dma_semaphore, #tpu.memory_space<semaphore_mem>>)
      } else {
      }
      %lt3A_151 = arith.constant 125 : i32
      %lt3A_152 = arith.cmpi slt, %add3A_138, %lt3A_151 : i32
      %convert_element_type3A_153 = arith.extui %lt3A_152 : i1 to i32
      %cond3A_154 = arith.constant 0 : i32
      %cond3A_155 = arith.cmpi ne, %convert_element_type3A_153, %cond3A_154 : i32
      scf.if %cond3A_155 {
        %mul3A_157 = arith.constant 80 : i32
        %mul3A_158 = arith.muli %add3A_138, %mul3A_157 : i32
        %dma_wait3A_159 = tpu.memref_slice %arg7[%mul3A_158] : memref<10000xi32, #tpu.memory_space<vmem>> -> memref<80xi32, #tpu.memory_space<vmem>>
        %dma_wait3A_160 = arith.constant 0 : i32
        %dma_wait3A_161 = arith.constant 0 : i32
        %dma_wait3A_162 = tpu.memref_slice %arg2[%dma_wait3A_160, %dma_wait3A_161] : memref<10000x128xf32, #tpu.memory_space<hbm>> -> memref<10000x128xf32, #tpu.memory_space<hbm>>
        tpu.wait_indirect_dma semaphore(%arg12 : memref<!tpu.dma_semaphore, #tpu.memory_space<semaphore_mem>>) src(%dma_wait3A_162 : memref<10000x128xf32, #tpu.memory_space<hbm>>) dst(%arg10 : memref<80x128xf32, #tpu.memory_space<vmem>>)
        "tpu.region"() ({
          %run_scoped3A = tpu.sem_alloc : memref<!tpu.dma_semaphore, #tpu.memory_space<semaphore_mem>>
          %dma_start3A_170 = arith.constant 0 : i32
          %dma_start3A_171 = tpu.memref_slice %arg8[%add3A_138, %dma_start3A_170] : memref<125x80xi32, #tpu.memory_space<vmem>> -> memref<1x80xi32, #tpu.memory_space<vmem>>
          %dma_start3A_172 = tpu.memref_squeeze %dma_start3A_171 : memref<1x80xi32, #tpu.memory_space<vmem>> -> memref<80xi32, #tpu.memory_space<vmem>>
          %dma_start3A_173 = arith.constant 0 : i32
          %dma_start3A_174 = arith.constant 0 : i32
          %dma_start3A_175 = tpu.memref_slice %arg6[%dma_start3A_173, %dma_start3A_174] : memref<10000x128xf32, #tpu.memory_space<vmem_shared>> -> memref<10000x128xf32, #tpu.memory_space<vmem_shared>>
          tpu.enqueue_indirect_dma source(%arg10 : memref<80x128xf32, #tpu.memory_space<vmem>>) target(%dma_start3A_175 : memref<10000x128xf32, #tpu.memory_space<vmem_shared>>) offsets(%dma_start3A_172 : memref<80xi32, #tpu.memory_space<vmem>>) semaphore(%run_scoped3A : memref<!tpu.dma_semaphore, #tpu.memory_space<semaphore_mem>>) {add = true}
          %dma_wait3A_176 = arith.constant 0 : i32
          %dma_wait3A_177 = tpu.memref_slice %arg8[%add3A_138, %dma_wait3A_176] : memref<125x80xi32, #tpu.memory_space<vmem>> -> memref<1x80xi32, #tpu.memory_space<vmem>>
          %dma_wait3A_178 = tpu.memref_squeeze %dma_wait3A_177 : memref<1x80xi32, #tpu.memory_space<vmem>> -> memref<80xi32, #tpu.memory_space<vmem>>
          %dma_wait3A_179 = arith.constant 0 : i32
          %dma_wait3A_180 = arith.constant 0 : i32
          %dma_wait3A_181 = tpu.memref_slice %arg6[%dma_wait3A_179, %dma_wait3A_180] : memref<10000x128xf32, #tpu.memory_space<vmem_shared>> -> memref<10000x128xf32, #tpu.memory_space<vmem_shared>>
          tpu.wait_indirect_dma semaphore(%run_scoped3A : memref<!tpu.dma_semaphore, #tpu.memory_space<semaphore_mem>>) src(%arg10 : memref<80x128xf32, #tpu.memory_space<vmem>>) dst(%dma_wait3A_181 : memref<10000x128xf32, #tpu.memory_space<vmem_shared>>)
          tpu.yield
        }) : () -> ()
        %add3A_163 = arith.constant 2 : i32
        %add3A_164 = arith.addi %add3A_138, %add3A_163 : i32
        %lt3A_165 = arith.constant 125 : i32
        %lt3A_166 = arith.cmpi slt, %add3A_164, %lt3A_165 : i32
        %convert_element_type3A_167 = arith.extui %lt3A_166 : i1 to i32
        %cond3A_168 = arith.constant 0 : i32
        %cond3A_169 = arith.cmpi ne, %convert_element_type3A_167, %cond3A_168 : i32
        scf.if %cond3A_169 {
          %add3A_170 = arith.constant 2 : i32
          %add3A_171 = arith.addi %add3A_138, %add3A_170 : i32
          %mul3A_172 = arith.constant 80 : i32
          %mul3A_173 = arith.muli %add3A_171, %mul3A_172 : i32
          %dma_start3A_174 = tpu.memref_slice %arg7[%mul3A_173] : memref<10000xi32, #tpu.memory_space<vmem>> -> memref<80xi32, #tpu.memory_space<vmem>>
          %dma_start3A_175 = arith.constant 0 : i32
          %dma_start3A_176 = arith.constant 0 : i32
          %dma_start3A_177 = tpu.memref_slice %arg2[%dma_start3A_175, %dma_start3A_176] : memref<10000x128xf32, #tpu.memory_space<hbm>> -> memref<10000x128xf32, #tpu.memory_space<hbm>>
          tpu.enqueue_indirect_dma source(%dma_start3A_177 : memref<10000x128xf32, #tpu.memory_space<hbm>>) target(%arg10 : memref<80x128xf32, #tpu.memory_space<vmem>>) offsets(%dma_start3A_174 : memref<80xi32, #tpu.memory_space<vmem>>) semaphore(%arg12 : memref<!tpu.dma_semaphore, #tpu.memory_space<semaphore_mem>>)
        } else {
        }
      } else {
      }
      %scan3A_156 = arith.constant 0 : i32
      scf.yield %scan3A_156 : i32
    }
    %scan3A_75 = arith.constant 63 : i32
    %barrier3A_76 = arith.constant 0 : index
    tpu.barrier barrier_id(%barrier3A_76)
    %add3A_77 = arith.constant 0 : i32
    %add3A_78 = arith.addi %add3A_77, %arg1 : i32
    %lt3A_79 = arith.constant 125 : i32
    %lt3A_80 = arith.cmpi slt, %add3A_78, %lt3A_79 : i32
    %convert_element_type3A_81 = arith.extui %lt3A_80 : i1 to i32
    %cond3A_82 = arith.constant 0 : i32
    %cond3A_83 = arith.cmpi ne, %convert_element_type3A_81, %cond3A_82 : i32
    scf.if %cond3A_83 {
      %mul3A_133 = arith.constant 80 : i32
      %mul3A_134 = arith.muli %add3A_78, %mul3A_133 : i32
      "tpu.region"() ({
        %run_scoped3A = tpu.sem_alloc : memref<!tpu.dma_semaphore, #tpu.memory_space<semaphore_mem>>
        %dma_start3A_138 = arith.constant 0 : i32
        %dma_start3A_139 = arith.constant 0 : i32
        %dma_start3A_140 = tpu.memref_slice %arg9[%dma_start3A_138, %dma_start3A_139] : memref<80x128xf32, #tpu.memory_space<vmem>> -> memref<80x128xf32, #tpu.memory_space<vmem>>
        %dma_start3A_141 = arith.constant 0 : i32
        %dma_start3A_142 = tpu.memref_slice %arg6[%mul3A_134, %dma_start3A_141] : memref<10000x128xf32, #tpu.memory_space<vmem_shared>> -> memref<80x128xf32, #tpu.memory_space<vmem_shared>>
        %dma_start3A_143 = arith.constant 0 : i32
        %dma_start3A_144 = arith.constant 0 : i32
        %dma_start3A_145 = tpu.memref_slice %arg9[%dma_start3A_143, %dma_start3A_144] : memref<80x128xf32, #tpu.memory_space<vmem>> -> memref<80x128xf32, #tpu.memory_space<vmem>>
        %dma_start3A_146 = arith.constant 0 : i32
        %dma_start3A_147 = tpu.memref_slice %arg6[%mul3A_134, %dma_start3A_146] : memref<10000x128xf32, #tpu.memory_space<vmem_shared>> -> memref<80x128xf32, #tpu.memory_space<vmem_shared>>
        tpu.enqueue_dma source(%dma_start3A_147 : memref<80x128xf32, #tpu.memory_space<vmem_shared>>) target(%dma_start3A_145 : memref<80x128xf32, #tpu.memory_space<vmem>>) target_semaphore(%run_scoped3A : memref<!tpu.dma_semaphore, #tpu.memory_space<semaphore_mem>>)
        %dma_wait3A = arith.constant 0 : i32
        %dma_wait3A_148 = arith.constant 0 : i32
        %dma_wait3A_149 = tpu.memref_slice %arg9[%dma_wait3A, %dma_wait3A_148] : memref<80x128xf32, #tpu.memory_space<vmem>> -> memref<80x128xf32, #tpu.memory_space<vmem>>
        %dma_wait3A_150 = arith.constant 0 : i32
        %dma_wait3A_151 = tpu.memref_slice %arg6[%mul3A_134, %dma_wait3A_150] : memref<10000x128xf32, #tpu.memory_space<vmem_shared>> -> memref<80x128xf32, #tpu.memory_space<vmem_shared>>
        %dma_wait3A_152 = arith.constant 0 : i32
        %dma_wait3A_153 = arith.constant 0 : i32
        %dma_wait3A_154 = tpu.memref_slice %arg9[%dma_wait3A_152, %dma_wait3A_153] : memref<80x128xf32, #tpu.memory_space<vmem>> -> memref<80x128xf32, #tpu.memory_space<vmem>>
        %dma_wait3A_155 = arith.constant 0 : i32
        %dma_wait3A_156 = tpu.memref_slice %arg6[%mul3A_134, %dma_wait3A_155] : memref<10000x128xf32, #tpu.memory_space<vmem_shared>> -> memref<80x128xf32, #tpu.memory_space<vmem_shared>>
        tpu.wait_dma2 semaphore(%run_scoped3A : memref<!tpu.dma_semaphore, #tpu.memory_space<semaphore_mem>>) src(%dma_wait3A_156 : memref<80x128xf32, #tpu.memory_space<vmem_shared>>) dst(%dma_wait3A_154 : memref<80x128xf32, #tpu.memory_space<vmem>>)
        tpu.yield
      }) : () -> ()
      %mul3A_135 = arith.constant 10000 : i32
      %mul3A_136 = arith.muli %arg0, %mul3A_135 : i32
      %add3A_137 = arith.addi %mul3A_136, %mul3A_134 : i32
      "tpu.region"() ({
        %run_scoped3A = tpu.sem_alloc : memref<!tpu.dma_semaphore, #tpu.memory_space<semaphore_mem>>
        %dma_start3A_138 = arith.constant 0 : i32
        %dma_start3A_139 = arith.constant 0 : i32
        %dma_start3A_140 = tpu.memref_slice %arg9[%dma_start3A_138, %dma_start3A_139] : memref<80x128xf32, #tpu.memory_space<vmem>> -> memref<80x128xf32, #tpu.memory_space<vmem>>
        %dma_start3A_141 = arith.constant 0 : i32
        %dma_start3A_142 = tpu.memref_slice %arg5[%add3A_137, %dma_start3A_141] : memref<20000x128xf32, #tpu.memory_space<hbm>> -> memref<80x128xf32, #tpu.memory_space<hbm>>
        %dma_start3A_143 = arith.constant 0 : i32
        %dma_start3A_144 = tpu.memref_slice %arg5[%add3A_137, %dma_start3A_143] : memref<20000x128xf32, #tpu.memory_space<hbm>> -> memref<80x128xf32, #tpu.memory_space<hbm>>
        %dma_start3A_145 = arith.constant 0 : i32
        %dma_start3A_146 = arith.constant 0 : i32
        %dma_start3A_147 = tpu.memref_slice %arg9[%dma_start3A_145, %dma_start3A_146] : memref<80x128xf32, #tpu.memory_space<vmem>> -> memref<80x128xf32, #tpu.memory_space<vmem>>
        tpu.enqueue_dma source(%dma_start3A_147 : memref<80x128xf32, #tpu.memory_space<vmem>>) target(%dma_start3A_144 : memref<80x128xf32, #tpu.memory_space<hbm>>) target_semaphore(%run_scoped3A : memref<!tpu.dma_semaphore, #tpu.memory_space<semaphore_mem>>)
        %dma_wait3A = arith.constant 0 : i32
        %dma_wait3A_148 = arith.constant 0 : i32
        %dma_wait3A_149 = tpu.memref_slice %arg9[%dma_wait3A, %dma_wait3A_148] : memref<80x128xf32, #tpu.memory_space<vmem>> -> memref<80x128xf32, #tpu.memory_space<vmem>>
        %dma_wait3A_150 = arith.constant 0 : i32
        %dma_wait3A_151 = tpu.memref_slice %arg5[%add3A_137, %dma_wait3A_150] : memref<20000x128xf32, #tpu.memory_space<hbm>> -> memref<80x128xf32, #tpu.memory_space<hbm>>
        %dma_wait3A_152 = arith.constant 0 : i32
        %dma_wait3A_153 = tpu.memref_slice %arg5[%add3A_137, %dma_wait3A_152] : memref<20000x128xf32, #tpu.memory_space<hbm>> -> memref<80x128xf32, #tpu.memory_space<hbm>>
        %dma_wait3A_154 = arith.constant 0 : i32
        %dma_wait3A_155 = arith.constant 0 : i32
        %dma_wait3A_156 = tpu.memref_slice %arg9[%dma_wait3A_154, %dma_wait3A_155] : memref<80x128xf32, #tpu.memory_space<vmem>> -> memref<80x128xf32, #tpu.memory_space<vmem>>
        tpu.wait_dma2 semaphore(%run_scoped3A : memref<!tpu.dma_semaphore, #tpu.memory_space<semaphore_mem>>) src(%dma_wait3A_156 : memref<80x128xf32, #tpu.memory_space<vmem>>) dst(%dma_wait3A_153 : memref<80x128xf32, #tpu.memory_space<hbm>>)
        tpu.yield
      }) : () -> ()
    } else {
    }
    %add3A_84 = arith.constant 16 : i32
    %add3A_85 = arith.addi %add3A_84, %arg1 : i32
    %lt3A_86 = arith.constant 125 : i32
    %lt3A_87 = arith.cmpi slt, %add3A_85, %lt3A_86 : i32
    %convert_element_type3A_88 = arith.extui %lt3A_87 : i1 to i32
    %cond3A_89 = arith.constant 0 : i32
    %cond3A_90 = arith.cmpi ne, %convert_element_type3A_88, %cond3A_89 : i32
    scf.if %cond3A_90 {
      %mul3A_133 = arith.constant 80 : i32
      %mul3A_134 = arith.muli %add3A_85, %mul3A_133 : i32
      "tpu.region"() ({
        %run_scoped3A = tpu.sem_alloc : memref<!tpu.dma_semaphore, #tpu.memory_space<semaphore_mem>>
        %dma_start3A_138 = arith.constant 0 : i32
        %dma_start3A_139 = arith.constant 0 : i32
        %dma_start3A_140 = tpu.memref_slice %arg9[%dma_start3A_138, %dma_start3A_139] : memref<80x128xf32, #tpu.memory_space<vmem>> -> memref<80x128xf32, #tpu.memory_space<vmem>>
        %dma_start3A_141 = arith.constant 0 : i32
        %dma_start3A_142 = tpu.memref_slice %arg6[%mul3A_134, %dma_start3A_141] : memref<10000x128xf32, #tpu.memory_space<vmem_shared>> -> memref<80x128xf32, #tpu.memory_space<vmem_shared>>
        %dma_start3A_143 = arith.constant 0 : i32
        %dma_start3A_144 = arith.constant 0 : i32
        %dma_start3A_145 = tpu.memref_slice %arg9[%dma_start3A_143, %dma_start3A_144] : memref<80x128xf32, #tpu.memory_space<vmem>> -> memref<80x128xf32, #tpu.memory_space<vmem>>
        %dma_start3A_146 = arith.constant 0 : i32
        %dma_start3A_147 = tpu.memref_slice %arg6[%mul3A_134, %dma_start3A_146] : memref<10000x128xf32, #tpu.memory_space<vmem_shared>> -> memref<80x128xf32, #tpu.memory_space<vmem_shared>>
        tpu.enqueue_dma source(%dma_start3A_147 : memref<80x128xf32, #tpu.memory_space<vmem_shared>>) target(%dma_start3A_145 : memref<80x128xf32, #tpu.memory_space<vmem>>) target_semaphore(%run_scoped3A : memref<!tpu.dma_semaphore, #tpu.memory_space<semaphore_mem>>)
        %dma_wait3A = arith.constant 0 : i32
        %dma_wait3A_148 = arith.constant 0 : i32
        %dma_wait3A_149 = tpu.memref_slice %arg9[%dma_wait3A, %dma_wait3A_148] : memref<80x128xf32, #tpu.memory_space<vmem>> -> memref<80x128xf32, #tpu.memory_space<vmem>>
        %dma_wait3A_150 = arith.constant 0 : i32
        %dma_wait3A_151 = tpu.memref_slice %arg6[%mul3A_134, %dma_wait3A_150] : memref<10000x128xf32, #tpu.memory_space<vmem_shared>> -> memref<80x128xf32, #tpu.memory_space<vmem_shared>>
        %dma_wait3A_152 = arith.constant 0 : i32
        %dma_wait3A_153 = arith.constant 0 : i32
        %dma_wait3A_154 = tpu.memref_slice %arg9[%dma_wait3A_152, %dma_wait3A_153] : memref<80x128xf32, #tpu.memory_space<vmem>> -> memref<80x128xf32, #tpu.memory_space<vmem>>
        %dma_wait3A_155 = arith.constant 0 : i32
        %dma_wait3A_156 = tpu.memref_slice %arg6[%mul3A_134, %dma_wait3A_155] : memref<10000x128xf32, #tpu.memory_space<vmem_shared>> -> memref<80x128xf32, #tpu.memory_space<vmem_shared>>
        tpu.wait_dma2 semaphore(%run_scoped3A : memref<!tpu.dma_semaphore, #tpu.memory_space<semaphore_mem>>) src(%dma_wait3A_156 : memref<80x128xf32, #tpu.memory_space<vmem_shared>>) dst(%dma_wait3A_154 : memref<80x128xf32, #tpu.memory_space<vmem>>)
        tpu.yield
      }) : () -> ()
      %mul3A_135 = arith.constant 10000 : i32
      %mul3A_136 = arith.muli %arg0, %mul3A_135 : i32
      %add3A_137 = arith.addi %mul3A_136, %mul3A_134 : i32
      "tpu.region"() ({
        %run_scoped3A = tpu.sem_alloc : memref<!tpu.dma_semaphore, #tpu.memory_space<semaphore_mem>>
        %dma_start3A_138 = arith.constant 0 : i32
        %dma_start3A_139 = arith.constant 0 : i32
        %dma_start3A_140 = tpu.memref_slice %arg9[%dma_start3A_138, %dma_start3A_139] : memref<80x128xf32, #tpu.memory_space<vmem>> -> memref<80x128xf32, #tpu.memory_space<vmem>>
        %dma_start3A_141 = arith.constant 0 : i32
        %dma_start3A_142 = tpu.memref_slice %arg5[%add3A_137, %dma_start3A_141] : memref<20000x128xf32, #tpu.memory_space<hbm>> -> memref<80x128xf32, #tpu.memory_space<hbm>>
        %dma_start3A_143 = arith.constant 0 : i32
        %dma_start3A_144 = tpu.memref_slice %arg5[%add3A_137, %dma_start3A_143] : memref<20000x128xf32, #tpu.memory_space<hbm>> -> memref<80x128xf32, #tpu.memory_space<hbm>>
        %dma_start3A_145 = arith.constant 0 : i32
        %dma_start3A_146 = arith.constant 0 : i32
        %dma_start3A_147 = tpu.memref_slice %arg9[%dma_start3A_145, %dma_start3A_146] : memref<80x128xf32, #tpu.memory_space<vmem>> -> memref<80x128xf32, #tpu.memory_space<vmem>>
        tpu.enqueue_dma source(%dma_start3A_147 : memref<80x128xf32, #tpu.memory_space<vmem>>) target(%dma_start3A_144 : memref<80x128xf32, #tpu.memory_space<hbm>>) target_semaphore(%run_scoped3A : memref<!tpu.dma_semaphore, #tpu.memory_space<semaphore_mem>>)
        %dma_wait3A = arith.constant 0 : i32
        %dma_wait3A_148 = arith.constant 0 : i32
        %dma_wait3A_149 = tpu.memref_slice %arg9[%dma_wait3A, %dma_wait3A_148] : memref<80x128xf32, #tpu.memory_space<vmem>> -> memref<80x128xf32, #tpu.memory_space<vmem>>
        %dma_wait3A_150 = arith.constant 0 : i32
        %dma_wait3A_151 = tpu.memref_slice %arg5[%add3A_137, %dma_wait3A_150] : memref<20000x128xf32, #tpu.memory_space<hbm>> -> memref<80x128xf32, #tpu.memory_space<hbm>>
        %dma_wait3A_152 = arith.constant 0 : i32
        %dma_wait3A_153 = tpu.memref_slice %arg5[%add3A_137, %dma_wait3A_152] : memref<20000x128xf32, #tpu.memory_space<hbm>> -> memref<80x128xf32, #tpu.memory_space<hbm>>
        %dma_wait3A_154 = arith.constant 0 : i32
        %dma_wait3A_155 = arith.constant 0 : i32
        %dma_wait3A_156 = tpu.memref_slice %arg9[%dma_wait3A_154, %dma_wait3A_155] : memref<80x128xf32, #tpu.memory_space<vmem>> -> memref<80x128xf32, #tpu.memory_space<vmem>>
        tpu.wait_dma2 semaphore(%run_scoped3A : memref<!tpu.dma_semaphore, #tpu.memory_space<semaphore_mem>>) src(%dma_wait3A_156 : memref<80x128xf32, #tpu.memory_space<vmem>>) dst(%dma_wait3A_153 : memref<80x128xf32, #tpu.memory_space<hbm>>)
        tpu.yield
      }) : () -> ()
    } else {
    }
    %add3A_91 = arith.constant 32 : i32
    %add3A_92 = arith.addi %add3A_91, %arg1 : i32
    %lt3A_93 = arith.constant 125 : i32
    %lt3A_94 = arith.cmpi slt, %add3A_92, %lt3A_93 : i32
    %convert_element_type3A_95 = arith.extui %lt3A_94 : i1 to i32
    %cond3A_96 = arith.constant 0 : i32
    %cond3A_97 = arith.cmpi ne, %convert_element_type3A_95, %cond3A_96 : i32
    scf.if %cond3A_97 {
      %mul3A_133 = arith.constant 80 : i32
      %mul3A_134 = arith.muli %add3A_92, %mul3A_133 : i32
      "tpu.region"() ({
        %run_scoped3A = tpu.sem_alloc : memref<!tpu.dma_semaphore, #tpu.memory_space<semaphore_mem>>
        %dma_start3A_138 = arith.constant 0 : i32
        %dma_start3A_139 = arith.constant 0 : i32
        %dma_start3A_140 = tpu.memref_slice %arg9[%dma_start3A_138, %dma_start3A_139] : memref<80x128xf32, #tpu.memory_space<vmem>> -> memref<80x128xf32, #tpu.memory_space<vmem>>
        %dma_start3A_141 = arith.constant 0 : i32
        %dma_start3A_142 = tpu.memref_slice %arg6[%mul3A_134, %dma_start3A_141] : memref<10000x128xf32, #tpu.memory_space<vmem_shared>> -> memref<80x128xf32, #tpu.memory_space<vmem_shared>>
        %dma_start3A_143 = arith.constant 0 : i32
        %dma_start3A_144 = arith.constant 0 : i32
        %dma_start3A_145 = tpu.memref_slice %arg9[%dma_start3A_143, %dma_start3A_144] : memref<80x128xf32, #tpu.memory_space<vmem>> -> memref<80x128xf32, #tpu.memory_space<vmem>>
        %dma_start3A_146 = arith.constant 0 : i32
        %dma_start3A_147 = tpu.memref_slice %arg6[%mul3A_134, %dma_start3A_146] : memref<10000x128xf32, #tpu.memory_space<vmem_shared>> -> memref<80x128xf32, #tpu.memory_space<vmem_shared>>
        tpu.enqueue_dma source(%dma_start3A_147 : memref<80x128xf32, #tpu.memory_space<vmem_shared>>) target(%dma_start3A_145 : memref<80x128xf32, #tpu.memory_space<vmem>>) target_semaphore(%run_scoped3A : memref<!tpu.dma_semaphore, #tpu.memory_space<semaphore_mem>>)
        %dma_wait3A = arith.constant 0 : i32
        %dma_wait3A_148 = arith.constant 0 : i32
        %dma_wait3A_149 = tpu.memref_slice %arg9[%dma_wait3A, %dma_wait3A_148] : memref<80x128xf32, #tpu.memory_space<vmem>> -> memref<80x128xf32, #tpu.memory_space<vmem>>
        %dma_wait3A_150 = arith.constant 0 : i32
        %dma_wait3A_151 = tpu.memref_slice %arg6[%mul3A_134, %dma_wait3A_150] : memref<10000x128xf32, #tpu.memory_space<vmem_shared>> -> memref<80x128xf32, #tpu.memory_space<vmem_shared>>
        %dma_wait3A_152 = arith.constant 0 : i32
        %dma_wait3A_153 = arith.constant 0 : i32
        %dma_wait3A_154 = tpu.memref_slice %arg9[%dma_wait3A_152, %dma_wait3A_153] : memref<80x128xf32, #tpu.memory_space<vmem>> -> memref<80x128xf32, #tpu.memory_space<vmem>>
        %dma_wait3A_155 = arith.constant 0 : i32
        %dma_wait3A_156 = tpu.memref_slice %arg6[%mul3A_134, %dma_wait3A_155] : memref<10000x128xf32, #tpu.memory_space<vmem_shared>> -> memref<80x128xf32, #tpu.memory_space<vmem_shared>>
        tpu.wait_dma2 semaphore(%run_scoped3A : memref<!tpu.dma_semaphore, #tpu.memory_space<semaphore_mem>>) src(%dma_wait3A_156 : memref<80x128xf32, #tpu.memory_space<vmem_shared>>) dst(%dma_wait3A_154 : memref<80x128xf32, #tpu.memory_space<vmem>>)
        tpu.yield
      }) : () -> ()
      %mul3A_135 = arith.constant 10000 : i32
      %mul3A_136 = arith.muli %arg0, %mul3A_135 : i32
      %add3A_137 = arith.addi %mul3A_136, %mul3A_134 : i32
      "tpu.region"() ({
        %run_scoped3A = tpu.sem_alloc : memref<!tpu.dma_semaphore, #tpu.memory_space<semaphore_mem>>
        %dma_start3A_138 = arith.constant 0 : i32
        %dma_start3A_139 = arith.constant 0 : i32
        %dma_start3A_140 = tpu.memref_slice %arg9[%dma_start3A_138, %dma_start3A_139] : memref<80x128xf32, #tpu.memory_space<vmem>> -> memref<80x128xf32, #tpu.memory_space<vmem>>
        %dma_start3A_141 = arith.constant 0 : i32
        %dma_start3A_142 = tpu.memref_slice %arg5[%add3A_137, %dma_start3A_141] : memref<20000x128xf32, #tpu.memory_space<hbm>> -> memref<80x128xf32, #tpu.memory_space<hbm>>
        %dma_start3A_143 = arith.constant 0 : i32
        %dma_start3A_144 = tpu.memref_slice %arg5[%add3A_137, %dma_start3A_143] : memref<20000x128xf32, #tpu.memory_space<hbm>> -> memref<80x128xf32, #tpu.memory_space<hbm>>
        %dma_start3A_145 = arith.constant 0 : i32
        %dma_start3A_146 = arith.constant 0 : i32
        %dma_start3A_147 = tpu.memref_slice %arg9[%dma_start3A_145, %dma_start3A_146] : memref<80x128xf32, #tpu.memory_space<vmem>> -> memref<80x128xf32, #tpu.memory_space<vmem>>
        tpu.enqueue_dma source(%dma_start3A_147 : memref<80x128xf32, #tpu.memory_space<vmem>>) target(%dma_start3A_144 : memref<80x128xf32, #tpu.memory_space<hbm>>) target_semaphore(%run_scoped3A : memref<!tpu.dma_semaphore, #tpu.memory_space<semaphore_mem>>)
        %dma_wait3A = arith.constant 0 : i32
        %dma_wait3A_148 = arith.constant 0 : i32
        %dma_wait3A_149 = tpu.memref_slice %arg9[%dma_wait3A, %dma_wait3A_148] : memref<80x128xf32, #tpu.memory_space<vmem>> -> memref<80x128xf32, #tpu.memory_space<vmem>>
        %dma_wait3A_150 = arith.constant 0 : i32
        %dma_wait3A_151 = tpu.memref_slice %arg5[%add3A_137, %dma_wait3A_150] : memref<20000x128xf32, #tpu.memory_space<hbm>> -> memref<80x128xf32, #tpu.memory_space<hbm>>
        %dma_wait3A_152 = arith.constant 0 : i32
        %dma_wait3A_153 = tpu.memref_slice %arg5[%add3A_137, %dma_wait3A_152] : memref<20000x128xf32, #tpu.memory_space<hbm>> -> memref<80x128xf32, #tpu.memory_space<hbm>>
        %dma_wait3A_154 = arith.constant 0 : i32
        %dma_wait3A_155 = arith.constant 0 : i32
        %dma_wait3A_156 = tpu.memref_slice %arg9[%dma_wait3A_154, %dma_wait3A_155] : memref<80x128xf32, #tpu.memory_space<vmem>> -> memref<80x128xf32, #tpu.memory_space<vmem>>
        tpu.wait_dma2 semaphore(%run_scoped3A : memref<!tpu.dma_semaphore, #tpu.memory_space<semaphore_mem>>) src(%dma_wait3A_156 : memref<80x128xf32, #tpu.memory_space<vmem>>) dst(%dma_wait3A_153 : memref<80x128xf32, #tpu.memory_space<hbm>>)
        tpu.yield
      }) : () -> ()
    } else {
    }
    %add3A_98 = arith.constant 48 : i32
    %add3A_99 = arith.addi %add3A_98, %arg1 : i32
    %lt3A_100 = arith.constant 125 : i32
    %lt3A_101 = arith.cmpi slt, %add3A_99, %lt3A_100 : i32
    %convert_element_type3A_102 = arith.extui %lt3A_101 : i1 to i32
    %cond3A_103 = arith.constant 0 : i32
    %cond3A_104 = arith.cmpi ne, %convert_element_type3A_102, %cond3A_103 : i32
    scf.if %cond3A_104 {
      %mul3A_133 = arith.constant 80 : i32
      %mul3A_134 = arith.muli %add3A_99, %mul3A_133 : i32
      "tpu.region"() ({
        %run_scoped3A = tpu.sem_alloc : memref<!tpu.dma_semaphore, #tpu.memory_space<semaphore_mem>>
        %dma_start3A_138 = arith.constant 0 : i32
        %dma_start3A_139 = arith.constant 0 : i32
        %dma_start3A_140 = tpu.memref_slice %arg9[%dma_start3A_138, %dma_start3A_139] : memref<80x128xf32, #tpu.memory_space<vmem>> -> memref<80x128xf32, #tpu.memory_space<vmem>>
        %dma_start3A_141 = arith.constant 0 : i32
        %dma_start3A_142 = tpu.memref_slice %arg6[%mul3A_134, %dma_start3A_141] : memref<10000x128xf32, #tpu.memory_space<vmem_shared>> -> memref<80x128xf32, #tpu.memory_space<vmem_shared>>
        %dma_start3A_143 = arith.constant 0 : i32
        %dma_start3A_144 = arith.constant 0 : i32
        %dma_start3A_145 = tpu.memref_slice %arg9[%dma_start3A_143, %dma_start3A_144] : memref<80x128xf32, #tpu.memory_space<vmem>> -> memref<80x128xf32, #tpu.memory_space<vmem>>
        %dma_start3A_146 = arith.constant 0 : i32
        %dma_start3A_147 = tpu.memref_slice %arg6[%mul3A_134, %dma_start3A_146] : memref<10000x128xf32, #tpu.memory_space<vmem_shared>> -> memref<80x128xf32, #tpu.memory_space<vmem_shared>>
        tpu.enqueue_dma source(%dma_start3A_147 : memref<80x128xf32, #tpu.memory_space<vmem_shared>>) target(%dma_start3A_145 : memref<80x128xf32, #tpu.memory_space<vmem>>) target_semaphore(%run_scoped3A : memref<!tpu.dma_semaphore, #tpu.memory_space<semaphore_mem>>)
        %dma_wait3A = arith.constant 0 : i32
        %dma_wait3A_148 = arith.constant 0 : i32
        %dma_wait3A_149 = tpu.memref_slice %arg9[%dma_wait3A, %dma_wait3A_148] : memref<80x128xf32, #tpu.memory_space<vmem>> -> memref<80x128xf32, #tpu.memory_space<vmem>>
        %dma_wait3A_150 = arith.constant 0 : i32
        %dma_wait3A_151 = tpu.memref_slice %arg6[%mul3A_134, %dma_wait3A_150] : memref<10000x128xf32, #tpu.memory_space<vmem_shared>> -> memref<80x128xf32, #tpu.memory_space<vmem_shared>>
        %dma_wait3A_152 = arith.constant 0 : i32
        %dma_wait3A_153 = arith.constant 0 : i32
        %dma_wait3A_154 = tpu.memref_slice %arg9[%dma_wait3A_152, %dma_wait3A_153] : memref<80x128xf32, #tpu.memory_space<vmem>> -> memref<80x128xf32, #tpu.memory_space<vmem>>
        %dma_wait3A_155 = arith.constant 0 : i32
        %dma_wait3A_156 = tpu.memref_slice %arg6[%mul3A_134, %dma_wait3A_155] : memref<10000x128xf32, #tpu.memory_space<vmem_shared>> -> memref<80x128xf32, #tpu.memory_space<vmem_shared>>
        tpu.wait_dma2 semaphore(%run_scoped3A : memref<!tpu.dma_semaphore, #tpu.memory_space<semaphore_mem>>) src(%dma_wait3A_156 : memref<80x128xf32, #tpu.memory_space<vmem_shared>>) dst(%dma_wait3A_154 : memref<80x128xf32, #tpu.memory_space<vmem>>)
        tpu.yield
      }) : () -> ()
      %mul3A_135 = arith.constant 10000 : i32
      %mul3A_136 = arith.muli %arg0, %mul3A_135 : i32
      %add3A_137 = arith.addi %mul3A_136, %mul3A_134 : i32
      "tpu.region"() ({
        %run_scoped3A = tpu.sem_alloc : memref<!tpu.dma_semaphore, #tpu.memory_space<semaphore_mem>>
        %dma_start3A_138 = arith.constant 0 : i32
        %dma_start3A_139 = arith.constant 0 : i32
        %dma_start3A_140 = tpu.memref_slice %arg9[%dma_start3A_138, %dma_start3A_139] : memref<80x128xf32, #tpu.memory_space<vmem>> -> memref<80x128xf32, #tpu.memory_space<vmem>>
        %dma_start3A_141 = arith.constant 0 : i32
        %dma_start3A_142 = tpu.memref_slice %arg5[%add3A_137, %dma_start3A_141] : memref<20000x128xf32, #tpu.memory_space<hbm>> -> memref<80x128xf32, #tpu.memory_space<hbm>>
        %dma_start3A_143 = arith.constant 0 : i32
        %dma_start3A_144 = tpu.memref_slice %arg5[%add3A_137, %dma_start3A_143] : memref<20000x128xf32, #tpu.memory_space<hbm>> -> memref<80x128xf32, #tpu.memory_space<hbm>>
        %dma_start3A_145 = arith.constant 0 : i32
        %dma_start3A_146 = arith.constant 0 : i32
        %dma_start3A_147 = tpu.memref_slice %arg9[%dma_start3A_145, %dma_start3A_146] : memref<80x128xf32, #tpu.memory_space<vmem>> -> memref<80x128xf32, #tpu.memory_space<vmem>>
        tpu.enqueue_dma source(%dma_start3A_147 : memref<80x128xf32, #tpu.memory_space<vmem>>) target(%dma_start3A_144 : memref<80x128xf32, #tpu.memory_space<hbm>>) target_semaphore(%run_scoped3A : memref<!tpu.dma_semaphore, #tpu.memory_space<semaphore_mem>>)
        %dma_wait3A = arith.constant 0 : i32
        %dma_wait3A_148 = arith.constant 0 : i32
        %dma_wait3A_149 = tpu.memref_slice %arg9[%dma_wait3A, %dma_wait3A_148] : memref<80x128xf32, #tpu.memory_space<vmem>> -> memref<80x128xf32, #tpu.memory_space<vmem>>
        %dma_wait3A_150 = arith.constant 0 : i32
        %dma_wait3A_151 = tpu.memref_slice %arg5[%add3A_137, %dma_wait3A_150] : memref<20000x128xf32, #tpu.memory_space<hbm>> -> memref<80x128xf32, #tpu.memory_space<hbm>>
        %dma_wait3A_152 = arith.constant 0 : i32
        %dma_wait3A_153 = tpu.memref_slice %arg5[%add3A_137, %dma_wait3A_152] : memref<20000x128xf32, #tpu.memory_space<hbm>> -> memref<80x128xf32, #tpu.memory_space<hbm>>
        %dma_wait3A_154 = arith.constant 0 : i32
        %dma_wait3A_155 = arith.constant 0 : i32
        %dma_wait3A_156 = tpu.memref_slice %arg9[%dma_wait3A_154, %dma_wait3A_155] : memref<80x128xf32, #tpu.memory_space<vmem>> -> memref<80x128xf32, #tpu.memory_space<vmem>>
        tpu.wait_dma2 semaphore(%run_scoped3A : memref<!tpu.dma_semaphore, #tpu.memory_space<semaphore_mem>>) src(%dma_wait3A_156 : memref<80x128xf32, #tpu.memory_space<vmem>>) dst(%dma_wait3A_153 : memref<80x128xf32, #tpu.memory_space<hbm>>)
        tpu.yield
      }) : () -> ()
    } else {
    }
    %add3A_105 = arith.constant 64 : i32
    %add3A_106 = arith.addi %add3A_105, %arg1 : i32
    %lt3A_107 = arith.constant 125 : i32
    %lt3A_108 = arith.cmpi slt, %add3A_106, %lt3A_107 : i32
    %convert_element_type3A_109 = arith.extui %lt3A_108 : i1 to i32
    %cond3A_110 = arith.constant 0 : i32
    %cond3A_111 = arith.cmpi ne, %convert_element_type3A_109, %cond3A_110 : i32
    scf.if %cond3A_111 {
      %mul3A_133 = arith.constant 80 : i32
      %mul3A_134 = arith.muli %add3A_106, %mul3A_133 : i32
      "tpu.region"() ({
        %run_scoped3A = tpu.sem_alloc : memref<!tpu.dma_semaphore, #tpu.memory_space<semaphore_mem>>
        %dma_start3A_138 = arith.constant 0 : i32
        %dma_start3A_139 = arith.constant 0 : i32
        %dma_start3A_140 = tpu.memref_slice %arg9[%dma_start3A_138, %dma_start3A_139] : memref<80x128xf32, #tpu.memory_space<vmem>> -> memref<80x128xf32, #tpu.memory_space<vmem>>
        %dma_start3A_141 = arith.constant 0 : i32
        %dma_start3A_142 = tpu.memref_slice %arg6[%mul3A_134, %dma_start3A_141] : memref<10000x128xf32, #tpu.memory_space<vmem_shared>> -> memref<80x128xf32, #tpu.memory_space<vmem_shared>>
        %dma_start3A_143 = arith.constant 0 : i32
        %dma_start3A_144 = arith.constant 0 : i32
        %dma_start3A_145 = tpu.memref_slice %arg9[%dma_start3A_143, %dma_start3A_144] : memref<80x128xf32, #tpu.memory_space<vmem>> -> memref<80x128xf32, #tpu.memory_space<vmem>>
        %dma_start3A_146 = arith.constant 0 : i32
        %dma_start3A_147 = tpu.memref_slice %arg6[%mul3A_134, %dma_start3A_146] : memref<10000x128xf32, #tpu.memory_space<vmem_shared>> -> memref<80x128xf32, #tpu.memory_space<vmem_shared>>
        tpu.enqueue_dma source(%dma_start3A_147 : memref<80x128xf32, #tpu.memory_space<vmem_shared>>) target(%dma_start3A_145 : memref<80x128xf32, #tpu.memory_space<vmem>>) target_semaphore(%run_scoped3A : memref<!tpu.dma_semaphore, #tpu.memory_space<semaphore_mem>>)
        %dma_wait3A = arith.constant 0 : i32
        %dma_wait3A_148 = arith.constant 0 : i32
        %dma_wait3A_149 = tpu.memref_slice %arg9[%dma_wait3A, %dma_wait3A_148] : memref<80x128xf32, #tpu.memory_space<vmem>> -> memref<80x128xf32, #tpu.memory_space<vmem>>
        %dma_wait3A_150 = arith.constant 0 : i32
        %dma_wait3A_151 = tpu.memref_slice %arg6[%mul3A_134, %dma_wait3A_150] : memref<10000x128xf32, #tpu.memory_space<vmem_shared>> -> memref<80x128xf32, #tpu.memory_space<vmem_shared>>
        %dma_wait3A_152 = arith.constant 0 : i32
        %dma_wait3A_153 = arith.constant 0 : i32
        %dma_wait3A_154 = tpu.memref_slice %arg9[%dma_wait3A_152, %dma_wait3A_153] : memref<80x128xf32, #tpu.memory_space<vmem>> -> memref<80x128xf32, #tpu.memory_space<vmem>>
        %dma_wait3A_155 = arith.constant 0 : i32
        %dma_wait3A_156 = tpu.memref_slice %arg6[%mul3A_134, %dma_wait3A_155] : memref<10000x128xf32, #tpu.memory_space<vmem_shared>> -> memref<80x128xf32, #tpu.memory_space<vmem_shared>>
        tpu.wait_dma2 semaphore(%run_scoped3A : memref<!tpu.dma_semaphore, #tpu.memory_space<semaphore_mem>>) src(%dma_wait3A_156 : memref<80x128xf32, #tpu.memory_space<vmem_shared>>) dst(%dma_wait3A_154 : memref<80x128xf32, #tpu.memory_space<vmem>>)
        tpu.yield
      }) : () -> ()
      %mul3A_135 = arith.constant 10000 : i32
      %mul3A_136 = arith.muli %arg0, %mul3A_135 : i32
      %add3A_137 = arith.addi %mul3A_136, %mul3A_134 : i32
      "tpu.region"() ({
        %run_scoped3A = tpu.sem_alloc : memref<!tpu.dma_semaphore, #tpu.memory_space<semaphore_mem>>
        %dma_start3A_138 = arith.constant 0 : i32
        %dma_start3A_139 = arith.constant 0 : i32
        %dma_start3A_140 = tpu.memref_slice %arg9[%dma_start3A_138, %dma_start3A_139] : memref<80x128xf32, #tpu.memory_space<vmem>> -> memref<80x128xf32, #tpu.memory_space<vmem>>
        %dma_start3A_141 = arith.constant 0 : i32
        %dma_start3A_142 = tpu.memref_slice %arg5[%add3A_137, %dma_start3A_141] : memref<20000x128xf32, #tpu.memory_space<hbm>> -> memref<80x128xf32, #tpu.memory_space<hbm>>
        %dma_start3A_143 = arith.constant 0 : i32
        %dma_start3A_144 = tpu.memref_slice %arg5[%add3A_137, %dma_start3A_143] : memref<20000x128xf32, #tpu.memory_space<hbm>> -> memref<80x128xf32, #tpu.memory_space<hbm>>
        %dma_start3A_145 = arith.constant 0 : i32
        %dma_start3A_146 = arith.constant 0 : i32
        %dma_start3A_147 = tpu.memref_slice %arg9[%dma_start3A_145, %dma_start3A_146] : memref<80x128xf32, #tpu.memory_space<vmem>> -> memref<80x128xf32, #tpu.memory_space<vmem>>
        tpu.enqueue_dma source(%dma_start3A_147 : memref<80x128xf32, #tpu.memory_space<vmem>>) target(%dma_start3A_144 : memref<80x128xf32, #tpu.memory_space<hbm>>) target_semaphore(%run_scoped3A : memref<!tpu.dma_semaphore, #tpu.memory_space<semaphore_mem>>)
        %dma_wait3A = arith.constant 0 : i32
        %dma_wait3A_148 = arith.constant 0 : i32
        %dma_wait3A_149 = tpu.memref_slice %arg9[%dma_wait3A, %dma_wait3A_148] : memref<80x128xf32, #tpu.memory_space<vmem>> -> memref<80x128xf32, #tpu.memory_space<vmem>>
        %dma_wait3A_150 = arith.constant 0 : i32
        %dma_wait3A_151 = tpu.memref_slice %arg5[%add3A_137, %dma_wait3A_150] : memref<20000x128xf32, #tpu.memory_space<hbm>> -> memref<80x128xf32, #tpu.memory_space<hbm>>
        %dma_wait3A_152 = arith.constant 0 : i32
        %dma_wait3A_153 = tpu.memref_slice %arg5[%add3A_137, %dma_wait3A_152] : memref<20000x128xf32, #tpu.memory_space<hbm>> -> memref<80x128xf32, #tpu.memory_space<hbm>>
        %dma_wait3A_154 = arith.constant 0 : i32
        %dma_wait3A_155 = arith.constant 0 : i32
        %dma_wait3A_156 = tpu.memref_slice %arg9[%dma_wait3A_154, %dma_wait3A_155] : memref<80x128xf32, #tpu.memory_space<vmem>> -> memref<80x128xf32, #tpu.memory_space<vmem>>
        tpu.wait_dma2 semaphore(%run_scoped3A : memref<!tpu.dma_semaphore, #tpu.memory_space<semaphore_mem>>) src(%dma_wait3A_156 : memref<80x128xf32, #tpu.memory_space<vmem>>) dst(%dma_wait3A_153 : memref<80x128xf32, #tpu.memory_space<hbm>>)
        tpu.yield
      }) : () -> ()
    } else {
    }
    %add3A_112 = arith.constant 80 : i32
    %add3A_113 = arith.addi %add3A_112, %arg1 : i32
    %lt3A_114 = arith.constant 125 : i32
    %lt3A_115 = arith.cmpi slt, %add3A_113, %lt3A_114 : i32
    %convert_element_type3A_116 = arith.extui %lt3A_115 : i1 to i32
    %cond3A_117 = arith.constant 0 : i32
    %cond3A_118 = arith.cmpi ne, %convert_element_type3A_116, %cond3A_117 : i32
    scf.if %cond3A_118 {
      %mul3A_133 = arith.constant 80 : i32
      %mul3A_134 = arith.muli %add3A_113, %mul3A_133 : i32
      "tpu.region"() ({
        %run_scoped3A = tpu.sem_alloc : memref<!tpu.dma_semaphore, #tpu.memory_space<semaphore_mem>>
        %dma_start3A_138 = arith.constant 0 : i32
        %dma_start3A_139 = arith.constant 0 : i32
        %dma_start3A_140 = tpu.memref_slice %arg9[%dma_start3A_138, %dma_start3A_139] : memref<80x128xf32, #tpu.memory_space<vmem>> -> memref<80x128xf32, #tpu.memory_space<vmem>>
        %dma_start3A_141 = arith.constant 0 : i32
        %dma_start3A_142 = tpu.memref_slice %arg6[%mul3A_134, %dma_start3A_141] : memref<10000x128xf32, #tpu.memory_space<vmem_shared>> -> memref<80x128xf32, #tpu.memory_space<vmem_shared>>
        %dma_start3A_143 = arith.constant 0 : i32
        %dma_start3A_144 = arith.constant 0 : i32
        %dma_start3A_145 = tpu.memref_slice %arg9[%dma_start3A_143, %dma_start3A_144] : memref<80x128xf32, #tpu.memory_space<vmem>> -> memref<80x128xf32, #tpu.memory_space<vmem>>
        %dma_start3A_146 = arith.constant 0 : i32
        %dma_start3A_147 = tpu.memref_slice %arg6[%mul3A_134, %dma_start3A_146] : memref<10000x128xf32, #tpu.memory_space<vmem_shared>> -> memref<80x128xf32, #tpu.memory_space<vmem_shared>>
        tpu.enqueue_dma source(%dma_start3A_147 : memref<80x128xf32, #tpu.memory_space<vmem_shared>>) target(%dma_start3A_145 : memref<80x128xf32, #tpu.memory_space<vmem>>) target_semaphore(%run_scoped3A : memref<!tpu.dma_semaphore, #tpu.memory_space<semaphore_mem>>)
        %dma_wait3A = arith.constant 0 : i32
        %dma_wait3A_148 = arith.constant 0 : i32
        %dma_wait3A_149 = tpu.memref_slice %arg9[%dma_wait3A, %dma_wait3A_148] : memref<80x128xf32, #tpu.memory_space<vmem>> -> memref<80x128xf32, #tpu.memory_space<vmem>>
        %dma_wait3A_150 = arith.constant 0 : i32
        %dma_wait3A_151 = tpu.memref_slice %arg6[%mul3A_134, %dma_wait3A_150] : memref<10000x128xf32, #tpu.memory_space<vmem_shared>> -> memref<80x128xf32, #tpu.memory_space<vmem_shared>>
        %dma_wait3A_152 = arith.constant 0 : i32
        %dma_wait3A_153 = arith.constant 0 : i32
        %dma_wait3A_154 = tpu.memref_slice %arg9[%dma_wait3A_152, %dma_wait3A_153] : memref<80x128xf32, #tpu.memory_space<vmem>> -> memref<80x128xf32, #tpu.memory_space<vmem>>
        %dma_wait3A_155 = arith.constant 0 : i32
        %dma_wait3A_156 = tpu.memref_slice %arg6[%mul3A_134, %dma_wait3A_155] : memref<10000x128xf32, #tpu.memory_space<vmem_shared>> -> memref<80x128xf32, #tpu.memory_space<vmem_shared>>
        tpu.wait_dma2 semaphore(%run_scoped3A : memref<!tpu.dma_semaphore, #tpu.memory_space<semaphore_mem>>) src(%dma_wait3A_156 : memref<80x128xf32, #tpu.memory_space<vmem_shared>>) dst(%dma_wait3A_154 : memref<80x128xf32, #tpu.memory_space<vmem>>)
        tpu.yield
      }) : () -> ()
      %mul3A_135 = arith.constant 10000 : i32
      %mul3A_136 = arith.muli %arg0, %mul3A_135 : i32
      %add3A_137 = arith.addi %mul3A_136, %mul3A_134 : i32
      "tpu.region"() ({
        %run_scoped3A = tpu.sem_alloc : memref<!tpu.dma_semaphore, #tpu.memory_space<semaphore_mem>>
        %dma_start3A_138 = arith.constant 0 : i32
        %dma_start3A_139 = arith.constant 0 : i32
        %dma_start3A_140 = tpu.memref_slice %arg9[%dma_start3A_138, %dma_start3A_139] : memref<80x128xf32, #tpu.memory_space<vmem>> -> memref<80x128xf32, #tpu.memory_space<vmem>>
        %dma_start3A_141 = arith.constant 0 : i32
        %dma_start3A_142 = tpu.memref_slice %arg5[%add3A_137, %dma_start3A_141] : memref<20000x128xf32, #tpu.memory_space<hbm>> -> memref<80x128xf32, #tpu.memory_space<hbm>>
        %dma_start3A_143 = arith.constant 0 : i32
        %dma_start3A_144 = tpu.memref_slice %arg5[%add3A_137, %dma_start3A_143] : memref<20000x128xf32, #tpu.memory_space<hbm>> -> memref<80x128xf32, #tpu.memory_space<hbm>>
        %dma_start3A_145 = arith.constant 0 : i32
        %dma_start3A_146 = arith.constant 0 : i32
        %dma_start3A_147 = tpu.memref_slice %arg9[%dma_start3A_145, %dma_start3A_146] : memref<80x128xf32, #tpu.memory_space<vmem>> -> memref<80x128xf32, #tpu.memory_space<vmem>>
        tpu.enqueue_dma source(%dma_start3A_147 : memref<80x128xf32, #tpu.memory_space<vmem>>) target(%dma_start3A_144 : memref<80x128xf32, #tpu.memory_space<hbm>>) target_semaphore(%run_scoped3A : memref<!tpu.dma_semaphore, #tpu.memory_space<semaphore_mem>>)
        %dma_wait3A = arith.constant 0 : i32
        %dma_wait3A_148 = arith.constant 0 : i32
        %dma_wait3A_149 = tpu.memref_slice %arg9[%dma_wait3A, %dma_wait3A_148] : memref<80x128xf32, #tpu.memory_space<vmem>> -> memref<80x128xf32, #tpu.memory_space<vmem>>
        %dma_wait3A_150 = arith.constant 0 : i32
        %dma_wait3A_151 = tpu.memref_slice %arg5[%add3A_137, %dma_wait3A_150] : memref<20000x128xf32, #tpu.memory_space<hbm>> -> memref<80x128xf32, #tpu.memory_space<hbm>>
        %dma_wait3A_152 = arith.constant 0 : i32
        %dma_wait3A_153 = tpu.memref_slice %arg5[%add3A_137, %dma_wait3A_152] : memref<20000x128xf32, #tpu.memory_space<hbm>> -> memref<80x128xf32, #tpu.memory_space<hbm>>
        %dma_wait3A_154 = arith.constant 0 : i32
        %dma_wait3A_155 = arith.constant 0 : i32
        %dma_wait3A_156 = tpu.memref_slice %arg9[%dma_wait3A_154, %dma_wait3A_155] : memref<80x128xf32, #tpu.memory_space<vmem>> -> memref<80x128xf32, #tpu.memory_space<vmem>>
        tpu.wait_dma2 semaphore(%run_scoped3A : memref<!tpu.dma_semaphore, #tpu.memory_space<semaphore_mem>>) src(%dma_wait3A_156 : memref<80x128xf32, #tpu.memory_space<vmem>>) dst(%dma_wait3A_153 : memref<80x128xf32, #tpu.memory_space<hbm>>)
        tpu.yield
      }) : () -> ()
    } else {
    }
    %add3A_119 = arith.constant 96 : i32
    %add3A_120 = arith.addi %add3A_119, %arg1 : i32
    %lt3A_121 = arith.constant 125 : i32
    %lt3A_122 = arith.cmpi slt, %add3A_120, %lt3A_121 : i32
    %convert_element_type3A_123 = arith.extui %lt3A_122 : i1 to i32
    %cond3A_124 = arith.constant 0 : i32
    %cond3A_125 = arith.cmpi ne, %convert_element_type3A_123, %cond3A_124 : i32
    scf.if %cond3A_125 {
      %mul3A_133 = arith.constant 80 : i32
      %mul3A_134 = arith.muli %add3A_120, %mul3A_133 : i32
      "tpu.region"() ({
        %run_scoped3A = tpu.sem_alloc : memref<!tpu.dma_semaphore, #tpu.memory_space<semaphore_mem>>
        %dma_start3A_138 = arith.constant 0 : i32
        %dma_start3A_139 = arith.constant 0 : i32
        %dma_start3A_140 = tpu.memref_slice %arg9[%dma_start3A_138, %dma_start3A_139] : memref<80x128xf32, #tpu.memory_space<vmem>> -> memref<80x128xf32, #tpu.memory_space<vmem>>
        %dma_start3A_141 = arith.constant 0 : i32
        %dma_start3A_142 = tpu.memref_slice %arg6[%mul3A_134, %dma_start3A_141] : memref<10000x128xf32, #tpu.memory_space<vmem_shared>> -> memref<80x128xf32, #tpu.memory_space<vmem_shared>>
        %dma_start3A_143 = arith.constant 0 : i32
        %dma_start3A_144 = arith.constant 0 : i32
        %dma_start3A_145 = tpu.memref_slice %arg9[%dma_start3A_143, %dma_start3A_144] : memref<80x128xf32, #tpu.memory_space<vmem>> -> memref<80x128xf32, #tpu.memory_space<vmem>>
        %dma_start3A_146 = arith.constant 0 : i32
        %dma_start3A_147 = tpu.memref_slice %arg6[%mul3A_134, %dma_start3A_146] : memref<10000x128xf32, #tpu.memory_space<vmem_shared>> -> memref<80x128xf32, #tpu.memory_space<vmem_shared>>
        tpu.enqueue_dma source(%dma_start3A_147 : memref<80x128xf32, #tpu.memory_space<vmem_shared>>) target(%dma_start3A_145 : memref<80x128xf32, #tpu.memory_space<vmem>>) target_semaphore(%run_scoped3A : memref<!tpu.dma_semaphore, #tpu.memory_space<semaphore_mem>>)
        %dma_wait3A = arith.constant 0 : i32
        %dma_wait3A_148 = arith.constant 0 : i32
        %dma_wait3A_149 = tpu.memref_slice %arg9[%dma_wait3A, %dma_wait3A_148] : memref<80x128xf32, #tpu.memory_space<vmem>> -> memref<80x128xf32, #tpu.memory_space<vmem>>
        %dma_wait3A_150 = arith.constant 0 : i32
        %dma_wait3A_151 = tpu.memref_slice %arg6[%mul3A_134, %dma_wait3A_150] : memref<10000x128xf32, #tpu.memory_space<vmem_shared>> -> memref<80x128xf32, #tpu.memory_space<vmem_shared>>
        %dma_wait3A_152 = arith.constant 0 : i32
        %dma_wait3A_153 = arith.constant 0 : i32
        %dma_wait3A_154 = tpu.memref_slice %arg9[%dma_wait3A_152, %dma_wait3A_153] : memref<80x128xf32, #tpu.memory_space<vmem>> -> memref<80x128xf32, #tpu.memory_space<vmem>>
        %dma_wait3A_155 = arith.constant 0 : i32
        %dma_wait3A_156 = tpu.memref_slice %arg6[%mul3A_134, %dma_wait3A_155] : memref<10000x128xf32, #tpu.memory_space<vmem_shared>> -> memref<80x128xf32, #tpu.memory_space<vmem_shared>>
        tpu.wait_dma2 semaphore(%run_scoped3A : memref<!tpu.dma_semaphore, #tpu.memory_space<semaphore_mem>>) src(%dma_wait3A_156 : memref<80x128xf32, #tpu.memory_space<vmem_shared>>) dst(%dma_wait3A_154 : memref<80x128xf32, #tpu.memory_space<vmem>>)
        tpu.yield
      }) : () -> ()
      %mul3A_135 = arith.constant 10000 : i32
      %mul3A_136 = arith.muli %arg0, %mul3A_135 : i32
      %add3A_137 = arith.addi %mul3A_136, %mul3A_134 : i32
      "tpu.region"() ({
        %run_scoped3A = tpu.sem_alloc : memref<!tpu.dma_semaphore, #tpu.memory_space<semaphore_mem>>
        %dma_start3A_138 = arith.constant 0 : i32
        %dma_start3A_139 = arith.constant 0 : i32
        %dma_start3A_140 = tpu.memref_slice %arg9[%dma_start3A_138, %dma_start3A_139] : memref<80x128xf32, #tpu.memory_space<vmem>> -> memref<80x128xf32, #tpu.memory_space<vmem>>
        %dma_start3A_141 = arith.constant 0 : i32
        %dma_start3A_142 = tpu.memref_slice %arg5[%add3A_137, %dma_start3A_141] : memref<20000x128xf32, #tpu.memory_space<hbm>> -> memref<80x128xf32, #tpu.memory_space<hbm>>
        %dma_start3A_143 = arith.constant 0 : i32
        %dma_start3A_144 = tpu.memref_slice %arg5[%add3A_137, %dma_start3A_143] : memref<20000x128xf32, #tpu.memory_space<hbm>> -> memref<80x128xf32, #tpu.memory_space<hbm>>
        %dma_start3A_145 = arith.constant 0 : i32
        %dma_start3A_146 = arith.constant 0 : i32
        %dma_start3A_147 = tpu.memref_slice %arg9[%dma_start3A_145, %dma_start3A_146] : memref<80x128xf32, #tpu.memory_space<vmem>> -> memref<80x128xf32, #tpu.memory_space<vmem>>
        tpu.enqueue_dma source(%dma_start3A_147 : memref<80x128xf32, #tpu.memory_space<vmem>>) target(%dma_start3A_144 : memref<80x128xf32, #tpu.memory_space<hbm>>) target_semaphore(%run_scoped3A : memref<!tpu.dma_semaphore, #tpu.memory_space<semaphore_mem>>)
        %dma_wait3A = arith.constant 0 : i32
        %dma_wait3A_148 = arith.constant 0 : i32
        %dma_wait3A_149 = tpu.memref_slice %arg9[%dma_wait3A, %dma_wait3A_148] : memref<80x128xf32, #tpu.memory_space<vmem>> -> memref<80x128xf32, #tpu.memory_space<vmem>>
        %dma_wait3A_150 = arith.constant 0 : i32
        %dma_wait3A_151 = tpu.memref_slice %arg5[%add3A_137, %dma_wait3A_150] : memref<20000x128xf32, #tpu.memory_space<hbm>> -> memref<80x128xf32, #tpu.memory_space<hbm>>
        %dma_wait3A_152 = arith.constant 0 : i32
        %dma_wait3A_153 = tpu.memref_slice %arg5[%add3A_137, %dma_wait3A_152] : memref<20000x128xf32, #tpu.memory_space<hbm>> -> memref<80x128xf32, #tpu.memory_space<hbm>>
        %dma_wait3A_154 = arith.constant 0 : i32
        %dma_wait3A_155 = arith.constant 0 : i32
        %dma_wait3A_156 = tpu.memref_slice %arg9[%dma_wait3A_154, %dma_wait3A_155] : memref<80x128xf32, #tpu.memory_space<vmem>> -> memref<80x128xf32, #tpu.memory_space<vmem>>
        tpu.wait_dma2 semaphore(%run_scoped3A : memref<!tpu.dma_semaphore, #tpu.memory_space<semaphore_mem>>) src(%dma_wait3A_156 : memref<80x128xf32, #tpu.memory_space<vmem>>) dst(%dma_wait3A_153 : memref<80x128xf32, #tpu.memory_space<hbm>>)
        tpu.yield
      }) : () -> ()
    } else {
    }
    %add3A_126 = arith.constant 112 : i32
    %add3A_127 = arith.addi %add3A_126, %arg1 : i32
    %lt3A_128 = arith.constant 125 : i32
    %lt3A_129 = arith.cmpi slt, %add3A_127, %lt3A_128 : i32
    %convert_element_type3A_130 = arith.extui %lt3A_129 : i1 to i32
    %cond3A_131 = arith.constant 0 : i32
    %cond3A_132 = arith.cmpi ne, %convert_element_type3A_130, %cond3A_131 : i32
    scf.if %cond3A_132 {
      %mul3A_133 = arith.constant 80 : i32
      %mul3A_134 = arith.muli %add3A_127, %mul3A_133 : i32
      "tpu.region"() ({
        %run_scoped3A = tpu.sem_alloc : memref<!tpu.dma_semaphore, #tpu.memory_space<semaphore_mem>>
        %dma_start3A_138 = arith.constant 0 : i32
        %dma_start3A_139 = arith.constant 0 : i32
        %dma_start3A_140 = tpu.memref_slice %arg9[%dma_start3A_138, %dma_start3A_139] : memref<80x128xf32, #tpu.memory_space<vmem>> -> memref<80x128xf32, #tpu.memory_space<vmem>>
        %dma_start3A_141 = arith.constant 0 : i32
        %dma_start3A_142 = tpu.memref_slice %arg6[%mul3A_134, %dma_start3A_141] : memref<10000x128xf32, #tpu.memory_space<vmem_shared>> -> memref<80x128xf32, #tpu.memory_space<vmem_shared>>
        %dma_start3A_143 = arith.constant 0 : i32
        %dma_start3A_144 = arith.constant 0 : i32
        %dma_start3A_145 = tpu.memref_slice %arg9[%dma_start3A_143, %dma_start3A_144] : memref<80x128xf32, #tpu.memory_space<vmem>> -> memref<80x128xf32, #tpu.memory_space<vmem>>
        %dma_start3A_146 = arith.constant 0 : i32
        %dma_start3A_147 = tpu.memref_slice %arg6[%mul3A_134, %dma_start3A_146] : memref<10000x128xf32, #tpu.memory_space<vmem_shared>> -> memref<80x128xf32, #tpu.memory_space<vmem_shared>>
        tpu.enqueue_dma source(%dma_start3A_147 : memref<80x128xf32, #tpu.memory_space<vmem_shared>>) target(%dma_start3A_145 : memref<80x128xf32, #tpu.memory_space<vmem>>) target_semaphore(%run_scoped3A : memref<!tpu.dma_semaphore, #tpu.memory_space<semaphore_mem>>)
        %dma_wait3A = arith.constant 0 : i32
        %dma_wait3A_148 = arith.constant 0 : i32
        %dma_wait3A_149 = tpu.memref_slice %arg9[%dma_wait3A, %dma_wait3A_148] : memref<80x128xf32, #tpu.memory_space<vmem>> -> memref<80x128xf32, #tpu.memory_space<vmem>>
        %dma_wait3A_150 = arith.constant 0 : i32
        %dma_wait3A_151 = tpu.memref_slice %arg6[%mul3A_134, %dma_wait3A_150] : memref<10000x128xf32, #tpu.memory_space<vmem_shared>> -> memref<80x128xf32, #tpu.memory_space<vmem_shared>>
        %dma_wait3A_152 = arith.constant 0 : i32
        %dma_wait3A_153 = arith.constant 0 : i32
        %dma_wait3A_154 = tpu.memref_slice %arg9[%dma_wait3A_152, %dma_wait3A_153] : memref<80x128xf32, #tpu.memory_space<vmem>> -> memref<80x128xf32, #tpu.memory_space<vmem>>
        %dma_wait3A_155 = arith.constant 0 : i32
        %dma_wait3A_156 = tpu.memref_slice %arg6[%mul3A_134, %dma_wait3A_155] : memref<10000x128xf32, #tpu.memory_space<vmem_shared>> -> memref<80x128xf32, #tpu.memory_space<vmem_shared>>
        tpu.wait_dma2 semaphore(%run_scoped3A : memref<!tpu.dma_semaphore, #tpu.memory_space<semaphore_mem>>) src(%dma_wait3A_156 : memref<80x128xf32, #tpu.memory_space<vmem_shared>>) dst(%dma_wait3A_154 : memref<80x128xf32, #tpu.memory_space<vmem>>)
        tpu.yield
      }) : () -> ()
      %mul3A_135 = arith.constant 10000 : i32
      %mul3A_136 = arith.muli %arg0, %mul3A_135 : i32
      %add3A_137 = arith.addi %mul3A_136, %mul3A_134 : i32
      "tpu.region"() ({
        %run_scoped3A = tpu.sem_alloc : memref<!tpu.dma_semaphore, #tpu.memory_space<semaphore_mem>>
        %dma_start3A_138 = arith.constant 0 : i32
        %dma_start3A_139 = arith.constant 0 : i32
        %dma_start3A_140 = tpu.memref_slice %arg9[%dma_start3A_138, %dma_start3A_139] : memref<80x128xf32, #tpu.memory_space<vmem>> -> memref<80x128xf32, #tpu.memory_space<vmem>>
        %dma_start3A_141 = arith.constant 0 : i32
        %dma_start3A_142 = tpu.memref_slice %arg5[%add3A_137, %dma_start3A_141] : memref<20000x128xf32, #tpu.memory_space<hbm>> -> memref<80x128xf32, #tpu.memory_space<hbm>>
        %dma_start3A_143 = arith.constant 0 : i32
        %dma_start3A_144 = tpu.memref_slice %arg5[%add3A_137, %dma_start3A_143] : memref<20000x128xf32, #tpu.memory_space<hbm>> -> memref<80x128xf32, #tpu.memory_space<hbm>>
        %dma_start3A_145 = arith.constant 0 : i32
        %dma_start3A_146 = arith.constant 0 : i32
        %dma_start3A_147 = tpu.memref_slice %arg9[%dma_start3A_145, %dma_start3A_146] : memref<80x128xf32, #tpu.memory_space<vmem>> -> memref<80x128xf32, #tpu.memory_space<vmem>>
        tpu.enqueue_dma source(%dma_start3A_147 : memref<80x128xf32, #tpu.memory_space<vmem>>) target(%dma_start3A_144 : memref<80x128xf32, #tpu.memory_space<hbm>>) target_semaphore(%run_scoped3A : memref<!tpu.dma_semaphore, #tpu.memory_space<semaphore_mem>>)
        %dma_wait3A = arith.constant 0 : i32
        %dma_wait3A_148 = arith.constant 0 : i32
        %dma_wait3A_149 = tpu.memref_slice %arg9[%dma_wait3A, %dma_wait3A_148] : memref<80x128xf32, #tpu.memory_space<vmem>> -> memref<80x128xf32, #tpu.memory_space<vmem>>
        %dma_wait3A_150 = arith.constant 0 : i32
        %dma_wait3A_151 = tpu.memref_slice %arg5[%add3A_137, %dma_wait3A_150] : memref<20000x128xf32, #tpu.memory_space<hbm>> -> memref<80x128xf32, #tpu.memory_space<hbm>>
        %dma_wait3A_152 = arith.constant 0 : i32
        %dma_wait3A_153 = tpu.memref_slice %arg5[%add3A_137, %dma_wait3A_152] : memref<20000x128xf32, #tpu.memory_space<hbm>> -> memref<80x128xf32, #tpu.memory_space<hbm>>
        %dma_wait3A_154 = arith.constant 0 : i32
        %dma_wait3A_155 = arith.constant 0 : i32
        %dma_wait3A_156 = tpu.memref_slice %arg9[%dma_wait3A_154, %dma_wait3A_155] : memref<80x128xf32, #tpu.memory_space<vmem>> -> memref<80x128xf32, #tpu.memory_space<vmem>>
        tpu.wait_dma2 semaphore(%run_scoped3A : memref<!tpu.dma_semaphore, #tpu.memory_space<semaphore_mem>>) src(%dma_wait3A_156 : memref<80x128xf32, #tpu.memory_space<vmem>>) dst(%dma_wait3A_153 : memref<80x128xf32, #tpu.memory_space<hbm>>)
        tpu.yield
      }) : () -> ()
    } else {
    }
    return
  }
}

#map = affine_map<(d0, d1) -> (0, 0, 0)>
#map1 = affine_map<(d0, d1) -> (0, 0)>
module attributes {stable_mosaic.version = 14 : i64} {
  func.func @_deg_body(%arg0: i32, %arg1: i32, %arg2: memref<32x125x80xi32, #tpu.memory_space<hbm>>, %arg3: memref<20000x128xf32, #tpu.memory_space<hbm>>, %arg4: memref<10000x128xf32, #tpu.memory_space<vmem_shared>>, %arg5: memref<125x80xi32, #tpu.memory_space<vmem>>, %arg6: memref<80x128xf32, #tpu.memory_space<vmem>>) attributes {dimension_semantics = [#tpu.dimension_semantics<core_parallel>, #tpu.dimension_semantics<subcore_parallel>], iteration_bounds = array<i64: 2, 16>, scalar_prefetch = 0 : i64, scratch_operands = 3 : i64, tpu.core_type = #tpu.core_type<sc_vector_subcore>, window_params = [{transform_indices = #map}, {transform_indices = #map1}]} {
    %mul3A = arith.constant 2 : i32
    %mul3A_0 = arith.muli %arg1, %mul3A : i32
    %add3A = arith.addi %mul3A_0, %arg0 : i32
    %scan3A = arith.constant 0 : i32
    %scan3A_1 = arith.constant 0 : i32
    %scan3A_2 = arith.constant 640 : i32
    %scan3A_3 = arith.addi %scan3A_1, %scan3A_2 : i32
    %scan3A_4 = arith.constant 1 : i32
    %scan3A_5 = scf.for %scan3A_131 = %scan3A_1 to %scan3A_3 step %scan3A_4 iter_args(%scan3A_132 = %scan3A) -> (i32)  : i32 {
      %jit3A = arith.constant 8 : i32
      %div3A = arith.divsi %scan3A_131, %jit3A : i32
      %sign3A = arith.constant 0 : i32
      %sign3A_133 = arith.cmpi sgt, %scan3A_131, %sign3A : i32
      %sign3A_134 = arith.extui %sign3A_133 : i1 to i32
      %sign3A_135 = arith.constant 0 : i32
      %sign3A_136 = arith.cmpi slt, %scan3A_131, %sign3A_135 : i32
      %sign3A_137 = arith.extui %sign3A_136 : i1 to i32
      %sign3A_138 = arith.subi %sign3A_134, %sign3A_137 : i32
      %sign3A_139 = arith.constant 0 : i32
      %sign3A_140 = arith.cmpi sgt, %jit3A, %sign3A_139 : i32
      %sign3A_141 = arith.extui %sign3A_140 : i1 to i32
      %sign3A_142 = arith.constant 0 : i32
      %sign3A_143 = arith.cmpi slt, %jit3A, %sign3A_142 : i32
      %sign3A_144 = arith.extui %sign3A_143 : i1 to i32
      %sign3A_145 = arith.subi %sign3A_141, %sign3A_144 : i32
      %ne3A = arith.cmpi ne, %sign3A_138, %sign3A_145 : i32
      %rem3A = arith.remsi %scan3A_131, %jit3A : i32
      %ne3A_146 = arith.constant 0 : i32
      %ne3A_147 = arith.cmpi ne, %rem3A, %ne3A_146 : i32
      %and3A = arith.andi %ne3A, %ne3A_147 : i1
      %sub3A = arith.constant 1 : i32
      %sub3A_148 = arith.subi %div3A, %sub3A : i32
      %select_n3A = arith.select %and3A, %sub3A_148, %div3A : i32
      %jit3A_149 = arith.constant 8 : i32
      %eq3A = arith.constant 0 : i32
      %eq3A_150 = arith.cmpi eq, %jit3A_149, %eq3A : i32
      %jit3A_151 = arith.constant 1 : i32
      %select_n3A_152 = arith.select %eq3A_150, %jit3A_151, %jit3A_149 : i32
      %rem3A_153 = arith.remsi %scan3A_131, %select_n3A_152 : i32
      %ne3A_154 = arith.constant 0 : i32
      %ne3A_155 = arith.cmpi ne, %rem3A_153, %ne3A_154 : i32
      %lt3A_156 = arith.constant 0 : i32
      %lt3A_157 = arith.cmpi slt, %rem3A_153, %lt3A_156 : i32
      %lt3A_158 = arith.constant 0 : i32
      %lt3A_159 = arith.cmpi slt, %select_n3A_152, %lt3A_158 : i32
      %ne3A_160 = arith.xori %lt3A_157, %lt3A_159 : i1
      %and3A_161 = arith.andi %ne3A_160, %ne3A_155 : i1
      %add3A_162 = arith.addi %rem3A_153, %select_n3A_152 : i32
      %select_n3A_163 = arith.select %and3A_161, %add3A_162, %rem3A_153 : i32
      %broadcast_in_dim3A = arith.constant 0.000000e+00 : f32
      %broadcast_in_dim3A_164 = vector.broadcast %broadcast_in_dim3A : f32 to vector<16xf32>
      %mul3A_165 = arith.constant 16 : i32
      %mul3A_166 = arith.muli %select_n3A_163, %mul3A_165 : i32
      %swap3A = arith.index_cast %select_n3A : i32 to index
      %swap3A_167 = arith.index_cast %mul3A_166 : i32 to index
      %swap3A_168 = tpu.vector_load %arg6[%swap3A, %swap3A_167] {strides = array<i32>} : memref<80x128xf32, #tpu.memory_space<vmem>>, vector<1x16xf32>,
      %swap3A_169 = vector.shape_cast %swap3A_168 : vector<1x16xf32> to vector<16xf32>
      %swap3A_170 = vector.shape_cast %broadcast_in_dim3A_164 : vector<16xf32> to vector<1x16xf32>
      tpu.vector_store %arg6[%swap3A, %swap3A_167], %swap3A_170 {strides = array<i32>} : memref<80x128xf32, #tpu.memory_space<vmem>>, vector<1x16xf32>,
      %scan3A_171 = arith.constant 0 : i32
      scf.yield %scan3A_171 : i32
    }
    %scan3A_6 = arith.constant 640 : i32
    %add3A_7 = arith.constant 0 : i32
    %add3A_8 = arith.addi %add3A_7, %arg1 : i32
    %lt3A = arith.constant 125 : i32
    %lt3A_9 = arith.cmpi slt, %add3A_8, %lt3A : i32
    %convert_element_type3A = arith.extui %lt3A_9 : i1 to i32
    %cond3A = arith.constant 0 : i32
    %cond3A_10 = arith.cmpi ne, %convert_element_type3A, %cond3A : i32
    scf.if %cond3A_10 {
      %mul3A_131 = arith.constant 80 : i32
      %mul3A_132 = arith.muli %add3A_8, %mul3A_131 : i32
      "tpu.region"() ({
        %run_scoped3A = tpu.sem_alloc : memref<!tpu.dma_semaphore, #tpu.memory_space<semaphore_mem>>
        %dma_start3A = arith.constant 0 : i32
        %dma_start3A_133 = arith.constant 0 : i32
        %dma_start3A_134 = tpu.memref_slice %arg6[%dma_start3A, %dma_start3A_133] : memref<80x128xf32, #tpu.memory_space<vmem>> -> memref<80x128xf32, #tpu.memory_space<vmem>>
        %dma_start3A_135 = arith.constant 0 : i32
        %dma_start3A_136 = tpu.memref_slice %arg4[%mul3A_132, %dma_start3A_135] : memref<10000x128xf32, #tpu.memory_space<vmem_shared>> -> memref<80x128xf32, #tpu.memory_space<vmem_shared>>
        %dma_start3A_137 = arith.constant 0 : i32
        %dma_start3A_138 = tpu.memref_slice %arg4[%mul3A_132, %dma_start3A_137] : memref<10000x128xf32, #tpu.memory_space<vmem_shared>> -> memref<80x128xf32, #tpu.memory_space<vmem_shared>>
        %dma_start3A_139 = arith.constant 0 : i32
        %dma_start3A_140 = arith.constant 0 : i32
        %dma_start3A_141 = tpu.memref_slice %arg6[%dma_start3A_139, %dma_start3A_140] : memref<80x128xf32, #tpu.memory_space<vmem>> -> memref<80x128xf32, #tpu.memory_space<vmem>>
        tpu.enqueue_dma source(%dma_start3A_141 : memref<80x128xf32, #tpu.memory_space<vmem>>) target(%dma_start3A_138 : memref<80x128xf32, #tpu.memory_space<vmem_shared>>) target_semaphore(%run_scoped3A : memref<!tpu.dma_semaphore, #tpu.memory_space<semaphore_mem>>)
        %dma_wait3A = arith.constant 0 : i32
        %dma_wait3A_142 = arith.constant 0 : i32
        %dma_wait3A_143 = tpu.memref_slice %arg6[%dma_wait3A, %dma_wait3A_142] : memref<80x128xf32, #tpu.memory_space<vmem>> -> memref<80x128xf32, #tpu.memory_space<vmem>>
        %dma_wait3A_144 = arith.constant 0 : i32
        %dma_wait3A_145 = tpu.memref_slice %arg4[%mul3A_132, %dma_wait3A_144] : memref<10000x128xf32, #tpu.memory_space<vmem_shared>> -> memref<80x128xf32, #tpu.memory_space<vmem_shared>>
        %dma_wait3A_146 = arith.constant 0 : i32
        %dma_wait3A_147 = tpu.memref_slice %arg4[%mul3A_132, %dma_wait3A_146] : memref<10000x128xf32, #tpu.memory_space<vmem_shared>> -> memref<80x128xf32, #tpu.memory_space<vmem_shared>>
        %dma_wait3A_148 = arith.constant 0 : i32
        %dma_wait3A_149 = arith.constant 0 : i32
        %dma_wait3A_150 = tpu.memref_slice %arg6[%dma_wait3A_148, %dma_wait3A_149] : memref<80x128xf32, #tpu.memory_space<vmem>> -> memref<80x128xf32, #tpu.memory_space<vmem>>
        tpu.wait_dma2 semaphore(%run_scoped3A : memref<!tpu.dma_semaphore, #tpu.memory_space<semaphore_mem>>) src(%dma_wait3A_150 : memref<80x128xf32, #tpu.memory_space<vmem>>) dst(%dma_wait3A_147 : memref<80x128xf32, #tpu.memory_space<vmem_shared>>)
        tpu.yield
      }) : () -> ()
    } else {
    }
    %add3A_11 = arith.constant 16 : i32
    %add3A_12 = arith.addi %add3A_11, %arg1 : i32
    %lt3A_13 = arith.constant 125 : i32
    %lt3A_14 = arith.cmpi slt, %add3A_12, %lt3A_13 : i32
    %convert_element_type3A_15 = arith.extui %lt3A_14 : i1 to i32
    %cond3A_16 = arith.constant 0 : i32
    %cond3A_17 = arith.cmpi ne, %convert_element_type3A_15, %cond3A_16 : i32
    scf.if %cond3A_17 {
      %mul3A_131 = arith.constant 80 : i32
      %mul3A_132 = arith.muli %add3A_12, %mul3A_131 : i32
      "tpu.region"() ({
        %run_scoped3A = tpu.sem_alloc : memref<!tpu.dma_semaphore, #tpu.memory_space<semaphore_mem>>
        %dma_start3A = arith.constant 0 : i32
        %dma_start3A_133 = arith.constant 0 : i32
        %dma_start3A_134 = tpu.memref_slice %arg6[%dma_start3A, %dma_start3A_133] : memref<80x128xf32, #tpu.memory_space<vmem>> -> memref<80x128xf32, #tpu.memory_space<vmem>>
        %dma_start3A_135 = arith.constant 0 : i32
        %dma_start3A_136 = tpu.memref_slice %arg4[%mul3A_132, %dma_start3A_135] : memref<10000x128xf32, #tpu.memory_space<vmem_shared>> -> memref<80x128xf32, #tpu.memory_space<vmem_shared>>
        %dma_start3A_137 = arith.constant 0 : i32
        %dma_start3A_138 = tpu.memref_slice %arg4[%mul3A_132, %dma_start3A_137] : memref<10000x128xf32, #tpu.memory_space<vmem_shared>> -> memref<80x128xf32, #tpu.memory_space<vmem_shared>>
        %dma_start3A_139 = arith.constant 0 : i32
        %dma_start3A_140 = arith.constant 0 : i32
        %dma_start3A_141 = tpu.memref_slice %arg6[%dma_start3A_139, %dma_start3A_140] : memref<80x128xf32, #tpu.memory_space<vmem>> -> memref<80x128xf32, #tpu.memory_space<vmem>>
        tpu.enqueue_dma source(%dma_start3A_141 : memref<80x128xf32, #tpu.memory_space<vmem>>) target(%dma_start3A_138 : memref<80x128xf32, #tpu.memory_space<vmem_shared>>) target_semaphore(%run_scoped3A : memref<!tpu.dma_semaphore, #tpu.memory_space<semaphore_mem>>)
        %dma_wait3A = arith.constant 0 : i32
        %dma_wait3A_142 = arith.constant 0 : i32
        %dma_wait3A_143 = tpu.memref_slice %arg6[%dma_wait3A, %dma_wait3A_142] : memref<80x128xf32, #tpu.memory_space<vmem>> -> memref<80x128xf32, #tpu.memory_space<vmem>>
        %dma_wait3A_144 = arith.constant 0 : i32
        %dma_wait3A_145 = tpu.memref_slice %arg4[%mul3A_132, %dma_wait3A_144] : memref<10000x128xf32, #tpu.memory_space<vmem_shared>> -> memref<80x128xf32, #tpu.memory_space<vmem_shared>>
        %dma_wait3A_146 = arith.constant 0 : i32
        %dma_wait3A_147 = tpu.memref_slice %arg4[%mul3A_132, %dma_wait3A_146] : memref<10000x128xf32, #tpu.memory_space<vmem_shared>> -> memref<80x128xf32, #tpu.memory_space<vmem_shared>>
        %dma_wait3A_148 = arith.constant 0 : i32
        %dma_wait3A_149 = arith.constant 0 : i32
        %dma_wait3A_150 = tpu.memref_slice %arg6[%dma_wait3A_148, %dma_wait3A_149] : memref<80x128xf32, #tpu.memory_space<vmem>> -> memref<80x128xf32, #tpu.memory_space<vmem>>
        tpu.wait_dma2 semaphore(%run_scoped3A : memref<!tpu.dma_semaphore, #tpu.memory_space<semaphore_mem>>) src(%dma_wait3A_150 : memref<80x128xf32, #tpu.memory_space<vmem>>) dst(%dma_wait3A_147 : memref<80x128xf32, #tpu.memory_space<vmem_shared>>)
        tpu.yield
      }) : () -> ()
    } else {
    }
    %add3A_18 = arith.constant 32 : i32
    %add3A_19 = arith.addi %add3A_18, %arg1 : i32
    %lt3A_20 = arith.constant 125 : i32
    %lt3A_21 = arith.cmpi slt, %add3A_19, %lt3A_20 : i32
    %convert_element_type3A_22 = arith.extui %lt3A_21 : i1 to i32
    %cond3A_23 = arith.constant 0 : i32
    %cond3A_24 = arith.cmpi ne, %convert_element_type3A_22, %cond3A_23 : i32
    scf.if %cond3A_24 {
      %mul3A_131 = arith.constant 80 : i32
      %mul3A_132 = arith.muli %add3A_19, %mul3A_131 : i32
      "tpu.region"() ({
        %run_scoped3A = tpu.sem_alloc : memref<!tpu.dma_semaphore, #tpu.memory_space<semaphore_mem>>
        %dma_start3A = arith.constant 0 : i32
        %dma_start3A_133 = arith.constant 0 : i32
        %dma_start3A_134 = tpu.memref_slice %arg6[%dma_start3A, %dma_start3A_133] : memref<80x128xf32, #tpu.memory_space<vmem>> -> memref<80x128xf32, #tpu.memory_space<vmem>>
        %dma_start3A_135 = arith.constant 0 : i32
        %dma_start3A_136 = tpu.memref_slice %arg4[%mul3A_132, %dma_start3A_135] : memref<10000x128xf32, #tpu.memory_space<vmem_shared>> -> memref<80x128xf32, #tpu.memory_space<vmem_shared>>
        %dma_start3A_137 = arith.constant 0 : i32
        %dma_start3A_138 = tpu.memref_slice %arg4[%mul3A_132, %dma_start3A_137] : memref<10000x128xf32, #tpu.memory_space<vmem_shared>> -> memref<80x128xf32, #tpu.memory_space<vmem_shared>>
        %dma_start3A_139 = arith.constant 0 : i32
        %dma_start3A_140 = arith.constant 0 : i32
        %dma_start3A_141 = tpu.memref_slice %arg6[%dma_start3A_139, %dma_start3A_140] : memref<80x128xf32, #tpu.memory_space<vmem>> -> memref<80x128xf32, #tpu.memory_space<vmem>>
        tpu.enqueue_dma source(%dma_start3A_141 : memref<80x128xf32, #tpu.memory_space<vmem>>) target(%dma_start3A_138 : memref<80x128xf32, #tpu.memory_space<vmem_shared>>) target_semaphore(%run_scoped3A : memref<!tpu.dma_semaphore, #tpu.memory_space<semaphore_mem>>)
        %dma_wait3A = arith.constant 0 : i32
        %dma_wait3A_142 = arith.constant 0 : i32
        %dma_wait3A_143 = tpu.memref_slice %arg6[%dma_wait3A, %dma_wait3A_142] : memref<80x128xf32, #tpu.memory_space<vmem>> -> memref<80x128xf32, #tpu.memory_space<vmem>>
        %dma_wait3A_144 = arith.constant 0 : i32
        %dma_wait3A_145 = tpu.memref_slice %arg4[%mul3A_132, %dma_wait3A_144] : memref<10000x128xf32, #tpu.memory_space<vmem_shared>> -> memref<80x128xf32, #tpu.memory_space<vmem_shared>>
        %dma_wait3A_146 = arith.constant 0 : i32
        %dma_wait3A_147 = tpu.memref_slice %arg4[%mul3A_132, %dma_wait3A_146] : memref<10000x128xf32, #tpu.memory_space<vmem_shared>> -> memref<80x128xf32, #tpu.memory_space<vmem_shared>>
        %dma_wait3A_148 = arith.constant 0 : i32
        %dma_wait3A_149 = arith.constant 0 : i32
        %dma_wait3A_150 = tpu.memref_slice %arg6[%dma_wait3A_148, %dma_wait3A_149] : memref<80x128xf32, #tpu.memory_space<vmem>> -> memref<80x128xf32, #tpu.memory_space<vmem>>
        tpu.wait_dma2 semaphore(%run_scoped3A : memref<!tpu.dma_semaphore, #tpu.memory_space<semaphore_mem>>) src(%dma_wait3A_150 : memref<80x128xf32, #tpu.memory_space<vmem>>) dst(%dma_wait3A_147 : memref<80x128xf32, #tpu.memory_space<vmem_shared>>)
        tpu.yield
      }) : () -> ()
    } else {
    }
    %add3A_25 = arith.constant 48 : i32
    %add3A_26 = arith.addi %add3A_25, %arg1 : i32
    %lt3A_27 = arith.constant 125 : i32
    %lt3A_28 = arith.cmpi slt, %add3A_26, %lt3A_27 : i32
    %convert_element_type3A_29 = arith.extui %lt3A_28 : i1 to i32
    %cond3A_30 = arith.constant 0 : i32
    %cond3A_31 = arith.cmpi ne, %convert_element_type3A_29, %cond3A_30 : i32
    scf.if %cond3A_31 {
      %mul3A_131 = arith.constant 80 : i32
      %mul3A_132 = arith.muli %add3A_26, %mul3A_131 : i32
      "tpu.region"() ({
        %run_scoped3A = tpu.sem_alloc : memref<!tpu.dma_semaphore, #tpu.memory_space<semaphore_mem>>
        %dma_start3A = arith.constant 0 : i32
        %dma_start3A_133 = arith.constant 0 : i32
        %dma_start3A_134 = tpu.memref_slice %arg6[%dma_start3A, %dma_start3A_133] : memref<80x128xf32, #tpu.memory_space<vmem>> -> memref<80x128xf32, #tpu.memory_space<vmem>>
        %dma_start3A_135 = arith.constant 0 : i32
        %dma_start3A_136 = tpu.memref_slice %arg4[%mul3A_132, %dma_start3A_135] : memref<10000x128xf32, #tpu.memory_space<vmem_shared>> -> memref<80x128xf32, #tpu.memory_space<vmem_shared>>
        %dma_start3A_137 = arith.constant 0 : i32
        %dma_start3A_138 = tpu.memref_slice %arg4[%mul3A_132, %dma_start3A_137] : memref<10000x128xf32, #tpu.memory_space<vmem_shared>> -> memref<80x128xf32, #tpu.memory_space<vmem_shared>>
        %dma_start3A_139 = arith.constant 0 : i32
        %dma_start3A_140 = arith.constant 0 : i32
        %dma_start3A_141 = tpu.memref_slice %arg6[%dma_start3A_139, %dma_start3A_140] : memref<80x128xf32, #tpu.memory_space<vmem>> -> memref<80x128xf32, #tpu.memory_space<vmem>>
        tpu.enqueue_dma source(%dma_start3A_141 : memref<80x128xf32, #tpu.memory_space<vmem>>) target(%dma_start3A_138 : memref<80x128xf32, #tpu.memory_space<vmem_shared>>) target_semaphore(%run_scoped3A : memref<!tpu.dma_semaphore, #tpu.memory_space<semaphore_mem>>)
        %dma_wait3A = arith.constant 0 : i32
        %dma_wait3A_142 = arith.constant 0 : i32
        %dma_wait3A_143 = tpu.memref_slice %arg6[%dma_wait3A, %dma_wait3A_142] : memref<80x128xf32, #tpu.memory_space<vmem>> -> memref<80x128xf32, #tpu.memory_space<vmem>>
        %dma_wait3A_144 = arith.constant 0 : i32
        %dma_wait3A_145 = tpu.memref_slice %arg4[%mul3A_132, %dma_wait3A_144] : memref<10000x128xf32, #tpu.memory_space<vmem_shared>> -> memref<80x128xf32, #tpu.memory_space<vmem_shared>>
        %dma_wait3A_146 = arith.constant 0 : i32
        %dma_wait3A_147 = tpu.memref_slice %arg4[%mul3A_132, %dma_wait3A_146] : memref<10000x128xf32, #tpu.memory_space<vmem_shared>> -> memref<80x128xf32, #tpu.memory_space<vmem_shared>>
        %dma_wait3A_148 = arith.constant 0 : i32
        %dma_wait3A_149 = arith.constant 0 : i32
        %dma_wait3A_150 = tpu.memref_slice %arg6[%dma_wait3A_148, %dma_wait3A_149] : memref<80x128xf32, #tpu.memory_space<vmem>> -> memref<80x128xf32, #tpu.memory_space<vmem>>
        tpu.wait_dma2 semaphore(%run_scoped3A : memref<!tpu.dma_semaphore, #tpu.memory_space<semaphore_mem>>) src(%dma_wait3A_150 : memref<80x128xf32, #tpu.memory_space<vmem>>) dst(%dma_wait3A_147 : memref<80x128xf32, #tpu.memory_space<vmem_shared>>)
        tpu.yield
      }) : () -> ()
    } else {
    }
    %add3A_32 = arith.constant 64 : i32
    %add3A_33 = arith.addi %add3A_32, %arg1 : i32
    %lt3A_34 = arith.constant 125 : i32
    %lt3A_35 = arith.cmpi slt, %add3A_33, %lt3A_34 : i32
    %convert_element_type3A_36 = arith.extui %lt3A_35 : i1 to i32
    %cond3A_37 = arith.constant 0 : i32
    %cond3A_38 = arith.cmpi ne, %convert_element_type3A_36, %cond3A_37 : i32
    scf.if %cond3A_38 {
      %mul3A_131 = arith.constant 80 : i32
      %mul3A_132 = arith.muli %add3A_33, %mul3A_131 : i32
      "tpu.region"() ({
        %run_scoped3A = tpu.sem_alloc : memref<!tpu.dma_semaphore, #tpu.memory_space<semaphore_mem>>
        %dma_start3A = arith.constant 0 : i32
        %dma_start3A_133 = arith.constant 0 : i32
        %dma_start3A_134 = tpu.memref_slice %arg6[%dma_start3A, %dma_start3A_133] : memref<80x128xf32, #tpu.memory_space<vmem>> -> memref<80x128xf32, #tpu.memory_space<vmem>>
        %dma_start3A_135 = arith.constant 0 : i32
        %dma_start3A_136 = tpu.memref_slice %arg4[%mul3A_132, %dma_start3A_135] : memref<10000x128xf32, #tpu.memory_space<vmem_shared>> -> memref<80x128xf32, #tpu.memory_space<vmem_shared>>
        %dma_start3A_137 = arith.constant 0 : i32
        %dma_start3A_138 = tpu.memref_slice %arg4[%mul3A_132, %dma_start3A_137] : memref<10000x128xf32, #tpu.memory_space<vmem_shared>> -> memref<80x128xf32, #tpu.memory_space<vmem_shared>>
        %dma_start3A_139 = arith.constant 0 : i32
        %dma_start3A_140 = arith.constant 0 : i32
        %dma_start3A_141 = tpu.memref_slice %arg6[%dma_start3A_139, %dma_start3A_140] : memref<80x128xf32, #tpu.memory_space<vmem>> -> memref<80x128xf32, #tpu.memory_space<vmem>>
        tpu.enqueue_dma source(%dma_start3A_141 : memref<80x128xf32, #tpu.memory_space<vmem>>) target(%dma_start3A_138 : memref<80x128xf32, #tpu.memory_space<vmem_shared>>) target_semaphore(%run_scoped3A : memref<!tpu.dma_semaphore, #tpu.memory_space<semaphore_mem>>)
        %dma_wait3A = arith.constant 0 : i32
        %dma_wait3A_142 = arith.constant 0 : i32
        %dma_wait3A_143 = tpu.memref_slice %arg6[%dma_wait3A, %dma_wait3A_142] : memref<80x128xf32, #tpu.memory_space<vmem>> -> memref<80x128xf32, #tpu.memory_space<vmem>>
        %dma_wait3A_144 = arith.constant 0 : i32
        %dma_wait3A_145 = tpu.memref_slice %arg4[%mul3A_132, %dma_wait3A_144] : memref<10000x128xf32, #tpu.memory_space<vmem_shared>> -> memref<80x128xf32, #tpu.memory_space<vmem_shared>>
        %dma_wait3A_146 = arith.constant 0 : i32
        %dma_wait3A_147 = tpu.memref_slice %arg4[%mul3A_132, %dma_wait3A_146] : memref<10000x128xf32, #tpu.memory_space<vmem_shared>> -> memref<80x128xf32, #tpu.memory_space<vmem_shared>>
        %dma_wait3A_148 = arith.constant 0 : i32
        %dma_wait3A_149 = arith.constant 0 : i32
        %dma_wait3A_150 = tpu.memref_slice %arg6[%dma_wait3A_148, %dma_wait3A_149] : memref<80x128xf32, #tpu.memory_space<vmem>> -> memref<80x128xf32, #tpu.memory_space<vmem>>
        tpu.wait_dma2 semaphore(%run_scoped3A : memref<!tpu.dma_semaphore, #tpu.memory_space<semaphore_mem>>) src(%dma_wait3A_150 : memref<80x128xf32, #tpu.memory_space<vmem>>) dst(%dma_wait3A_147 : memref<80x128xf32, #tpu.memory_space<vmem_shared>>)
        tpu.yield
      }) : () -> ()
    } else {
    }
    %add3A_39 = arith.constant 80 : i32
    %add3A_40 = arith.addi %add3A_39, %arg1 : i32
    %lt3A_41 = arith.constant 125 : i32
    %lt3A_42 = arith.cmpi slt, %add3A_40, %lt3A_41 : i32
    %convert_element_type3A_43 = arith.extui %lt3A_42 : i1 to i32
    %cond3A_44 = arith.constant 0 : i32
    %cond3A_45 = arith.cmpi ne, %convert_element_type3A_43, %cond3A_44 : i32
    scf.if %cond3A_45 {
      %mul3A_131 = arith.constant 80 : i32
      %mul3A_132 = arith.muli %add3A_40, %mul3A_131 : i32
      "tpu.region"() ({
        %run_scoped3A = tpu.sem_alloc : memref<!tpu.dma_semaphore, #tpu.memory_space<semaphore_mem>>
        %dma_start3A = arith.constant 0 : i32
        %dma_start3A_133 = arith.constant 0 : i32
        %dma_start3A_134 = tpu.memref_slice %arg6[%dma_start3A, %dma_start3A_133] : memref<80x128xf32, #tpu.memory_space<vmem>> -> memref<80x128xf32, #tpu.memory_space<vmem>>
        %dma_start3A_135 = arith.constant 0 : i32
        %dma_start3A_136 = tpu.memref_slice %arg4[%mul3A_132, %dma_start3A_135] : memref<10000x128xf32, #tpu.memory_space<vmem_shared>> -> memref<80x128xf32, #tpu.memory_space<vmem_shared>>
        %dma_start3A_137 = arith.constant 0 : i32
        %dma_start3A_138 = tpu.memref_slice %arg4[%mul3A_132, %dma_start3A_137] : memref<10000x128xf32, #tpu.memory_space<vmem_shared>> -> memref<80x128xf32, #tpu.memory_space<vmem_shared>>
        %dma_start3A_139 = arith.constant 0 : i32
        %dma_start3A_140 = arith.constant 0 : i32
        %dma_start3A_141 = tpu.memref_slice %arg6[%dma_start3A_139, %dma_start3A_140] : memref<80x128xf32, #tpu.memory_space<vmem>> -> memref<80x128xf32, #tpu.memory_space<vmem>>
        tpu.enqueue_dma source(%dma_start3A_141 : memref<80x128xf32, #tpu.memory_space<vmem>>) target(%dma_start3A_138 : memref<80x128xf32, #tpu.memory_space<vmem_shared>>) target_semaphore(%run_scoped3A : memref<!tpu.dma_semaphore, #tpu.memory_space<semaphore_mem>>)
        %dma_wait3A = arith.constant 0 : i32
        %dma_wait3A_142 = arith.constant 0 : i32
        %dma_wait3A_143 = tpu.memref_slice %arg6[%dma_wait3A, %dma_wait3A_142] : memref<80x128xf32, #tpu.memory_space<vmem>> -> memref<80x128xf32, #tpu.memory_space<vmem>>
        %dma_wait3A_144 = arith.constant 0 : i32
        %dma_wait3A_145 = tpu.memref_slice %arg4[%mul3A_132, %dma_wait3A_144] : memref<10000x128xf32, #tpu.memory_space<vmem_shared>> -> memref<80x128xf32, #tpu.memory_space<vmem_shared>>
        %dma_wait3A_146 = arith.constant 0 : i32
        %dma_wait3A_147 = tpu.memref_slice %arg4[%mul3A_132, %dma_wait3A_146] : memref<10000x128xf32, #tpu.memory_space<vmem_shared>> -> memref<80x128xf32, #tpu.memory_space<vmem_shared>>
        %dma_wait3A_148 = arith.constant 0 : i32
        %dma_wait3A_149 = arith.constant 0 : i32
        %dma_wait3A_150 = tpu.memref_slice %arg6[%dma_wait3A_148, %dma_wait3A_149] : memref<80x128xf32, #tpu.memory_space<vmem>> -> memref<80x128xf32, #tpu.memory_space<vmem>>
        tpu.wait_dma2 semaphore(%run_scoped3A : memref<!tpu.dma_semaphore, #tpu.memory_space<semaphore_mem>>) src(%dma_wait3A_150 : memref<80x128xf32, #tpu.memory_space<vmem>>) dst(%dma_wait3A_147 : memref<80x128xf32, #tpu.memory_space<vmem_shared>>)
        tpu.yield
      }) : () -> ()
    } else {
    }
    %add3A_46 = arith.constant 96 : i32
    %add3A_47 = arith.addi %add3A_46, %arg1 : i32
    %lt3A_48 = arith.constant 125 : i32
    %lt3A_49 = arith.cmpi slt, %add3A_47, %lt3A_48 : i32
    %convert_element_type3A_50 = arith.extui %lt3A_49 : i1 to i32
    %cond3A_51 = arith.constant 0 : i32
    %cond3A_52 = arith.cmpi ne, %convert_element_type3A_50, %cond3A_51 : i32
    scf.if %cond3A_52 {
      %mul3A_131 = arith.constant 80 : i32
      %mul3A_132 = arith.muli %add3A_47, %mul3A_131 : i32
      "tpu.region"() ({
        %run_scoped3A = tpu.sem_alloc : memref<!tpu.dma_semaphore, #tpu.memory_space<semaphore_mem>>
        %dma_start3A = arith.constant 0 : i32
        %dma_start3A_133 = arith.constant 0 : i32
        %dma_start3A_134 = tpu.memref_slice %arg6[%dma_start3A, %dma_start3A_133] : memref<80x128xf32, #tpu.memory_space<vmem>> -> memref<80x128xf32, #tpu.memory_space<vmem>>
        %dma_start3A_135 = arith.constant 0 : i32
        %dma_start3A_136 = tpu.memref_slice %arg4[%mul3A_132, %dma_start3A_135] : memref<10000x128xf32, #tpu.memory_space<vmem_shared>> -> memref<80x128xf32, #tpu.memory_space<vmem_shared>>
        %dma_start3A_137 = arith.constant 0 : i32
        %dma_start3A_138 = tpu.memref_slice %arg4[%mul3A_132, %dma_start3A_137] : memref<10000x128xf32, #tpu.memory_space<vmem_shared>> -> memref<80x128xf32, #tpu.memory_space<vmem_shared>>
        %dma_start3A_139 = arith.constant 0 : i32
        %dma_start3A_140 = arith.constant 0 : i32
        %dma_start3A_141 = tpu.memref_slice %arg6[%dma_start3A_139, %dma_start3A_140] : memref<80x128xf32, #tpu.memory_space<vmem>> -> memref<80x128xf32, #tpu.memory_space<vmem>>
        tpu.enqueue_dma source(%dma_start3A_141 : memref<80x128xf32, #tpu.memory_space<vmem>>) target(%dma_start3A_138 : memref<80x128xf32, #tpu.memory_space<vmem_shared>>) target_semaphore(%run_scoped3A : memref<!tpu.dma_semaphore, #tpu.memory_space<semaphore_mem>>)
        %dma_wait3A = arith.constant 0 : i32
        %dma_wait3A_142 = arith.constant 0 : i32
        %dma_wait3A_143 = tpu.memref_slice %arg6[%dma_wait3A, %dma_wait3A_142] : memref<80x128xf32, #tpu.memory_space<vmem>> -> memref<80x128xf32, #tpu.memory_space<vmem>>
        %dma_wait3A_144 = arith.constant 0 : i32
        %dma_wait3A_145 = tpu.memref_slice %arg4[%mul3A_132, %dma_wait3A_144] : memref<10000x128xf32, #tpu.memory_space<vmem_shared>> -> memref<80x128xf32, #tpu.memory_space<vmem_shared>>
        %dma_wait3A_146 = arith.constant 0 : i32
        %dma_wait3A_147 = tpu.memref_slice %arg4[%mul3A_132, %dma_wait3A_146] : memref<10000x128xf32, #tpu.memory_space<vmem_shared>> -> memref<80x128xf32, #tpu.memory_space<vmem_shared>>
        %dma_wait3A_148 = arith.constant 0 : i32
        %dma_wait3A_149 = arith.constant 0 : i32
        %dma_wait3A_150 = tpu.memref_slice %arg6[%dma_wait3A_148, %dma_wait3A_149] : memref<80x128xf32, #tpu.memory_space<vmem>> -> memref<80x128xf32, #tpu.memory_space<vmem>>
        tpu.wait_dma2 semaphore(%run_scoped3A : memref<!tpu.dma_semaphore, #tpu.memory_space<semaphore_mem>>) src(%dma_wait3A_150 : memref<80x128xf32, #tpu.memory_space<vmem>>) dst(%dma_wait3A_147 : memref<80x128xf32, #tpu.memory_space<vmem_shared>>)
        tpu.yield
      }) : () -> ()
    } else {
    }
    %add3A_53 = arith.constant 112 : i32
    %add3A_54 = arith.addi %add3A_53, %arg1 : i32
    %lt3A_55 = arith.constant 125 : i32
    %lt3A_56 = arith.cmpi slt, %add3A_54, %lt3A_55 : i32
    %convert_element_type3A_57 = arith.extui %lt3A_56 : i1 to i32
    %cond3A_58 = arith.constant 0 : i32
    %cond3A_59 = arith.cmpi ne, %convert_element_type3A_57, %cond3A_58 : i32
    scf.if %cond3A_59 {
      %mul3A_131 = arith.constant 80 : i32
      %mul3A_132 = arith.muli %add3A_54, %mul3A_131 : i32
      "tpu.region"() ({
        %run_scoped3A = tpu.sem_alloc : memref<!tpu.dma_semaphore, #tpu.memory_space<semaphore_mem>>
        %dma_start3A = arith.constant 0 : i32
        %dma_start3A_133 = arith.constant 0 : i32
        %dma_start3A_134 = tpu.memref_slice %arg6[%dma_start3A, %dma_start3A_133] : memref<80x128xf32, #tpu.memory_space<vmem>> -> memref<80x128xf32, #tpu.memory_space<vmem>>
        %dma_start3A_135 = arith.constant 0 : i32
        %dma_start3A_136 = tpu.memref_slice %arg4[%mul3A_132, %dma_start3A_135] : memref<10000x128xf32, #tpu.memory_space<vmem_shared>> -> memref<80x128xf32, #tpu.memory_space<vmem_shared>>
        %dma_start3A_137 = arith.constant 0 : i32
        %dma_start3A_138 = tpu.memref_slice %arg4[%mul3A_132, %dma_start3A_137] : memref<10000x128xf32, #tpu.memory_space<vmem_shared>> -> memref<80x128xf32, #tpu.memory_space<vmem_shared>>
        %dma_start3A_139 = arith.constant 0 : i32
        %dma_start3A_140 = arith.constant 0 : i32
        %dma_start3A_141 = tpu.memref_slice %arg6[%dma_start3A_139, %dma_start3A_140] : memref<80x128xf32, #tpu.memory_space<vmem>> -> memref<80x128xf32, #tpu.memory_space<vmem>>
        tpu.enqueue_dma source(%dma_start3A_141 : memref<80x128xf32, #tpu.memory_space<vmem>>) target(%dma_start3A_138 : memref<80x128xf32, #tpu.memory_space<vmem_shared>>) target_semaphore(%run_scoped3A : memref<!tpu.dma_semaphore, #tpu.memory_space<semaphore_mem>>)
        %dma_wait3A = arith.constant 0 : i32
        %dma_wait3A_142 = arith.constant 0 : i32
        %dma_wait3A_143 = tpu.memref_slice %arg6[%dma_wait3A, %dma_wait3A_142] : memref<80x128xf32, #tpu.memory_space<vmem>> -> memref<80x128xf32, #tpu.memory_space<vmem>>
        %dma_wait3A_144 = arith.constant 0 : i32
        %dma_wait3A_145 = tpu.memref_slice %arg4[%mul3A_132, %dma_wait3A_144] : memref<10000x128xf32, #tpu.memory_space<vmem_shared>> -> memref<80x128xf32, #tpu.memory_space<vmem_shared>>
        %dma_wait3A_146 = arith.constant 0 : i32
        %dma_wait3A_147 = tpu.memref_slice %arg4[%mul3A_132, %dma_wait3A_146] : memref<10000x128xf32, #tpu.memory_space<vmem_shared>> -> memref<80x128xf32, #tpu.memory_space<vmem_shared>>
        %dma_wait3A_148 = arith.constant 0 : i32
        %dma_wait3A_149 = arith.constant 0 : i32
        %dma_wait3A_150 = tpu.memref_slice %arg6[%dma_wait3A_148, %dma_wait3A_149] : memref<80x128xf32, #tpu.memory_space<vmem>> -> memref<80x128xf32, #tpu.memory_space<vmem>>
        tpu.wait_dma2 semaphore(%run_scoped3A : memref<!tpu.dma_semaphore, #tpu.memory_space<semaphore_mem>>) src(%dma_wait3A_150 : memref<80x128xf32, #tpu.memory_space<vmem>>) dst(%dma_wait3A_147 : memref<80x128xf32, #tpu.memory_space<vmem_shared>>)
        tpu.yield
      }) : () -> ()
    } else {
    }
    %scan3A_60 = arith.constant 0 : i32
    %scan3A_61 = arith.constant 0 : i32
    %scan3A_62 = arith.constant 640 : i32
    %scan3A_63 = arith.addi %scan3A_61, %scan3A_62 : i32
    %scan3A_64 = arith.constant 1 : i32
    %scan3A_65 = scf.for %scan3A_131 = %scan3A_61 to %scan3A_63 step %scan3A_64 iter_args(%scan3A_132 = %scan3A_60) -> (i32)  : i32 {
      %jit3A = arith.constant 8 : i32
      %div3A = arith.divsi %scan3A_131, %jit3A : i32
      %sign3A = arith.constant 0 : i32
      %sign3A_133 = arith.cmpi sgt, %scan3A_131, %sign3A : i32
      %sign3A_134 = arith.extui %sign3A_133 : i1 to i32
      %sign3A_135 = arith.constant 0 : i32
      %sign3A_136 = arith.cmpi slt, %scan3A_131, %sign3A_135 : i32
      %sign3A_137 = arith.extui %sign3A_136 : i1 to i32
      %sign3A_138 = arith.subi %sign3A_134, %sign3A_137 : i32
      %sign3A_139 = arith.constant 0 : i32
      %sign3A_140 = arith.cmpi sgt, %jit3A, %sign3A_139 : i32
      %sign3A_141 = arith.extui %sign3A_140 : i1 to i32
      %sign3A_142 = arith.constant 0 : i32
      %sign3A_143 = arith.cmpi slt, %jit3A, %sign3A_142 : i32
      %sign3A_144 = arith.extui %sign3A_143 : i1 to i32
      %sign3A_145 = arith.subi %sign3A_141, %sign3A_144 : i32
      %ne3A = arith.cmpi ne, %sign3A_138, %sign3A_145 : i32
      %rem3A = arith.remsi %scan3A_131, %jit3A : i32
      %ne3A_146 = arith.constant 0 : i32
      %ne3A_147 = arith.cmpi ne, %rem3A, %ne3A_146 : i32
      %and3A = arith.andi %ne3A, %ne3A_147 : i1
      %sub3A = arith.constant 1 : i32
      %sub3A_148 = arith.subi %div3A, %sub3A : i32
      %select_n3A = arith.select %and3A, %sub3A_148, %div3A : i32
      %jit3A_149 = arith.constant 8 : i32
      %eq3A = arith.constant 0 : i32
      %eq3A_150 = arith.cmpi eq, %jit3A_149, %eq3A : i32
      %jit3A_151 = arith.constant 1 : i32
      %select_n3A_152 = arith.select %eq3A_150, %jit3A_151, %jit3A_149 : i32
      %rem3A_153 = arith.remsi %scan3A_131, %select_n3A_152 : i32
      %ne3A_154 = arith.constant 0 : i32
      %ne3A_155 = arith.cmpi ne, %rem3A_153, %ne3A_154 : i32
      %lt3A_156 = arith.constant 0 : i32
      %lt3A_157 = arith.cmpi slt, %rem3A_153, %lt3A_156 : i32
      %lt3A_158 = arith.constant 0 : i32
      %lt3A_159 = arith.cmpi slt, %select_n3A_152, %lt3A_158 : i32
      %ne3A_160 = arith.xori %lt3A_157, %lt3A_159 : i1
      %and3A_161 = arith.andi %ne3A_160, %ne3A_155 : i1
      %add3A_162 = arith.addi %rem3A_153, %select_n3A_152 : i32
      %select_n3A_163 = arith.select %and3A_161, %add3A_162, %rem3A_153 : i32
      %broadcast_in_dim3A = arith.constant 1.000000e+00 : f32
      %broadcast_in_dim3A_164 = vector.broadcast %broadcast_in_dim3A : f32 to vector<16xf32>
      %mul3A_165 = arith.constant 16 : i32
      %mul3A_166 = arith.muli %select_n3A_163, %mul3A_165 : i32
      %swap3A = arith.index_cast %select_n3A : i32 to index
      %swap3A_167 = arith.index_cast %mul3A_166 : i32 to index
      %swap3A_168 = tpu.vector_load %arg6[%swap3A, %swap3A_167] {strides = array<i32>} : memref<80x128xf32, #tpu.memory_space<vmem>>, vector<1x16xf32>,
      %swap3A_169 = vector.shape_cast %swap3A_168 : vector<1x16xf32> to vector<16xf32>
      %swap3A_170 = vector.shape_cast %broadcast_in_dim3A_164 : vector<16xf32> to vector<1x16xf32>
      tpu.vector_store %arg6[%swap3A, %swap3A_167], %swap3A_170 {strides = array<i32>} : memref<80x128xf32, #tpu.memory_space<vmem>>, vector<1x16xf32>,
      %scan3A_171 = arith.constant 0 : i32
      scf.yield %scan3A_171 : i32
    }
    %scan3A_66 = arith.constant 640 : i32
    "tpu.region"() ({
      %run_scoped3A = tpu.sem_alloc : memref<!tpu.dma_semaphore, #tpu.memory_space<semaphore_mem>>
      %dma_start3A = arith.constant 0 : i32
      %dma_start3A_131 = arith.constant 0 : i32
      %dma_start3A_132 = tpu.memref_slice %arg2[%add3A, %dma_start3A, %dma_start3A_131] : memref<32x125x80xi32, #tpu.memory_space<hbm>> -> memref<1x125x80xi32, #tpu.memory_space<hbm>>
      %dma_start3A_133 = tpu.memref_squeeze %dma_start3A_132 : memref<1x125x80xi32, #tpu.memory_space<hbm>> -> memref<125x80xi32, #tpu.memory_space<hbm>>
      %dma_start3A_134 = arith.constant 0 : i32
      %dma_start3A_135 = arith.constant 0 : i32
      %dma_start3A_136 = tpu.memref_slice %arg2[%add3A, %dma_start3A_134, %dma_start3A_135] : memref<32x125x80xi32, #tpu.memory_space<hbm>> -> memref<1x125x80xi32, #tpu.memory_space<hbm>>
      %dma_start3A_137 = tpu.memref_squeeze %dma_start3A_136 : memref<1x125x80xi32, #tpu.memory_space<hbm>> -> memref<125x80xi32, #tpu.memory_space<hbm>>
      tpu.enqueue_dma source(%dma_start3A_137 : memref<125x80xi32, #tpu.memory_space<hbm>>) target(%arg5 : memref<125x80xi32, #tpu.memory_space<vmem>>) target_semaphore(%run_scoped3A : memref<!tpu.dma_semaphore, #tpu.memory_space<semaphore_mem>>)
      %dma_wait3A = arith.constant 0 : i32
      %dma_wait3A_138 = arith.constant 0 : i32
      %dma_wait3A_139 = tpu.memref_slice %arg2[%add3A, %dma_wait3A, %dma_wait3A_138] : memref<32x125x80xi32, #tpu.memory_space<hbm>> -> memref<1x125x80xi32, #tpu.memory_space<hbm>>
      %dma_wait3A_140 = tpu.memref_squeeze %dma_wait3A_139 : memref<1x125x80xi32, #tpu.memory_space<hbm>> -> memref<125x80xi32, #tpu.memory_space<hbm>>
      %dma_wait3A_141 = arith.constant 0 : i32
      %dma_wait3A_142 = arith.constant 0 : i32
      %dma_wait3A_143 = tpu.memref_slice %arg2[%add3A, %dma_wait3A_141, %dma_wait3A_142] : memref<32x125x80xi32, #tpu.memory_space<hbm>> -> memref<1x125x80xi32, #tpu.memory_space<hbm>>
      %dma_wait3A_144 = tpu.memref_squeeze %dma_wait3A_143 : memref<1x125x80xi32, #tpu.memory_space<hbm>> -> memref<125x80xi32, #tpu.memory_space<hbm>>
      tpu.wait_dma2 semaphore(%run_scoped3A : memref<!tpu.dma_semaphore, #tpu.memory_space<semaphore_mem>>) src(%dma_wait3A_144 : memref<125x80xi32, #tpu.memory_space<hbm>>) dst(%arg5 : memref<125x80xi32, #tpu.memory_space<vmem>>)
      tpu.yield
    }) : () -> ()
    %barrier3A = arith.constant 0 : index
    tpu.barrier barrier_id(%barrier3A)
    %scan3A_67 = arith.constant 0 : i32
    %scan3A_68 = arith.constant 0 : i32
    %scan3A_69 = arith.constant 125 : i32
    %scan3A_70 = arith.addi %scan3A_68, %scan3A_69 : i32
    %scan3A_71 = arith.constant 1 : i32
    %scan3A_72 = scf.for %scan3A_131 = %scan3A_68 to %scan3A_70 step %scan3A_71 iter_args(%scan3A_132 = %scan3A_67) -> (i32)  : i32 {
      "tpu.region"() ({
        %run_scoped3A = tpu.sem_alloc : memref<!tpu.dma_semaphore, #tpu.memory_space<semaphore_mem>>
        %dma_start3A = arith.constant 0 : i32
        %dma_start3A_134 = tpu.memref_slice %arg5[%scan3A_131, %dma_start3A] : memref<125x80xi32, #tpu.memory_space<vmem>> -> memref<1x80xi32, #tpu.memory_space<vmem>>
        %dma_start3A_135 = tpu.memref_squeeze %dma_start3A_134 : memref<1x80xi32, #tpu.memory_space<vmem>> -> memref<80xi32, #tpu.memory_space<vmem>>
        %dma_start3A_136 = arith.constant 0 : i32
        %dma_start3A_137 = arith.constant 0 : i32
        %dma_start3A_138 = tpu.memref_slice %arg4[%dma_start3A_136, %dma_start3A_137] : memref<10000x128xf32, #tpu.memory_space<vmem_shared>> -> memref<10000x128xf32, #tpu.memory_space<vmem_shared>>
        tpu.enqueue_indirect_dma source(%arg6 : memref<80x128xf32, #tpu.memory_space<vmem>>) target(%dma_start3A_138 : memref<10000x128xf32, #tpu.memory_space<vmem_shared>>) offsets(%dma_start3A_135 : memref<80xi32, #tpu.memory_space<vmem>>) semaphore(%run_scoped3A : memref<!tpu.dma_semaphore, #tpu.memory_space<semaphore_mem>>) {add = true}
        %dma_wait3A = arith.constant 0 : i32
        %dma_wait3A_139 = tpu.memref_slice %arg5[%scan3A_131, %dma_wait3A] : memref<125x80xi32, #tpu.memory_space<vmem>> -> memref<1x80xi32, #tpu.memory_space<vmem>>
        %dma_wait3A_140 = tpu.memref_squeeze %dma_wait3A_139 : memref<1x80xi32, #tpu.memory_space<vmem>> -> memref<80xi32, #tpu.memory_space<vmem>>
        %dma_wait3A_141 = arith.constant 0 : i32
        %dma_wait3A_142 = arith.constant 0 : i32
        %dma_wait3A_143 = tpu.memref_slice %arg4[%dma_wait3A_141, %dma_wait3A_142] : memref<10000x128xf32, #tpu.memory_space<vmem_shared>> -> memref<10000x128xf32, #tpu.memory_space<vmem_shared>>
        tpu.wait_indirect_dma semaphore(%run_scoped3A : memref<!tpu.dma_semaphore, #tpu.memory_space<semaphore_mem>>) src(%arg6 : memref<80x128xf32, #tpu.memory_space<vmem>>) dst(%dma_wait3A_143 : memref<10000x128xf32, #tpu.memory_space<vmem_shared>>)
        tpu.yield
      }) : () -> ()
      %scan3A_133 = arith.constant 0 : i32
      scf.yield %scan3A_133 : i32
    }
    %scan3A_73 = arith.constant 125 : i32
    %barrier3A_74 = arith.constant 0 : index
    tpu.barrier barrier_id(%barrier3A_74)
    %add3A_75 = arith.constant 0 : i32
    %add3A_76 = arith.addi %add3A_75, %arg1 : i32
    %lt3A_77 = arith.constant 125 : i32
    %lt3A_78 = arith.cmpi slt, %add3A_76, %lt3A_77 : i32
    %convert_element_type3A_79 = arith.extui %lt3A_78 : i1 to i32
    %cond3A_80 = arith.constant 0 : i32
    %cond3A_81 = arith.cmpi ne, %convert_element_type3A_79, %cond3A_80 : i32
    scf.if %cond3A_81 {
      %mul3A_131 = arith.constant 80 : i32
      %mul3A_132 = arith.muli %add3A_76, %mul3A_131 : i32
      "tpu.region"() ({
        %run_scoped3A = tpu.sem_alloc : memref<!tpu.dma_semaphore, #tpu.memory_space<semaphore_mem>>
        %dma_start3A = arith.constant 0 : i32
        %dma_start3A_136 = arith.constant 0 : i32
        %dma_start3A_137 = tpu.memref_slice %arg6[%dma_start3A, %dma_start3A_136] : memref<80x128xf32, #tpu.memory_space<vmem>> -> memref<80x128xf32, #tpu.memory_space<vmem>>
        %dma_start3A_138 = arith.constant 0 : i32
        %dma_start3A_139 = tpu.memref_slice %arg4[%mul3A_132, %dma_start3A_138] : memref<10000x128xf32, #tpu.memory_space<vmem_shared>> -> memref<80x128xf32, #tpu.memory_space<vmem_shared>>
        %dma_start3A_140 = arith.constant 0 : i32
        %dma_start3A_141 = arith.constant 0 : i32
        %dma_start3A_142 = tpu.memref_slice %arg6[%dma_start3A_140, %dma_start3A_141] : memref<80x128xf32, #tpu.memory_space<vmem>> -> memref<80x128xf32, #tpu.memory_space<vmem>>
        %dma_start3A_143 = arith.constant 0 : i32
        %dma_start3A_144 = tpu.memref_slice %arg4[%mul3A_132, %dma_start3A_143] : memref<10000x128xf32, #tpu.memory_space<vmem_shared>> -> memref<80x128xf32, #tpu.memory_space<vmem_shared>>
        tpu.enqueue_dma source(%dma_start3A_144 : memref<80x128xf32, #tpu.memory_space<vmem_shared>>) target(%dma_start3A_142 : memref<80x128xf32, #tpu.memory_space<vmem>>) target_semaphore(%run_scoped3A : memref<!tpu.dma_semaphore, #tpu.memory_space<semaphore_mem>>)
        %dma_wait3A = arith.constant 0 : i32
        %dma_wait3A_145 = arith.constant 0 : i32
        %dma_wait3A_146 = tpu.memref_slice %arg6[%dma_wait3A, %dma_wait3A_145] : memref<80x128xf32, #tpu.memory_space<vmem>> -> memref<80x128xf32, #tpu.memory_space<vmem>>
        %dma_wait3A_147 = arith.constant 0 : i32
        %dma_wait3A_148 = tpu.memref_slice %arg4[%mul3A_132, %dma_wait3A_147] : memref<10000x128xf32, #tpu.memory_space<vmem_shared>> -> memref<80x128xf32, #tpu.memory_space<vmem_shared>>
        %dma_wait3A_149 = arith.constant 0 : i32
        %dma_wait3A_150 = arith.constant 0 : i32
        %dma_wait3A_151 = tpu.memref_slice %arg6[%dma_wait3A_149, %dma_wait3A_150] : memref<80x128xf32, #tpu.memory_space<vmem>> -> memref<80x128xf32, #tpu.memory_space<vmem>>
        %dma_wait3A_152 = arith.constant 0 : i32
        %dma_wait3A_153 = tpu.memref_slice %arg4[%mul3A_132, %dma_wait3A_152] : memref<10000x128xf32, #tpu.memory_space<vmem_shared>> -> memref<80x128xf32, #tpu.memory_space<vmem_shared>>
        tpu.wait_dma2 semaphore(%run_scoped3A : memref<!tpu.dma_semaphore, #tpu.memory_space<semaphore_mem>>) src(%dma_wait3A_153 : memref<80x128xf32, #tpu.memory_space<vmem_shared>>) dst(%dma_wait3A_151 : memref<80x128xf32, #tpu.memory_space<vmem>>)
        tpu.yield
      }) : () -> ()
      %mul3A_133 = arith.constant 10000 : i32
      %mul3A_134 = arith.muli %arg0, %mul3A_133 : i32
      %add3A_135 = arith.addi %mul3A_134, %mul3A_132 : i32
      "tpu.region"() ({
        %run_scoped3A = tpu.sem_alloc : memref<!tpu.dma_semaphore, #tpu.memory_space<semaphore_mem>>
        %dma_start3A = arith.constant 0 : i32
        %dma_start3A_136 = arith.constant 0 : i32
        %dma_start3A_137 = tpu.memref_slice %arg6[%dma_start3A, %dma_start3A_136] : memref<80x128xf32, #tpu.memory_space<vmem>> -> memref<80x128xf32, #tpu.memory_space<vmem>>
        %dma_start3A_138 = arith.constant 0 : i32
        %dma_start3A_139 = tpu.memref_slice %arg3[%add3A_135, %dma_start3A_138] : memref<20000x128xf32, #tpu.memory_space<hbm>> -> memref<80x128xf32, #tpu.memory_space<hbm>>
        %dma_start3A_140 = arith.constant 0 : i32
        %dma_start3A_141 = tpu.memref_slice %arg3[%add3A_135, %dma_start3A_140] : memref<20000x128xf32, #tpu.memory_space<hbm>> -> memref<80x128xf32, #tpu.memory_space<hbm>>
        %dma_start3A_142 = arith.constant 0 : i32
        %dma_start3A_143 = arith.constant 0 : i32
        %dma_start3A_144 = tpu.memref_slice %arg6[%dma_start3A_142, %dma_start3A_143] : memref<80x128xf32, #tpu.memory_space<vmem>> -> memref<80x128xf32, #tpu.memory_space<vmem>>
        tpu.enqueue_dma source(%dma_start3A_144 : memref<80x128xf32, #tpu.memory_space<vmem>>) target(%dma_start3A_141 : memref<80x128xf32, #tpu.memory_space<hbm>>) target_semaphore(%run_scoped3A : memref<!tpu.dma_semaphore, #tpu.memory_space<semaphore_mem>>)
        %dma_wait3A = arith.constant 0 : i32
        %dma_wait3A_145 = arith.constant 0 : i32
        %dma_wait3A_146 = tpu.memref_slice %arg6[%dma_wait3A, %dma_wait3A_145] : memref<80x128xf32, #tpu.memory_space<vmem>> -> memref<80x128xf32, #tpu.memory_space<vmem>>
        %dma_wait3A_147 = arith.constant 0 : i32
        %dma_wait3A_148 = tpu.memref_slice %arg3[%add3A_135, %dma_wait3A_147] : memref<20000x128xf32, #tpu.memory_space<hbm>> -> memref<80x128xf32, #tpu.memory_space<hbm>>
        %dma_wait3A_149 = arith.constant 0 : i32
        %dma_wait3A_150 = tpu.memref_slice %arg3[%add3A_135, %dma_wait3A_149] : memref<20000x128xf32, #tpu.memory_space<hbm>> -> memref<80x128xf32, #tpu.memory_space<hbm>>
        %dma_wait3A_151 = arith.constant 0 : i32
        %dma_wait3A_152 = arith.constant 0 : i32
        %dma_wait3A_153 = tpu.memref_slice %arg6[%dma_wait3A_151, %dma_wait3A_152] : memref<80x128xf32, #tpu.memory_space<vmem>> -> memref<80x128xf32, #tpu.memory_space<vmem>>
        tpu.wait_dma2 semaphore(%run_scoped3A : memref<!tpu.dma_semaphore, #tpu.memory_space<semaphore_mem>>) src(%dma_wait3A_153 : memref<80x128xf32, #tpu.memory_space<vmem>>) dst(%dma_wait3A_150 : memref<80x128xf32, #tpu.memory_space<hbm>>)
        tpu.yield
      }) : () -> ()
    } else {
    }
    %add3A_82 = arith.constant 16 : i32
    %add3A_83 = arith.addi %add3A_82, %arg1 : i32
    %lt3A_84 = arith.constant 125 : i32
    %lt3A_85 = arith.cmpi slt, %add3A_83, %lt3A_84 : i32
    %convert_element_type3A_86 = arith.extui %lt3A_85 : i1 to i32
    %cond3A_87 = arith.constant 0 : i32
    %cond3A_88 = arith.cmpi ne, %convert_element_type3A_86, %cond3A_87 : i32
    scf.if %cond3A_88 {
      %mul3A_131 = arith.constant 80 : i32
      %mul3A_132 = arith.muli %add3A_83, %mul3A_131 : i32
      "tpu.region"() ({
        %run_scoped3A = tpu.sem_alloc : memref<!tpu.dma_semaphore, #tpu.memory_space<semaphore_mem>>
        %dma_start3A = arith.constant 0 : i32
        %dma_start3A_136 = arith.constant 0 : i32
        %dma_start3A_137 = tpu.memref_slice %arg6[%dma_start3A, %dma_start3A_136] : memref<80x128xf32, #tpu.memory_space<vmem>> -> memref<80x128xf32, #tpu.memory_space<vmem>>
        %dma_start3A_138 = arith.constant 0 : i32
        %dma_start3A_139 = tpu.memref_slice %arg4[%mul3A_132, %dma_start3A_138] : memref<10000x128xf32, #tpu.memory_space<vmem_shared>> -> memref<80x128xf32, #tpu.memory_space<vmem_shared>>
        %dma_start3A_140 = arith.constant 0 : i32
        %dma_start3A_141 = arith.constant 0 : i32
        %dma_start3A_142 = tpu.memref_slice %arg6[%dma_start3A_140, %dma_start3A_141] : memref<80x128xf32, #tpu.memory_space<vmem>> -> memref<80x128xf32, #tpu.memory_space<vmem>>
        %dma_start3A_143 = arith.constant 0 : i32
        %dma_start3A_144 = tpu.memref_slice %arg4[%mul3A_132, %dma_start3A_143] : memref<10000x128xf32, #tpu.memory_space<vmem_shared>> -> memref<80x128xf32, #tpu.memory_space<vmem_shared>>
        tpu.enqueue_dma source(%dma_start3A_144 : memref<80x128xf32, #tpu.memory_space<vmem_shared>>) target(%dma_start3A_142 : memref<80x128xf32, #tpu.memory_space<vmem>>) target_semaphore(%run_scoped3A : memref<!tpu.dma_semaphore, #tpu.memory_space<semaphore_mem>>)
        %dma_wait3A = arith.constant 0 : i32
        %dma_wait3A_145 = arith.constant 0 : i32
        %dma_wait3A_146 = tpu.memref_slice %arg6[%dma_wait3A, %dma_wait3A_145] : memref<80x128xf32, #tpu.memory_space<vmem>> -> memref<80x128xf32, #tpu.memory_space<vmem>>
        %dma_wait3A_147 = arith.constant 0 : i32
        %dma_wait3A_148 = tpu.memref_slice %arg4[%mul3A_132, %dma_wait3A_147] : memref<10000x128xf32, #tpu.memory_space<vmem_shared>> -> memref<80x128xf32, #tpu.memory_space<vmem_shared>>
        %dma_wait3A_149 = arith.constant 0 : i32
        %dma_wait3A_150 = arith.constant 0 : i32
        %dma_wait3A_151 = tpu.memref_slice %arg6[%dma_wait3A_149, %dma_wait3A_150] : memref<80x128xf32, #tpu.memory_space<vmem>> -> memref<80x128xf32, #tpu.memory_space<vmem>>
        %dma_wait3A_152 = arith.constant 0 : i32
        %dma_wait3A_153 = tpu.memref_slice %arg4[%mul3A_132, %dma_wait3A_152] : memref<10000x128xf32, #tpu.memory_space<vmem_shared>> -> memref<80x128xf32, #tpu.memory_space<vmem_shared>>
        tpu.wait_dma2 semaphore(%run_scoped3A : memref<!tpu.dma_semaphore, #tpu.memory_space<semaphore_mem>>) src(%dma_wait3A_153 : memref<80x128xf32, #tpu.memory_space<vmem_shared>>) dst(%dma_wait3A_151 : memref<80x128xf32, #tpu.memory_space<vmem>>)
        tpu.yield
      }) : () -> ()
      %mul3A_133 = arith.constant 10000 : i32
      %mul3A_134 = arith.muli %arg0, %mul3A_133 : i32
      %add3A_135 = arith.addi %mul3A_134, %mul3A_132 : i32
      "tpu.region"() ({
        %run_scoped3A = tpu.sem_alloc : memref<!tpu.dma_semaphore, #tpu.memory_space<semaphore_mem>>
        %dma_start3A = arith.constant 0 : i32
        %dma_start3A_136 = arith.constant 0 : i32
        %dma_start3A_137 = tpu.memref_slice %arg6[%dma_start3A, %dma_start3A_136] : memref<80x128xf32, #tpu.memory_space<vmem>> -> memref<80x128xf32, #tpu.memory_space<vmem>>
        %dma_start3A_138 = arith.constant 0 : i32
        %dma_start3A_139 = tpu.memref_slice %arg3[%add3A_135, %dma_start3A_138] : memref<20000x128xf32, #tpu.memory_space<hbm>> -> memref<80x128xf32, #tpu.memory_space<hbm>>
        %dma_start3A_140 = arith.constant 0 : i32
        %dma_start3A_141 = tpu.memref_slice %arg3[%add3A_135, %dma_start3A_140] : memref<20000x128xf32, #tpu.memory_space<hbm>> -> memref<80x128xf32, #tpu.memory_space<hbm>>
        %dma_start3A_142 = arith.constant 0 : i32
        %dma_start3A_143 = arith.constant 0 : i32
        %dma_start3A_144 = tpu.memref_slice %arg6[%dma_start3A_142, %dma_start3A_143] : memref<80x128xf32, #tpu.memory_space<vmem>> -> memref<80x128xf32, #tpu.memory_space<vmem>>
        tpu.enqueue_dma source(%dma_start3A_144 : memref<80x128xf32, #tpu.memory_space<vmem>>) target(%dma_start3A_141 : memref<80x128xf32, #tpu.memory_space<hbm>>) target_semaphore(%run_scoped3A : memref<!tpu.dma_semaphore, #tpu.memory_space<semaphore_mem>>)
        %dma_wait3A = arith.constant 0 : i32
        %dma_wait3A_145 = arith.constant 0 : i32
        %dma_wait3A_146 = tpu.memref_slice %arg6[%dma_wait3A, %dma_wait3A_145] : memref<80x128xf32, #tpu.memory_space<vmem>> -> memref<80x128xf32, #tpu.memory_space<vmem>>
        %dma_wait3A_147 = arith.constant 0 : i32
        %dma_wait3A_148 = tpu.memref_slice %arg3[%add3A_135, %dma_wait3A_147] : memref<20000x128xf32, #tpu.memory_space<hbm>> -> memref<80x128xf32, #tpu.memory_space<hbm>>
        %dma_wait3A_149 = arith.constant 0 : i32
        %dma_wait3A_150 = tpu.memref_slice %arg3[%add3A_135, %dma_wait3A_149] : memref<20000x128xf32, #tpu.memory_space<hbm>> -> memref<80x128xf32, #tpu.memory_space<hbm>>
        %dma_wait3A_151 = arith.constant 0 : i32
        %dma_wait3A_152 = arith.constant 0 : i32
        %dma_wait3A_153 = tpu.memref_slice %arg6[%dma_wait3A_151, %dma_wait3A_152] : memref<80x128xf32, #tpu.memory_space<vmem>> -> memref<80x128xf32, #tpu.memory_space<vmem>>
        tpu.wait_dma2 semaphore(%run_scoped3A : memref<!tpu.dma_semaphore, #tpu.memory_space<semaphore_mem>>) src(%dma_wait3A_153 : memref<80x128xf32, #tpu.memory_space<vmem>>) dst(%dma_wait3A_150 : memref<80x128xf32, #tpu.memory_space<hbm>>)
        tpu.yield
      }) : () -> ()
    } else {
    }
    %add3A_89 = arith.constant 32 : i32
    %add3A_90 = arith.addi %add3A_89, %arg1 : i32
    %lt3A_91 = arith.constant 125 : i32
    %lt3A_92 = arith.cmpi slt, %add3A_90, %lt3A_91 : i32
    %convert_element_type3A_93 = arith.extui %lt3A_92 : i1 to i32
    %cond3A_94 = arith.constant 0 : i32
    %cond3A_95 = arith.cmpi ne, %convert_element_type3A_93, %cond3A_94 : i32
    scf.if %cond3A_95 {
      %mul3A_131 = arith.constant 80 : i32
      %mul3A_132 = arith.muli %add3A_90, %mul3A_131 : i32
      "tpu.region"() ({
        %run_scoped3A = tpu.sem_alloc : memref<!tpu.dma_semaphore, #tpu.memory_space<semaphore_mem>>
        %dma_start3A = arith.constant 0 : i32
        %dma_start3A_136 = arith.constant 0 : i32
        %dma_start3A_137 = tpu.memref_slice %arg6[%dma_start3A, %dma_start3A_136] : memref<80x128xf32, #tpu.memory_space<vmem>> -> memref<80x128xf32, #tpu.memory_space<vmem>>
        %dma_start3A_138 = arith.constant 0 : i32
        %dma_start3A_139 = tpu.memref_slice %arg4[%mul3A_132, %dma_start3A_138] : memref<10000x128xf32, #tpu.memory_space<vmem_shared>> -> memref<80x128xf32, #tpu.memory_space<vmem_shared>>
        %dma_start3A_140 = arith.constant 0 : i32
        %dma_start3A_141 = arith.constant 0 : i32
        %dma_start3A_142 = tpu.memref_slice %arg6[%dma_start3A_140, %dma_start3A_141] : memref<80x128xf32, #tpu.memory_space<vmem>> -> memref<80x128xf32, #tpu.memory_space<vmem>>
        %dma_start3A_143 = arith.constant 0 : i32
        %dma_start3A_144 = tpu.memref_slice %arg4[%mul3A_132, %dma_start3A_143] : memref<10000x128xf32, #tpu.memory_space<vmem_shared>> -> memref<80x128xf32, #tpu.memory_space<vmem_shared>>
        tpu.enqueue_dma source(%dma_start3A_144 : memref<80x128xf32, #tpu.memory_space<vmem_shared>>) target(%dma_start3A_142 : memref<80x128xf32, #tpu.memory_space<vmem>>) target_semaphore(%run_scoped3A : memref<!tpu.dma_semaphore, #tpu.memory_space<semaphore_mem>>)
        %dma_wait3A = arith.constant 0 : i32
        %dma_wait3A_145 = arith.constant 0 : i32
        %dma_wait3A_146 = tpu.memref_slice %arg6[%dma_wait3A, %dma_wait3A_145] : memref<80x128xf32, #tpu.memory_space<vmem>> -> memref<80x128xf32, #tpu.memory_space<vmem>>
        %dma_wait3A_147 = arith.constant 0 : i32
        %dma_wait3A_148 = tpu.memref_slice %arg4[%mul3A_132, %dma_wait3A_147] : memref<10000x128xf32, #tpu.memory_space<vmem_shared>> -> memref<80x128xf32, #tpu.memory_space<vmem_shared>>
        %dma_wait3A_149 = arith.constant 0 : i32
        %dma_wait3A_150 = arith.constant 0 : i32
        %dma_wait3A_151 = tpu.memref_slice %arg6[%dma_wait3A_149, %dma_wait3A_150] : memref<80x128xf32, #tpu.memory_space<vmem>> -> memref<80x128xf32, #tpu.memory_space<vmem>>
        %dma_wait3A_152 = arith.constant 0 : i32
        %dma_wait3A_153 = tpu.memref_slice %arg4[%mul3A_132, %dma_wait3A_152] : memref<10000x128xf32, #tpu.memory_space<vmem_shared>> -> memref<80x128xf32, #tpu.memory_space<vmem_shared>>
        tpu.wait_dma2 semaphore(%run_scoped3A : memref<!tpu.dma_semaphore, #tpu.memory_space<semaphore_mem>>) src(%dma_wait3A_153 : memref<80x128xf32, #tpu.memory_space<vmem_shared>>) dst(%dma_wait3A_151 : memref<80x128xf32, #tpu.memory_space<vmem>>)
        tpu.yield
      }) : () -> ()
      %mul3A_133 = arith.constant 10000 : i32
      %mul3A_134 = arith.muli %arg0, %mul3A_133 : i32
      %add3A_135 = arith.addi %mul3A_134, %mul3A_132 : i32
      "tpu.region"() ({
        %run_scoped3A = tpu.sem_alloc : memref<!tpu.dma_semaphore, #tpu.memory_space<semaphore_mem>>
        %dma_start3A = arith.constant 0 : i32
        %dma_start3A_136 = arith.constant 0 : i32
        %dma_start3A_137 = tpu.memref_slice %arg6[%dma_start3A, %dma_start3A_136] : memref<80x128xf32, #tpu.memory_space<vmem>> -> memref<80x128xf32, #tpu.memory_space<vmem>>
        %dma_start3A_138 = arith.constant 0 : i32
        %dma_start3A_139 = tpu.memref_slice %arg3[%add3A_135, %dma_start3A_138] : memref<20000x128xf32, #tpu.memory_space<hbm>> -> memref<80x128xf32, #tpu.memory_space<hbm>>
        %dma_start3A_140 = arith.constant 0 : i32
        %dma_start3A_141 = tpu.memref_slice %arg3[%add3A_135, %dma_start3A_140] : memref<20000x128xf32, #tpu.memory_space<hbm>> -> memref<80x128xf32, #tpu.memory_space<hbm>>
        %dma_start3A_142 = arith.constant 0 : i32
        %dma_start3A_143 = arith.constant 0 : i32
        %dma_start3A_144 = tpu.memref_slice %arg6[%dma_start3A_142, %dma_start3A_143] : memref<80x128xf32, #tpu.memory_space<vmem>> -> memref<80x128xf32, #tpu.memory_space<vmem>>
        tpu.enqueue_dma source(%dma_start3A_144 : memref<80x128xf32, #tpu.memory_space<vmem>>) target(%dma_start3A_141 : memref<80x128xf32, #tpu.memory_space<hbm>>) target_semaphore(%run_scoped3A : memref<!tpu.dma_semaphore, #tpu.memory_space<semaphore_mem>>)
        %dma_wait3A = arith.constant 0 : i32
        %dma_wait3A_145 = arith.constant 0 : i32
        %dma_wait3A_146 = tpu.memref_slice %arg6[%dma_wait3A, %dma_wait3A_145] : memref<80x128xf32, #tpu.memory_space<vmem>> -> memref<80x128xf32, #tpu.memory_space<vmem>>
        %dma_wait3A_147 = arith.constant 0 : i32
        %dma_wait3A_148 = tpu.memref_slice %arg3[%add3A_135, %dma_wait3A_147] : memref<20000x128xf32, #tpu.memory_space<hbm>> -> memref<80x128xf32, #tpu.memory_space<hbm>>
        %dma_wait3A_149 = arith.constant 0 : i32
        %dma_wait3A_150 = tpu.memref_slice %arg3[%add3A_135, %dma_wait3A_149] : memref<20000x128xf32, #tpu.memory_space<hbm>> -> memref<80x128xf32, #tpu.memory_space<hbm>>
        %dma_wait3A_151 = arith.constant 0 : i32
        %dma_wait3A_152 = arith.constant 0 : i32
        %dma_wait3A_153 = tpu.memref_slice %arg6[%dma_wait3A_151, %dma_wait3A_152] : memref<80x128xf32, #tpu.memory_space<vmem>> -> memref<80x128xf32, #tpu.memory_space<vmem>>
        tpu.wait_dma2 semaphore(%run_scoped3A : memref<!tpu.dma_semaphore, #tpu.memory_space<semaphore_mem>>) src(%dma_wait3A_153 : memref<80x128xf32, #tpu.memory_space<vmem>>) dst(%dma_wait3A_150 : memref<80x128xf32, #tpu.memory_space<hbm>>)
        tpu.yield
      }) : () -> ()
    } else {
    }
    %add3A_96 = arith.constant 48 : i32
    %add3A_97 = arith.addi %add3A_96, %arg1 : i32
    %lt3A_98 = arith.constant 125 : i32
    %lt3A_99 = arith.cmpi slt, %add3A_97, %lt3A_98 : i32
    %convert_element_type3A_100 = arith.extui %lt3A_99 : i1 to i32
    %cond3A_101 = arith.constant 0 : i32
    %cond3A_102 = arith.cmpi ne, %convert_element_type3A_100, %cond3A_101 : i32
    scf.if %cond3A_102 {
      %mul3A_131 = arith.constant 80 : i32
      %mul3A_132 = arith.muli %add3A_97, %mul3A_131 : i32
      "tpu.region"() ({
        %run_scoped3A = tpu.sem_alloc : memref<!tpu.dma_semaphore, #tpu.memory_space<semaphore_mem>>
        %dma_start3A = arith.constant 0 : i32
        %dma_start3A_136 = arith.constant 0 : i32
        %dma_start3A_137 = tpu.memref_slice %arg6[%dma_start3A, %dma_start3A_136] : memref<80x128xf32, #tpu.memory_space<vmem>> -> memref<80x128xf32, #tpu.memory_space<vmem>>
        %dma_start3A_138 = arith.constant 0 : i32
        %dma_start3A_139 = tpu.memref_slice %arg4[%mul3A_132, %dma_start3A_138] : memref<10000x128xf32, #tpu.memory_space<vmem_shared>> -> memref<80x128xf32, #tpu.memory_space<vmem_shared>>
        %dma_start3A_140 = arith.constant 0 : i32
        %dma_start3A_141 = arith.constant 0 : i32
        %dma_start3A_142 = tpu.memref_slice %arg6[%dma_start3A_140, %dma_start3A_141] : memref<80x128xf32, #tpu.memory_space<vmem>> -> memref<80x128xf32, #tpu.memory_space<vmem>>
        %dma_start3A_143 = arith.constant 0 : i32
        %dma_start3A_144 = tpu.memref_slice %arg4[%mul3A_132, %dma_start3A_143] : memref<10000x128xf32, #tpu.memory_space<vmem_shared>> -> memref<80x128xf32, #tpu.memory_space<vmem_shared>>
        tpu.enqueue_dma source(%dma_start3A_144 : memref<80x128xf32, #tpu.memory_space<vmem_shared>>) target(%dma_start3A_142 : memref<80x128xf32, #tpu.memory_space<vmem>>) target_semaphore(%run_scoped3A : memref<!tpu.dma_semaphore, #tpu.memory_space<semaphore_mem>>)
        %dma_wait3A = arith.constant 0 : i32
        %dma_wait3A_145 = arith.constant 0 : i32
        %dma_wait3A_146 = tpu.memref_slice %arg6[%dma_wait3A, %dma_wait3A_145] : memref<80x128xf32, #tpu.memory_space<vmem>> -> memref<80x128xf32, #tpu.memory_space<vmem>>
        %dma_wait3A_147 = arith.constant 0 : i32
        %dma_wait3A_148 = tpu.memref_slice %arg4[%mul3A_132, %dma_wait3A_147] : memref<10000x128xf32, #tpu.memory_space<vmem_shared>> -> memref<80x128xf32, #tpu.memory_space<vmem_shared>>
        %dma_wait3A_149 = arith.constant 0 : i32
        %dma_wait3A_150 = arith.constant 0 : i32
        %dma_wait3A_151 = tpu.memref_slice %arg6[%dma_wait3A_149, %dma_wait3A_150] : memref<80x128xf32, #tpu.memory_space<vmem>> -> memref<80x128xf32, #tpu.memory_space<vmem>>
        %dma_wait3A_152 = arith.constant 0 : i32
        %dma_wait3A_153 = tpu.memref_slice %arg4[%mul3A_132, %dma_wait3A_152] : memref<10000x128xf32, #tpu.memory_space<vmem_shared>> -> memref<80x128xf32, #tpu.memory_space<vmem_shared>>
        tpu.wait_dma2 semaphore(%run_scoped3A : memref<!tpu.dma_semaphore, #tpu.memory_space<semaphore_mem>>) src(%dma_wait3A_153 : memref<80x128xf32, #tpu.memory_space<vmem_shared>>) dst(%dma_wait3A_151 : memref<80x128xf32, #tpu.memory_space<vmem>>)
        tpu.yield
      }) : () -> ()
      %mul3A_133 = arith.constant 10000 : i32
      %mul3A_134 = arith.muli %arg0, %mul3A_133 : i32
      %add3A_135 = arith.addi %mul3A_134, %mul3A_132 : i32
      "tpu.region"() ({
        %run_scoped3A = tpu.sem_alloc : memref<!tpu.dma_semaphore, #tpu.memory_space<semaphore_mem>>
        %dma_start3A = arith.constant 0 : i32
        %dma_start3A_136 = arith.constant 0 : i32
        %dma_start3A_137 = tpu.memref_slice %arg6[%dma_start3A, %dma_start3A_136] : memref<80x128xf32, #tpu.memory_space<vmem>> -> memref<80x128xf32, #tpu.memory_space<vmem>>
        %dma_start3A_138 = arith.constant 0 : i32
        %dma_start3A_139 = tpu.memref_slice %arg3[%add3A_135, %dma_start3A_138] : memref<20000x128xf32, #tpu.memory_space<hbm>> -> memref<80x128xf32, #tpu.memory_space<hbm>>
        %dma_start3A_140 = arith.constant 0 : i32
        %dma_start3A_141 = tpu.memref_slice %arg3[%add3A_135, %dma_start3A_140] : memref<20000x128xf32, #tpu.memory_space<hbm>> -> memref<80x128xf32, #tpu.memory_space<hbm>>
        %dma_start3A_142 = arith.constant 0 : i32
        %dma_start3A_143 = arith.constant 0 : i32
        %dma_start3A_144 = tpu.memref_slice %arg6[%dma_start3A_142, %dma_start3A_143] : memref<80x128xf32, #tpu.memory_space<vmem>> -> memref<80x128xf32, #tpu.memory_space<vmem>>
        tpu.enqueue_dma source(%dma_start3A_144 : memref<80x128xf32, #tpu.memory_space<vmem>>) target(%dma_start3A_141 : memref<80x128xf32, #tpu.memory_space<hbm>>) target_semaphore(%run_scoped3A : memref<!tpu.dma_semaphore, #tpu.memory_space<semaphore_mem>>)
        %dma_wait3A = arith.constant 0 : i32
        %dma_wait3A_145 = arith.constant 0 : i32
        %dma_wait3A_146 = tpu.memref_slice %arg6[%dma_wait3A, %dma_wait3A_145] : memref<80x128xf32, #tpu.memory_space<vmem>> -> memref<80x128xf32, #tpu.memory_space<vmem>>
        %dma_wait3A_147 = arith.constant 0 : i32
        %dma_wait3A_148 = tpu.memref_slice %arg3[%add3A_135, %dma_wait3A_147] : memref<20000x128xf32, #tpu.memory_space<hbm>> -> memref<80x128xf32, #tpu.memory_space<hbm>>
        %dma_wait3A_149 = arith.constant 0 : i32
        %dma_wait3A_150 = tpu.memref_slice %arg3[%add3A_135, %dma_wait3A_149] : memref<20000x128xf32, #tpu.memory_space<hbm>> -> memref<80x128xf32, #tpu.memory_space<hbm>>
        %dma_wait3A_151 = arith.constant 0 : i32
        %dma_wait3A_152 = arith.constant 0 : i32
        %dma_wait3A_153 = tpu.memref_slice %arg6[%dma_wait3A_151, %dma_wait3A_152] : memref<80x128xf32, #tpu.memory_space<vmem>> -> memref<80x128xf32, #tpu.memory_space<vmem>>
        tpu.wait_dma2 semaphore(%run_scoped3A : memref<!tpu.dma_semaphore, #tpu.memory_space<semaphore_mem>>) src(%dma_wait3A_153 : memref<80x128xf32, #tpu.memory_space<vmem>>) dst(%dma_wait3A_150 : memref<80x128xf32, #tpu.memory_space<hbm>>)
        tpu.yield
      }) : () -> ()
    } else {
    }
    %add3A_103 = arith.constant 64 : i32
    %add3A_104 = arith.addi %add3A_103, %arg1 : i32
    %lt3A_105 = arith.constant 125 : i32
    %lt3A_106 = arith.cmpi slt, %add3A_104, %lt3A_105 : i32
    %convert_element_type3A_107 = arith.extui %lt3A_106 : i1 to i32
    %cond3A_108 = arith.constant 0 : i32
    %cond3A_109 = arith.cmpi ne, %convert_element_type3A_107, %cond3A_108 : i32
    scf.if %cond3A_109 {
      %mul3A_131 = arith.constant 80 : i32
      %mul3A_132 = arith.muli %add3A_104, %mul3A_131 : i32
      "tpu.region"() ({
        %run_scoped3A = tpu.sem_alloc : memref<!tpu.dma_semaphore, #tpu.memory_space<semaphore_mem>>
        %dma_start3A = arith.constant 0 : i32
        %dma_start3A_136 = arith.constant 0 : i32
        %dma_start3A_137 = tpu.memref_slice %arg6[%dma_start3A, %dma_start3A_136] : memref<80x128xf32, #tpu.memory_space<vmem>> -> memref<80x128xf32, #tpu.memory_space<vmem>>
        %dma_start3A_138 = arith.constant 0 : i32
        %dma_start3A_139 = tpu.memref_slice %arg4[%mul3A_132, %dma_start3A_138] : memref<10000x128xf32, #tpu.memory_space<vmem_shared>> -> memref<80x128xf32, #tpu.memory_space<vmem_shared>>
        %dma_start3A_140 = arith.constant 0 : i32
        %dma_start3A_141 = arith.constant 0 : i32
        %dma_start3A_142 = tpu.memref_slice %arg6[%dma_start3A_140, %dma_start3A_141] : memref<80x128xf32, #tpu.memory_space<vmem>> -> memref<80x128xf32, #tpu.memory_space<vmem>>
        %dma_start3A_143 = arith.constant 0 : i32
        %dma_start3A_144 = tpu.memref_slice %arg4[%mul3A_132, %dma_start3A_143] : memref<10000x128xf32, #tpu.memory_space<vmem_shared>> -> memref<80x128xf32, #tpu.memory_space<vmem_shared>>
        tpu.enqueue_dma source(%dma_start3A_144 : memref<80x128xf32, #tpu.memory_space<vmem_shared>>) target(%dma_start3A_142 : memref<80x128xf32, #tpu.memory_space<vmem>>) target_semaphore(%run_scoped3A : memref<!tpu.dma_semaphore, #tpu.memory_space<semaphore_mem>>)
        %dma_wait3A = arith.constant 0 : i32
        %dma_wait3A_145 = arith.constant 0 : i32
        %dma_wait3A_146 = tpu.memref_slice %arg6[%dma_wait3A, %dma_wait3A_145] : memref<80x128xf32, #tpu.memory_space<vmem>> -> memref<80x128xf32, #tpu.memory_space<vmem>>
        %dma_wait3A_147 = arith.constant 0 : i32
        %dma_wait3A_148 = tpu.memref_slice %arg4[%mul3A_132, %dma_wait3A_147] : memref<10000x128xf32, #tpu.memory_space<vmem_shared>> -> memref<80x128xf32, #tpu.memory_space<vmem_shared>>
        %dma_wait3A_149 = arith.constant 0 : i32
        %dma_wait3A_150 = arith.constant 0 : i32
        %dma_wait3A_151 = tpu.memref_slice %arg6[%dma_wait3A_149, %dma_wait3A_150] : memref<80x128xf32, #tpu.memory_space<vmem>> -> memref<80x128xf32, #tpu.memory_space<vmem>>
        %dma_wait3A_152 = arith.constant 0 : i32
        %dma_wait3A_153 = tpu.memref_slice %arg4[%mul3A_132, %dma_wait3A_152] : memref<10000x128xf32, #tpu.memory_space<vmem_shared>> -> memref<80x128xf32, #tpu.memory_space<vmem_shared>>
        tpu.wait_dma2 semaphore(%run_scoped3A : memref<!tpu.dma_semaphore, #tpu.memory_space<semaphore_mem>>) src(%dma_wait3A_153 : memref<80x128xf32, #tpu.memory_space<vmem_shared>>) dst(%dma_wait3A_151 : memref<80x128xf32, #tpu.memory_space<vmem>>)
        tpu.yield
      }) : () -> ()
      %mul3A_133 = arith.constant 10000 : i32
      %mul3A_134 = arith.muli %arg0, %mul3A_133 : i32
      %add3A_135 = arith.addi %mul3A_134, %mul3A_132 : i32
      "tpu.region"() ({
        %run_scoped3A = tpu.sem_alloc : memref<!tpu.dma_semaphore, #tpu.memory_space<semaphore_mem>>
        %dma_start3A = arith.constant 0 : i32
        %dma_start3A_136 = arith.constant 0 : i32
        %dma_start3A_137 = tpu.memref_slice %arg6[%dma_start3A, %dma_start3A_136] : memref<80x128xf32, #tpu.memory_space<vmem>> -> memref<80x128xf32, #tpu.memory_space<vmem>>
        %dma_start3A_138 = arith.constant 0 : i32
        %dma_start3A_139 = tpu.memref_slice %arg3[%add3A_135, %dma_start3A_138] : memref<20000x128xf32, #tpu.memory_space<hbm>> -> memref<80x128xf32, #tpu.memory_space<hbm>>
        %dma_start3A_140 = arith.constant 0 : i32
        %dma_start3A_141 = tpu.memref_slice %arg3[%add3A_135, %dma_start3A_140] : memref<20000x128xf32, #tpu.memory_space<hbm>> -> memref<80x128xf32, #tpu.memory_space<hbm>>
        %dma_start3A_142 = arith.constant 0 : i32
        %dma_start3A_143 = arith.constant 0 : i32
        %dma_start3A_144 = tpu.memref_slice %arg6[%dma_start3A_142, %dma_start3A_143] : memref<80x128xf32, #tpu.memory_space<vmem>> -> memref<80x128xf32, #tpu.memory_space<vmem>>
        tpu.enqueue_dma source(%dma_start3A_144 : memref<80x128xf32, #tpu.memory_space<vmem>>) target(%dma_start3A_141 : memref<80x128xf32, #tpu.memory_space<hbm>>) target_semaphore(%run_scoped3A : memref<!tpu.dma_semaphore, #tpu.memory_space<semaphore_mem>>)
        %dma_wait3A = arith.constant 0 : i32
        %dma_wait3A_145 = arith.constant 0 : i32
        %dma_wait3A_146 = tpu.memref_slice %arg6[%dma_wait3A, %dma_wait3A_145] : memref<80x128xf32, #tpu.memory_space<vmem>> -> memref<80x128xf32, #tpu.memory_space<vmem>>
        %dma_wait3A_147 = arith.constant 0 : i32
        %dma_wait3A_148 = tpu.memref_slice %arg3[%add3A_135, %dma_wait3A_147] : memref<20000x128xf32, #tpu.memory_space<hbm>> -> memref<80x128xf32, #tpu.memory_space<hbm>>
        %dma_wait3A_149 = arith.constant 0 : i32
        %dma_wait3A_150 = tpu.memref_slice %arg3[%add3A_135, %dma_wait3A_149] : memref<20000x128xf32, #tpu.memory_space<hbm>> -> memref<80x128xf32, #tpu.memory_space<hbm>>
        %dma_wait3A_151 = arith.constant 0 : i32
        %dma_wait3A_152 = arith.constant 0 : i32
        %dma_wait3A_153 = tpu.memref_slice %arg6[%dma_wait3A_151, %dma_wait3A_152] : memref<80x128xf32, #tpu.memory_space<vmem>> -> memref<80x128xf32, #tpu.memory_space<vmem>>
        tpu.wait_dma2 semaphore(%run_scoped3A : memref<!tpu.dma_semaphore, #tpu.memory_space<semaphore_mem>>) src(%dma_wait3A_153 : memref<80x128xf32, #tpu.memory_space<vmem>>) dst(%dma_wait3A_150 : memref<80x128xf32, #tpu.memory_space<hbm>>)
        tpu.yield
      }) : () -> ()
    } else {
    }
    %add3A_110 = arith.constant 80 : i32
    %add3A_111 = arith.addi %add3A_110, %arg1 : i32
    %lt3A_112 = arith.constant 125 : i32
    %lt3A_113 = arith.cmpi slt, %add3A_111, %lt3A_112 : i32
    %convert_element_type3A_114 = arith.extui %lt3A_113 : i1 to i32
    %cond3A_115 = arith.constant 0 : i32
    %cond3A_116 = arith.cmpi ne, %convert_element_type3A_114, %cond3A_115 : i32
    scf.if %cond3A_116 {
      %mul3A_131 = arith.constant 80 : i32
      %mul3A_132 = arith.muli %add3A_111, %mul3A_131 : i32
      "tpu.region"() ({
        %run_scoped3A = tpu.sem_alloc : memref<!tpu.dma_semaphore, #tpu.memory_space<semaphore_mem>>
        %dma_start3A = arith.constant 0 : i32
        %dma_start3A_136 = arith.constant 0 : i32
        %dma_start3A_137 = tpu.memref_slice %arg6[%dma_start3A, %dma_start3A_136] : memref<80x128xf32, #tpu.memory_space<vmem>> -> memref<80x128xf32, #tpu.memory_space<vmem>>
        %dma_start3A_138 = arith.constant 0 : i32
        %dma_start3A_139 = tpu.memref_slice %arg4[%mul3A_132, %dma_start3A_138] : memref<10000x128xf32, #tpu.memory_space<vmem_shared>> -> memref<80x128xf32, #tpu.memory_space<vmem_shared>>
        %dma_start3A_140 = arith.constant 0 : i32
        %dma_start3A_141 = arith.constant 0 : i32
        %dma_start3A_142 = tpu.memref_slice %arg6[%dma_start3A_140, %dma_start3A_141] : memref<80x128xf32, #tpu.memory_space<vmem>> -> memref<80x128xf32, #tpu.memory_space<vmem>>
        %dma_start3A_143 = arith.constant 0 : i32
        %dma_start3A_144 = tpu.memref_slice %arg4[%mul3A_132, %dma_start3A_143] : memref<10000x128xf32, #tpu.memory_space<vmem_shared>> -> memref<80x128xf32, #tpu.memory_space<vmem_shared>>
        tpu.enqueue_dma source(%dma_start3A_144 : memref<80x128xf32, #tpu.memory_space<vmem_shared>>) target(%dma_start3A_142 : memref<80x128xf32, #tpu.memory_space<vmem>>) target_semaphore(%run_scoped3A : memref<!tpu.dma_semaphore, #tpu.memory_space<semaphore_mem>>)
        %dma_wait3A = arith.constant 0 : i32
        %dma_wait3A_145 = arith.constant 0 : i32
        %dma_wait3A_146 = tpu.memref_slice %arg6[%dma_wait3A, %dma_wait3A_145] : memref<80x128xf32, #tpu.memory_space<vmem>> -> memref<80x128xf32, #tpu.memory_space<vmem>>
        %dma_wait3A_147 = arith.constant 0 : i32
        %dma_wait3A_148 = tpu.memref_slice %arg4[%mul3A_132, %dma_wait3A_147] : memref<10000x128xf32, #tpu.memory_space<vmem_shared>> -> memref<80x128xf32, #tpu.memory_space<vmem_shared>>
        %dma_wait3A_149 = arith.constant 0 : i32
        %dma_wait3A_150 = arith.constant 0 : i32
        %dma_wait3A_151 = tpu.memref_slice %arg6[%dma_wait3A_149, %dma_wait3A_150] : memref<80x128xf32, #tpu.memory_space<vmem>> -> memref<80x128xf32, #tpu.memory_space<vmem>>
        %dma_wait3A_152 = arith.constant 0 : i32
        %dma_wait3A_153 = tpu.memref_slice %arg4[%mul3A_132, %dma_wait3A_152] : memref<10000x128xf32, #tpu.memory_space<vmem_shared>> -> memref<80x128xf32, #tpu.memory_space<vmem_shared>>
        tpu.wait_dma2 semaphore(%run_scoped3A : memref<!tpu.dma_semaphore, #tpu.memory_space<semaphore_mem>>) src(%dma_wait3A_153 : memref<80x128xf32, #tpu.memory_space<vmem_shared>>) dst(%dma_wait3A_151 : memref<80x128xf32, #tpu.memory_space<vmem>>)
        tpu.yield
      }) : () -> ()
      %mul3A_133 = arith.constant 10000 : i32
      %mul3A_134 = arith.muli %arg0, %mul3A_133 : i32
      %add3A_135 = arith.addi %mul3A_134, %mul3A_132 : i32
      "tpu.region"() ({
        %run_scoped3A = tpu.sem_alloc : memref<!tpu.dma_semaphore, #tpu.memory_space<semaphore_mem>>
        %dma_start3A = arith.constant 0 : i32
        %dma_start3A_136 = arith.constant 0 : i32
        %dma_start3A_137 = tpu.memref_slice %arg6[%dma_start3A, %dma_start3A_136] : memref<80x128xf32, #tpu.memory_space<vmem>> -> memref<80x128xf32, #tpu.memory_space<vmem>>
        %dma_start3A_138 = arith.constant 0 : i32
        %dma_start3A_139 = tpu.memref_slice %arg3[%add3A_135, %dma_start3A_138] : memref<20000x128xf32, #tpu.memory_space<hbm>> -> memref<80x128xf32, #tpu.memory_space<hbm>>
        %dma_start3A_140 = arith.constant 0 : i32
        %dma_start3A_141 = tpu.memref_slice %arg3[%add3A_135, %dma_start3A_140] : memref<20000x128xf32, #tpu.memory_space<hbm>> -> memref<80x128xf32, #tpu.memory_space<hbm>>
        %dma_start3A_142 = arith.constant 0 : i32
        %dma_start3A_143 = arith.constant 0 : i32
        %dma_start3A_144 = tpu.memref_slice %arg6[%dma_start3A_142, %dma_start3A_143] : memref<80x128xf32, #tpu.memory_space<vmem>> -> memref<80x128xf32, #tpu.memory_space<vmem>>
        tpu.enqueue_dma source(%dma_start3A_144 : memref<80x128xf32, #tpu.memory_space<vmem>>) target(%dma_start3A_141 : memref<80x128xf32, #tpu.memory_space<hbm>>) target_semaphore(%run_scoped3A : memref<!tpu.dma_semaphore, #tpu.memory_space<semaphore_mem>>)
        %dma_wait3A = arith.constant 0 : i32
        %dma_wait3A_145 = arith.constant 0 : i32
        %dma_wait3A_146 = tpu.memref_slice %arg6[%dma_wait3A, %dma_wait3A_145] : memref<80x128xf32, #tpu.memory_space<vmem>> -> memref<80x128xf32, #tpu.memory_space<vmem>>
        %dma_wait3A_147 = arith.constant 0 : i32
        %dma_wait3A_148 = tpu.memref_slice %arg3[%add3A_135, %dma_wait3A_147] : memref<20000x128xf32, #tpu.memory_space<hbm>> -> memref<80x128xf32, #tpu.memory_space<hbm>>
        %dma_wait3A_149 = arith.constant 0 : i32
        %dma_wait3A_150 = tpu.memref_slice %arg3[%add3A_135, %dma_wait3A_149] : memref<20000x128xf32, #tpu.memory_space<hbm>> -> memref<80x128xf32, #tpu.memory_space<hbm>>
        %dma_wait3A_151 = arith.constant 0 : i32
        %dma_wait3A_152 = arith.constant 0 : i32
        %dma_wait3A_153 = tpu.memref_slice %arg6[%dma_wait3A_151, %dma_wait3A_152] : memref<80x128xf32, #tpu.memory_space<vmem>> -> memref<80x128xf32, #tpu.memory_space<vmem>>
        tpu.wait_dma2 semaphore(%run_scoped3A : memref<!tpu.dma_semaphore, #tpu.memory_space<semaphore_mem>>) src(%dma_wait3A_153 : memref<80x128xf32, #tpu.memory_space<vmem>>) dst(%dma_wait3A_150 : memref<80x128xf32, #tpu.memory_space<hbm>>)
        tpu.yield
      }) : () -> ()
    } else {
    }
    %add3A_117 = arith.constant 96 : i32
    %add3A_118 = arith.addi %add3A_117, %arg1 : i32
    %lt3A_119 = arith.constant 125 : i32
    %lt3A_120 = arith.cmpi slt, %add3A_118, %lt3A_119 : i32
    %convert_element_type3A_121 = arith.extui %lt3A_120 : i1 to i32
    %cond3A_122 = arith.constant 0 : i32
    %cond3A_123 = arith.cmpi ne, %convert_element_type3A_121, %cond3A_122 : i32
    scf.if %cond3A_123 {
      %mul3A_131 = arith.constant 80 : i32
      %mul3A_132 = arith.muli %add3A_118, %mul3A_131 : i32
      "tpu.region"() ({
        %run_scoped3A = tpu.sem_alloc : memref<!tpu.dma_semaphore, #tpu.memory_space<semaphore_mem>>
        %dma_start3A = arith.constant 0 : i32
        %dma_start3A_136 = arith.constant 0 : i32
        %dma_start3A_137 = tpu.memref_slice %arg6[%dma_start3A, %dma_start3A_136] : memref<80x128xf32, #tpu.memory_space<vmem>> -> memref<80x128xf32, #tpu.memory_space<vmem>>
        %dma_start3A_138 = arith.constant 0 : i32
        %dma_start3A_139 = tpu.memref_slice %arg4[%mul3A_132, %dma_start3A_138] : memref<10000x128xf32, #tpu.memory_space<vmem_shared>> -> memref<80x128xf32, #tpu.memory_space<vmem_shared>>
        %dma_start3A_140 = arith.constant 0 : i32
        %dma_start3A_141 = arith.constant 0 : i32
        %dma_start3A_142 = tpu.memref_slice %arg6[%dma_start3A_140, %dma_start3A_141] : memref<80x128xf32, #tpu.memory_space<vmem>> -> memref<80x128xf32, #tpu.memory_space<vmem>>
        %dma_start3A_143 = arith.constant 0 : i32
        %dma_start3A_144 = tpu.memref_slice %arg4[%mul3A_132, %dma_start3A_143] : memref<10000x128xf32, #tpu.memory_space<vmem_shared>> -> memref<80x128xf32, #tpu.memory_space<vmem_shared>>
        tpu.enqueue_dma source(%dma_start3A_144 : memref<80x128xf32, #tpu.memory_space<vmem_shared>>) target(%dma_start3A_142 : memref<80x128xf32, #tpu.memory_space<vmem>>) target_semaphore(%run_scoped3A : memref<!tpu.dma_semaphore, #tpu.memory_space<semaphore_mem>>)
        %dma_wait3A = arith.constant 0 : i32
        %dma_wait3A_145 = arith.constant 0 : i32
        %dma_wait3A_146 = tpu.memref_slice %arg6[%dma_wait3A, %dma_wait3A_145] : memref<80x128xf32, #tpu.memory_space<vmem>> -> memref<80x128xf32, #tpu.memory_space<vmem>>
        %dma_wait3A_147 = arith.constant 0 : i32
        %dma_wait3A_148 = tpu.memref_slice %arg4[%mul3A_132, %dma_wait3A_147] : memref<10000x128xf32, #tpu.memory_space<vmem_shared>> -> memref<80x128xf32, #tpu.memory_space<vmem_shared>>
        %dma_wait3A_149 = arith.constant 0 : i32
        %dma_wait3A_150 = arith.constant 0 : i32
        %dma_wait3A_151 = tpu.memref_slice %arg6[%dma_wait3A_149, %dma_wait3A_150] : memref<80x128xf32, #tpu.memory_space<vmem>> -> memref<80x128xf32, #tpu.memory_space<vmem>>
        %dma_wait3A_152 = arith.constant 0 : i32
        %dma_wait3A_153 = tpu.memref_slice %arg4[%mul3A_132, %dma_wait3A_152] : memref<10000x128xf32, #tpu.memory_space<vmem_shared>> -> memref<80x128xf32, #tpu.memory_space<vmem_shared>>
        tpu.wait_dma2 semaphore(%run_scoped3A : memref<!tpu.dma_semaphore, #tpu.memory_space<semaphore_mem>>) src(%dma_wait3A_153 : memref<80x128xf32, #tpu.memory_space<vmem_shared>>) dst(%dma_wait3A_151 : memref<80x128xf32, #tpu.memory_space<vmem>>)
        tpu.yield
      }) : () -> ()
      %mul3A_133 = arith.constant 10000 : i32
      %mul3A_134 = arith.muli %arg0, %mul3A_133 : i32
      %add3A_135 = arith.addi %mul3A_134, %mul3A_132 : i32
      "tpu.region"() ({
        %run_scoped3A = tpu.sem_alloc : memref<!tpu.dma_semaphore, #tpu.memory_space<semaphore_mem>>
        %dma_start3A = arith.constant 0 : i32
        %dma_start3A_136 = arith.constant 0 : i32
        %dma_start3A_137 = tpu.memref_slice %arg6[%dma_start3A, %dma_start3A_136] : memref<80x128xf32, #tpu.memory_space<vmem>> -> memref<80x128xf32, #tpu.memory_space<vmem>>
        %dma_start3A_138 = arith.constant 0 : i32
        %dma_start3A_139 = tpu.memref_slice %arg3[%add3A_135, %dma_start3A_138] : memref<20000x128xf32, #tpu.memory_space<hbm>> -> memref<80x128xf32, #tpu.memory_space<hbm>>
        %dma_start3A_140 = arith.constant 0 : i32
        %dma_start3A_141 = tpu.memref_slice %arg3[%add3A_135, %dma_start3A_140] : memref<20000x128xf32, #tpu.memory_space<hbm>> -> memref<80x128xf32, #tpu.memory_space<hbm>>
        %dma_start3A_142 = arith.constant 0 : i32
        %dma_start3A_143 = arith.constant 0 : i32
        %dma_start3A_144 = tpu.memref_slice %arg6[%dma_start3A_142, %dma_start3A_143] : memref<80x128xf32, #tpu.memory_space<vmem>> -> memref<80x128xf32, #tpu.memory_space<vmem>>
        tpu.enqueue_dma source(%dma_start3A_144 : memref<80x128xf32, #tpu.memory_space<vmem>>) target(%dma_start3A_141 : memref<80x128xf32, #tpu.memory_space<hbm>>) target_semaphore(%run_scoped3A : memref<!tpu.dma_semaphore, #tpu.memory_space<semaphore_mem>>)
        %dma_wait3A = arith.constant 0 : i32
        %dma_wait3A_145 = arith.constant 0 : i32
        %dma_wait3A_146 = tpu.memref_slice %arg6[%dma_wait3A, %dma_wait3A_145] : memref<80x128xf32, #tpu.memory_space<vmem>> -> memref<80x128xf32, #tpu.memory_space<vmem>>
        %dma_wait3A_147 = arith.constant 0 : i32
        %dma_wait3A_148 = tpu.memref_slice %arg3[%add3A_135, %dma_wait3A_147] : memref<20000x128xf32, #tpu.memory_space<hbm>> -> memref<80x128xf32, #tpu.memory_space<hbm>>
        %dma_wait3A_149 = arith.constant 0 : i32
        %dma_wait3A_150 = tpu.memref_slice %arg3[%add3A_135, %dma_wait3A_149] : memref<20000x128xf32, #tpu.memory_space<hbm>> -> memref<80x128xf32, #tpu.memory_space<hbm>>
        %dma_wait3A_151 = arith.constant 0 : i32
        %dma_wait3A_152 = arith.constant 0 : i32
        %dma_wait3A_153 = tpu.memref_slice %arg6[%dma_wait3A_151, %dma_wait3A_152] : memref<80x128xf32, #tpu.memory_space<vmem>> -> memref<80x128xf32, #tpu.memory_space<vmem>>
        tpu.wait_dma2 semaphore(%run_scoped3A : memref<!tpu.dma_semaphore, #tpu.memory_space<semaphore_mem>>) src(%dma_wait3A_153 : memref<80x128xf32, #tpu.memory_space<vmem>>) dst(%dma_wait3A_150 : memref<80x128xf32, #tpu.memory_space<hbm>>)
        tpu.yield
      }) : () -> ()
    } else {
    }
    %add3A_124 = arith.constant 112 : i32
    %add3A_125 = arith.addi %add3A_124, %arg1 : i32
    %lt3A_126 = arith.constant 125 : i32
    %lt3A_127 = arith.cmpi slt, %add3A_125, %lt3A_126 : i32
    %convert_element_type3A_128 = arith.extui %lt3A_127 : i1 to i32
    %cond3A_129 = arith.constant 0 : i32
    %cond3A_130 = arith.cmpi ne, %convert_element_type3A_128, %cond3A_129 : i32
    scf.if %cond3A_130 {
      %mul3A_131 = arith.constant 80 : i32
      %mul3A_132 = arith.muli %add3A_125, %mul3A_131 : i32
      "tpu.region"() ({
        %run_scoped3A = tpu.sem_alloc : memref<!tpu.dma_semaphore, #tpu.memory_space<semaphore_mem>>
        %dma_start3A = arith.constant 0 : i32
        %dma_start3A_136 = arith.constant 0 : i32
        %dma_start3A_137 = tpu.memref_slice %arg6[%dma_start3A, %dma_start3A_136] : memref<80x128xf32, #tpu.memory_space<vmem>> -> memref<80x128xf32, #tpu.memory_space<vmem>>
        %dma_start3A_138 = arith.constant 0 : i32
        %dma_start3A_139 = tpu.memref_slice %arg4[%mul3A_132, %dma_start3A_138] : memref<10000x128xf32, #tpu.memory_space<vmem_shared>> -> memref<80x128xf32, #tpu.memory_space<vmem_shared>>
        %dma_start3A_140 = arith.constant 0 : i32
        %dma_start3A_141 = arith.constant 0 : i32
        %dma_start3A_142 = tpu.memref_slice %arg6[%dma_start3A_140, %dma_start3A_141] : memref<80x128xf32, #tpu.memory_space<vmem>> -> memref<80x128xf32, #tpu.memory_space<vmem>>
        %dma_start3A_143 = arith.constant 0 : i32
        %dma_start3A_144 = tpu.memref_slice %arg4[%mul3A_132, %dma_start3A_143] : memref<10000x128xf32, #tpu.memory_space<vmem_shared>> -> memref<80x128xf32, #tpu.memory_space<vmem_shared>>
        tpu.enqueue_dma source(%dma_start3A_144 : memref<80x128xf32, #tpu.memory_space<vmem_shared>>) target(%dma_start3A_142 : memref<80x128xf32, #tpu.memory_space<vmem>>) target_semaphore(%run_scoped3A : memref<!tpu.dma_semaphore, #tpu.memory_space<semaphore_mem>>)
        %dma_wait3A = arith.constant 0 : i32
        %dma_wait3A_145 = arith.constant 0 : i32
        %dma_wait3A_146 = tpu.memref_slice %arg6[%dma_wait3A, %dma_wait3A_145] : memref<80x128xf32, #tpu.memory_space<vmem>> -> memref<80x128xf32, #tpu.memory_space<vmem>>
        %dma_wait3A_147 = arith.constant 0 : i32
        %dma_wait3A_148 = tpu.memref_slice %arg4[%mul3A_132, %dma_wait3A_147] : memref<10000x128xf32, #tpu.memory_space<vmem_shared>> -> memref<80x128xf32, #tpu.memory_space<vmem_shared>>
        %dma_wait3A_149 = arith.constant 0 : i32
        %dma_wait3A_150 = arith.constant 0 : i32
        %dma_wait3A_151 = tpu.memref_slice %arg6[%dma_wait3A_149, %dma_wait3A_150] : memref<80x128xf32, #tpu.memory_space<vmem>> -> memref<80x128xf32, #tpu.memory_space<vmem>>
        %dma_wait3A_152 = arith.constant 0 : i32
        %dma_wait3A_153 = tpu.memref_slice %arg4[%mul3A_132, %dma_wait3A_152] : memref<10000x128xf32, #tpu.memory_space<vmem_shared>> -> memref<80x128xf32, #tpu.memory_space<vmem_shared>>
        tpu.wait_dma2 semaphore(%run_scoped3A : memref<!tpu.dma_semaphore, #tpu.memory_space<semaphore_mem>>) src(%dma_wait3A_153 : memref<80x128xf32, #tpu.memory_space<vmem_shared>>) dst(%dma_wait3A_151 : memref<80x128xf32, #tpu.memory_space<vmem>>)
        tpu.yield
      }) : () -> ()
      %mul3A_133 = arith.constant 10000 : i32
      %mul3A_134 = arith.muli %arg0, %mul3A_133 : i32
      %add3A_135 = arith.addi %mul3A_134, %mul3A_132 : i32
      "tpu.region"() ({
        %run_scoped3A = tpu.sem_alloc : memref<!tpu.dma_semaphore, #tpu.memory_space<semaphore_mem>>
        %dma_start3A = arith.constant 0 : i32
        %dma_start3A_136 = arith.constant 0 : i32
        %dma_start3A_137 = tpu.memref_slice %arg6[%dma_start3A, %dma_start3A_136] : memref<80x128xf32, #tpu.memory_space<vmem>> -> memref<80x128xf32, #tpu.memory_space<vmem>>
        %dma_start3A_138 = arith.constant 0 : i32
        %dma_start3A_139 = tpu.memref_slice %arg3[%add3A_135, %dma_start3A_138] : memref<20000x128xf32, #tpu.memory_space<hbm>> -> memref<80x128xf32, #tpu.memory_space<hbm>>
        %dma_start3A_140 = arith.constant 0 : i32
        %dma_start3A_141 = tpu.memref_slice %arg3[%add3A_135, %dma_start3A_140] : memref<20000x128xf32, #tpu.memory_space<hbm>> -> memref<80x128xf32, #tpu.memory_space<hbm>>
        %dma_start3A_142 = arith.constant 0 : i32
        %dma_start3A_143 = arith.constant 0 : i32
        %dma_start3A_144 = tpu.memref_slice %arg6[%dma_start3A_142, %dma_start3A_143] : memref<80x128xf32, #tpu.memory_space<vmem>> -> memref<80x128xf32, #tpu.memory_space<vmem>>
        tpu.enqueue_dma source(%dma_start3A_144 : memref<80x128xf32, #tpu.memory_space<vmem>>) target(%dma_start3A_141 : memref<80x128xf32, #tpu.memory_space<hbm>>) target_semaphore(%run_scoped3A : memref<!tpu.dma_semaphore, #tpu.memory_space<semaphore_mem>>)
        %dma_wait3A = arith.constant 0 : i32
        %dma_wait3A_145 = arith.constant 0 : i32
        %dma_wait3A_146 = tpu.memref_slice %arg6[%dma_wait3A, %dma_wait3A_145] : memref<80x128xf32, #tpu.memory_space<vmem>> -> memref<80x128xf32, #tpu.memory_space<vmem>>
        %dma_wait3A_147 = arith.constant 0 : i32
        %dma_wait3A_148 = tpu.memref_slice %arg3[%add3A_135, %dma_wait3A_147] : memref<20000x128xf32, #tpu.memory_space<hbm>> -> memref<80x128xf32, #tpu.memory_space<hbm>>
        %dma_wait3A_149 = arith.constant 0 : i32
        %dma_wait3A_150 = tpu.memref_slice %arg3[%add3A_135, %dma_wait3A_149] : memref<20000x128xf32, #tpu.memory_space<hbm>> -> memref<80x128xf32, #tpu.memory_space<hbm>>
        %dma_wait3A_151 = arith.constant 0 : i32
        %dma_wait3A_152 = arith.constant 0 : i32
        %dma_wait3A_153 = tpu.memref_slice %arg6[%dma_wait3A_151, %dma_wait3A_152] : memref<80x128xf32, #tpu.memory_space<vmem>> -> memref<80x128xf32, #tpu.memory_space<vmem>>
        tpu.wait_dma2 semaphore(%run_scoped3A : memref<!tpu.dma_semaphore, #tpu.memory_space<semaphore_mem>>) src(%dma_wait3A_153 : memref<80x128xf32, #tpu.memory_space<vmem>>) dst(%dma_wait3A_150 : memref<80x128xf32, #tpu.memory_space<hbm>>)
        tpu.yield
      }) : () -> ()
    } else {
    }
    return
  }
}

#map = affine_map<(d0, d1) -> (0, 0)>
#map1 = affine_map<(d0, d1) -> (0, 0, 0)>
module attributes {stable_mosaic.version = 14 : i64} {
  func.func @_seg_body(%arg0: i32, %arg1: i32, %arg2: memref<10000x128xf32, #tpu.memory_space<hbm>>, %arg3: memref<32x10000xi32, #tpu.memory_space<hbm>>, %arg4: memref<32x125x80xi32, #tpu.memory_space<hbm>>, %arg5: memref<20000x128xf32, #tpu.memory_space<hbm>>, %arg6: memref<10000x128xf32, #tpu.memory_space<vmem_shared>>, %arg7: memref<10000xi32, #tpu.memory_space<vmem>>, %arg8: memref<125x80xi32, #tpu.memory_space<vmem>>, %arg9: memref<80x128xf32, #tpu.memory_space<vmem>>, %arg10: memref<80x128xf32, #tpu.memory_space<vmem>>, %arg11: memref<!tpu.dma_semaphore, #tpu.memory_space<semaphore_mem>>, %arg12: memref<!tpu.dma_semaphore, #tpu.memory_space<semaphore_mem>>) attributes {dimension_semantics = [#tpu.dimension_semantics<core_parallel>, #tpu.dimension_semantics<subcore_parallel>], iteration_bounds = array<i64: 2, 16>, scalar_prefetch = 0 : i64, scratch_operands = 7 : i64, tpu.core_type = #tpu.core_type<sc_vector_subcore>, window_params = [{transform_indices = #map}, {transform_indices = #map}, {transform_indices = #map1}, {transform_indices = #map}]} {
    %mul3A = arith.constant 2 : i32
    %mul3A_0 = arith.muli %arg1, %mul3A : i32
    %add3A = arith.addi %mul3A_0, %arg0 : i32
    %scan3A = arith.constant 0 : i32
    %scan3A_1 = arith.constant 0 : i32
    %scan3A_2 = arith.constant 640 : i32
    %scan3A_3 = arith.addi %scan3A_1, %scan3A_2 : i32
    %scan3A_4 = arith.constant 1 : i32
    %scan3A_5 = scf.for %scan3A_133 = %scan3A_1 to %scan3A_3 step %scan3A_4 iter_args(%scan3A_134 = %scan3A) -> (i32)  : i32 {
      %jit3A = arith.constant 8 : i32
      %div3A = arith.divsi %scan3A_133, %jit3A : i32
      %sign3A = arith.constant 0 : i32
      %sign3A_135 = arith.cmpi sgt, %scan3A_133, %sign3A : i32
      %sign3A_136 = arith.extui %sign3A_135 : i1 to i32
      %sign3A_137 = arith.constant 0 : i32
      %sign3A_138 = arith.cmpi slt, %scan3A_133, %sign3A_137 : i32
      %sign3A_139 = arith.extui %sign3A_138 : i1 to i32
      %sign3A_140 = arith.subi %sign3A_136, %sign3A_139 : i32
      %sign3A_141 = arith.constant 0 : i32
      %sign3A_142 = arith.cmpi sgt, %jit3A, %sign3A_141 : i32
      %sign3A_143 = arith.extui %sign3A_142 : i1 to i32
      %sign3A_144 = arith.constant 0 : i32
      %sign3A_145 = arith.cmpi slt, %jit3A, %sign3A_144 : i32
      %sign3A_146 = arith.extui %sign3A_145 : i1 to i32
      %sign3A_147 = arith.subi %sign3A_143, %sign3A_146 : i32
      %ne3A = arith.cmpi ne, %sign3A_140, %sign3A_147 : i32
      %rem3A = arith.remsi %scan3A_133, %jit3A : i32
      %ne3A_148 = arith.constant 0 : i32
      %ne3A_149 = arith.cmpi ne, %rem3A, %ne3A_148 : i32
      %and3A = arith.andi %ne3A, %ne3A_149 : i1
      %sub3A = arith.constant 1 : i32
      %sub3A_150 = arith.subi %div3A, %sub3A : i32
      %select_n3A = arith.select %and3A, %sub3A_150, %div3A : i32
      %jit3A_151 = arith.constant 8 : i32
      %eq3A = arith.constant 0 : i32
      %eq3A_152 = arith.cmpi eq, %jit3A_151, %eq3A : i32
      %jit3A_153 = arith.constant 1 : i32
      %select_n3A_154 = arith.select %eq3A_152, %jit3A_153, %jit3A_151 : i32
      %rem3A_155 = arith.remsi %scan3A_133, %select_n3A_154 : i32
      %ne3A_156 = arith.constant 0 : i32
      %ne3A_157 = arith.cmpi ne, %rem3A_155, %ne3A_156 : i32
      %lt3A_158 = arith.constant 0 : i32
      %lt3A_159 = arith.cmpi slt, %rem3A_155, %lt3A_158 : i32
      %lt3A_160 = arith.constant 0 : i32
      %lt3A_161 = arith.cmpi slt, %select_n3A_154, %lt3A_160 : i32
      %ne3A_162 = arith.xori %lt3A_159, %lt3A_161 : i1
      %and3A_163 = arith.andi %ne3A_162, %ne3A_157 : i1
      %add3A_164 = arith.addi %rem3A_155, %select_n3A_154 : i32
      %select_n3A_165 = arith.select %and3A_163, %add3A_164, %rem3A_155 : i32
      %broadcast_in_dim3A = arith.constant 0.000000e+00 : f32
      %broadcast_in_dim3A_166 = vector.broadcast %broadcast_in_dim3A : f32 to vector<16xf32>
      %mul3A_167 = arith.constant 16 : i32
      %mul3A_168 = arith.muli %select_n3A_165, %mul3A_167 : i32
      %swap3A = arith.index_cast %select_n3A : i32 to index
      %swap3A_169 = arith.index_cast %mul3A_168 : i32 to index
      %swap3A_170 = tpu.vector_load %arg9[%swap3A, %swap3A_169] {strides = array<i32>} : memref<80x128xf32, #tpu.memory_space<vmem>>, vector<1x16xf32>,
      %swap3A_171 = vector.shape_cast %swap3A_170 : vector<1x16xf32> to vector<16xf32>
      %swap3A_172 = vector.shape_cast %broadcast_in_dim3A_166 : vector<16xf32> to vector<1x16xf32>
      tpu.vector_store %arg9[%swap3A, %swap3A_169], %swap3A_172 {strides = array<i32>} : memref<80x128xf32, #tpu.memory_space<vmem>>, vector<1x16xf32>,
      %scan3A_173 = arith.constant 0 : i32
      scf.yield %scan3A_173 : i32
    }
    %scan3A_6 = arith.constant 640 : i32
    %add3A_7 = arith.constant 0 : i32
    %add3A_8 = arith.addi %add3A_7, %arg1 : i32
    %lt3A = arith.constant 125 : i32
    %lt3A_9 = arith.cmpi slt, %add3A_8, %lt3A : i32
    %convert_element_type3A = arith.extui %lt3A_9 : i1 to i32
    %cond3A = arith.constant 0 : i32
    %cond3A_10 = arith.cmpi ne, %convert_element_type3A, %cond3A : i32
    scf.if %cond3A_10 {
      %mul3A_133 = arith.constant 80 : i32
      %mul3A_134 = arith.muli %add3A_8, %mul3A_133 : i32
      "tpu.region"() ({
        %run_scoped3A = tpu.sem_alloc : memref<!tpu.dma_semaphore, #tpu.memory_space<semaphore_mem>>
        %dma_start3A_135 = arith.constant 0 : i32
        %dma_start3A_136 = arith.constant 0 : i32
        %dma_start3A_137 = tpu.memref_slice %arg9[%dma_start3A_135, %dma_start3A_136] : memref<80x128xf32, #tpu.memory_space<vmem>> -> memref<80x128xf32, #tpu.memory_space<vmem>>
        %dma_start3A_138 = arith.constant 0 : i32
        %dma_start3A_139 = tpu.memref_slice %arg6[%mul3A_134, %dma_start3A_138] : memref<10000x128xf32, #tpu.memory_space<vmem_shared>> -> memref<80x128xf32, #tpu.memory_space<vmem_shared>>
        %dma_start3A_140 = arith.constant 0 : i32
        %dma_start3A_141 = tpu.memref_slice %arg6[%mul3A_134, %dma_start3A_140] : memref<10000x128xf32, #tpu.memory_space<vmem_shared>> -> memref<80x128xf32, #tpu.memory_space<vmem_shared>>
        %dma_start3A_142 = arith.constant 0 : i32
        %dma_start3A_143 = arith.constant 0 : i32
        %dma_start3A_144 = tpu.memref_slice %arg9[%dma_start3A_142, %dma_start3A_143] : memref<80x128xf32, #tpu.memory_space<vmem>> -> memref<80x128xf32, #tpu.memory_space<vmem>>
        tpu.enqueue_dma source(%dma_start3A_144 : memref<80x128xf32, #tpu.memory_space<vmem>>) target(%dma_start3A_141 : memref<80x128xf32, #tpu.memory_space<vmem_shared>>) target_semaphore(%run_scoped3A : memref<!tpu.dma_semaphore, #tpu.memory_space<semaphore_mem>>)
        %dma_wait3A = arith.constant 0 : i32
        %dma_wait3A_145 = arith.constant 0 : i32
        %dma_wait3A_146 = tpu.memref_slice %arg9[%dma_wait3A, %dma_wait3A_145] : memref<80x128xf32, #tpu.memory_space<vmem>> -> memref<80x128xf32, #tpu.memory_space<vmem>>
        %dma_wait3A_147 = arith.constant 0 : i32
        %dma_wait3A_148 = tpu.memref_slice %arg6[%mul3A_134, %dma_wait3A_147] : memref<10000x128xf32, #tpu.memory_space<vmem_shared>> -> memref<80x128xf32, #tpu.memory_space<vmem_shared>>
        %dma_wait3A_149 = arith.constant 0 : i32
        %dma_wait3A_150 = tpu.memref_slice %arg6[%mul3A_134, %dma_wait3A_149] : memref<10000x128xf32, #tpu.memory_space<vmem_shared>> -> memref<80x128xf32, #tpu.memory_space<vmem_shared>>
        %dma_wait3A_151 = arith.constant 0 : i32
        %dma_wait3A_152 = arith.constant 0 : i32
        %dma_wait3A_153 = tpu.memref_slice %arg9[%dma_wait3A_151, %dma_wait3A_152] : memref<80x128xf32, #tpu.memory_space<vmem>> -> memref<80x128xf32, #tpu.memory_space<vmem>>
        tpu.wait_dma2 semaphore(%run_scoped3A : memref<!tpu.dma_semaphore, #tpu.memory_space<semaphore_mem>>) src(%dma_wait3A_153 : memref<80x128xf32, #tpu.memory_space<vmem>>) dst(%dma_wait3A_150 : memref<80x128xf32, #tpu.memory_space<vmem_shared>>)
        tpu.yield
      }) : () -> ()
    } else {
    }
    %add3A_11 = arith.constant 16 : i32
    %add3A_12 = arith.addi %add3A_11, %arg1 : i32
    %lt3A_13 = arith.constant 125 : i32
    %lt3A_14 = arith.cmpi slt, %add3A_12, %lt3A_13 : i32
    %convert_element_type3A_15 = arith.extui %lt3A_14 : i1 to i32
    %cond3A_16 = arith.constant 0 : i32
    %cond3A_17 = arith.cmpi ne, %convert_element_type3A_15, %cond3A_16 : i32
    scf.if %cond3A_17 {
      %mul3A_133 = arith.constant 80 : i32
      %mul3A_134 = arith.muli %add3A_12, %mul3A_133 : i32
      "tpu.region"() ({
        %run_scoped3A = tpu.sem_alloc : memref<!tpu.dma_semaphore, #tpu.memory_space<semaphore_mem>>
        %dma_start3A_135 = arith.constant 0 : i32
        %dma_start3A_136 = arith.constant 0 : i32
        %dma_start3A_137 = tpu.memref_slice %arg9[%dma_start3A_135, %dma_start3A_136] : memref<80x128xf32, #tpu.memory_space<vmem>> -> memref<80x128xf32, #tpu.memory_space<vmem>>
        %dma_start3A_138 = arith.constant 0 : i32
        %dma_start3A_139 = tpu.memref_slice %arg6[%mul3A_134, %dma_start3A_138] : memref<10000x128xf32, #tpu.memory_space<vmem_shared>> -> memref<80x128xf32, #tpu.memory_space<vmem_shared>>
        %dma_start3A_140 = arith.constant 0 : i32
        %dma_start3A_141 = tpu.memref_slice %arg6[%mul3A_134, %dma_start3A_140] : memref<10000x128xf32, #tpu.memory_space<vmem_shared>> -> memref<80x128xf32, #tpu.memory_space<vmem_shared>>
        %dma_start3A_142 = arith.constant 0 : i32
        %dma_start3A_143 = arith.constant 0 : i32
        %dma_start3A_144 = tpu.memref_slice %arg9[%dma_start3A_142, %dma_start3A_143] : memref<80x128xf32, #tpu.memory_space<vmem>> -> memref<80x128xf32, #tpu.memory_space<vmem>>
        tpu.enqueue_dma source(%dma_start3A_144 : memref<80x128xf32, #tpu.memory_space<vmem>>) target(%dma_start3A_141 : memref<80x128xf32, #tpu.memory_space<vmem_shared>>) target_semaphore(%run_scoped3A : memref<!tpu.dma_semaphore, #tpu.memory_space<semaphore_mem>>)
        %dma_wait3A = arith.constant 0 : i32
        %dma_wait3A_145 = arith.constant 0 : i32
        %dma_wait3A_146 = tpu.memref_slice %arg9[%dma_wait3A, %dma_wait3A_145] : memref<80x128xf32, #tpu.memory_space<vmem>> -> memref<80x128xf32, #tpu.memory_space<vmem>>
        %dma_wait3A_147 = arith.constant 0 : i32
        %dma_wait3A_148 = tpu.memref_slice %arg6[%mul3A_134, %dma_wait3A_147] : memref<10000x128xf32, #tpu.memory_space<vmem_shared>> -> memref<80x128xf32, #tpu.memory_space<vmem_shared>>
        %dma_wait3A_149 = arith.constant 0 : i32
        %dma_wait3A_150 = tpu.memref_slice %arg6[%mul3A_134, %dma_wait3A_149] : memref<10000x128xf32, #tpu.memory_space<vmem_shared>> -> memref<80x128xf32, #tpu.memory_space<vmem_shared>>
        %dma_wait3A_151 = arith.constant 0 : i32
        %dma_wait3A_152 = arith.constant 0 : i32
        %dma_wait3A_153 = tpu.memref_slice %arg9[%dma_wait3A_151, %dma_wait3A_152] : memref<80x128xf32, #tpu.memory_space<vmem>> -> memref<80x128xf32, #tpu.memory_space<vmem>>
        tpu.wait_dma2 semaphore(%run_scoped3A : memref<!tpu.dma_semaphore, #tpu.memory_space<semaphore_mem>>) src(%dma_wait3A_153 : memref<80x128xf32, #tpu.memory_space<vmem>>) dst(%dma_wait3A_150 : memref<80x128xf32, #tpu.memory_space<vmem_shared>>)
        tpu.yield
      }) : () -> ()
    } else {
    }
    %add3A_18 = arith.constant 32 : i32
    %add3A_19 = arith.addi %add3A_18, %arg1 : i32
    %lt3A_20 = arith.constant 125 : i32
    %lt3A_21 = arith.cmpi slt, %add3A_19, %lt3A_20 : i32
    %convert_element_type3A_22 = arith.extui %lt3A_21 : i1 to i32
    %cond3A_23 = arith.constant 0 : i32
    %cond3A_24 = arith.cmpi ne, %convert_element_type3A_22, %cond3A_23 : i32
    scf.if %cond3A_24 {
      %mul3A_133 = arith.constant 80 : i32
      %mul3A_134 = arith.muli %add3A_19, %mul3A_133 : i32
      "tpu.region"() ({
        %run_scoped3A = tpu.sem_alloc : memref<!tpu.dma_semaphore, #tpu.memory_space<semaphore_mem>>
        %dma_start3A_135 = arith.constant 0 : i32
        %dma_start3A_136 = arith.constant 0 : i32
        %dma_start3A_137 = tpu.memref_slice %arg9[%dma_start3A_135, %dma_start3A_136] : memref<80x128xf32, #tpu.memory_space<vmem>> -> memref<80x128xf32, #tpu.memory_space<vmem>>
        %dma_start3A_138 = arith.constant 0 : i32
        %dma_start3A_139 = tpu.memref_slice %arg6[%mul3A_134, %dma_start3A_138] : memref<10000x128xf32, #tpu.memory_space<vmem_shared>> -> memref<80x128xf32, #tpu.memory_space<vmem_shared>>
        %dma_start3A_140 = arith.constant 0 : i32
        %dma_start3A_141 = tpu.memref_slice %arg6[%mul3A_134, %dma_start3A_140] : memref<10000x128xf32, #tpu.memory_space<vmem_shared>> -> memref<80x128xf32, #tpu.memory_space<vmem_shared>>
        %dma_start3A_142 = arith.constant 0 : i32
        %dma_start3A_143 = arith.constant 0 : i32
        %dma_start3A_144 = tpu.memref_slice %arg9[%dma_start3A_142, %dma_start3A_143] : memref<80x128xf32, #tpu.memory_space<vmem>> -> memref<80x128xf32, #tpu.memory_space<vmem>>
        tpu.enqueue_dma source(%dma_start3A_144 : memref<80x128xf32, #tpu.memory_space<vmem>>) target(%dma_start3A_141 : memref<80x128xf32, #tpu.memory_space<vmem_shared>>) target_semaphore(%run_scoped3A : memref<!tpu.dma_semaphore, #tpu.memory_space<semaphore_mem>>)
        %dma_wait3A = arith.constant 0 : i32
        %dma_wait3A_145 = arith.constant 0 : i32
        %dma_wait3A_146 = tpu.memref_slice %arg9[%dma_wait3A, %dma_wait3A_145] : memref<80x128xf32, #tpu.memory_space<vmem>> -> memref<80x128xf32, #tpu.memory_space<vmem>>
        %dma_wait3A_147 = arith.constant 0 : i32
        %dma_wait3A_148 = tpu.memref_slice %arg6[%mul3A_134, %dma_wait3A_147] : memref<10000x128xf32, #tpu.memory_space<vmem_shared>> -> memref<80x128xf32, #tpu.memory_space<vmem_shared>>
        %dma_wait3A_149 = arith.constant 0 : i32
        %dma_wait3A_150 = tpu.memref_slice %arg6[%mul3A_134, %dma_wait3A_149] : memref<10000x128xf32, #tpu.memory_space<vmem_shared>> -> memref<80x128xf32, #tpu.memory_space<vmem_shared>>
        %dma_wait3A_151 = arith.constant 0 : i32
        %dma_wait3A_152 = arith.constant 0 : i32
        %dma_wait3A_153 = tpu.memref_slice %arg9[%dma_wait3A_151, %dma_wait3A_152] : memref<80x128xf32, #tpu.memory_space<vmem>> -> memref<80x128xf32, #tpu.memory_space<vmem>>
        tpu.wait_dma2 semaphore(%run_scoped3A : memref<!tpu.dma_semaphore, #tpu.memory_space<semaphore_mem>>) src(%dma_wait3A_153 : memref<80x128xf32, #tpu.memory_space<vmem>>) dst(%dma_wait3A_150 : memref<80x128xf32, #tpu.memory_space<vmem_shared>>)
        tpu.yield
      }) : () -> ()
    } else {
    }
    %add3A_25 = arith.constant 48 : i32
    %add3A_26 = arith.addi %add3A_25, %arg1 : i32
    %lt3A_27 = arith.constant 125 : i32
    %lt3A_28 = arith.cmpi slt, %add3A_26, %lt3A_27 : i32
    %convert_element_type3A_29 = arith.extui %lt3A_28 : i1 to i32
    %cond3A_30 = arith.constant 0 : i32
    %cond3A_31 = arith.cmpi ne, %convert_element_type3A_29, %cond3A_30 : i32
    scf.if %cond3A_31 {
      %mul3A_133 = arith.constant 80 : i32
      %mul3A_134 = arith.muli %add3A_26, %mul3A_133 : i32
      "tpu.region"() ({
        %run_scoped3A = tpu.sem_alloc : memref<!tpu.dma_semaphore, #tpu.memory_space<semaphore_mem>>
        %dma_start3A_135 = arith.constant 0 : i32
        %dma_start3A_136 = arith.constant 0 : i32
        %dma_start3A_137 = tpu.memref_slice %arg9[%dma_start3A_135, %dma_start3A_136] : memref<80x128xf32, #tpu.memory_space<vmem>> -> memref<80x128xf32, #tpu.memory_space<vmem>>
        %dma_start3A_138 = arith.constant 0 : i32
        %dma_start3A_139 = tpu.memref_slice %arg6[%mul3A_134, %dma_start3A_138] : memref<10000x128xf32, #tpu.memory_space<vmem_shared>> -> memref<80x128xf32, #tpu.memory_space<vmem_shared>>
        %dma_start3A_140 = arith.constant 0 : i32
        %dma_start3A_141 = tpu.memref_slice %arg6[%mul3A_134, %dma_start3A_140] : memref<10000x128xf32, #tpu.memory_space<vmem_shared>> -> memref<80x128xf32, #tpu.memory_space<vmem_shared>>
        %dma_start3A_142 = arith.constant 0 : i32
        %dma_start3A_143 = arith.constant 0 : i32
        %dma_start3A_144 = tpu.memref_slice %arg9[%dma_start3A_142, %dma_start3A_143] : memref<80x128xf32, #tpu.memory_space<vmem>> -> memref<80x128xf32, #tpu.memory_space<vmem>>
        tpu.enqueue_dma source(%dma_start3A_144 : memref<80x128xf32, #tpu.memory_space<vmem>>) target(%dma_start3A_141 : memref<80x128xf32, #tpu.memory_space<vmem_shared>>) target_semaphore(%run_scoped3A : memref<!tpu.dma_semaphore, #tpu.memory_space<semaphore_mem>>)
        %dma_wait3A = arith.constant 0 : i32
        %dma_wait3A_145 = arith.constant 0 : i32
        %dma_wait3A_146 = tpu.memref_slice %arg9[%dma_wait3A, %dma_wait3A_145] : memref<80x128xf32, #tpu.memory_space<vmem>> -> memref<80x128xf32, #tpu.memory_space<vmem>>
        %dma_wait3A_147 = arith.constant 0 : i32
        %dma_wait3A_148 = tpu.memref_slice %arg6[%mul3A_134, %dma_wait3A_147] : memref<10000x128xf32, #tpu.memory_space<vmem_shared>> -> memref<80x128xf32, #tpu.memory_space<vmem_shared>>
        %dma_wait3A_149 = arith.constant 0 : i32
        %dma_wait3A_150 = tpu.memref_slice %arg6[%mul3A_134, %dma_wait3A_149] : memref<10000x128xf32, #tpu.memory_space<vmem_shared>> -> memref<80x128xf32, #tpu.memory_space<vmem_shared>>
        %dma_wait3A_151 = arith.constant 0 : i32
        %dma_wait3A_152 = arith.constant 0 : i32
        %dma_wait3A_153 = tpu.memref_slice %arg9[%dma_wait3A_151, %dma_wait3A_152] : memref<80x128xf32, #tpu.memory_space<vmem>> -> memref<80x128xf32, #tpu.memory_space<vmem>>
        tpu.wait_dma2 semaphore(%run_scoped3A : memref<!tpu.dma_semaphore, #tpu.memory_space<semaphore_mem>>) src(%dma_wait3A_153 : memref<80x128xf32, #tpu.memory_space<vmem>>) dst(%dma_wait3A_150 : memref<80x128xf32, #tpu.memory_space<vmem_shared>>)
        tpu.yield
      }) : () -> ()
    } else {
    }
    %add3A_32 = arith.constant 64 : i32
    %add3A_33 = arith.addi %add3A_32, %arg1 : i32
    %lt3A_34 = arith.constant 125 : i32
    %lt3A_35 = arith.cmpi slt, %add3A_33, %lt3A_34 : i32
    %convert_element_type3A_36 = arith.extui %lt3A_35 : i1 to i32
    %cond3A_37 = arith.constant 0 : i32
    %cond3A_38 = arith.cmpi ne, %convert_element_type3A_36, %cond3A_37 : i32
    scf.if %cond3A_38 {
      %mul3A_133 = arith.constant 80 : i32
      %mul3A_134 = arith.muli %add3A_33, %mul3A_133 : i32
      "tpu.region"() ({
        %run_scoped3A = tpu.sem_alloc : memref<!tpu.dma_semaphore, #tpu.memory_space<semaphore_mem>>
        %dma_start3A_135 = arith.constant 0 : i32
        %dma_start3A_136 = arith.constant 0 : i32
        %dma_start3A_137 = tpu.memref_slice %arg9[%dma_start3A_135, %dma_start3A_136] : memref<80x128xf32, #tpu.memory_space<vmem>> -> memref<80x128xf32, #tpu.memory_space<vmem>>
        %dma_start3A_138 = arith.constant 0 : i32
        %dma_start3A_139 = tpu.memref_slice %arg6[%mul3A_134, %dma_start3A_138] : memref<10000x128xf32, #tpu.memory_space<vmem_shared>> -> memref<80x128xf32, #tpu.memory_space<vmem_shared>>
        %dma_start3A_140 = arith.constant 0 : i32
        %dma_start3A_141 = tpu.memref_slice %arg6[%mul3A_134, %dma_start3A_140] : memref<10000x128xf32, #tpu.memory_space<vmem_shared>> -> memref<80x128xf32, #tpu.memory_space<vmem_shared>>
        %dma_start3A_142 = arith.constant 0 : i32
        %dma_start3A_143 = arith.constant 0 : i32
        %dma_start3A_144 = tpu.memref_slice %arg9[%dma_start3A_142, %dma_start3A_143] : memref<80x128xf32, #tpu.memory_space<vmem>> -> memref<80x128xf32, #tpu.memory_space<vmem>>
        tpu.enqueue_dma source(%dma_start3A_144 : memref<80x128xf32, #tpu.memory_space<vmem>>) target(%dma_start3A_141 : memref<80x128xf32, #tpu.memory_space<vmem_shared>>) target_semaphore(%run_scoped3A : memref<!tpu.dma_semaphore, #tpu.memory_space<semaphore_mem>>)
        %dma_wait3A = arith.constant 0 : i32
        %dma_wait3A_145 = arith.constant 0 : i32
        %dma_wait3A_146 = tpu.memref_slice %arg9[%dma_wait3A, %dma_wait3A_145] : memref<80x128xf32, #tpu.memory_space<vmem>> -> memref<80x128xf32, #tpu.memory_space<vmem>>
        %dma_wait3A_147 = arith.constant 0 : i32
        %dma_wait3A_148 = tpu.memref_slice %arg6[%mul3A_134, %dma_wait3A_147] : memref<10000x128xf32, #tpu.memory_space<vmem_shared>> -> memref<80x128xf32, #tpu.memory_space<vmem_shared>>
        %dma_wait3A_149 = arith.constant 0 : i32
        %dma_wait3A_150 = tpu.memref_slice %arg6[%mul3A_134, %dma_wait3A_149] : memref<10000x128xf32, #tpu.memory_space<vmem_shared>> -> memref<80x128xf32, #tpu.memory_space<vmem_shared>>
        %dma_wait3A_151 = arith.constant 0 : i32
        %dma_wait3A_152 = arith.constant 0 : i32
        %dma_wait3A_153 = tpu.memref_slice %arg9[%dma_wait3A_151, %dma_wait3A_152] : memref<80x128xf32, #tpu.memory_space<vmem>> -> memref<80x128xf32, #tpu.memory_space<vmem>>
        tpu.wait_dma2 semaphore(%run_scoped3A : memref<!tpu.dma_semaphore, #tpu.memory_space<semaphore_mem>>) src(%dma_wait3A_153 : memref<80x128xf32, #tpu.memory_space<vmem>>) dst(%dma_wait3A_150 : memref<80x128xf32, #tpu.memory_space<vmem_shared>>)
        tpu.yield
      }) : () -> ()
    } else {
    }
    %add3A_39 = arith.constant 80 : i32
    %add3A_40 = arith.addi %add3A_39, %arg1 : i32
    %lt3A_41 = arith.constant 125 : i32
    %lt3A_42 = arith.cmpi slt, %add3A_40, %lt3A_41 : i32
    %convert_element_type3A_43 = arith.extui %lt3A_42 : i1 to i32
    %cond3A_44 = arith.constant 0 : i32
    %cond3A_45 = arith.cmpi ne, %convert_element_type3A_43, %cond3A_44 : i32
    scf.if %cond3A_45 {
      %mul3A_133 = arith.constant 80 : i32
      %mul3A_134 = arith.muli %add3A_40, %mul3A_133 : i32
      "tpu.region"() ({
        %run_scoped3A = tpu.sem_alloc : memref<!tpu.dma_semaphore, #tpu.memory_space<semaphore_mem>>
        %dma_start3A_135 = arith.constant 0 : i32
        %dma_start3A_136 = arith.constant 0 : i32
        %dma_start3A_137 = tpu.memref_slice %arg9[%dma_start3A_135, %dma_start3A_136] : memref<80x128xf32, #tpu.memory_space<vmem>> -> memref<80x128xf32, #tpu.memory_space<vmem>>
        %dma_start3A_138 = arith.constant 0 : i32
        %dma_start3A_139 = tpu.memref_slice %arg6[%mul3A_134, %dma_start3A_138] : memref<10000x128xf32, #tpu.memory_space<vmem_shared>> -> memref<80x128xf32, #tpu.memory_space<vmem_shared>>
        %dma_start3A_140 = arith.constant 0 : i32
        %dma_start3A_141 = tpu.memref_slice %arg6[%mul3A_134, %dma_start3A_140] : memref<10000x128xf32, #tpu.memory_space<vmem_shared>> -> memref<80x128xf32, #tpu.memory_space<vmem_shared>>
        %dma_start3A_142 = arith.constant 0 : i32
        %dma_start3A_143 = arith.constant 0 : i32
        %dma_start3A_144 = tpu.memref_slice %arg9[%dma_start3A_142, %dma_start3A_143] : memref<80x128xf32, #tpu.memory_space<vmem>> -> memref<80x128xf32, #tpu.memory_space<vmem>>
        tpu.enqueue_dma source(%dma_start3A_144 : memref<80x128xf32, #tpu.memory_space<vmem>>) target(%dma_start3A_141 : memref<80x128xf32, #tpu.memory_space<vmem_shared>>) target_semaphore(%run_scoped3A : memref<!tpu.dma_semaphore, #tpu.memory_space<semaphore_mem>>)
        %dma_wait3A = arith.constant 0 : i32
        %dma_wait3A_145 = arith.constant 0 : i32
        %dma_wait3A_146 = tpu.memref_slice %arg9[%dma_wait3A, %dma_wait3A_145] : memref<80x128xf32, #tpu.memory_space<vmem>> -> memref<80x128xf32, #tpu.memory_space<vmem>>
        %dma_wait3A_147 = arith.constant 0 : i32
        %dma_wait3A_148 = tpu.memref_slice %arg6[%mul3A_134, %dma_wait3A_147] : memref<10000x128xf32, #tpu.memory_space<vmem_shared>> -> memref<80x128xf32, #tpu.memory_space<vmem_shared>>
        %dma_wait3A_149 = arith.constant 0 : i32
        %dma_wait3A_150 = tpu.memref_slice %arg6[%mul3A_134, %dma_wait3A_149] : memref<10000x128xf32, #tpu.memory_space<vmem_shared>> -> memref<80x128xf32, #tpu.memory_space<vmem_shared>>
        %dma_wait3A_151 = arith.constant 0 : i32
        %dma_wait3A_152 = arith.constant 0 : i32
        %dma_wait3A_153 = tpu.memref_slice %arg9[%dma_wait3A_151, %dma_wait3A_152] : memref<80x128xf32, #tpu.memory_space<vmem>> -> memref<80x128xf32, #tpu.memory_space<vmem>>
        tpu.wait_dma2 semaphore(%run_scoped3A : memref<!tpu.dma_semaphore, #tpu.memory_space<semaphore_mem>>) src(%dma_wait3A_153 : memref<80x128xf32, #tpu.memory_space<vmem>>) dst(%dma_wait3A_150 : memref<80x128xf32, #tpu.memory_space<vmem_shared>>)
        tpu.yield
      }) : () -> ()
    } else {
    }
    %add3A_46 = arith.constant 96 : i32
    %add3A_47 = arith.addi %add3A_46, %arg1 : i32
    %lt3A_48 = arith.constant 125 : i32
    %lt3A_49 = arith.cmpi slt, %add3A_47, %lt3A_48 : i32
    %convert_element_type3A_50 = arith.extui %lt3A_49 : i1 to i32
    %cond3A_51 = arith.constant 0 : i32
    %cond3A_52 = arith.cmpi ne, %convert_element_type3A_50, %cond3A_51 : i32
    scf.if %cond3A_52 {
      %mul3A_133 = arith.constant 80 : i32
      %mul3A_134 = arith.muli %add3A_47, %mul3A_133 : i32
      "tpu.region"() ({
        %run_scoped3A = tpu.sem_alloc : memref<!tpu.dma_semaphore, #tpu.memory_space<semaphore_mem>>
        %dma_start3A_135 = arith.constant 0 : i32
        %dma_start3A_136 = arith.constant 0 : i32
        %dma_start3A_137 = tpu.memref_slice %arg9[%dma_start3A_135, %dma_start3A_136] : memref<80x128xf32, #tpu.memory_space<vmem>> -> memref<80x128xf32, #tpu.memory_space<vmem>>
        %dma_start3A_138 = arith.constant 0 : i32
        %dma_start3A_139 = tpu.memref_slice %arg6[%mul3A_134, %dma_start3A_138] : memref<10000x128xf32, #tpu.memory_space<vmem_shared>> -> memref<80x128xf32, #tpu.memory_space<vmem_shared>>
        %dma_start3A_140 = arith.constant 0 : i32
        %dma_start3A_141 = tpu.memref_slice %arg6[%mul3A_134, %dma_start3A_140] : memref<10000x128xf32, #tpu.memory_space<vmem_shared>> -> memref<80x128xf32, #tpu.memory_space<vmem_shared>>
        %dma_start3A_142 = arith.constant 0 : i32
        %dma_start3A_143 = arith.constant 0 : i32
        %dma_start3A_144 = tpu.memref_slice %arg9[%dma_start3A_142, %dma_start3A_143] : memref<80x128xf32, #tpu.memory_space<vmem>> -> memref<80x128xf32, #tpu.memory_space<vmem>>
        tpu.enqueue_dma source(%dma_start3A_144 : memref<80x128xf32, #tpu.memory_space<vmem>>) target(%dma_start3A_141 : memref<80x128xf32, #tpu.memory_space<vmem_shared>>) target_semaphore(%run_scoped3A : memref<!tpu.dma_semaphore, #tpu.memory_space<semaphore_mem>>)
        %dma_wait3A = arith.constant 0 : i32
        %dma_wait3A_145 = arith.constant 0 : i32
        %dma_wait3A_146 = tpu.memref_slice %arg9[%dma_wait3A, %dma_wait3A_145] : memref<80x128xf32, #tpu.memory_space<vmem>> -> memref<80x128xf32, #tpu.memory_space<vmem>>
        %dma_wait3A_147 = arith.constant 0 : i32
        %dma_wait3A_148 = tpu.memref_slice %arg6[%mul3A_134, %dma_wait3A_147] : memref<10000x128xf32, #tpu.memory_space<vmem_shared>> -> memref<80x128xf32, #tpu.memory_space<vmem_shared>>
        %dma_wait3A_149 = arith.constant 0 : i32
        %dma_wait3A_150 = tpu.memref_slice %arg6[%mul3A_134, %dma_wait3A_149] : memref<10000x128xf32, #tpu.memory_space<vmem_shared>> -> memref<80x128xf32, #tpu.memory_space<vmem_shared>>
        %dma_wait3A_151 = arith.constant 0 : i32
        %dma_wait3A_152 = arith.constant 0 : i32
        %dma_wait3A_153 = tpu.memref_slice %arg9[%dma_wait3A_151, %dma_wait3A_152] : memref<80x128xf32, #tpu.memory_space<vmem>> -> memref<80x128xf32, #tpu.memory_space<vmem>>
        tpu.wait_dma2 semaphore(%run_scoped3A : memref<!tpu.dma_semaphore, #tpu.memory_space<semaphore_mem>>) src(%dma_wait3A_153 : memref<80x128xf32, #tpu.memory_space<vmem>>) dst(%dma_wait3A_150 : memref<80x128xf32, #tpu.memory_space<vmem_shared>>)
        tpu.yield
      }) : () -> ()
    } else {
    }
    %add3A_53 = arith.constant 112 : i32
    %add3A_54 = arith.addi %add3A_53, %arg1 : i32
    %lt3A_55 = arith.constant 125 : i32
    %lt3A_56 = arith.cmpi slt, %add3A_54, %lt3A_55 : i32
    %convert_element_type3A_57 = arith.extui %lt3A_56 : i1 to i32
    %cond3A_58 = arith.constant 0 : i32
    %cond3A_59 = arith.cmpi ne, %convert_element_type3A_57, %cond3A_58 : i32
    scf.if %cond3A_59 {
      %mul3A_133 = arith.constant 80 : i32
      %mul3A_134 = arith.muli %add3A_54, %mul3A_133 : i32
      "tpu.region"() ({
        %run_scoped3A = tpu.sem_alloc : memref<!tpu.dma_semaphore, #tpu.memory_space<semaphore_mem>>
        %dma_start3A_135 = arith.constant 0 : i32
        %dma_start3A_136 = arith.constant 0 : i32
        %dma_start3A_137 = tpu.memref_slice %arg9[%dma_start3A_135, %dma_start3A_136] : memref<80x128xf32, #tpu.memory_space<vmem>> -> memref<80x128xf32, #tpu.memory_space<vmem>>
        %dma_start3A_138 = arith.constant 0 : i32
        %dma_start3A_139 = tpu.memref_slice %arg6[%mul3A_134, %dma_start3A_138] : memref<10000x128xf32, #tpu.memory_space<vmem_shared>> -> memref<80x128xf32, #tpu.memory_space<vmem_shared>>
        %dma_start3A_140 = arith.constant 0 : i32
        %dma_start3A_141 = tpu.memref_slice %arg6[%mul3A_134, %dma_start3A_140] : memref<10000x128xf32, #tpu.memory_space<vmem_shared>> -> memref<80x128xf32, #tpu.memory_space<vmem_shared>>
        %dma_start3A_142 = arith.constant 0 : i32
        %dma_start3A_143 = arith.constant 0 : i32
        %dma_start3A_144 = tpu.memref_slice %arg9[%dma_start3A_142, %dma_start3A_143] : memref<80x128xf32, #tpu.memory_space<vmem>> -> memref<80x128xf32, #tpu.memory_space<vmem>>
        tpu.enqueue_dma source(%dma_start3A_144 : memref<80x128xf32, #tpu.memory_space<vmem>>) target(%dma_start3A_141 : memref<80x128xf32, #tpu.memory_space<vmem_shared>>) target_semaphore(%run_scoped3A : memref<!tpu.dma_semaphore, #tpu.memory_space<semaphore_mem>>)
        %dma_wait3A = arith.constant 0 : i32
        %dma_wait3A_145 = arith.constant 0 : i32
        %dma_wait3A_146 = tpu.memref_slice %arg9[%dma_wait3A, %dma_wait3A_145] : memref<80x128xf32, #tpu.memory_space<vmem>> -> memref<80x128xf32, #tpu.memory_space<vmem>>
        %dma_wait3A_147 = arith.constant 0 : i32
        %dma_wait3A_148 = tpu.memref_slice %arg6[%mul3A_134, %dma_wait3A_147] : memref<10000x128xf32, #tpu.memory_space<vmem_shared>> -> memref<80x128xf32, #tpu.memory_space<vmem_shared>>
        %dma_wait3A_149 = arith.constant 0 : i32
        %dma_wait3A_150 = tpu.memref_slice %arg6[%mul3A_134, %dma_wait3A_149] : memref<10000x128xf32, #tpu.memory_space<vmem_shared>> -> memref<80x128xf32, #tpu.memory_space<vmem_shared>>
        %dma_wait3A_151 = arith.constant 0 : i32
        %dma_wait3A_152 = arith.constant 0 : i32
        %dma_wait3A_153 = tpu.memref_slice %arg9[%dma_wait3A_151, %dma_wait3A_152] : memref<80x128xf32, #tpu.memory_space<vmem>> -> memref<80x128xf32, #tpu.memory_space<vmem>>
        tpu.wait_dma2 semaphore(%run_scoped3A : memref<!tpu.dma_semaphore, #tpu.memory_space<semaphore_mem>>) src(%dma_wait3A_153 : memref<80x128xf32, #tpu.memory_space<vmem>>) dst(%dma_wait3A_150 : memref<80x128xf32, #tpu.memory_space<vmem_shared>>)
        tpu.yield
      }) : () -> ()
    } else {
    }
    %barrier3A = arith.constant 0 : index
    tpu.barrier barrier_id(%barrier3A)
    "tpu.region"() ({
      %run_scoped3A = tpu.sem_alloc : memref<!tpu.dma_semaphore, #tpu.memory_space<semaphore_mem>>
      %dma_start3A_133 = arith.constant 0 : i32
      %dma_start3A_134 = tpu.memref_slice %arg3[%add3A, %dma_start3A_133] : memref<32x10000xi32, #tpu.memory_space<hbm>> -> memref<1x10000xi32, #tpu.memory_space<hbm>>
      %dma_start3A_135 = tpu.memref_squeeze %dma_start3A_134 : memref<1x10000xi32, #tpu.memory_space<hbm>> -> memref<10000xi32, #tpu.memory_space<hbm>>
      %dma_start3A_136 = arith.constant 0 : i32
      %dma_start3A_137 = tpu.memref_slice %arg3[%add3A, %dma_start3A_136] : memref<32x10000xi32, #tpu.memory_space<hbm>> -> memref<1x10000xi32, #tpu.memory_space<hbm>>
      %dma_start3A_138 = tpu.memref_squeeze %dma_start3A_137 : memref<1x10000xi32, #tpu.memory_space<hbm>> -> memref<10000xi32, #tpu.memory_space<hbm>>
      tpu.enqueue_dma source(%dma_start3A_138 : memref<10000xi32, #tpu.memory_space<hbm>>) target(%arg7 : memref<10000xi32, #tpu.memory_space<vmem>>) target_semaphore(%run_scoped3A : memref<!tpu.dma_semaphore, #tpu.memory_space<semaphore_mem>>)
      %dma_wait3A = arith.constant 0 : i32
      %dma_wait3A_139 = tpu.memref_slice %arg3[%add3A, %dma_wait3A] : memref<32x10000xi32, #tpu.memory_space<hbm>> -> memref<1x10000xi32, #tpu.memory_space<hbm>>
      %dma_wait3A_140 = tpu.memref_squeeze %dma_wait3A_139 : memref<1x10000xi32, #tpu.memory_space<hbm>> -> memref<10000xi32, #tpu.memory_space<hbm>>
      %dma_wait3A_141 = arith.constant 0 : i32
      %dma_wait3A_142 = tpu.memref_slice %arg3[%add3A, %dma_wait3A_141] : memref<32x10000xi32, #tpu.memory_space<hbm>> -> memref<1x10000xi32, #tpu.memory_space<hbm>>
      %dma_wait3A_143 = tpu.memref_squeeze %dma_wait3A_142 : memref<1x10000xi32, #tpu.memory_space<hbm>> -> memref<10000xi32, #tpu.memory_space<hbm>>
      tpu.wait_dma2 semaphore(%run_scoped3A : memref<!tpu.dma_semaphore, #tpu.memory_space<semaphore_mem>>) src(%dma_wait3A_143 : memref<10000xi32, #tpu.memory_space<hbm>>) dst(%arg7 : memref<10000xi32, #tpu.memory_space<vmem>>)
      tpu.yield
    }) : () -> ()
    "tpu.region"() ({
      %run_scoped3A = tpu.sem_alloc : memref<!tpu.dma_semaphore, #tpu.memory_space<semaphore_mem>>
      %dma_start3A_133 = arith.constant 0 : i32
      %dma_start3A_134 = arith.constant 0 : i32
      %dma_start3A_135 = tpu.memref_slice %arg4[%add3A, %dma_start3A_133, %dma_start3A_134] : memref<32x125x80xi32, #tpu.memory_space<hbm>> -> memref<1x125x80xi32, #tpu.memory_space<hbm>>
      %dma_start3A_136 = tpu.memref_squeeze %dma_start3A_135 : memref<1x125x80xi32, #tpu.memory_space<hbm>> -> memref<125x80xi32, #tpu.memory_space<hbm>>
      %dma_start3A_137 = arith.constant 0 : i32
      %dma_start3A_138 = arith.constant 0 : i32
      %dma_start3A_139 = tpu.memref_slice %arg4[%add3A, %dma_start3A_137, %dma_start3A_138] : memref<32x125x80xi32, #tpu.memory_space<hbm>> -> memref<1x125x80xi32, #tpu.memory_space<hbm>>
      %dma_start3A_140 = tpu.memref_squeeze %dma_start3A_139 : memref<1x125x80xi32, #tpu.memory_space<hbm>> -> memref<125x80xi32, #tpu.memory_space<hbm>>
      tpu.enqueue_dma source(%dma_start3A_140 : memref<125x80xi32, #tpu.memory_space<hbm>>) target(%arg8 : memref<125x80xi32, #tpu.memory_space<vmem>>) target_semaphore(%run_scoped3A : memref<!tpu.dma_semaphore, #tpu.memory_space<semaphore_mem>>)
      %dma_wait3A = arith.constant 0 : i32
      %dma_wait3A_141 = arith.constant 0 : i32
      %dma_wait3A_142 = tpu.memref_slice %arg4[%add3A, %dma_wait3A, %dma_wait3A_141] : memref<32x125x80xi32, #tpu.memory_space<hbm>> -> memref<1x125x80xi32, #tpu.memory_space<hbm>>
      %dma_wait3A_143 = tpu.memref_squeeze %dma_wait3A_142 : memref<1x125x80xi32, #tpu.memory_space<hbm>> -> memref<125x80xi32, #tpu.memory_space<hbm>>
      %dma_wait3A_144 = arith.constant 0 : i32
      %dma_wait3A_145 = arith.constant 0 : i32
      %dma_wait3A_146 = tpu.memref_slice %arg4[%add3A, %dma_wait3A_144, %dma_wait3A_145] : memref<32x125x80xi32, #tpu.memory_space<hbm>> -> memref<1x125x80xi32, #tpu.memory_space<hbm>>
      %dma_wait3A_147 = tpu.memref_squeeze %dma_wait3A_146 : memref<1x125x80xi32, #tpu.memory_space<hbm>> -> memref<125x80xi32, #tpu.memory_space<hbm>>
      tpu.wait_dma2 semaphore(%run_scoped3A : memref<!tpu.dma_semaphore, #tpu.memory_space<semaphore_mem>>) src(%dma_wait3A_147 : memref<125x80xi32, #tpu.memory_space<hbm>>) dst(%arg8 : memref<125x80xi32, #tpu.memory_space<vmem>>)
      tpu.yield
    }) : () -> ()
    %dma_start3A = arith.constant 0 : i32
    %dma_start3A_60 = tpu.memref_slice %arg7[%dma_start3A] : memref<10000xi32, #tpu.memory_space<vmem>> -> memref<80xi32, #tpu.memory_space<vmem>>
    %dma_start3A_61 = arith.constant 0 : i32
    %dma_start3A_62 = arith.constant 0 : i32
    %dma_start3A_63 = tpu.memref_slice %arg2[%dma_start3A_61, %dma_start3A_62] : memref<10000x128xf32, #tpu.memory_space<hbm>> -> memref<10000x128xf32, #tpu.memory_space<hbm>>
    tpu.enqueue_indirect_dma source(%dma_start3A_63 : memref<10000x128xf32, #tpu.memory_space<hbm>>) target(%arg9 : memref<80x128xf32, #tpu.memory_space<vmem>>) offsets(%dma_start3A_60 : memref<80xi32, #tpu.memory_space<vmem>>) semaphore(%arg11 : memref<!tpu.dma_semaphore, #tpu.memory_space<semaphore_mem>>)
    %dma_start3A_64 = arith.constant 80 : i32
    %dma_start3A_65 = tpu.memref_slice %arg7[%dma_start3A_64] : memref<10000xi32, #tpu.memory_space<vmem>> -> memref<80xi32, #tpu.memory_space<vmem>>
    %dma_start3A_66 = arith.constant 0 : i32
    %dma_start3A_67 = arith.constant 0 : i32
    %dma_start3A_68 = tpu.memref_slice %arg2[%dma_start3A_66, %dma_start3A_67] : memref<10000x128xf32, #tpu.memory_space<hbm>> -> memref<10000x128xf32, #tpu.memory_space<hbm>>
    tpu.enqueue_indirect_dma source(%dma_start3A_68 : memref<10000x128xf32, #tpu.memory_space<hbm>>) target(%arg10 : memref<80x128xf32, #tpu.memory_space<vmem>>) offsets(%dma_start3A_65 : memref<80xi32, #tpu.memory_space<vmem>>) semaphore(%arg12 : memref<!tpu.dma_semaphore, #tpu.memory_space<semaphore_mem>>)
    %scan3A_69 = arith.constant 0 : i32
    %scan3A_70 = arith.constant 0 : i32
    %scan3A_71 = arith.constant 63 : i32
    %scan3A_72 = arith.addi %scan3A_70, %scan3A_71 : i32
    %scan3A_73 = arith.constant 1 : i32
    %scan3A_74 = scf.for %scan3A_133 = %scan3A_70 to %scan3A_72 step %scan3A_73 iter_args(%scan3A_134 = %scan3A_69) -> (i32)  : i32 {
      %mul3A_135 = arith.constant 2 : i32
      %mul3A_136 = arith.muli %mul3A_135, %scan3A_133 : i32
      %add3A_137 = arith.constant 1 : i32
      %add3A_138 = arith.addi %mul3A_136, %add3A_137 : i32
      %mul3A_139 = arith.constant 80 : i32
      %mul3A_140 = arith.muli %mul3A_136, %mul3A_139 : i32
      %dma_wait3A = tpu.memref_slice %arg7[%mul3A_140] : memref<10000xi32, #tpu.memory_space<vmem>> -> memref<80xi32, #tpu.memory_space<vmem>>
      %dma_wait3A_141 = arith.constant 0 : i32
      %dma_wait3A_142 = arith.constant 0 : i32
      %dma_wait3A_143 = tpu.memref_slice %arg2[%dma_wait3A_141, %dma_wait3A_142] : memref<10000x128xf32, #tpu.memory_space<hbm>> -> memref<10000x128xf32, #tpu.memory_space<hbm>>
      tpu.wait_indirect_dma semaphore(%arg11 : memref<!tpu.dma_semaphore, #tpu.memory_space<semaphore_mem>>) src(%dma_wait3A_143 : memref<10000x128xf32, #tpu.memory_space<hbm>>) dst(%arg9 : memref<80x128xf32, #tpu.memory_space<vmem>>)
      "tpu.region"() ({
        %run_scoped3A = tpu.sem_alloc : memref<!tpu.dma_semaphore, #tpu.memory_space<semaphore_mem>>
        %dma_start3A_157 = arith.constant 0 : i32
        %dma_start3A_158 = tpu.memref_slice %arg8[%mul3A_136, %dma_start3A_157] : memref<125x80xi32, #tpu.memory_space<vmem>> -> memref<1x80xi32, #tpu.memory_space<vmem>>
        %dma_start3A_159 = tpu.memref_squeeze %dma_start3A_158 : memref<1x80xi32, #tpu.memory_space<vmem>> -> memref<80xi32, #tpu.memory_space<vmem>>
        %dma_start3A_160 = arith.constant 0 : i32
        %dma_start3A_161 = arith.constant 0 : i32
        %dma_start3A_162 = tpu.memref_slice %arg6[%dma_start3A_160, %dma_start3A_161] : memref<10000x128xf32, #tpu.memory_space<vmem_shared>> -> memref<10000x128xf32, #tpu.memory_space<vmem_shared>>
        tpu.enqueue_indirect_dma source(%arg9 : memref<80x128xf32, #tpu.memory_space<vmem>>) target(%dma_start3A_162 : memref<10000x128xf32, #tpu.memory_space<vmem_shared>>) offsets(%dma_start3A_159 : memref<80xi32, #tpu.memory_space<vmem>>) semaphore(%run_scoped3A : memref<!tpu.dma_semaphore, #tpu.memory_space<semaphore_mem>>) {add = true}
        %dma_wait3A_163 = arith.constant 0 : i32
        %dma_wait3A_164 = tpu.memref_slice %arg8[%mul3A_136, %dma_wait3A_163] : memref<125x80xi32, #tpu.memory_space<vmem>> -> memref<1x80xi32, #tpu.memory_space<vmem>>
        %dma_wait3A_165 = tpu.memref_squeeze %dma_wait3A_164 : memref<1x80xi32, #tpu.memory_space<vmem>> -> memref<80xi32, #tpu.memory_space<vmem>>
        %dma_wait3A_166 = arith.constant 0 : i32
        %dma_wait3A_167 = arith.constant 0 : i32
        %dma_wait3A_168 = tpu.memref_slice %arg6[%dma_wait3A_166, %dma_wait3A_167] : memref<10000x128xf32, #tpu.memory_space<vmem_shared>> -> memref<10000x128xf32, #tpu.memory_space<vmem_shared>>
        tpu.wait_indirect_dma semaphore(%run_scoped3A : memref<!tpu.dma_semaphore, #tpu.memory_space<semaphore_mem>>) src(%arg9 : memref<80x128xf32, #tpu.memory_space<vmem>>) dst(%dma_wait3A_168 : memref<10000x128xf32, #tpu.memory_space<vmem_shared>>)
        tpu.yield
      }) : () -> ()
      %add3A_144 = arith.constant 2 : i32
      %add3A_145 = arith.addi %mul3A_136, %add3A_144 : i32
      %lt3A_146 = arith.constant 125 : i32
      %lt3A_147 = arith.cmpi slt, %add3A_145, %lt3A_146 : i32
      %convert_element_type3A_148 = arith.extui %lt3A_147 : i1 to i32
      %cond3A_149 = arith.constant 0 : i32
      %cond3A_150 = arith.cmpi ne, %convert_element_type3A_148, %cond3A_149 : i32
      scf.if %cond3A_150 {
        %add3A_157 = arith.constant 2 : i32
        %add3A_158 = arith.addi %mul3A_136, %add3A_157 : i32
        %mul3A_159 = arith.constant 80 : i32
        %mul3A_160 = arith.muli %add3A_158, %mul3A_159 : i32
        %dma_start3A_161 = tpu.memref_slice %arg7[%mul3A_160] : memref<10000xi32, #tpu.memory_space<vmem>> -> memref<80xi32, #tpu.memory_space<vmem>>
        %dma_start3A_162 = arith.constant 0 : i32
        %dma_start3A_163 = arith.constant 0 : i32
        %dma_start3A_164 = tpu.memref_slice %arg2[%dma_start3A_162, %dma_start3A_163] : memref<10000x128xf32, #tpu.memory_space<hbm>> -> memref<10000x128xf32, #tpu.memory_space<hbm>>
        tpu.enqueue_indirect_dma source(%dma_start3A_164 : memref<10000x128xf32, #tpu.memory_space<hbm>>) target(%arg9 : memref<80x128xf32, #tpu.memory_space<vmem>>) offsets(%dma_start3A_161 : memref<80xi32, #tpu.memory_space<vmem>>) semaphore(%arg11 : memref<!tpu.dma_semaphore, #tpu.memory_space<semaphore_mem>>)
      } else {
      }
      %lt3A_151 = arith.constant 125 : i32
      %lt3A_152 = arith.cmpi slt, %add3A_138, %lt3A_151 : i32
      %convert_element_type3A_153 = arith.extui %lt3A_152 : i1 to i32
      %cond3A_154 = arith.constant 0 : i32
      %cond3A_155 = arith.cmpi ne, %convert_element_type3A_153, %cond3A_154 : i32
      scf.if %cond3A_155 {
        %mul3A_157 = arith.constant 80 : i32
        %mul3A_158 = arith.muli %add3A_138, %mul3A_157 : i32
        %dma_wait3A_159 = tpu.memref_slice %arg7[%mul3A_158] : memref<10000xi32, #tpu.memory_space<vmem>> -> memref<80xi32, #tpu.memory_space<vmem>>
        %dma_wait3A_160 = arith.constant 0 : i32
        %dma_wait3A_161 = arith.constant 0 : i32
        %dma_wait3A_162 = tpu.memref_slice %arg2[%dma_wait3A_160, %dma_wait3A_161] : memref<10000x128xf32, #tpu.memory_space<hbm>> -> memref<10000x128xf32, #tpu.memory_space<hbm>>
        tpu.wait_indirect_dma semaphore(%arg12 : memref<!tpu.dma_semaphore, #tpu.memory_space<semaphore_mem>>) src(%dma_wait3A_162 : memref<10000x128xf32, #tpu.memory_space<hbm>>) dst(%arg10 : memref<80x128xf32, #tpu.memory_space<vmem>>)
        "tpu.region"() ({
          %run_scoped3A = tpu.sem_alloc : memref<!tpu.dma_semaphore, #tpu.memory_space<semaphore_mem>>
          %dma_start3A_170 = arith.constant 0 : i32
          %dma_start3A_171 = tpu.memref_slice %arg8[%add3A_138, %dma_start3A_170] : memref<125x80xi32, #tpu.memory_space<vmem>> -> memref<1x80xi32, #tpu.memory_space<vmem>>
          %dma_start3A_172 = tpu.memref_squeeze %dma_start3A_171 : memref<1x80xi32, #tpu.memory_space<vmem>> -> memref<80xi32, #tpu.memory_space<vmem>>
          %dma_start3A_173 = arith.constant 0 : i32
          %dma_start3A_174 = arith.constant 0 : i32
          %dma_start3A_175 = tpu.memref_slice %arg6[%dma_start3A_173, %dma_start3A_174] : memref<10000x128xf32, #tpu.memory_space<vmem_shared>> -> memref<10000x128xf32, #tpu.memory_space<vmem_shared>>
          tpu.enqueue_indirect_dma source(%arg10 : memref<80x128xf32, #tpu.memory_space<vmem>>) target(%dma_start3A_175 : memref<10000x128xf32, #tpu.memory_space<vmem_shared>>) offsets(%dma_start3A_172 : memref<80xi32, #tpu.memory_space<vmem>>) semaphore(%run_scoped3A : memref<!tpu.dma_semaphore, #tpu.memory_space<semaphore_mem>>) {add = true}
          %dma_wait3A_176 = arith.constant 0 : i32
          %dma_wait3A_177 = tpu.memref_slice %arg8[%add3A_138, %dma_wait3A_176] : memref<125x80xi32, #tpu.memory_space<vmem>> -> memref<1x80xi32, #tpu.memory_space<vmem>>
          %dma_wait3A_178 = tpu.memref_squeeze %dma_wait3A_177 : memref<1x80xi32, #tpu.memory_space<vmem>> -> memref<80xi32, #tpu.memory_space<vmem>>
          %dma_wait3A_179 = arith.constant 0 : i32
          %dma_wait3A_180 = arith.constant 0 : i32
          %dma_wait3A_181 = tpu.memref_slice %arg6[%dma_wait3A_179, %dma_wait3A_180] : memref<10000x128xf32, #tpu.memory_space<vmem_shared>> -> memref<10000x128xf32, #tpu.memory_space<vmem_shared>>
          tpu.wait_indirect_dma semaphore(%run_scoped3A : memref<!tpu.dma_semaphore, #tpu.memory_space<semaphore_mem>>) src(%arg10 : memref<80x128xf32, #tpu.memory_space<vmem>>) dst(%dma_wait3A_181 : memref<10000x128xf32, #tpu.memory_space<vmem_shared>>)
          tpu.yield
        }) : () -> ()
        %add3A_163 = arith.constant 2 : i32
        %add3A_164 = arith.addi %add3A_138, %add3A_163 : i32
        %lt3A_165 = arith.constant 125 : i32
        %lt3A_166 = arith.cmpi slt, %add3A_164, %lt3A_165 : i32
        %convert_element_type3A_167 = arith.extui %lt3A_166 : i1 to i32
        %cond3A_168 = arith.constant 0 : i32
        %cond3A_169 = arith.cmpi ne, %convert_element_type3A_167, %cond3A_168 : i32
        scf.if %cond3A_169 {
          %add3A_170 = arith.constant 2 : i32
          %add3A_171 = arith.addi %add3A_138, %add3A_170 : i32
          %mul3A_172 = arith.constant 80 : i32
          %mul3A_173 = arith.muli %add3A_171, %mul3A_172 : i32
          %dma_start3A_174 = tpu.memref_slice %arg7[%mul3A_173] : memref<10000xi32, #tpu.memory_space<vmem>> -> memref<80xi32, #tpu.memory_space<vmem>>
          %dma_start3A_175 = arith.constant 0 : i32
          %dma_start3A_176 = arith.constant 0 : i32
          %dma_start3A_177 = tpu.memref_slice %arg2[%dma_start3A_175, %dma_start3A_176] : memref<10000x128xf32, #tpu.memory_space<hbm>> -> memref<10000x128xf32, #tpu.memory_space<hbm>>
          tpu.enqueue_indirect_dma source(%dma_start3A_177 : memref<10000x128xf32, #tpu.memory_space<hbm>>) target(%arg10 : memref<80x128xf32, #tpu.memory_space<vmem>>) offsets(%dma_start3A_174 : memref<80xi32, #tpu.memory_space<vmem>>) semaphore(%arg12 : memref<!tpu.dma_semaphore, #tpu.memory_space<semaphore_mem>>)
        } else {
        }
      } else {
      }
      %scan3A_156 = arith.constant 0 : i32
      scf.yield %scan3A_156 : i32
    }
    %scan3A_75 = arith.constant 63 : i32
    %barrier3A_76 = arith.constant 0 : index
    tpu.barrier barrier_id(%barrier3A_76)
    %add3A_77 = arith.constant 0 : i32
    %add3A_78 = arith.addi %add3A_77, %arg1 : i32
    %lt3A_79 = arith.constant 125 : i32
    %lt3A_80 = arith.cmpi slt, %add3A_78, %lt3A_79 : i32
    %convert_element_type3A_81 = arith.extui %lt3A_80 : i1 to i32
    %cond3A_82 = arith.constant 0 : i32
    %cond3A_83 = arith.cmpi ne, %convert_element_type3A_81, %cond3A_82 : i32
    scf.if %cond3A_83 {
      %mul3A_133 = arith.constant 80 : i32
      %mul3A_134 = arith.muli %add3A_78, %mul3A_133 : i32
      "tpu.region"() ({
        %run_scoped3A = tpu.sem_alloc : memref<!tpu.dma_semaphore, #tpu.memory_space<semaphore_mem>>
        %dma_start3A_138 = arith.constant 0 : i32
        %dma_start3A_139 = arith.constant 0 : i32
        %dma_start3A_140 = tpu.memref_slice %arg9[%dma_start3A_138, %dma_start3A_139] : memref<80x128xf32, #tpu.memory_space<vmem>> -> memref<80x128xf32, #tpu.memory_space<vmem>>
        %dma_start3A_141 = arith.constant 0 : i32
        %dma_start3A_142 = tpu.memref_slice %arg6[%mul3A_134, %dma_start3A_141] : memref<10000x128xf32, #tpu.memory_space<vmem_shared>> -> memref<80x128xf32, #tpu.memory_space<vmem_shared>>
        %dma_start3A_143 = arith.constant 0 : i32
        %dma_start3A_144 = arith.constant 0 : i32
        %dma_start3A_145 = tpu.memref_slice %arg9[%dma_start3A_143, %dma_start3A_144] : memref<80x128xf32, #tpu.memory_space<vmem>> -> memref<80x128xf32, #tpu.memory_space<vmem>>
        %dma_start3A_146 = arith.constant 0 : i32
        %dma_start3A_147 = tpu.memref_slice %arg6[%mul3A_134, %dma_start3A_146] : memref<10000x128xf32, #tpu.memory_space<vmem_shared>> -> memref<80x128xf32, #tpu.memory_space<vmem_shared>>
        tpu.enqueue_dma source(%dma_start3A_147 : memref<80x128xf32, #tpu.memory_space<vmem_shared>>) target(%dma_start3A_145 : memref<80x128xf32, #tpu.memory_space<vmem>>) target_semaphore(%run_scoped3A : memref<!tpu.dma_semaphore, #tpu.memory_space<semaphore_mem>>)
        %dma_wait3A = arith.constant 0 : i32
        %dma_wait3A_148 = arith.constant 0 : i32
        %dma_wait3A_149 = tpu.memref_slice %arg9[%dma_wait3A, %dma_wait3A_148] : memref<80x128xf32, #tpu.memory_space<vmem>> -> memref<80x128xf32, #tpu.memory_space<vmem>>
        %dma_wait3A_150 = arith.constant 0 : i32
        %dma_wait3A_151 = tpu.memref_slice %arg6[%mul3A_134, %dma_wait3A_150] : memref<10000x128xf32, #tpu.memory_space<vmem_shared>> -> memref<80x128xf32, #tpu.memory_space<vmem_shared>>
        %dma_wait3A_152 = arith.constant 0 : i32
        %dma_wait3A_153 = arith.constant 0 : i32
        %dma_wait3A_154 = tpu.memref_slice %arg9[%dma_wait3A_152, %dma_wait3A_153] : memref<80x128xf32, #tpu.memory_space<vmem>> -> memref<80x128xf32, #tpu.memory_space<vmem>>
        %dma_wait3A_155 = arith.constant 0 : i32
        %dma_wait3A_156 = tpu.memref_slice %arg6[%mul3A_134, %dma_wait3A_155] : memref<10000x128xf32, #tpu.memory_space<vmem_shared>> -> memref<80x128xf32, #tpu.memory_space<vmem_shared>>
        tpu.wait_dma2 semaphore(%run_scoped3A : memref<!tpu.dma_semaphore, #tpu.memory_space<semaphore_mem>>) src(%dma_wait3A_156 : memref<80x128xf32, #tpu.memory_space<vmem_shared>>) dst(%dma_wait3A_154 : memref<80x128xf32, #tpu.memory_space<vmem>>)
        tpu.yield
      }) : () -> ()
      %mul3A_135 = arith.constant 10000 : i32
      %mul3A_136 = arith.muli %arg0, %mul3A_135 : i32
      %add3A_137 = arith.addi %mul3A_136, %mul3A_134 : i32
      "tpu.region"() ({
        %run_scoped3A = tpu.sem_alloc : memref<!tpu.dma_semaphore, #tpu.memory_space<semaphore_mem>>
        %dma_start3A_138 = arith.constant 0 : i32
        %dma_start3A_139 = arith.constant 0 : i32
        %dma_start3A_140 = tpu.memref_slice %arg9[%dma_start3A_138, %dma_start3A_139] : memref<80x128xf32, #tpu.memory_space<vmem>> -> memref<80x128xf32, #tpu.memory_space<vmem>>
        %dma_start3A_141 = arith.constant 0 : i32
        %dma_start3A_142 = tpu.memref_slice %arg5[%add3A_137, %dma_start3A_141] : memref<20000x128xf32, #tpu.memory_space<hbm>> -> memref<80x128xf32, #tpu.memory_space<hbm>>
        %dma_start3A_143 = arith.constant 0 : i32
        %dma_start3A_144 = tpu.memref_slice %arg5[%add3A_137, %dma_start3A_143] : memref<20000x128xf32, #tpu.memory_space<hbm>> -> memref<80x128xf32, #tpu.memory_space<hbm>>
        %dma_start3A_145 = arith.constant 0 : i32
        %dma_start3A_146 = arith.constant 0 : i32
        %dma_start3A_147 = tpu.memref_slice %arg9[%dma_start3A_145, %dma_start3A_146] : memref<80x128xf32, #tpu.memory_space<vmem>> -> memref<80x128xf32, #tpu.memory_space<vmem>>
        tpu.enqueue_dma source(%dma_start3A_147 : memref<80x128xf32, #tpu.memory_space<vmem>>) target(%dma_start3A_144 : memref<80x128xf32, #tpu.memory_space<hbm>>) target_semaphore(%run_scoped3A : memref<!tpu.dma_semaphore, #tpu.memory_space<semaphore_mem>>)
        %dma_wait3A = arith.constant 0 : i32
        %dma_wait3A_148 = arith.constant 0 : i32
        %dma_wait3A_149 = tpu.memref_slice %arg9[%dma_wait3A, %dma_wait3A_148] : memref<80x128xf32, #tpu.memory_space<vmem>> -> memref<80x128xf32, #tpu.memory_space<vmem>>
        %dma_wait3A_150 = arith.constant 0 : i32
        %dma_wait3A_151 = tpu.memref_slice %arg5[%add3A_137, %dma_wait3A_150] : memref<20000x128xf32, #tpu.memory_space<hbm>> -> memref<80x128xf32, #tpu.memory_space<hbm>>
        %dma_wait3A_152 = arith.constant 0 : i32
        %dma_wait3A_153 = tpu.memref_slice %arg5[%add3A_137, %dma_wait3A_152] : memref<20000x128xf32, #tpu.memory_space<hbm>> -> memref<80x128xf32, #tpu.memory_space<hbm>>
        %dma_wait3A_154 = arith.constant 0 : i32
        %dma_wait3A_155 = arith.constant 0 : i32
        %dma_wait3A_156 = tpu.memref_slice %arg9[%dma_wait3A_154, %dma_wait3A_155] : memref<80x128xf32, #tpu.memory_space<vmem>> -> memref<80x128xf32, #tpu.memory_space<vmem>>
        tpu.wait_dma2 semaphore(%run_scoped3A : memref<!tpu.dma_semaphore, #tpu.memory_space<semaphore_mem>>) src(%dma_wait3A_156 : memref<80x128xf32, #tpu.memory_space<vmem>>) dst(%dma_wait3A_153 : memref<80x128xf32, #tpu.memory_space<hbm>>)
        tpu.yield
      }) : () -> ()
    } else {
    }
    %add3A_84 = arith.constant 16 : i32
    %add3A_85 = arith.addi %add3A_84, %arg1 : i32
    %lt3A_86 = arith.constant 125 : i32
    %lt3A_87 = arith.cmpi slt, %add3A_85, %lt3A_86 : i32
    %convert_element_type3A_88 = arith.extui %lt3A_87 : i1 to i32
    %cond3A_89 = arith.constant 0 : i32
    %cond3A_90 = arith.cmpi ne, %convert_element_type3A_88, %cond3A_89 : i32
    scf.if %cond3A_90 {
      %mul3A_133 = arith.constant 80 : i32
      %mul3A_134 = arith.muli %add3A_85, %mul3A_133 : i32
      "tpu.region"() ({
        %run_scoped3A = tpu.sem_alloc : memref<!tpu.dma_semaphore, #tpu.memory_space<semaphore_mem>>
        %dma_start3A_138 = arith.constant 0 : i32
        %dma_start3A_139 = arith.constant 0 : i32
        %dma_start3A_140 = tpu.memref_slice %arg9[%dma_start3A_138, %dma_start3A_139] : memref<80x128xf32, #tpu.memory_space<vmem>> -> memref<80x128xf32, #tpu.memory_space<vmem>>
        %dma_start3A_141 = arith.constant 0 : i32
        %dma_start3A_142 = tpu.memref_slice %arg6[%mul3A_134, %dma_start3A_141] : memref<10000x128xf32, #tpu.memory_space<vmem_shared>> -> memref<80x128xf32, #tpu.memory_space<vmem_shared>>
        %dma_start3A_143 = arith.constant 0 : i32
        %dma_start3A_144 = arith.constant 0 : i32
        %dma_start3A_145 = tpu.memref_slice %arg9[%dma_start3A_143, %dma_start3A_144] : memref<80x128xf32, #tpu.memory_space<vmem>> -> memref<80x128xf32, #tpu.memory_space<vmem>>
        %dma_start3A_146 = arith.constant 0 : i32
        %dma_start3A_147 = tpu.memref_slice %arg6[%mul3A_134, %dma_start3A_146] : memref<10000x128xf32, #tpu.memory_space<vmem_shared>> -> memref<80x128xf32, #tpu.memory_space<vmem_shared>>
        tpu.enqueue_dma source(%dma_start3A_147 : memref<80x128xf32, #tpu.memory_space<vmem_shared>>) target(%dma_start3A_145 : memref<80x128xf32, #tpu.memory_space<vmem>>) target_semaphore(%run_scoped3A : memref<!tpu.dma_semaphore, #tpu.memory_space<semaphore_mem>>)
        %dma_wait3A = arith.constant 0 : i32
        %dma_wait3A_148 = arith.constant 0 : i32
        %dma_wait3A_149 = tpu.memref_slice %arg9[%dma_wait3A, %dma_wait3A_148] : memref<80x128xf32, #tpu.memory_space<vmem>> -> memref<80x128xf32, #tpu.memory_space<vmem>>
        %dma_wait3A_150 = arith.constant 0 : i32
        %dma_wait3A_151 = tpu.memref_slice %arg6[%mul3A_134, %dma_wait3A_150] : memref<10000x128xf32, #tpu.memory_space<vmem_shared>> -> memref<80x128xf32, #tpu.memory_space<vmem_shared>>
        %dma_wait3A_152 = arith.constant 0 : i32
        %dma_wait3A_153 = arith.constant 0 : i32
        %dma_wait3A_154 = tpu.memref_slice %arg9[%dma_wait3A_152, %dma_wait3A_153] : memref<80x128xf32, #tpu.memory_space<vmem>> -> memref<80x128xf32, #tpu.memory_space<vmem>>
        %dma_wait3A_155 = arith.constant 0 : i32
        %dma_wait3A_156 = tpu.memref_slice %arg6[%mul3A_134, %dma_wait3A_155] : memref<10000x128xf32, #tpu.memory_space<vmem_shared>> -> memref<80x128xf32, #tpu.memory_space<vmem_shared>>
        tpu.wait_dma2 semaphore(%run_scoped3A : memref<!tpu.dma_semaphore, #tpu.memory_space<semaphore_mem>>) src(%dma_wait3A_156 : memref<80x128xf32, #tpu.memory_space<vmem_shared>>) dst(%dma_wait3A_154 : memref<80x128xf32, #tpu.memory_space<vmem>>)
        tpu.yield
      }) : () -> ()
      %mul3A_135 = arith.constant 10000 : i32
      %mul3A_136 = arith.muli %arg0, %mul3A_135 : i32
      %add3A_137 = arith.addi %mul3A_136, %mul3A_134 : i32
      "tpu.region"() ({
        %run_scoped3A = tpu.sem_alloc : memref<!tpu.dma_semaphore, #tpu.memory_space<semaphore_mem>>
        %dma_start3A_138 = arith.constant 0 : i32
        %dma_start3A_139 = arith.constant 0 : i32
        %dma_start3A_140 = tpu.memref_slice %arg9[%dma_start3A_138, %dma_start3A_139] : memref<80x128xf32, #tpu.memory_space<vmem>> -> memref<80x128xf32, #tpu.memory_space<vmem>>
        %dma_start3A_141 = arith.constant 0 : i32
        %dma_start3A_142 = tpu.memref_slice %arg5[%add3A_137, %dma_start3A_141] : memref<20000x128xf32, #tpu.memory_space<hbm>> -> memref<80x128xf32, #tpu.memory_space<hbm>>
        %dma_start3A_143 = arith.constant 0 : i32
        %dma_start3A_144 = tpu.memref_slice %arg5[%add3A_137, %dma_start3A_143] : memref<20000x128xf32, #tpu.memory_space<hbm>> -> memref<80x128xf32, #tpu.memory_space<hbm>>
        %dma_start3A_145 = arith.constant 0 : i32
        %dma_start3A_146 = arith.constant 0 : i32
        %dma_start3A_147 = tpu.memref_slice %arg9[%dma_start3A_145, %dma_start3A_146] : memref<80x128xf32, #tpu.memory_space<vmem>> -> memref<80x128xf32, #tpu.memory_space<vmem>>
        tpu.enqueue_dma source(%dma_start3A_147 : memref<80x128xf32, #tpu.memory_space<vmem>>) target(%dma_start3A_144 : memref<80x128xf32, #tpu.memory_space<hbm>>) target_semaphore(%run_scoped3A : memref<!tpu.dma_semaphore, #tpu.memory_space<semaphore_mem>>)
        %dma_wait3A = arith.constant 0 : i32
        %dma_wait3A_148 = arith.constant 0 : i32
        %dma_wait3A_149 = tpu.memref_slice %arg9[%dma_wait3A, %dma_wait3A_148] : memref<80x128xf32, #tpu.memory_space<vmem>> -> memref<80x128xf32, #tpu.memory_space<vmem>>
        %dma_wait3A_150 = arith.constant 0 : i32
        %dma_wait3A_151 = tpu.memref_slice %arg5[%add3A_137, %dma_wait3A_150] : memref<20000x128xf32, #tpu.memory_space<hbm>> -> memref<80x128xf32, #tpu.memory_space<hbm>>
        %dma_wait3A_152 = arith.constant 0 : i32
        %dma_wait3A_153 = tpu.memref_slice %arg5[%add3A_137, %dma_wait3A_152] : memref<20000x128xf32, #tpu.memory_space<hbm>> -> memref<80x128xf32, #tpu.memory_space<hbm>>
        %dma_wait3A_154 = arith.constant 0 : i32
        %dma_wait3A_155 = arith.constant 0 : i32
        %dma_wait3A_156 = tpu.memref_slice %arg9[%dma_wait3A_154, %dma_wait3A_155] : memref<80x128xf32, #tpu.memory_space<vmem>> -> memref<80x128xf32, #tpu.memory_space<vmem>>
        tpu.wait_dma2 semaphore(%run_scoped3A : memref<!tpu.dma_semaphore, #tpu.memory_space<semaphore_mem>>) src(%dma_wait3A_156 : memref<80x128xf32, #tpu.memory_space<vmem>>) dst(%dma_wait3A_153 : memref<80x128xf32, #tpu.memory_space<hbm>>)
        tpu.yield
      }) : () -> ()
    } else {
    }
    %add3A_91 = arith.constant 32 : i32
    %add3A_92 = arith.addi %add3A_91, %arg1 : i32
    %lt3A_93 = arith.constant 125 : i32
    %lt3A_94 = arith.cmpi slt, %add3A_92, %lt3A_93 : i32
    %convert_element_type3A_95 = arith.extui %lt3A_94 : i1 to i32
    %cond3A_96 = arith.constant 0 : i32
    %cond3A_97 = arith.cmpi ne, %convert_element_type3A_95, %cond3A_96 : i32
    scf.if %cond3A_97 {
      %mul3A_133 = arith.constant 80 : i32
      %mul3A_134 = arith.muli %add3A_92, %mul3A_133 : i32
      "tpu.region"() ({
        %run_scoped3A = tpu.sem_alloc : memref<!tpu.dma_semaphore, #tpu.memory_space<semaphore_mem>>
        %dma_start3A_138 = arith.constant 0 : i32
        %dma_start3A_139 = arith.constant 0 : i32
        %dma_start3A_140 = tpu.memref_slice %arg9[%dma_start3A_138, %dma_start3A_139] : memref<80x128xf32, #tpu.memory_space<vmem>> -> memref<80x128xf32, #tpu.memory_space<vmem>>
        %dma_start3A_141 = arith.constant 0 : i32
        %dma_start3A_142 = tpu.memref_slice %arg6[%mul3A_134, %dma_start3A_141] : memref<10000x128xf32, #tpu.memory_space<vmem_shared>> -> memref<80x128xf32, #tpu.memory_space<vmem_shared>>
        %dma_start3A_143 = arith.constant 0 : i32
        %dma_start3A_144 = arith.constant 0 : i32
        %dma_start3A_145 = tpu.memref_slice %arg9[%dma_start3A_143, %dma_start3A_144] : memref<80x128xf32, #tpu.memory_space<vmem>> -> memref<80x128xf32, #tpu.memory_space<vmem>>
        %dma_start3A_146 = arith.constant 0 : i32
        %dma_start3A_147 = tpu.memref_slice %arg6[%mul3A_134, %dma_start3A_146] : memref<10000x128xf32, #tpu.memory_space<vmem_shared>> -> memref<80x128xf32, #tpu.memory_space<vmem_shared>>
        tpu.enqueue_dma source(%dma_start3A_147 : memref<80x128xf32, #tpu.memory_space<vmem_shared>>) target(%dma_start3A_145 : memref<80x128xf32, #tpu.memory_space<vmem>>) target_semaphore(%run_scoped3A : memref<!tpu.dma_semaphore, #tpu.memory_space<semaphore_mem>>)
        %dma_wait3A = arith.constant 0 : i32
        %dma_wait3A_148 = arith.constant 0 : i32
        %dma_wait3A_149 = tpu.memref_slice %arg9[%dma_wait3A, %dma_wait3A_148] : memref<80x128xf32, #tpu.memory_space<vmem>> -> memref<80x128xf32, #tpu.memory_space<vmem>>
        %dma_wait3A_150 = arith.constant 0 : i32
        %dma_wait3A_151 = tpu.memref_slice %arg6[%mul3A_134, %dma_wait3A_150] : memref<10000x128xf32, #tpu.memory_space<vmem_shared>> -> memref<80x128xf32, #tpu.memory_space<vmem_shared>>
        %dma_wait3A_152 = arith.constant 0 : i32
        %dma_wait3A_153 = arith.constant 0 : i32
        %dma_wait3A_154 = tpu.memref_slice %arg9[%dma_wait3A_152, %dma_wait3A_153] : memref<80x128xf32, #tpu.memory_space<vmem>> -> memref<80x128xf32, #tpu.memory_space<vmem>>
        %dma_wait3A_155 = arith.constant 0 : i32
        %dma_wait3A_156 = tpu.memref_slice %arg6[%mul3A_134, %dma_wait3A_155] : memref<10000x128xf32, #tpu.memory_space<vmem_shared>> -> memref<80x128xf32, #tpu.memory_space<vmem_shared>>
        tpu.wait_dma2 semaphore(%run_scoped3A : memref<!tpu.dma_semaphore, #tpu.memory_space<semaphore_mem>>) src(%dma_wait3A_156 : memref<80x128xf32, #tpu.memory_space<vmem_shared>>) dst(%dma_wait3A_154 : memref<80x128xf32, #tpu.memory_space<vmem>>)
        tpu.yield
      }) : () -> ()
      %mul3A_135 = arith.constant 10000 : i32
      %mul3A_136 = arith.muli %arg0, %mul3A_135 : i32
      %add3A_137 = arith.addi %mul3A_136, %mul3A_134 : i32
      "tpu.region"() ({
        %run_scoped3A = tpu.sem_alloc : memref<!tpu.dma_semaphore, #tpu.memory_space<semaphore_mem>>
        %dma_start3A_138 = arith.constant 0 : i32
        %dma_start3A_139 = arith.constant 0 : i32
        %dma_start3A_140 = tpu.memref_slice %arg9[%dma_start3A_138, %dma_start3A_139] : memref<80x128xf32, #tpu.memory_space<vmem>> -> memref<80x128xf32, #tpu.memory_space<vmem>>
        %dma_start3A_141 = arith.constant 0 : i32
        %dma_start3A_142 = tpu.memref_slice %arg5[%add3A_137, %dma_start3A_141] : memref<20000x128xf32, #tpu.memory_space<hbm>> -> memref<80x128xf32, #tpu.memory_space<hbm>>
        %dma_start3A_143 = arith.constant 0 : i32
        %dma_start3A_144 = tpu.memref_slice %arg5[%add3A_137, %dma_start3A_143] : memref<20000x128xf32, #tpu.memory_space<hbm>> -> memref<80x128xf32, #tpu.memory_space<hbm>>
        %dma_start3A_145 = arith.constant 0 : i32
        %dma_start3A_146 = arith.constant 0 : i32
        %dma_start3A_147 = tpu.memref_slice %arg9[%dma_start3A_145, %dma_start3A_146] : memref<80x128xf32, #tpu.memory_space<vmem>> -> memref<80x128xf32, #tpu.memory_space<vmem>>
        tpu.enqueue_dma source(%dma_start3A_147 : memref<80x128xf32, #tpu.memory_space<vmem>>) target(%dma_start3A_144 : memref<80x128xf32, #tpu.memory_space<hbm>>) target_semaphore(%run_scoped3A : memref<!tpu.dma_semaphore, #tpu.memory_space<semaphore_mem>>)
        %dma_wait3A = arith.constant 0 : i32
        %dma_wait3A_148 = arith.constant 0 : i32
        %dma_wait3A_149 = tpu.memref_slice %arg9[%dma_wait3A, %dma_wait3A_148] : memref<80x128xf32, #tpu.memory_space<vmem>> -> memref<80x128xf32, #tpu.memory_space<vmem>>
        %dma_wait3A_150 = arith.constant 0 : i32
        %dma_wait3A_151 = tpu.memref_slice %arg5[%add3A_137, %dma_wait3A_150] : memref<20000x128xf32, #tpu.memory_space<hbm>> -> memref<80x128xf32, #tpu.memory_space<hbm>>
        %dma_wait3A_152 = arith.constant 0 : i32
        %dma_wait3A_153 = tpu.memref_slice %arg5[%add3A_137, %dma_wait3A_152] : memref<20000x128xf32, #tpu.memory_space<hbm>> -> memref<80x128xf32, #tpu.memory_space<hbm>>
        %dma_wait3A_154 = arith.constant 0 : i32
        %dma_wait3A_155 = arith.constant 0 : i32
        %dma_wait3A_156 = tpu.memref_slice %arg9[%dma_wait3A_154, %dma_wait3A_155] : memref<80x128xf32, #tpu.memory_space<vmem>> -> memref<80x128xf32, #tpu.memory_space<vmem>>
        tpu.wait_dma2 semaphore(%run_scoped3A : memref<!tpu.dma_semaphore, #tpu.memory_space<semaphore_mem>>) src(%dma_wait3A_156 : memref<80x128xf32, #tpu.memory_space<vmem>>) dst(%dma_wait3A_153 : memref<80x128xf32, #tpu.memory_space<hbm>>)
        tpu.yield
      }) : () -> ()
    } else {
    }
    %add3A_98 = arith.constant 48 : i32
    %add3A_99 = arith.addi %add3A_98, %arg1 : i32
    %lt3A_100 = arith.constant 125 : i32
    %lt3A_101 = arith.cmpi slt, %add3A_99, %lt3A_100 : i32
    %convert_element_type3A_102 = arith.extui %lt3A_101 : i1 to i32
    %cond3A_103 = arith.constant 0 : i32
    %cond3A_104 = arith.cmpi ne, %convert_element_type3A_102, %cond3A_103 : i32
    scf.if %cond3A_104 {
      %mul3A_133 = arith.constant 80 : i32
      %mul3A_134 = arith.muli %add3A_99, %mul3A_133 : i32
      "tpu.region"() ({
        %run_scoped3A = tpu.sem_alloc : memref<!tpu.dma_semaphore, #tpu.memory_space<semaphore_mem>>
        %dma_start3A_138 = arith.constant 0 : i32
        %dma_start3A_139 = arith.constant 0 : i32
        %dma_start3A_140 = tpu.memref_slice %arg9[%dma_start3A_138, %dma_start3A_139] : memref<80x128xf32, #tpu.memory_space<vmem>> -> memref<80x128xf32, #tpu.memory_space<vmem>>
        %dma_start3A_141 = arith.constant 0 : i32
        %dma_start3A_142 = tpu.memref_slice %arg6[%mul3A_134, %dma_start3A_141] : memref<10000x128xf32, #tpu.memory_space<vmem_shared>> -> memref<80x128xf32, #tpu.memory_space<vmem_shared>>
        %dma_start3A_143 = arith.constant 0 : i32
        %dma_start3A_144 = arith.constant 0 : i32
        %dma_start3A_145 = tpu.memref_slice %arg9[%dma_start3A_143, %dma_start3A_144] : memref<80x128xf32, #tpu.memory_space<vmem>> -> memref<80x128xf32, #tpu.memory_space<vmem>>
        %dma_start3A_146 = arith.constant 0 : i32
        %dma_start3A_147 = tpu.memref_slice %arg6[%mul3A_134, %dma_start3A_146] : memref<10000x128xf32, #tpu.memory_space<vmem_shared>> -> memref<80x128xf32, #tpu.memory_space<vmem_shared>>
        tpu.enqueue_dma source(%dma_start3A_147 : memref<80x128xf32, #tpu.memory_space<vmem_shared>>) target(%dma_start3A_145 : memref<80x128xf32, #tpu.memory_space<vmem>>) target_semaphore(%run_scoped3A : memref<!tpu.dma_semaphore, #tpu.memory_space<semaphore_mem>>)
        %dma_wait3A = arith.constant 0 : i32
        %dma_wait3A_148 = arith.constant 0 : i32
        %dma_wait3A_149 = tpu.memref_slice %arg9[%dma_wait3A, %dma_wait3A_148] : memref<80x128xf32, #tpu.memory_space<vmem>> -> memref<80x128xf32, #tpu.memory_space<vmem>>
        %dma_wait3A_150 = arith.constant 0 : i32
        %dma_wait3A_151 = tpu.memref_slice %arg6[%mul3A_134, %dma_wait3A_150] : memref<10000x128xf32, #tpu.memory_space<vmem_shared>> -> memref<80x128xf32, #tpu.memory_space<vmem_shared>>
        %dma_wait3A_152 = arith.constant 0 : i32
        %dma_wait3A_153 = arith.constant 0 : i32
        %dma_wait3A_154 = tpu.memref_slice %arg9[%dma_wait3A_152, %dma_wait3A_153] : memref<80x128xf32, #tpu.memory_space<vmem>> -> memref<80x128xf32, #tpu.memory_space<vmem>>
        %dma_wait3A_155 = arith.constant 0 : i32
        %dma_wait3A_156 = tpu.memref_slice %arg6[%mul3A_134, %dma_wait3A_155] : memref<10000x128xf32, #tpu.memory_space<vmem_shared>> -> memref<80x128xf32, #tpu.memory_space<vmem_shared>>
        tpu.wait_dma2 semaphore(%run_scoped3A : memref<!tpu.dma_semaphore, #tpu.memory_space<semaphore_mem>>) src(%dma_wait3A_156 : memref<80x128xf32, #tpu.memory_space<vmem_shared>>) dst(%dma_wait3A_154 : memref<80x128xf32, #tpu.memory_space<vmem>>)
        tpu.yield
      }) : () -> ()
      %mul3A_135 = arith.constant 10000 : i32
      %mul3A_136 = arith.muli %arg0, %mul3A_135 : i32
      %add3A_137 = arith.addi %mul3A_136, %mul3A_134 : i32
      "tpu.region"() ({
        %run_scoped3A = tpu.sem_alloc : memref<!tpu.dma_semaphore, #tpu.memory_space<semaphore_mem>>
        %dma_start3A_138 = arith.constant 0 : i32
        %dma_start3A_139 = arith.constant 0 : i32
        %dma_start3A_140 = tpu.memref_slice %arg9[%dma_start3A_138, %dma_start3A_139] : memref<80x128xf32, #tpu.memory_space<vmem>> -> memref<80x128xf32, #tpu.memory_space<vmem>>
        %dma_start3A_141 = arith.constant 0 : i32
        %dma_start3A_142 = tpu.memref_slice %arg5[%add3A_137, %dma_start3A_141] : memref<20000x128xf32, #tpu.memory_space<hbm>> -> memref<80x128xf32, #tpu.memory_space<hbm>>
        %dma_start3A_143 = arith.constant 0 : i32
        %dma_start3A_144 = tpu.memref_slice %arg5[%add3A_137, %dma_start3A_143] : memref<20000x128xf32, #tpu.memory_space<hbm>> -> memref<80x128xf32, #tpu.memory_space<hbm>>
        %dma_start3A_145 = arith.constant 0 : i32
        %dma_start3A_146 = arith.constant 0 : i32
        %dma_start3A_147 = tpu.memref_slice %arg9[%dma_start3A_145, %dma_start3A_146] : memref<80x128xf32, #tpu.memory_space<vmem>> -> memref<80x128xf32, #tpu.memory_space<vmem>>
        tpu.enqueue_dma source(%dma_start3A_147 : memref<80x128xf32, #tpu.memory_space<vmem>>) target(%dma_start3A_144 : memref<80x128xf32, #tpu.memory_space<hbm>>) target_semaphore(%run_scoped3A : memref<!tpu.dma_semaphore, #tpu.memory_space<semaphore_mem>>)
        %dma_wait3A = arith.constant 0 : i32
        %dma_wait3A_148 = arith.constant 0 : i32
        %dma_wait3A_149 = tpu.memref_slice %arg9[%dma_wait3A, %dma_wait3A_148] : memref<80x128xf32, #tpu.memory_space<vmem>> -> memref<80x128xf32, #tpu.memory_space<vmem>>
        %dma_wait3A_150 = arith.constant 0 : i32
        %dma_wait3A_151 = tpu.memref_slice %arg5[%add3A_137, %dma_wait3A_150] : memref<20000x128xf32, #tpu.memory_space<hbm>> -> memref<80x128xf32, #tpu.memory_space<hbm>>
        %dma_wait3A_152 = arith.constant 0 : i32
        %dma_wait3A_153 = tpu.memref_slice %arg5[%add3A_137, %dma_wait3A_152] : memref<20000x128xf32, #tpu.memory_space<hbm>> -> memref<80x128xf32, #tpu.memory_space<hbm>>
        %dma_wait3A_154 = arith.constant 0 : i32
        %dma_wait3A_155 = arith.constant 0 : i32
        %dma_wait3A_156 = tpu.memref_slice %arg9[%dma_wait3A_154, %dma_wait3A_155] : memref<80x128xf32, #tpu.memory_space<vmem>> -> memref<80x128xf32, #tpu.memory_space<vmem>>
        tpu.wait_dma2 semaphore(%run_scoped3A : memref<!tpu.dma_semaphore, #tpu.memory_space<semaphore_mem>>) src(%dma_wait3A_156 : memref<80x128xf32, #tpu.memory_space<vmem>>) dst(%dma_wait3A_153 : memref<80x128xf32, #tpu.memory_space<hbm>>)
        tpu.yield
      }) : () -> ()
    } else {
    }
    %add3A_105 = arith.constant 64 : i32
    %add3A_106 = arith.addi %add3A_105, %arg1 : i32
    %lt3A_107 = arith.constant 125 : i32
    %lt3A_108 = arith.cmpi slt, %add3A_106, %lt3A_107 : i32
    %convert_element_type3A_109 = arith.extui %lt3A_108 : i1 to i32
    %cond3A_110 = arith.constant 0 : i32
    %cond3A_111 = arith.cmpi ne, %convert_element_type3A_109, %cond3A_110 : i32
    scf.if %cond3A_111 {
      %mul3A_133 = arith.constant 80 : i32
      %mul3A_134 = arith.muli %add3A_106, %mul3A_133 : i32
      "tpu.region"() ({
        %run_scoped3A = tpu.sem_alloc : memref<!tpu.dma_semaphore, #tpu.memory_space<semaphore_mem>>
        %dma_start3A_138 = arith.constant 0 : i32
        %dma_start3A_139 = arith.constant 0 : i32
        %dma_start3A_140 = tpu.memref_slice %arg9[%dma_start3A_138, %dma_start3A_139] : memref<80x128xf32, #tpu.memory_space<vmem>> -> memref<80x128xf32, #tpu.memory_space<vmem>>
        %dma_start3A_141 = arith.constant 0 : i32
        %dma_start3A_142 = tpu.memref_slice %arg6[%mul3A_134, %dma_start3A_141] : memref<10000x128xf32, #tpu.memory_space<vmem_shared>> -> memref<80x128xf32, #tpu.memory_space<vmem_shared>>
        %dma_start3A_143 = arith.constant 0 : i32
        %dma_start3A_144 = arith.constant 0 : i32
        %dma_start3A_145 = tpu.memref_slice %arg9[%dma_start3A_143, %dma_start3A_144] : memref<80x128xf32, #tpu.memory_space<vmem>> -> memref<80x128xf32, #tpu.memory_space<vmem>>
        %dma_start3A_146 = arith.constant 0 : i32
        %dma_start3A_147 = tpu.memref_slice %arg6[%mul3A_134, %dma_start3A_146] : memref<10000x128xf32, #tpu.memory_space<vmem_shared>> -> memref<80x128xf32, #tpu.memory_space<vmem_shared>>
        tpu.enqueue_dma source(%dma_start3A_147 : memref<80x128xf32, #tpu.memory_space<vmem_shared>>) target(%dma_start3A_145 : memref<80x128xf32, #tpu.memory_space<vmem>>) target_semaphore(%run_scoped3A : memref<!tpu.dma_semaphore, #tpu.memory_space<semaphore_mem>>)
        %dma_wait3A = arith.constant 0 : i32
        %dma_wait3A_148 = arith.constant 0 : i32
        %dma_wait3A_149 = tpu.memref_slice %arg9[%dma_wait3A, %dma_wait3A_148] : memref<80x128xf32, #tpu.memory_space<vmem>> -> memref<80x128xf32, #tpu.memory_space<vmem>>
        %dma_wait3A_150 = arith.constant 0 : i32
        %dma_wait3A_151 = tpu.memref_slice %arg6[%mul3A_134, %dma_wait3A_150] : memref<10000x128xf32, #tpu.memory_space<vmem_shared>> -> memref<80x128xf32, #tpu.memory_space<vmem_shared>>
        %dma_wait3A_152 = arith.constant 0 : i32
        %dma_wait3A_153 = arith.constant 0 : i32
        %dma_wait3A_154 = tpu.memref_slice %arg9[%dma_wait3A_152, %dma_wait3A_153] : memref<80x128xf32, #tpu.memory_space<vmem>> -> memref<80x128xf32, #tpu.memory_space<vmem>>
        %dma_wait3A_155 = arith.constant 0 : i32
        %dma_wait3A_156 = tpu.memref_slice %arg6[%mul3A_134, %dma_wait3A_155] : memref<10000x128xf32, #tpu.memory_space<vmem_shared>> -> memref<80x128xf32, #tpu.memory_space<vmem_shared>>
        tpu.wait_dma2 semaphore(%run_scoped3A : memref<!tpu.dma_semaphore, #tpu.memory_space<semaphore_mem>>) src(%dma_wait3A_156 : memref<80x128xf32, #tpu.memory_space<vmem_shared>>) dst(%dma_wait3A_154 : memref<80x128xf32, #tpu.memory_space<vmem>>)
        tpu.yield
      }) : () -> ()
      %mul3A_135 = arith.constant 10000 : i32
      %mul3A_136 = arith.muli %arg0, %mul3A_135 : i32
      %add3A_137 = arith.addi %mul3A_136, %mul3A_134 : i32
      "tpu.region"() ({
        %run_scoped3A = tpu.sem_alloc : memref<!tpu.dma_semaphore, #tpu.memory_space<semaphore_mem>>
        %dma_start3A_138 = arith.constant 0 : i32
        %dma_start3A_139 = arith.constant 0 : i32
        %dma_start3A_140 = tpu.memref_slice %arg9[%dma_start3A_138, %dma_start3A_139] : memref<80x128xf32, #tpu.memory_space<vmem>> -> memref<80x128xf32, #tpu.memory_space<vmem>>
        %dma_start3A_141 = arith.constant 0 : i32
        %dma_start3A_142 = tpu.memref_slice %arg5[%add3A_137, %dma_start3A_141] : memref<20000x128xf32, #tpu.memory_space<hbm>> -> memref<80x128xf32, #tpu.memory_space<hbm>>
        %dma_start3A_143 = arith.constant 0 : i32
        %dma_start3A_144 = tpu.memref_slice %arg5[%add3A_137, %dma_start3A_143] : memref<20000x128xf32, #tpu.memory_space<hbm>> -> memref<80x128xf32, #tpu.memory_space<hbm>>
        %dma_start3A_145 = arith.constant 0 : i32
        %dma_start3A_146 = arith.constant 0 : i32
        %dma_start3A_147 = tpu.memref_slice %arg9[%dma_start3A_145, %dma_start3A_146] : memref<80x128xf32, #tpu.memory_space<vmem>> -> memref<80x128xf32, #tpu.memory_space<vmem>>
        tpu.enqueue_dma source(%dma_start3A_147 : memref<80x128xf32, #tpu.memory_space<vmem>>) target(%dma_start3A_144 : memref<80x128xf32, #tpu.memory_space<hbm>>) target_semaphore(%run_scoped3A : memref<!tpu.dma_semaphore, #tpu.memory_space<semaphore_mem>>)
        %dma_wait3A = arith.constant 0 : i32
        %dma_wait3A_148 = arith.constant 0 : i32
        %dma_wait3A_149 = tpu.memref_slice %arg9[%dma_wait3A, %dma_wait3A_148] : memref<80x128xf32, #tpu.memory_space<vmem>> -> memref<80x128xf32, #tpu.memory_space<vmem>>
        %dma_wait3A_150 = arith.constant 0 : i32
        %dma_wait3A_151 = tpu.memref_slice %arg5[%add3A_137, %dma_wait3A_150] : memref<20000x128xf32, #tpu.memory_space<hbm>> -> memref<80x128xf32, #tpu.memory_space<hbm>>
        %dma_wait3A_152 = arith.constant 0 : i32
        %dma_wait3A_153 = tpu.memref_slice %arg5[%add3A_137, %dma_wait3A_152] : memref<20000x128xf32, #tpu.memory_space<hbm>> -> memref<80x128xf32, #tpu.memory_space<hbm>>
        %dma_wait3A_154 = arith.constant 0 : i32
        %dma_wait3A_155 = arith.constant 0 : i32
        %dma_wait3A_156 = tpu.memref_slice %arg9[%dma_wait3A_154, %dma_wait3A_155] : memref<80x128xf32, #tpu.memory_space<vmem>> -> memref<80x128xf32, #tpu.memory_space<vmem>>
        tpu.wait_dma2 semaphore(%run_scoped3A : memref<!tpu.dma_semaphore, #tpu.memory_space<semaphore_mem>>) src(%dma_wait3A_156 : memref<80x128xf32, #tpu.memory_space<vmem>>) dst(%dma_wait3A_153 : memref<80x128xf32, #tpu.memory_space<hbm>>)
        tpu.yield
      }) : () -> ()
    } else {
    }
    %add3A_112 = arith.constant 80 : i32
    %add3A_113 = arith.addi %add3A_112, %arg1 : i32
    %lt3A_114 = arith.constant 125 : i32
    %lt3A_115 = arith.cmpi slt, %add3A_113, %lt3A_114 : i32
    %convert_element_type3A_116 = arith.extui %lt3A_115 : i1 to i32
    %cond3A_117 = arith.constant 0 : i32
    %cond3A_118 = arith.cmpi ne, %convert_element_type3A_116, %cond3A_117 : i32
    scf.if %cond3A_118 {
      %mul3A_133 = arith.constant 80 : i32
      %mul3A_134 = arith.muli %add3A_113, %mul3A_133 : i32
      "tpu.region"() ({
        %run_scoped3A = tpu.sem_alloc : memref<!tpu.dma_semaphore, #tpu.memory_space<semaphore_mem>>
        %dma_start3A_138 = arith.constant 0 : i32
        %dma_start3A_139 = arith.constant 0 : i32
        %dma_start3A_140 = tpu.memref_slice %arg9[%dma_start3A_138, %dma_start3A_139] : memref<80x128xf32, #tpu.memory_space<vmem>> -> memref<80x128xf32, #tpu.memory_space<vmem>>
        %dma_start3A_141 = arith.constant 0 : i32
        %dma_start3A_142 = tpu.memref_slice %arg6[%mul3A_134, %dma_start3A_141] : memref<10000x128xf32, #tpu.memory_space<vmem_shared>> -> memref<80x128xf32, #tpu.memory_space<vmem_shared>>
        %dma_start3A_143 = arith.constant 0 : i32
        %dma_start3A_144 = arith.constant 0 : i32
        %dma_start3A_145 = tpu.memref_slice %arg9[%dma_start3A_143, %dma_start3A_144] : memref<80x128xf32, #tpu.memory_space<vmem>> -> memref<80x128xf32, #tpu.memory_space<vmem>>
        %dma_start3A_146 = arith.constant 0 : i32
        %dma_start3A_147 = tpu.memref_slice %arg6[%mul3A_134, %dma_start3A_146] : memref<10000x128xf32, #tpu.memory_space<vmem_shared>> -> memref<80x128xf32, #tpu.memory_space<vmem_shared>>
        tpu.enqueue_dma source(%dma_start3A_147 : memref<80x128xf32, #tpu.memory_space<vmem_shared>>) target(%dma_start3A_145 : memref<80x128xf32, #tpu.memory_space<vmem>>) target_semaphore(%run_scoped3A : memref<!tpu.dma_semaphore, #tpu.memory_space<semaphore_mem>>)
        %dma_wait3A = arith.constant 0 : i32
        %dma_wait3A_148 = arith.constant 0 : i32
        %dma_wait3A_149 = tpu.memref_slice %arg9[%dma_wait3A, %dma_wait3A_148] : memref<80x128xf32, #tpu.memory_space<vmem>> -> memref<80x128xf32, #tpu.memory_space<vmem>>
        %dma_wait3A_150 = arith.constant 0 : i32
        %dma_wait3A_151 = tpu.memref_slice %arg6[%mul3A_134, %dma_wait3A_150] : memref<10000x128xf32, #tpu.memory_space<vmem_shared>> -> memref<80x128xf32, #tpu.memory_space<vmem_shared>>
        %dma_wait3A_152 = arith.constant 0 : i32
        %dma_wait3A_153 = arith.constant 0 : i32
        %dma_wait3A_154 = tpu.memref_slice %arg9[%dma_wait3A_152, %dma_wait3A_153] : memref<80x128xf32, #tpu.memory_space<vmem>> -> memref<80x128xf32, #tpu.memory_space<vmem>>
        %dma_wait3A_155 = arith.constant 0 : i32
        %dma_wait3A_156 = tpu.memref_slice %arg6[%mul3A_134, %dma_wait3A_155] : memref<10000x128xf32, #tpu.memory_space<vmem_shared>> -> memref<80x128xf32, #tpu.memory_space<vmem_shared>>
        tpu.wait_dma2 semaphore(%run_scoped3A : memref<!tpu.dma_semaphore, #tpu.memory_space<semaphore_mem>>) src(%dma_wait3A_156 : memref<80x128xf32, #tpu.memory_space<vmem_shared>>) dst(%dma_wait3A_154 : memref<80x128xf32, #tpu.memory_space<vmem>>)
        tpu.yield
      }) : () -> ()
      %mul3A_135 = arith.constant 10000 : i32
      %mul3A_136 = arith.muli %arg0, %mul3A_135 : i32
      %add3A_137 = arith.addi %mul3A_136, %mul3A_134 : i32
      "tpu.region"() ({
        %run_scoped3A = tpu.sem_alloc : memref<!tpu.dma_semaphore, #tpu.memory_space<semaphore_mem>>
        %dma_start3A_138 = arith.constant 0 : i32
        %dma_start3A_139 = arith.constant 0 : i32
        %dma_start3A_140 = tpu.memref_slice %arg9[%dma_start3A_138, %dma_start3A_139] : memref<80x128xf32, #tpu.memory_space<vmem>> -> memref<80x128xf32, #tpu.memory_space<vmem>>
        %dma_start3A_141 = arith.constant 0 : i32
        %dma_start3A_142 = tpu.memref_slice %arg5[%add3A_137, %dma_start3A_141] : memref<20000x128xf32, #tpu.memory_space<hbm>> -> memref<80x128xf32, #tpu.memory_space<hbm>>
        %dma_start3A_143 = arith.constant 0 : i32
        %dma_start3A_144 = tpu.memref_slice %arg5[%add3A_137, %dma_start3A_143] : memref<20000x128xf32, #tpu.memory_space<hbm>> -> memref<80x128xf32, #tpu.memory_space<hbm>>
        %dma_start3A_145 = arith.constant 0 : i32
        %dma_start3A_146 = arith.constant 0 : i32
        %dma_start3A_147 = tpu.memref_slice %arg9[%dma_start3A_145, %dma_start3A_146] : memref<80x128xf32, #tpu.memory_space<vmem>> -> memref<80x128xf32, #tpu.memory_space<vmem>>
        tpu.enqueue_dma source(%dma_start3A_147 : memref<80x128xf32, #tpu.memory_space<vmem>>) target(%dma_start3A_144 : memref<80x128xf32, #tpu.memory_space<hbm>>) target_semaphore(%run_scoped3A : memref<!tpu.dma_semaphore, #tpu.memory_space<semaphore_mem>>)
        %dma_wait3A = arith.constant 0 : i32
        %dma_wait3A_148 = arith.constant 0 : i32
        %dma_wait3A_149 = tpu.memref_slice %arg9[%dma_wait3A, %dma_wait3A_148] : memref<80x128xf32, #tpu.memory_space<vmem>> -> memref<80x128xf32, #tpu.memory_space<vmem>>
        %dma_wait3A_150 = arith.constant 0 : i32
        %dma_wait3A_151 = tpu.memref_slice %arg5[%add3A_137, %dma_wait3A_150] : memref<20000x128xf32, #tpu.memory_space<hbm>> -> memref<80x128xf32, #tpu.memory_space<hbm>>
        %dma_wait3A_152 = arith.constant 0 : i32
        %dma_wait3A_153 = tpu.memref_slice %arg5[%add3A_137, %dma_wait3A_152] : memref<20000x128xf32, #tpu.memory_space<hbm>> -> memref<80x128xf32, #tpu.memory_space<hbm>>
        %dma_wait3A_154 = arith.constant 0 : i32
        %dma_wait3A_155 = arith.constant 0 : i32
        %dma_wait3A_156 = tpu.memref_slice %arg9[%dma_wait3A_154, %dma_wait3A_155] : memref<80x128xf32, #tpu.memory_space<vmem>> -> memref<80x128xf32, #tpu.memory_space<vmem>>
        tpu.wait_dma2 semaphore(%run_scoped3A : memref<!tpu.dma_semaphore, #tpu.memory_space<semaphore_mem>>) src(%dma_wait3A_156 : memref<80x128xf32, #tpu.memory_space<vmem>>) dst(%dma_wait3A_153 : memref<80x128xf32, #tpu.memory_space<hbm>>)
        tpu.yield
      }) : () -> ()
    } else {
    }
    %add3A_119 = arith.constant 96 : i32
    %add3A_120 = arith.addi %add3A_119, %arg1 : i32
    %lt3A_121 = arith.constant 125 : i32
    %lt3A_122 = arith.cmpi slt, %add3A_120, %lt3A_121 : i32
    %convert_element_type3A_123 = arith.extui %lt3A_122 : i1 to i32
    %cond3A_124 = arith.constant 0 : i32
    %cond3A_125 = arith.cmpi ne, %convert_element_type3A_123, %cond3A_124 : i32
    scf.if %cond3A_125 {
      %mul3A_133 = arith.constant 80 : i32
      %mul3A_134 = arith.muli %add3A_120, %mul3A_133 : i32
      "tpu.region"() ({
        %run_scoped3A = tpu.sem_alloc : memref<!tpu.dma_semaphore, #tpu.memory_space<semaphore_mem>>
        %dma_start3A_138 = arith.constant 0 : i32
        %dma_start3A_139 = arith.constant 0 : i32
        %dma_start3A_140 = tpu.memref_slice %arg9[%dma_start3A_138, %dma_start3A_139] : memref<80x128xf32, #tpu.memory_space<vmem>> -> memref<80x128xf32, #tpu.memory_space<vmem>>
        %dma_start3A_141 = arith.constant 0 : i32
        %dma_start3A_142 = tpu.memref_slice %arg6[%mul3A_134, %dma_start3A_141] : memref<10000x128xf32, #tpu.memory_space<vmem_shared>> -> memref<80x128xf32, #tpu.memory_space<vmem_shared>>
        %dma_start3A_143 = arith.constant 0 : i32
        %dma_start3A_144 = arith.constant 0 : i32
        %dma_start3A_145 = tpu.memref_slice %arg9[%dma_start3A_143, %dma_start3A_144] : memref<80x128xf32, #tpu.memory_space<vmem>> -> memref<80x128xf32, #tpu.memory_space<vmem>>
        %dma_start3A_146 = arith.constant 0 : i32
        %dma_start3A_147 = tpu.memref_slice %arg6[%mul3A_134, %dma_start3A_146] : memref<10000x128xf32, #tpu.memory_space<vmem_shared>> -> memref<80x128xf32, #tpu.memory_space<vmem_shared>>
        tpu.enqueue_dma source(%dma_start3A_147 : memref<80x128xf32, #tpu.memory_space<vmem_shared>>) target(%dma_start3A_145 : memref<80x128xf32, #tpu.memory_space<vmem>>) target_semaphore(%run_scoped3A : memref<!tpu.dma_semaphore, #tpu.memory_space<semaphore_mem>>)
        %dma_wait3A = arith.constant 0 : i32
        %dma_wait3A_148 = arith.constant 0 : i32
        %dma_wait3A_149 = tpu.memref_slice %arg9[%dma_wait3A, %dma_wait3A_148] : memref<80x128xf32, #tpu.memory_space<vmem>> -> memref<80x128xf32, #tpu.memory_space<vmem>>
        %dma_wait3A_150 = arith.constant 0 : i32
        %dma_wait3A_151 = tpu.memref_slice %arg6[%mul3A_134, %dma_wait3A_150] : memref<10000x128xf32, #tpu.memory_space<vmem_shared>> -> memref<80x128xf32, #tpu.memory_space<vmem_shared>>
        %dma_wait3A_152 = arith.constant 0 : i32
        %dma_wait3A_153 = arith.constant 0 : i32
        %dma_wait3A_154 = tpu.memref_slice %arg9[%dma_wait3A_152, %dma_wait3A_153] : memref<80x128xf32, #tpu.memory_space<vmem>> -> memref<80x128xf32, #tpu.memory_space<vmem>>
        %dma_wait3A_155 = arith.constant 0 : i32
        %dma_wait3A_156 = tpu.memref_slice %arg6[%mul3A_134, %dma_wait3A_155] : memref<10000x128xf32, #tpu.memory_space<vmem_shared>> -> memref<80x128xf32, #tpu.memory_space<vmem_shared>>
        tpu.wait_dma2 semaphore(%run_scoped3A : memref<!tpu.dma_semaphore, #tpu.memory_space<semaphore_mem>>) src(%dma_wait3A_156 : memref<80x128xf32, #tpu.memory_space<vmem_shared>>) dst(%dma_wait3A_154 : memref<80x128xf32, #tpu.memory_space<vmem>>)
        tpu.yield
      }) : () -> ()
      %mul3A_135 = arith.constant 10000 : i32
      %mul3A_136 = arith.muli %arg0, %mul3A_135 : i32
      %add3A_137 = arith.addi %mul3A_136, %mul3A_134 : i32
      "tpu.region"() ({
        %run_scoped3A = tpu.sem_alloc : memref<!tpu.dma_semaphore, #tpu.memory_space<semaphore_mem>>
        %dma_start3A_138 = arith.constant 0 : i32
        %dma_start3A_139 = arith.constant 0 : i32
        %dma_start3A_140 = tpu.memref_slice %arg9[%dma_start3A_138, %dma_start3A_139] : memref<80x128xf32, #tpu.memory_space<vmem>> -> memref<80x128xf32, #tpu.memory_space<vmem>>
        %dma_start3A_141 = arith.constant 0 : i32
        %dma_start3A_142 = tpu.memref_slice %arg5[%add3A_137, %dma_start3A_141] : memref<20000x128xf32, #tpu.memory_space<hbm>> -> memref<80x128xf32, #tpu.memory_space<hbm>>
        %dma_start3A_143 = arith.constant 0 : i32
        %dma_start3A_144 = tpu.memref_slice %arg5[%add3A_137, %dma_start3A_143] : memref<20000x128xf32, #tpu.memory_space<hbm>> -> memref<80x128xf32, #tpu.memory_space<hbm>>
        %dma_start3A_145 = arith.constant 0 : i32
        %dma_start3A_146 = arith.constant 0 : i32
        %dma_start3A_147 = tpu.memref_slice %arg9[%dma_start3A_145, %dma_start3A_146] : memref<80x128xf32, #tpu.memory_space<vmem>> -> memref<80x128xf32, #tpu.memory_space<vmem>>
        tpu.enqueue_dma source(%dma_start3A_147 : memref<80x128xf32, #tpu.memory_space<vmem>>) target(%dma_start3A_144 : memref<80x128xf32, #tpu.memory_space<hbm>>) target_semaphore(%run_scoped3A : memref<!tpu.dma_semaphore, #tpu.memory_space<semaphore_mem>>)
        %dma_wait3A = arith.constant 0 : i32
        %dma_wait3A_148 = arith.constant 0 : i32
        %dma_wait3A_149 = tpu.memref_slice %arg9[%dma_wait3A, %dma_wait3A_148] : memref<80x128xf32, #tpu.memory_space<vmem>> -> memref<80x128xf32, #tpu.memory_space<vmem>>
        %dma_wait3A_150 = arith.constant 0 : i32
        %dma_wait3A_151 = tpu.memref_slice %arg5[%add3A_137, %dma_wait3A_150] : memref<20000x128xf32, #tpu.memory_space<hbm>> -> memref<80x128xf32, #tpu.memory_space<hbm>>
        %dma_wait3A_152 = arith.constant 0 : i32
        %dma_wait3A_153 = tpu.memref_slice %arg5[%add3A_137, %dma_wait3A_152] : memref<20000x128xf32, #tpu.memory_space<hbm>> -> memref<80x128xf32, #tpu.memory_space<hbm>>
        %dma_wait3A_154 = arith.constant 0 : i32
        %dma_wait3A_155 = arith.constant 0 : i32
        %dma_wait3A_156 = tpu.memref_slice %arg9[%dma_wait3A_154, %dma_wait3A_155] : memref<80x128xf32, #tpu.memory_space<vmem>> -> memref<80x128xf32, #tpu.memory_space<vmem>>
        tpu.wait_dma2 semaphore(%run_scoped3A : memref<!tpu.dma_semaphore, #tpu.memory_space<semaphore_mem>>) src(%dma_wait3A_156 : memref<80x128xf32, #tpu.memory_space<vmem>>) dst(%dma_wait3A_153 : memref<80x128xf32, #tpu.memory_space<hbm>>)
        tpu.yield
      }) : () -> ()
    } else {
    }
    %add3A_126 = arith.constant 112 : i32
    %add3A_127 = arith.addi %add3A_126, %arg1 : i32
    %lt3A_128 = arith.constant 125 : i32
    %lt3A_129 = arith.cmpi slt, %add3A_127, %lt3A_128 : i32
    %convert_element_type3A_130 = arith.extui %lt3A_129 : i1 to i32
    %cond3A_131 = arith.constant 0 : i32
    %cond3A_132 = arith.cmpi ne, %convert_element_type3A_130, %cond3A_131 : i32
    scf.if %cond3A_132 {
      %mul3A_133 = arith.constant 80 : i32
      %mul3A_134 = arith.muli %add3A_127, %mul3A_133 : i32
      "tpu.region"() ({
        %run_scoped3A = tpu.sem_alloc : memref<!tpu.dma_semaphore, #tpu.memory_space<semaphore_mem>>
        %dma_start3A_138 = arith.constant 0 : i32
        %dma_start3A_139 = arith.constant 0 : i32
        %dma_start3A_140 = tpu.memref_slice %arg9[%dma_start3A_138, %dma_start3A_139] : memref<80x128xf32, #tpu.memory_space<vmem>> -> memref<80x128xf32, #tpu.memory_space<vmem>>
        %dma_start3A_141 = arith.constant 0 : i32
        %dma_start3A_142 = tpu.memref_slice %arg6[%mul3A_134, %dma_start3A_141] : memref<10000x128xf32, #tpu.memory_space<vmem_shared>> -> memref<80x128xf32, #tpu.memory_space<vmem_shared>>
        %dma_start3A_143 = arith.constant 0 : i32
        %dma_start3A_144 = arith.constant 0 : i32
        %dma_start3A_145 = tpu.memref_slice %arg9[%dma_start3A_143, %dma_start3A_144] : memref<80x128xf32, #tpu.memory_space<vmem>> -> memref<80x128xf32, #tpu.memory_space<vmem>>
        %dma_start3A_146 = arith.constant 0 : i32
        %dma_start3A_147 = tpu.memref_slice %arg6[%mul3A_134, %dma_start3A_146] : memref<10000x128xf32, #tpu.memory_space<vmem_shared>> -> memref<80x128xf32, #tpu.memory_space<vmem_shared>>
        tpu.enqueue_dma source(%dma_start3A_147 : memref<80x128xf32, #tpu.memory_space<vmem_shared>>) target(%dma_start3A_145 : memref<80x128xf32, #tpu.memory_space<vmem>>) target_semaphore(%run_scoped3A : memref<!tpu.dma_semaphore, #tpu.memory_space<semaphore_mem>>)
        %dma_wait3A = arith.constant 0 : i32
        %dma_wait3A_148 = arith.constant 0 : i32
        %dma_wait3A_149 = tpu.memref_slice %arg9[%dma_wait3A, %dma_wait3A_148] : memref<80x128xf32, #tpu.memory_space<vmem>> -> memref<80x128xf32, #tpu.memory_space<vmem>>
        %dma_wait3A_150 = arith.constant 0 : i32
        %dma_wait3A_151 = tpu.memref_slice %arg6[%mul3A_134, %dma_wait3A_150] : memref<10000x128xf32, #tpu.memory_space<vmem_shared>> -> memref<80x128xf32, #tpu.memory_space<vmem_shared>>
        %dma_wait3A_152 = arith.constant 0 : i32
        %dma_wait3A_153 = arith.constant 0 : i32
        %dma_wait3A_154 = tpu.memref_slice %arg9[%dma_wait3A_152, %dma_wait3A_153] : memref<80x128xf32, #tpu.memory_space<vmem>> -> memref<80x128xf32, #tpu.memory_space<vmem>>
        %dma_wait3A_155 = arith.constant 0 : i32
        %dma_wait3A_156 = tpu.memref_slice %arg6[%mul3A_134, %dma_wait3A_155] : memref<10000x128xf32, #tpu.memory_space<vmem_shared>> -> memref<80x128xf32, #tpu.memory_space<vmem_shared>>
        tpu.wait_dma2 semaphore(%run_scoped3A : memref<!tpu.dma_semaphore, #tpu.memory_space<semaphore_mem>>) src(%dma_wait3A_156 : memref<80x128xf32, #tpu.memory_space<vmem_shared>>) dst(%dma_wait3A_154 : memref<80x128xf32, #tpu.memory_space<vmem>>)
        tpu.yield
      }) : () -> ()
      %mul3A_135 = arith.constant 10000 : i32
      %mul3A_136 = arith.muli %arg0, %mul3A_135 : i32
      %add3A_137 = arith.addi %mul3A_136, %mul3A_134 : i32
      "tpu.region"() ({
        %run_scoped3A = tpu.sem_alloc : memref<!tpu.dma_semaphore, #tpu.memory_space<semaphore_mem>>
        %dma_start3A_138 = arith.constant 0 : i32
        %dma_start3A_139 = arith.constant 0 : i32
        %dma_start3A_140 = tpu.memref_slice %arg9[%dma_start3A_138, %dma_start3A_139] : memref<80x128xf32, #tpu.memory_space<vmem>> -> memref<80x128xf32, #tpu.memory_space<vmem>>
        %dma_start3A_141 = arith.constant 0 : i32
        %dma_start3A_142 = tpu.memref_slice %arg5[%add3A_137, %dma_start3A_141] : memref<20000x128xf32, #tpu.memory_space<hbm>> -> memref<80x128xf32, #tpu.memory_space<hbm>>
        %dma_start3A_143 = arith.constant 0 : i32
        %dma_start3A_144 = tpu.memref_slice %arg5[%add3A_137, %dma_start3A_143] : memref<20000x128xf32, #tpu.memory_space<hbm>> -> memref<80x128xf32, #tpu.memory_space<hbm>>
        %dma_start3A_145 = arith.constant 0 : i32
        %dma_start3A_146 = arith.constant 0 : i32
        %dma_start3A_147 = tpu.memref_slice %arg9[%dma_start3A_145, %dma_start3A_146] : memref<80x128xf32, #tpu.memory_space<vmem>> -> memref<80x128xf32, #tpu.memory_space<vmem>>
        tpu.enqueue_dma source(%dma_start3A_147 : memref<80x128xf32, #tpu.memory_space<vmem>>) target(%dma_start3A_144 : memref<80x128xf32, #tpu.memory_space<hbm>>) target_semaphore(%run_scoped3A : memref<!tpu.dma_semaphore, #tpu.memory_space<semaphore_mem>>)
        %dma_wait3A = arith.constant 0 : i32
        %dma_wait3A_148 = arith.constant 0 : i32
        %dma_wait3A_149 = tpu.memref_slice %arg9[%dma_wait3A, %dma_wait3A_148] : memref<80x128xf32, #tpu.memory_space<vmem>> -> memref<80x128xf32, #tpu.memory_space<vmem>>
        %dma_wait3A_150 = arith.constant 0 : i32
        %dma_wait3A_151 = tpu.memref_slice %arg5[%add3A_137, %dma_wait3A_150] : memref<20000x128xf32, #tpu.memory_space<hbm>> -> memref<80x128xf32, #tpu.memory_space<hbm>>
        %dma_wait3A_152 = arith.constant 0 : i32
        %dma_wait3A_153 = tpu.memref_slice %arg5[%add3A_137, %dma_wait3A_152] : memref<20000x128xf32, #tpu.memory_space<hbm>> -> memref<80x128xf32, #tpu.memory_space<hbm>>
        %dma_wait3A_154 = arith.constant 0 : i32
        %dma_wait3A_155 = arith.constant 0 : i32
        %dma_wait3A_156 = tpu.memref_slice %arg9[%dma_wait3A_154, %dma_wait3A_155] : memref<80x128xf32, #tpu.memory_space<vmem>> -> memref<80x128xf32, #tpu.memory_space<vmem>>
        tpu.wait_dma2 semaphore(%run_scoped3A : memref<!tpu.dma_semaphore, #tpu.memory_space<semaphore_mem>>) src(%dma_wait3A_156 : memref<80x128xf32, #tpu.memory_space<vmem>>) dst(%dma_wait3A_153 : memref<80x128xf32, #tpu.memory_space<hbm>>)
        tpu.yield
      }) : () -> ()
    } else {
    }
    return
  }
}

module attributes {stable_mosaic.version = 14 : i64} {
  func.func @_pre_body(%arg0: i32, %arg1: memref<400x128xf32, #tpu.memory_space<vmem>>, %arg2: memref<128x128xf32, #tpu.memory_space<vmem>>, %arg3: memref<128x128xf32, #tpu.memory_space<vmem>>, %arg4: memref<400x128xf32, #tpu.memory_space<vmem>>, %arg5: memref<400x128xf32, #tpu.memory_space<vmem>>) attributes {dimension_semantics = [#tpu.dimension_semantics<arbitrary>], iteration_bounds = array<i64: 25>, scalar_prefetch = 0 : i64, scratch_operands = 0 : i64, tpu.core_type = #tpu.core_type<tc>, window_params = [{transform_indices = @transform_0, window_bounds = array<i64: 400, 128>}, {pipeline_mode = #tpu.pipeline_mode<synchronous>, transform_indices = @transform_1, window_bounds = array<i64: 128, 128>}, {pipeline_mode = #tpu.pipeline_mode<synchronous>, transform_indices = @transform_2, window_bounds = array<i64: 128, 128>}, {transform_indices = @transform_3, window_bounds = array<i64: 400, 128>}, {transform_indices = @transform_4, window_bounds = array<i64: 400, 128>}]} {
    %get3A = arith.constant 0 : index
    %get3A_0 = arith.constant 0 : index
    %get3A_1 = vector.load %arg1[%get3A, %get3A_0] : memref<400x128xf32, #tpu.memory_space<vmem>>, vector<400x128xf32>
    %get3A_2 = arith.constant 0 : index
    %get3A_3 = arith.constant 0 : index
    %get3A_4 = vector.load %arg2[%get3A_2, %get3A_3] : memref<128x128xf32, #tpu.memory_space<vmem>>, vector<128x128xf32>
    %dot_general3A = arith.constant dense<0.000000e+00> : vector<400x128xf32>
    %dot_general3A_5 = tpu.matmul %get3A_1, %get3A_4, %dot_general3A {dimension_numbers = #tpu.dot_dimension_numbers<[1], [0], [0], [1], [0, 0, 1, 1], [], []>, transpose_lhs_hint = false} : vector<400x128xf32>, vector<128x128xf32>, vector<400x128xf32> -> vector<400x128xf32>
    %swap3A = arith.constant 0 : index
    %swap3A_6 = arith.constant 0 : index
    %swap3A_7 = vector.load %arg4[%swap3A, %swap3A_6] : memref<400x128xf32, #tpu.memory_space<vmem>>, vector<400x128xf32>
    tpu.vector_store %arg4[%swap3A, %swap3A_6], %dot_general3A_5 {strides = array<i32>} : memref<400x128xf32, #tpu.memory_space<vmem>>, vector<400x128xf32>,
    %get3A_8 = arith.constant 0 : index
    %get3A_9 = arith.constant 0 : index
    %get3A_10 = vector.load %arg3[%get3A_8, %get3A_9] : memref<128x128xf32, #tpu.memory_space<vmem>>, vector<128x128xf32>
    %dot_general3A_11 = arith.constant dense<0.000000e+00> : vector<400x128xf32>
    %dot_general3A_12 = tpu.matmul %get3A_1, %get3A_10, %dot_general3A_11 {dimension_numbers = #tpu.dot_dimension_numbers<[1], [0], [0], [1], [0, 0, 1, 1], [], []>, transpose_lhs_hint = false} : vector<400x128xf32>, vector<128x128xf32>, vector<400x128xf32> -> vector<400x128xf32>
    %swap3A_13 = arith.constant 0 : index
    %swap3A_14 = arith.constant 0 : index
    %swap3A_15 = vector.load %arg5[%swap3A_13, %swap3A_14] : memref<400x128xf32, #tpu.memory_space<vmem>>, vector<400x128xf32>
    tpu.vector_store %arg5[%swap3A_13, %swap3A_14], %dot_general3A_12 {strides = array<i32>} : memref<400x128xf32, #tpu.memory_space<vmem>>, vector<400x128xf32>,
    return
  }
  func.func @transform_0(%arg0: i32) -> (i32, i32) {
    %c0_i32 = arith.constant 0 : i32
    %c0_i32_0 = arith.constant 0 : i32
    return %arg0, %c0_i32 : i32, i32
  }
  func.func @transform_1(%arg0: i32) -> (i32, i32) {
    %c0_i32 = arith.constant 0 : i32
    %c0_i32_0 = arith.constant 0 : i32
    %c0_i32_1 = arith.constant 0 : i32
    return %c0_i32, %c0_i32_0 : i32, i32
  }
  func.func @transform_2(%arg0: i32) -> (i32, i32) {
    %c0_i32 = arith.constant 0 : i32
    %c0_i32_0 = arith.constant 0 : i32
    %c0_i32_1 = arith.constant 0 : i32
    return %c0_i32, %c0_i32_0 : i32, i32
  }
  func.func @transform_3(%arg0: i32) -> (i32, i32) {
    %c0_i32 = arith.constant 0 : i32
    %c0_i32_0 = arith.constant 0 : i32
    return %arg0, %c0_i32 : i32, i32
  }
  func.func @transform_4(%arg0: i32) -> (i32, i32) {
    %c0_i32 = arith.constant 0 : i32
    %c0_i32_0 = arith.constant 0 : i32
    return %arg0, %c0_i32 : i32, i32
  }
}

module attributes {stable_mosaic.version = 14 : i64} {
  func.func @_layer_body(%arg0: i32, %arg1: memref<400x128xf32, #tpu.memory_space<vmem>>, %arg2: memref<400x128xf32, #tpu.memory_space<vmem>>, %arg3: memref<400x128xf32, #tpu.memory_space<vmem>>, %arg4: memref<400x128xf32, #tpu.memory_space<vmem>>, %arg5: memref<400x128xf32, #tpu.memory_space<vmem>>, %arg6: memref<1x128xf32, #tpu.memory_space<vmem>>, %arg7: memref<128x128xf32, #tpu.memory_space<vmem>>, %arg8: memref<128x128xf32, #tpu.memory_space<vmem>>, %arg9: memref<400x128xf32, #tpu.memory_space<vmem>>, %arg10: memref<400x128xf32, #tpu.memory_space<vmem>>) attributes {dimension_semantics = [#tpu.dimension_semantics<arbitrary>], iteration_bounds = array<i64: 25>, scalar_prefetch = 0 : i64, scratch_operands = 0 : i64, tpu.core_type = #tpu.core_type<tc>, window_params = [{transform_indices = @transform_0, window_bounds = array<i64: 400, 128>}, {transform_indices = @transform_1, window_bounds = array<i64: 400, 128>}, {transform_indices = @transform_2, window_bounds = array<i64: 400, 128>}, {transform_indices = @transform_3, window_bounds = array<i64: 400, 128>}, {transform_indices = @transform_4, window_bounds = array<i64: 400, 128>}, {pipeline_mode = #tpu.pipeline_mode<synchronous>, transform_indices = @transform_5, window_bounds = array<i64: 1, 128>}, {pipeline_mode = #tpu.pipeline_mode<synchronous>, transform_indices = @transform_6, window_bounds = array<i64: 128, 128>}, {pipeline_mode = #tpu.pipeline_mode<synchronous>, transform_indices = @transform_7, window_bounds = array<i64: 128, 128>}, {transform_indices = @transform_8, window_bounds = array<i64: 400, 128>}, {transform_indices = @transform_9, window_bounds = array<i64: 400, 128>}]} {
    %get3A = arith.constant 0 : index
    %get3A_0 = arith.constant 0 : index
    %get3A_1 = vector.load %arg3[%get3A, %get3A_0] : memref<400x128xf32, #tpu.memory_space<vmem>>, vector<400x128xf32>
    %get3A_2 = arith.constant 0 : index
    %get3A_3 = arith.constant 0 : index
    %get3A_4 = vector.load %arg4[%get3A_2, %get3A_3] : memref<400x128xf32, #tpu.memory_space<vmem>>, vector<400x128xf32>
    %add3A = arith.addf %get3A_1, %get3A_4 : vector<400x128xf32>
    %get3A_5 = arith.constant 0 : index
    %get3A_6 = arith.constant 0 : index
    %get3A_7 = vector.load %arg1[%get3A_5, %get3A_6] : memref<400x128xf32, #tpu.memory_space<vmem>>, vector<400x128xf32>
    %get3A_8 = arith.constant 0 : index
    %get3A_9 = arith.constant 0 : index
    %get3A_10 = vector.load %arg2[%get3A_8, %get3A_9] : memref<400x128xf32, #tpu.memory_space<vmem>>, vector<400x128xf32>
    %add3A_11 = arith.addf %get3A_7, %get3A_10 : vector<400x128xf32>
    %max3A = arith.constant 1.000000e+00 : f32
    %max3A_12 = vector.broadcast %max3A : f32 to vector<400x128xf32>
    %max3A_13 = arith.maximumf %add3A, %max3A_12 : vector<400x128xf32>
    %div3A = arith.divf %add3A_11, %max3A_13 : vector<400x128xf32>
    %get3A_14 = arith.constant 0 : index
    %get3A_15 = arith.constant 0 : index
    %get3A_16 = vector.load %arg5[%get3A_14, %get3A_15] : memref<400x128xf32, #tpu.memory_space<vmem>>, vector<400x128xf32>
    %add3A_17 = arith.addf %div3A, %get3A_16 : vector<400x128xf32>
    %get3A_18 = arith.constant 0 : index
    %get3A_19 = arith.constant 0 : index
    %get3A_20 = vector.load %arg6[%get3A_18, %get3A_19] : memref<1x128xf32, #tpu.memory_space<vmem>>, vector<1x128xf32>
    %add3A_21 = vector.broadcast %get3A_20 : vector<1x128xf32> to vector<400x128xf32>
    %add3A_22 = arith.addf %add3A_17, %add3A_21 : vector<400x128xf32>
    %max3A_23 = arith.constant 0.000000e+00 : f32
    %max3A_24 = vector.broadcast %max3A_23 : f32 to vector<400x128xf32>
    %max3A_25 = arith.maximumf %add3A_22, %max3A_24 : vector<400x128xf32>
    %get3A_26 = arith.constant 0 : index
    %get3A_27 = arith.constant 0 : index
    %get3A_28 = vector.load %arg7[%get3A_26, %get3A_27] : memref<128x128xf32, #tpu.memory_space<vmem>>, vector<128x128xf32>
    %dot_general3A = arith.constant dense<0.000000e+00> : vector<400x128xf32>
    %dot_general3A_29 = tpu.matmul %max3A_25, %get3A_28, %dot_general3A {dimension_numbers = #tpu.dot_dimension_numbers<[1], [0], [0], [1], [0, 0, 1, 1], [], []>, transpose_lhs_hint = false} : vector<400x128xf32>, vector<128x128xf32>, vector<400x128xf32> -> vector<400x128xf32>
    %swap3A = arith.constant 0 : index
    %swap3A_30 = arith.constant 0 : index
    %swap3A_31 = vector.load %arg9[%swap3A, %swap3A_30] : memref<400x128xf32, #tpu.memory_space<vmem>>, vector<400x128xf32>
    tpu.vector_store %arg9[%swap3A, %swap3A_30], %dot_general3A_29 {strides = array<i32>} : memref<400x128xf32, #tpu.memory_space<vmem>>, vector<400x128xf32>,
    %get3A_32 = arith.constant 0 : index
    %get3A_33 = arith.constant 0 : index
    %get3A_34 = vector.load %arg8[%get3A_32, %get3A_33] : memref<128x128xf32, #tpu.memory_space<vmem>>, vector<128x128xf32>
    %dot_general3A_35 = arith.constant dense<0.000000e+00> : vector<400x128xf32>
    %dot_general3A_36 = tpu.matmul %max3A_25, %get3A_34, %dot_general3A_35 {dimension_numbers = #tpu.dot_dimension_numbers<[1], [0], [0], [1], [0, 0, 1, 1], [], []>, transpose_lhs_hint = false} : vector<400x128xf32>, vector<128x128xf32>, vector<400x128xf32> -> vector<400x128xf32>
    %swap3A_37 = arith.constant 0 : index
    %swap3A_38 = arith.constant 0 : index
    %swap3A_39 = vector.load %arg10[%swap3A_37, %swap3A_38] : memref<400x128xf32, #tpu.memory_space<vmem>>, vector<400x128xf32>
    tpu.vector_store %arg10[%swap3A_37, %swap3A_38], %dot_general3A_36 {strides = array<i32>} : memref<400x128xf32, #tpu.memory_space<vmem>>, vector<400x128xf32>,
    return
  }
  func.func @transform_0(%arg0: i32) -> (i32, i32) {
    %c0_i32 = arith.constant 0 : i32
    %c0_i32_0 = arith.constant 0 : i32
    return %arg0, %c0_i32 : i32, i32
  }
  func.func @transform_1(%arg0: i32) -> (i32, i32) {
    %c0_i32 = arith.constant 0 : i32
    %c0_i32_0 = arith.constant 0 : i32
    return %arg0, %c0_i32 : i32, i32
  }
  func.func @transform_2(%arg0: i32) -> (i32, i32) {
    %c0_i32 = arith.constant 0 : i32
    %c0_i32_0 = arith.constant 0 : i32
    return %arg0, %c0_i32 : i32, i32
  }
  func.func @transform_3(%arg0: i32) -> (i32, i32) {
    %c0_i32 = arith.constant 0 : i32
    %c0_i32_0 = arith.constant 0 : i32
    return %arg0, %c0_i32 : i32, i32
  }
  func.func @transform_4(%arg0: i32) -> (i32, i32) {
    %c0_i32 = arith.constant 0 : i32
    %c0_i32_0 = arith.constant 0 : i32
    return %arg0, %c0_i32 : i32, i32
  }
  func.func @transform_5(%arg0: i32) -> (i32, i32) {
    %c0_i32 = arith.constant 0 : i32
    %c0_i32_0 = arith.constant 0 : i32
    %c0_i32_1 = arith.constant 0 : i32
    return %c0_i32, %c0_i32_0 : i32, i32
  }
  func.func @transform_6(%arg0: i32) -> (i32, i32) {
    %c0_i32 = arith.constant 0 : i32
    %c0_i32_0 = arith.constant 0 : i32
    %c0_i32_1 = arith.constant 0 : i32
    return %c0_i32, %c0_i32_0 : i32, i32
  }
  func.func @transform_7(%arg0: i32) -> (i32, i32) {
    %c0_i32 = arith.constant 0 : i32
    %c0_i32_0 = arith.constant 0 : i32
    %c0_i32_1 = arith.constant 0 : i32
    return %c0_i32, %c0_i32_0 : i32, i32
  }
  func.func @transform_8(%arg0: i32) -> (i32, i32) {
    %c0_i32 = arith.constant 0 : i32
    %c0_i32_0 = arith.constant 0 : i32
    return %arg0, %c0_i32 : i32, i32
  }
  func.func @transform_9(%arg0: i32) -> (i32, i32) {
    %c0_i32 = arith.constant 0 : i32
    %c0_i32_0 = arith.constant 0 : i32
    return %arg0, %c0_i32 : i32, i32
  }
}

module attributes {stable_mosaic.version = 14 : i64} {
  func.func @_final_body(%arg0: i32, %arg1: memref<400x128xf32, #tpu.memory_space<vmem>>, %arg2: memref<400x128xf32, #tpu.memory_space<vmem>>, %arg3: memref<400x128xf32, #tpu.memory_space<vmem>>, %arg4: memref<400x128xf32, #tpu.memory_space<vmem>>, %arg5: memref<400x128xf32, #tpu.memory_space<vmem>>, %arg6: memref<1x128xf32, #tpu.memory_space<vmem>>, %arg7: memref<400x128xf32, #tpu.memory_space<vmem>>) attributes {dimension_semantics = [#tpu.dimension_semantics<arbitrary>], iteration_bounds = array<i64: 25>, scalar_prefetch = 0 : i64, scratch_operands = 0 : i64, tpu.core_type = #tpu.core_type<tc>, window_params = [{transform_indices = @transform_0, window_bounds = array<i64: 400, 128>}, {transform_indices = @transform_1, window_bounds = array<i64: 400, 128>}, {transform_indices = @transform_2, window_bounds = array<i64: 400, 128>}, {transform_indices = @transform_3, window_bounds = array<i64: 400, 128>}, {transform_indices = @transform_4, window_bounds = array<i64: 400, 128>}, {pipeline_mode = #tpu.pipeline_mode<synchronous>, transform_indices = @transform_5, window_bounds = array<i64: 1, 128>}, {transform_indices = @transform_6, window_bounds = array<i64: 400, 128>}]} {
    %get3A = arith.constant 0 : index
    %get3A_0 = arith.constant 0 : index
    %get3A_1 = vector.load %arg3[%get3A, %get3A_0] : memref<400x128xf32, #tpu.memory_space<vmem>>, vector<400x128xf32>
    %get3A_2 = arith.constant 0 : index
    %get3A_3 = arith.constant 0 : index
    %get3A_4 = vector.load %arg4[%get3A_2, %get3A_3] : memref<400x128xf32, #tpu.memory_space<vmem>>, vector<400x128xf32>
    %add3A = arith.addf %get3A_1, %get3A_4 : vector<400x128xf32>
    %get3A_5 = arith.constant 0 : index
    %get3A_6 = arith.constant 0 : index
    %get3A_7 = vector.load %arg1[%get3A_5, %get3A_6] : memref<400x128xf32, #tpu.memory_space<vmem>>, vector<400x128xf32>
    %get3A_8 = arith.constant 0 : index
    %get3A_9 = arith.constant 0 : index
    %get3A_10 = vector.load %arg2[%get3A_8, %get3A_9] : memref<400x128xf32, #tpu.memory_space<vmem>>, vector<400x128xf32>
    %add3A_11 = arith.addf %get3A_7, %get3A_10 : vector<400x128xf32>
    %max3A = arith.constant 1.000000e+00 : f32
    %max3A_12 = vector.broadcast %max3A : f32 to vector<400x128xf32>
    %max3A_13 = arith.maximumf %add3A, %max3A_12 : vector<400x128xf32>
    %div3A = arith.divf %add3A_11, %max3A_13 : vector<400x128xf32>
    %get3A_14 = arith.constant 0 : index
    %get3A_15 = arith.constant 0 : index
    %get3A_16 = vector.load %arg5[%get3A_14, %get3A_15] : memref<400x128xf32, #tpu.memory_space<vmem>>, vector<400x128xf32>
    %add3A_17 = arith.addf %div3A, %get3A_16 : vector<400x128xf32>
    %get3A_18 = arith.constant 0 : index
    %get3A_19 = arith.constant 0 : index
    %get3A_20 = vector.load %arg6[%get3A_18, %get3A_19] : memref<1x128xf32, #tpu.memory_space<vmem>>, vector<1x128xf32>
    %add3A_21 = vector.broadcast %get3A_20 : vector<1x128xf32> to vector<400x128xf32>
    %add3A_22 = arith.addf %add3A_17, %add3A_21 : vector<400x128xf32>
    %swap3A = arith.constant 0 : index
    %swap3A_23 = arith.constant 0 : index
    %swap3A_24 = vector.load %arg7[%swap3A, %swap3A_23] : memref<400x128xf32, #tpu.memory_space<vmem>>, vector<400x128xf32>
    tpu.vector_store %arg7[%swap3A, %swap3A_23], %add3A_22 {strides = array<i32>} : memref<400x128xf32, #tpu.memory_space<vmem>>, vector<400x128xf32>,
    return
  }
  func.func @transform_0(%arg0: i32) -> (i32, i32) {
    %c0_i32 = arith.constant 0 : i32
    %c0_i32_0 = arith.constant 0 : i32
    return %arg0, %c0_i32 : i32, i32
  }
  func.func @transform_1(%arg0: i32) -> (i32, i32) {
    %c0_i32 = arith.constant 0 : i32
    %c0_i32_0 = arith.constant 0 : i32
    return %arg0, %c0_i32 : i32, i32
  }
  func.func @transform_2(%arg0: i32) -> (i32, i32) {
    %c0_i32 = arith.constant 0 : i32
    %c0_i32_0 = arith.constant 0 : i32
    return %arg0, %c0_i32 : i32, i32
  }
  func.func @transform_3(%arg0: i32) -> (i32, i32) {
    %c0_i32 = arith.constant 0 : i32
    %c0_i32_0 = arith.constant 0 : i32
    return %arg0, %c0_i32 : i32, i32
  }
  func.func @transform_4(%arg0: i32) -> (i32, i32) {
    %c0_i32 = arith.constant 0 : i32
    %c0_i32_0 = arith.constant 0 : i32
    return %arg0, %c0_i32 : i32, i32
  }
  func.func @transform_5(%arg0: i32) -> (i32, i32) {
    %c0_i32 = arith.constant 0 : i32
    %c0_i32_0 = arith.constant 0 : i32
    %c0_i32_1 = arith.constant 0 : i32
    return %c0_i32, %c0_i32_0 : i32, i32
  }
  func.func @transform_6(%arg0: i32) -> (i32, i32) {
    %c0_i32 = arith.constant 0 : i32
    %c0_i32_0 = arith.constant 0 : i32
    return %arg0, %c0_i32 : i32, i32
  }
}

</mosaic_0001>

<sc_bundles>
// kernel: kernel.10.cloned.1.call-start
scs
__scs_entry_jumppad:
0x0: {  	(pc) =	sbr.rel $0x88, $3  }
0x1: {  	(tag) =	ssettag $0x0;
	lr =	simm.s32 $0x1  }
0x2: {  	[smem:$0x3F96] =	sst lr;
	_ =	strace $0xD0000000  }
0x3: {  	_ = 	snop  }
0x4: {  	_ = 	snop  }
0x5: {  	_ = 	snop  }
0x6: {  	_ = 	snop  }
0x7: {  	_ = 	snop  }
__scs_overlays_trampoline_lowered:
0x8: {  	[smem:$0x3FA5] =	sst s0  }
0x9: {  	[smem:$0x3FA6] =	sst s1  }
0xa: {  	[smem:$0x3FA7] =	sst s2  }
0xb: {  	[smem:$0x3FA8] =	sst s3  }
0xc: {  	[smem:$0x3FA9] =	sst s4  }
0xd: {  	[smem:$0x3FAA] =	sst s5  }
0xe: {  	[smem:$0x3FAB] =	sst s6  }
0xf: {  	[smem:$0x3FAC] =	sst s7  }
0x10: {  	[smem:$0x3FAD] =	sst s8  }
0x11: {  	[smem:$0x3FAE] =	sst s9;
	s0 =	simm.s32 @!p0 $0x0  }
0x12: {  	s1 =	sld [smem:$0x3F94];
	s0 =	simm.s32 @p0 $0x1  }
0x13: {  	[smem:$0x3FAF] =	sst s0;
	s0 =	simm.s32 @!p1 $0x0  }
0x14: {  	s2 =	sld [smem:$0x3F93];
	s0 =	simm.s32 @p1 $0x1  }
0x15: {  	[smem:$0x3FB0] =	sst s0;
	s0 =	simm.s32 @!p2 $0x0  }
0x16: {  	s3 =	sld [smem:$0x3FDB];
	s0 =	simm.s32 @p2 $0x1  }
0x17: {  	s4 =	simm.s32 $0x1BF5;
	[smem:$0x3FB2] =	sst s0  }
0x18: {  	s0 =	sld [smem:$0x3F95];
	_ =	swait.ge [sflag:s4], $0x0  }
0x19: {  	s7 =	sld [smem:$0x3F96]  }
0x1a: {  	s8 =	sadd.s32 $0xFFFFE003, lr  }
0x1b: {  	s9 =	sadd.s32 $0xFFFFFEF7, lr;
	s5 =	simm.s32 $0xFFFFFFFF;
	p2 =	slt.u32 s8, $0xFFFFF086  }
0x1c: {  	p1 =	slt.u32 s9, $0xF7A;
	s5 =	simm.s32 @!p2 $0x0  }
0x1d: {  	s5 =	simm.s32 @p1 $0x1;
	p0 =	seq.s32 s7, s2  }
0x1e: {  	s7 =	smul.u32 @!p0 $0xF7A, s2;
	p2 =	seq.s32 @!p0 s5, $0x0  }
0x1f: {  	s9 =	smul.u32 $0xF7A, s1;
	s8 =	simm.s32 @!p0 $0x1BF5;
	p2 =	por !p2, p0  }
0x20: {  	[sflag:s8] =	ssyncset.s32 @!p0 $0xFFFFF086;
	s6 =	sadd.s32 @!p0 s3, s7;
	s7 =	simm.s32 @!p0 $0x108  }
0x21: {  	s3 =	sadd.s32 s3, s9;
	s6 =	sadd.s32 @!p0 $0x88, s6;
	s7 =	simm.s32 @p2 $0x1082  }
0x22: {  	[simem:s7], [sflag:s8] =	dma.local @!p0 [hbm:s6], $0xF7A  }
0x23: {  	s9 =	sor.u32 $0xD0000000, s2;
	s6 =	simm.s32 $0x108;
	_ =	swait.ge @!p0 [sflag:s8], $0x0  }
0x24: {  	s3 =	sadd.s32 $0x88, s3;
	s6 =	simm.s32 @!p1 $0x1082;
	[sflag:s4] =	ssyncset.s32 $0xFFFFF086  }
0x25: {  	[simem:s6], [sflag:s4] =	dma.local [hbm:s3], $0xF7A  }
0x26: {  	[smem:$0x3F96] =	sst s1;
	(tag) =	ssettag s2;
	_ =	strace s9  }
0x27: {  	s1 =	sld [smem:$0x3FA6]  }
0x28: {  	s2 =	sld [smem:$0x3FA7]  }
0x29: {  	s4 =	sld [smem:$0x3FA9]  }
0x2a: {  	p0 =	seq.s32 s5, $0x0;
	s5 =	sld [smem:$0x3FAA]  }
0x2b: {  	s6 =	sld [smem:$0x3FAB]  }
0x2c: {  	s7 =	sld [smem:$0x3FAC]  }
0x2d: {  	s3 =	simm.s32 $0x108;
	s8 =	sld [smem:$0x3FAD]  }
0x2e: {  	s3 =	simm.s32 @!p0 $0x1082;
	s9 =	sld [smem:$0x3FAE]  }
0x2f: {  	lr =	sadd.s32 s0, s3;
	s0 =	sld [smem:$0x3FA5]  }
0x30: {  	s3 =	sld [smem:$0x3FA8]  }
0x31: {  	[smem:$0x3FB1] =	sst s10  }
0x32: {  	s10 =	sld [smem:$0x3FAF];
	_ =	sdelay $0x3  }
0x33: {  	p0 =	seq.s32 s10, $0x1;
	s10 =	sld [smem:$0x3FB1];
	_ =	sdelay $0x3  }
0x34: {  	[smem:$0x3FB1] =	sst s10  }
0x35: {  	s10 =	sld [smem:$0x3FB0];
	_ =	sdelay $0x3  }
0x36: {  	p1 =	seq.s32 s10, $0x1;
	s10 =	sld [smem:$0x3FB1];
	_ =	sdelay $0x3  }
0x37: {  	[smem:$0x3FB1] =	sst s10  }
0x38: {  	s10 =	sld [smem:$0x3FB2]  }
0x39: {  	_ = 	snop;
	(pc) =	sbr.ind lr, $3  }
0x3a: {  	_ = 	snop  }
0x3b: {  	_ = 	snop  }
0x3c: {  	p2 =	seq.s32 s10, $0x1;
	s10 =	sld [smem:$0x3FB1]  }
0x3d: {  	_ =	shalt  }
0x3e: {  	_ =	shalt  }
0x3f: {  	_ =	shalt  }
0x40: {  	_ =	shalt  }
0x41: {  	_ =	shalt  }
0x42: {  	_ =	shalt  }
0x43: {  	_ =	shalt  }
0x44: {  	_ =	shalt  }
0x45: {  	_ =	shalt  }
0x46: {  	_ =	shalt  }
0x47: {  	_ =	shalt  }
0x48: {  	_ =	shalt  }
0x49: {  	_ =	shalt  }
0x4a: {  	_ =	shalt  }
0x4b: {  	_ =	shalt  }
0x4c: {  	_ =	shalt  }
0x4d: {  	_ =	shalt  }
0x4e: {  	_ =	shalt  }
0x4f: {  	_ =	shalt  }
0x50: {  	_ =	shalt  }
0x51: {  	_ =	shalt  }
0x52: {  	_ =	shalt  }
0x53: {  	_ =	shalt  }
0x54: {  	_ =	shalt  }
0x55: {  	_ =	shalt  }
0x56: {  	_ =	shalt  }
0x57: {  	_ =	shalt  }
0x58: {  	_ =	shalt  }
0x59: {  	_ =	shalt  }
0x5a: {  	_ =	shalt  }
0x5b: {  	_ =	shalt  }
0x5c: {  	_ =	shalt  }
0x5d: {  	_ =	shalt  }
0x5e: {  	_ =	shalt  }
0x5f: {  	_ =	shalt  }
0x60: {  	_ =	shalt  }
0x61: {  	_ =	shalt  }
0x62: {  	_ =	shalt  }
0x63: {  	_ =	shalt  }
0x64: {  	_ =	shalt  }
0x65: {  	_ =	shalt  }
0x66: {  	_ =	shalt  }
0x67: {  	_ =	shalt  }
0x68: {  	_ =	shalt  }
0x69: {  	_ =	shalt  }
0x6a: {  	_ =	shalt  }
0x6b: {  	_ =	shalt  }
0x6c: {  	_ =	shalt  }
0x6d: {  	_ =	shalt  }
0x6e: {  	_ =	shalt  }
0x6f: {  	_ =	shalt  }
0x70: {  	_ =	shalt  }
0x71: {  	_ =	shalt  }
0x72: {  	_ =	shalt  }
0x73: {  	_ =	shalt  }
0x74: {  	_ =	shalt  }
0x75: {  	_ =	shalt  }
0x76: {  	_ =	shalt  }
0x77: {  	_ =	shalt  }
0x78: {  	_ =	shalt  }
0x79: {  	_ =	shalt  }
0x7a: {  	_ =	shalt  }
0x7b: {  	_ =	shalt  }
0x7c: {  	_ =	shalt  }
0x7d: {  	_ =	shalt  }
0x7e: {  	_ =	shalt  }
0x7f: {  	_ =	shalt  }
0x80: {  	_ =	shalt  }
0x81: {  	_ =	shalt  }
0x82: {  	_ =	shalt  }
0x83: {  	_ =	shalt  }
0x84: {  	_ =	shalt  }
0x85: {  	_ =	shalt  }
0x86: {  	_ =	shalt  }
0x87: {  	_ =	shalt  }
.Lfunc_end0:
.L_simem_size_0:
called_computation_lowered:
.L_overlay_start_0:
0x88: {  	s2 =	sld [smem:$0x3FD9]  }
0x89: {  	s3 =	sld [smem:$0x3FFE];
	_ =	sdelay $0x1  }
0x8a: {  	s1 =	srdreg.scid  }
0x8b: {  	s0 =	sand.u32 $0x1, s1  }
0x8c: {  	s17 =	sshll.u32 s0, $0xA;
	s2 =	sadd.s32 s3, s2  }
0x8d: {  	s2 =	sadd.s32 s2, s17  }
0x8e: {  	[smem:$0x3FBD] =	sst s2  }
0x8f: {  	_ = 	snop  }
0x90: {  	(tm) =	ssettm $0x1  }
0x91: {  	s18 =	sld [smem:$0x3FFB];
	_ =	sdelay $0x3  }
0x92: {  	_ =	strace s18  }
0x93: {  	s2 =	sld [smem:$0x3FFC];
	_ =	sdelay $0x3  }
0x94: {  	_ =	strace s2  }
0x95: {  	s2 =	sld [smem:$0x3FFD];
	_ =	sdelay $0x3  }
0x96: {  	_ =	strace s2  }
0x97: {  	_ =	strace $0x8FFFFFFF  }
0x98: {  	s19 =	sld [smem:$0x3FDB];
	_ =	sdelay $0x1  }
0x99: {  	s20 =	simm.s32 $_scs_section_size  }
0x9a: {  	s4 =	simm.s32 $_size__tile_overlayer_lowered;
	s5 =	simm.s32 $_tile_overlayer_lowered  }
0x9b: {  	s6 =	simm.s32 $0x1BFF;
	s21 =	sshll.u32 s5, $0x1;
	s3 =	sadd.s32 s20, s19  }
0x9c: {  	s22 =	simm.s32 $0x0;
	s4 =	sshll.u32 s4, $0x1;
	s5 =	sadd.s32 s21, s3  }
0x9d: {  	[timem:s22], [sflag:s6] =	dma.local [hbm:s5], s4  }
0x9e: {  	_ =	swait.ge [sflag:s6], s4  }
0x9f: {  	s4 =	ssub.s32 $0x0, s4;
	[sflag:s6] =	ssyncset.done $0x0  }
0xa0: {  	[sflag:s6] =	ssyncadd.s32 s4;
	_ =	sdelay $0x1  }
0xa1: {  	s23 =	simm.s32 $0x1B8B  }
0xa2: {  	_ =	swait.ge [sflag:s23], $0x1  }
0xa3: {  	[sflag:s23] =	ssyncset.done $0x0  }
0xa4: {  	[sflag:s23] =	ssyncadd.s32 $0xFFFFFFFF  }
0xa5: {  	s4 =	sld [smem:$0x0]  }
0xa6: {  	s5 =	sand.u32 $0xFFFFFFFE, s1  }
0xa7: {  	p0 =	sne.s32 s1, s5  }
0xa8: {  	s5 =	sshll.u32 @p0 s5, $0xE  }
0xa9: {  	s5 =	sadd.s32 @p0 $0x11B8D, s5;
	s6 =	sshll.u32 @p0 s4, $0x11  }
0xaa: {  	s5 =	sor.u32 @p0 s6, s5  }
0xab: {  	[sflag:s5] =	ssyncadd.remote.s32 @p0 $0x1;
	_ =	sdelay $0x1  }
0xac: {  	s5 =	simm.s32 @p0 $0x1B8D  }
0xad: {  	_ =	swait.eq @p0 [sflag:s5], $0x1  }
0xae: {  	[sflag:s5] =	ssyncadd.s32 @p0 $0xFFFFFFFF  }
0xaf: {  	s6 =	sshll.u32 @!p0 s1, $0xE  }
0xb0: {  	s6 =	sor.u32 @!p0 $0x4000, s6;
	s5 =	simm.s32 @!p0 $0x1B8D  }
0xb1: {  	s4 =	sshll.u32 @!p0 s4, $0x11;
	s6 =	sadd.s32 @!p0 $0x11B8D, s6;
	_ =	swait.eq @!p0 [sflag:s5], $0x1  }
0xb2: {  	s4 =	sor.u32 @!p0 s4, s6;
	[sflag:s5] =	ssyncadd.s32 @!p0 $0xFFFFFFFF  }
0xb3: {  	s25 =	simm.s32 $0x1B8E;
	s24 =	sld [smem:$0x3FFE];
	[sflag:s4] =	ssyncadd.remote.s32 @!p0 $0x1  }
0xb4: {  	s26 =	simm.s32 $execute0_lowered;
	[smem:$0x3FD2] =	sst s25  }
0xb5: {  	s5 =	sshll.u32 s26, $0x1;
	_ =	strace $0x80000049;
	[dreg:$0x1] =	wrdreg $0xFFFFFFFF  }
0xb6: {  	s28 =	simm.s32 $_size_execute0_lowered;
	s3 =	sadd.s32 s3, s5;
	[dreg:$0x0] =	wrdreg $0x0  }
0xb7: {  	s5 =	sshll.u32 s28, $0x1;
	[dreg:$0x2] =	wrdreg s3  }
0xb8: {  	[dreg:$0x3] =	wrdreg s5  }
0xb9: {  	[dreg:$0x4] =	wrdreg $0xC0  }
0xba: {  	_ =	task [dreg:s22], $0x5FFFF  }
0xbb: {  	[dreg:$0x1] =	wrdreg $0xFFFFFFFF  }
0xbc: {  	[dreg:$0x0] =	wrdreg $0x60  }
0xbd: {  	[dreg:$0x2] =	wrdreg s24  }
0xbe: {  	[dreg:$0x3] =	wrdreg $0x0  }
0xbf: {  	[dreg:$0x4] =	wrdreg $0x9  }
0xc0: {  	_ =	task.clear_ibuf [dreg:s22], $0x5FFFF;
	_ =	strace $0x90000049  }
0xc1: {  	s29 =	simm.s32 $0x9;
	_ =	strace $0x8000004B  }
0xc2: {  	_ =	swait.ge [sflag:s29], $0x1  }
0xc3: {  	[sflag:s29] =	ssyncadd.s32 $0xFFFFFFFF  }
0xc4: {  	_ =	strace $0x9000004B  }
0xc5: {  	_ =	sfence  }
0xc6: {  	s30 =	sld [smem:$0x0];
	_ =	sdelay $0x2  }
0xc7: {  	s31 =	sshll.u32 s1, $0xD;
	s1 =	sshrl.u32 s1, $0x2  }
0xc8: {  	s4 =	sand.u32 $0x4000, s31;
	s1 =	sadd.s32 s1, s30  }
0xc9: {  	s0 =	sor.u32 s4, s0;
	s1 =	sshll.u32 s1, $0x11  }
0xca: {  	s0 =	sor.u32 s1, s0  }
0xcb: {  	s0 =	sadd.s32 $0x8F2B, s0  }
0xcc: {  	[sflag:s0] =	ssyncadd.remote.s32 $0x1  }
0xcd: {  	_ =	sfence.sel $0xFFFF  }
0xce: {  	[dreg:$0x0] =	wrdreg $0xFFFFFFFF;
	(pc) =	sbr.abs _section_cstart, $3  }
0xcf: {  	[dreg:$0x1] =	wrdreg $0xFFFFFFFF  }
0xd0: {  	_ =	task.clear_ibuf [dreg:s22], $0x2FFFF;
	_ =	strace $0x9FFFFFFF  }
0xd1: {  	(tm) =	ssettm $0x7FFFFFFF  }
tec
execute0_lowered:
.L_overlay_start_1:
0x0: {  	(tag) =	ssettag $0x1  }
0x1: {  	s3 =	srdreg.scid  }
0x2: {  	s4 =	rddreg [dreg:$0x0];
	s9 =	sand.u32 $0x1, s3;
	s3 =	stileid.u32  }
0x3: {  	s1 =	rddreg [dreg:$0x1];
	s7 =	smul.u32 $0xA000, s3  }
0x4: {  	s0 =	rddreg [dreg:$0x2];
	s23 =	smul.u32 $0x2710, s9  }
0x5: {  	s2 =	simm.s32 $0x0;
	s12 =	sor.u32 $0x10, s3;
	s25 =	smul.u32 $0x50, s3  }
0x6: {  	[smem:$0x7FF] =	sst s2;
	s13 =	sor.u32 $0x20, s3;
	s29 =	smul.u32 $0xA000, s12  }
0x7: {  	s20 =	sadd.s32 $0x93600, s4;
	s14 =	sor.u32 $0x30, s3;
	s30 =	smul.u32 $0xA000, s13  }
0x8: {  	_ =	strace $0x8000004A;
	s15 =	sor.u32 $0x40, s3;
	s31 =	smul.u32 $0xA000, s14  }
0x9: {  	s5 =	sshll.u32 s9, $0xB;
	s16 =	sor.u32 $0x50, s3;
	s8 =	smul.u32 $0xA000, s15  }
0xa: {  	s6 =	ssub.s32 $0x2, s9;
	s17 =	sor.u32 $0x60, s3;
	s10 =	smul.u32 $0xA000, s16  }
0xb: {  	s19 =	sor.u32 $0x70, s3;
	p0 =	sgt.u32 s3, $0xC;
	s18 =	smul.u32 $0xA000, s17  }
0xc: {  	s11 =	sadd.s32 s5, s4;
	s26 =	sshrl.u32 s6, $0x1;
	s22 =	smul.u32 $0xA000, s19  }
0xd: {  	s19 =	smul.u32 $0x50, s19;
	s21 =	ssub.s32 s6, s26;
	s28 =	sshrl.u32 s7, $0x2  }
0xe: {  	s4 =	sadd.s32 s28, s1;
	s5 =	sshrl.u32 s29, $0x2;
	s6 =	sshrl.u32 s30, $0x2  }
0xf: {  	s24 =	sshrl.u32 s18, $0x2;
	s18 =	sadd.s32 s25, s23;
	s25 =	smul.u32 $0x50, s12  }
0x10: {  	s7 =	sshrl.u32 s31, $0x2;
	s8 =	sshrl.u32 s8, $0x2;
	s28 =	smul.u32 $0x50, s13  }
0x11: {  	s10 =	sshrl.u32 s10, $0x2;
	s22 =	sshrl.u32 s22, $0x2;
	s31 =	smul.u32 $0x50, s14  }
0x12: {  	s19 =	sadd.s32 s23, s19;
	s21 =	smax.u32 s21, $0x1;
	s5 =	sadd.s32 s5, s1  }
0x13: {  	s6 =	sadd.s32 s6, s1;
	s7 =	sadd.s32 s7, s1;
	s8 =	sadd.s32 s8, s1  }
0x14: {  	s9 =	sadd.s32 s10, s1;
	s10 =	sadd.s32 s24, s1;
	s24 =	sshll.u32 s3, $0xC  }
0x15: {  	s18 =	sshll.u32 s18, $0x4;
	s26 =	sadd.s32 s24, s11;
	s11 =	sadd.s32 s22, s1  }
0x16: {  	s13 =	sadd.s32 s20, s18;
	s29 =	sadd.s32 s23, s25;
	s30 =	sadd.s32 s23, s28  }
0x17: {  	s25 =	smul.u32 $0x50, s15;
	s28 =	sadd.s32 s23, s31;
	s24 =	simm.s32 $0x13880  }
0x18: {  	s12 =	sadd.s32 $0x4400, s26;
	s18 =	sshll.u32 s29, $0x4;
	s26 =	smul.u32 $0x50, s16  }
0x19: {  	s22 =	sshll.u32 s30, $0x4;
	s29 =	smul.u32 $0x50, s17;
	s16 =	sshll.u32 s28, $0x4  }
0x1a: {  	s14 =	sadd.s32 s20, s18;
	s15 =	sadd.s32 s20, s22;
	s22 =	sadd.s32 s23, s25  }
0x1b: {  	s16 =	sadd.s32 s20, s16;
	s25 =	simm.s32 $0x50;
	s30 =	sshll.u32 s22, $0x4  }
0x1c: {  	s18 =	sadd.s32 s23, s26;
	s31 =	sadd.s32 s23, s29;
	s23 =	sshll.u32 s19, $0x4  }
0x1d: {  	s26 =	simm.s32 $0x0;
	s18 =	sshll.u32 s18, $0x4;
	s22 =	sshll.u32 s31, $0x4  }
0x1e: {  	s17 =	sadd.s32 s20, s30;
	s18 =	sadd.s32 s20, s18;
	s19 =	sadd.s32 s20, s22  }
0x1f: {  	v0 =	vimm.f32 $0.0e+00;
	v1 =	vimm.f32 $1.000000000e+00;
	s20 =	sadd.s32 s20, s23;
	s22 =	simm.s32 $0x17880;
	s23 =	simm.s32 $0x1  }
.LBB2_1:
0x20: {  	s28 =	sand.u32 $0xFE00, s2  }
0x21: {  	s29 =	sand.u32 $0x70, s2;
	s30 =	sshrl.u32 s28, $0x2  }
0x22: {  	s28 =	simm.s32 $0x40;
	s30 =	sor.u32 s29, s30;
	s29 =	simm.s32 $0x0  }
.LBB2_2:
0x23: {  	p1 =	sne.s32 s28, $0x9FC0  }
0x24: {  	[tilespmem:s30+$0x17880] =	vst v0;
	s29 =	sadd.s32 $0x10, s29;
	s30 =	smov.u32 s28;
	s28 =	sadd.s32 $0x40, s28  }
.Ltmp0:
0x25: {  	(pc) =	sbr.rel @p1 .LBB2_2-.Ltmp0, $4  }
0x26: {  	_ = 	snop  }
0x27: {  	s30 =	sand.u32 $0xFE00, s30  }
0x28: {  	s31 =	sand.u32 $0x70, s29;
	s30 =	sshrl.u32 s30, $0x2  }
0x29: {  	s30 =	sor.u32 s31, s30  }
0x2a: {  	[tilespmem:s30+$0x17880] =	vst v0  }
0x2b: {  	[spmem:s4] =	stream.linear.scatter [tilespmem:s22], [sflag:$0x1], $0x2800, $0x38;
	[tilespmem:$0x1A080] =	vst v63  }
0x2c: {  	_ =	swait.ge [sflag:s23], $0x2800  }
0x2d: {  	[sflag:s23] =	ssyncset.done $0x0  }
0x2e: {  	[sflag:s23] =	ssyncadd.s32 $0xFFFFD800  }
0x2f: {  	[spmem:s5] =	stream.linear.scatter [tilespmem:s22], [sflag:$0x1], $0x2800, $0x38;
	[tilespmem:$0x1A080] =	vst v63  }
0x30: {  	_ =	swait.ge [sflag:s23], $0x2800  }
0x31: {  	[sflag:s23] =	ssyncset.done $0x0  }
0x32: {  	[sflag:s23] =	ssyncadd.s32 $0xFFFFD800  }
0x33: {  	[spmem:s6] =	stream.linear.scatter [tilespmem:s22], [sflag:$0x1], $0x2800, $0x38;
	[tilespmem:$0x1A080] =	vst v63  }
0x34: {  	_ =	swait.ge [sflag:s23], $0x2800  }
0x35: {  	[sflag:s23] =	ssyncset.done $0x0  }
0x36: {  	[sflag:s23] =	ssyncadd.s32 $0xFFFFD800  }
0x37: {  	[spmem:s7] =	stream.linear.scatter [tilespmem:s22], [sflag:$0x1], $0x2800, $0x38;
	[tilespmem:$0x1A080] =	vst v63  }
0x38: {  	_ =	swait.ge [sflag:s23], $0x2800  }
0x39: {  	[sflag:s23] =	ssyncset.done $0x0  }
0x3a: {  	[sflag:s23] =	ssyncadd.s32 $0xFFFFD800  }
0x3b: {  	[spmem:s8] =	stream.linear.scatter [tilespmem:s22], [sflag:$0x1], $0x2800, $0x38;
	[tilespmem:$0x1A080] =	vst v63  }
0x3c: {  	_ =	swait.ge [sflag:s23], $0x2800  }
0x3d: {  	[sflag:s23] =	ssyncset.done $0x0  }
0x3e: {  	[sflag:s23] =	ssyncadd.s32 $0xFFFFD800  }
0x3f: {  	[spmem:s9] =	stream.linear.scatter [tilespmem:s22], [sflag:$0x1], $0x2800, $0x38;
	[tilespmem:$0x1A080] =	vst v63  }
0x40: {  	_ =	swait.ge [sflag:s23], $0x2800  }
0x41: {  	[sflag:s23] =	ssyncset.done $0x0  }
0x42: {  	[sflag:s23] =	ssyncadd.s32 $0xFFFFD800  }
0x43: {  	[spmem:s10] =	stream.linear.scatter [tilespmem:s22], [sflag:$0x1], $0x2800, $0x38;
	[tilespmem:$0x1A080] =	vst v63  }
0x44: {  	_ =	swait.ge [sflag:s23], $0x2800  }
0x45: {  	[sflag:s23] =	ssyncset.done $0x0  }
0x46: {  	s28 =	simm.s32 @!p0 $0x17880;
	[sflag:s23] =	ssyncadd.s32 $0xFFFFD800  }
0x47: {  	[spmem:s11] =	stream.linear.scatter @!p0 [tilespmem:s28], [sflag:$0x1], $0x2800, $0x38;
	[tilespmem:$0x1A080] =	vst v63  }
0x48: {  	s29 =	simm.s32 @!p0 $0x1;
	s28 =	simm.s32 $0x0  }
0x49: {  	_ =	swait.ge @!p0 [sflag:s29], $0x2800;
	s30 =	sand.u32 $0xFE00, s28  }
0x4a: {  	s31 =	sand.u32 $0x70, s28;
	[sflag:s29] =	ssyncset.done @!p0 $0x0;
	s30 =	sshrl.u32 s30, $0x2  }
0x4b: {  	[sflag:s29] =	ssyncadd.s32 @!p0 $0xFFFFD800;
	s29 =	simm.s32 $0x40;
	s30 =	sor.u32 s31, s30  }
.LBB2_4:
0x4c: {  	p1 =	sne.s32 s29, $0x9FC0  }
0x4d: {  	[tilespmem:s30+$0x17880] =	vst v1;
	s28 =	sadd.s32 $0x10, s28;
	s30 =	smov.u32 s29;
	s29 =	sadd.s32 $0x40, s29  }
.Ltmp1:
0x4e: {  	(pc) =	sbr.rel @p1 .LBB2_4-.Ltmp1, $4  }
0x4f: {  	_ = 	snop  }
0x50: {  	s30 =	sand.u32 $0xFE00, s30  }
0x51: {  	s31 =	sand.u32 $0x70, s28;
	s30 =	sshrl.u32 s30, $0x2  }
0x52: {  	s30 =	sor.u32 s31, s30  }
0x53: {  	[tilespmem:s30+$0x17880] =	vst v1;
	s28 =	simm.s32 $0x0  }
0x54: {  	[tilespmem:s24], [sflag:$0x1] =	stream.linear.gather [hbm4b:s12+s28], $0x3E80, $0x38;
	[tilespmem:$0x1A080] =	vst v63  }
0x55: {  	_ =	swait.ge [sflag:s23], $0x3E80  }
0x56: {  	[sflag:s23] =	ssyncset.done $0x0  }
0x57: {  	[sflag:s23] =	ssyncadd.s32 $0xFFFFC180  }
0x58: {  	s28 =	simm.s32 $0x13880;
	[bflag:$0x0] =	sbarrier.arrive $0xFFFF  }
0x59: {  	[spmem:s1] =	stream.indirect.scatter.add.f32 [tilespmem:s22], [sflag:$0x1], $0x80, s28, s25, $0xb8;
	[tilespmem:$0x1A080] =	vst v63  }
0x5a: {  	s28 =	simm.s32 $0x200;
	_ =	swait.ge [sflag:s23], $0x2800  }
.LBB2_6:
0x5b: {  	s29 =	sshra.s32 s28, $0x2;
	[sflag:s23] =	ssyncset.done $0x0;
	p1 =	sne.s32 s28, $0xF800  }
.Ltmp2:
0x5c: {  	s29 =	sadd.s32 $0x13880, s29;
	[sflag:s23] =	ssyncadd.s32 $0xFFFFD800;
	(pc) =	sbr.rel @p1 .LBB2_6-.Ltmp2, $3  }
0x5d: {  	[spmem:s1] =	stream.indirect.scatter.add.f32 [tilespmem:s22], [sflag:$0x1], $0x80, s29, s25, $0xb8;
	[tilespmem:$0x1A080] =	vst v63  }
0x5e: {  	s28 =	sadd.s32 $0x200, s28;
	_ =	sdelay $0x1  }
0x5f: {  	_ =	swait.ge [sflag:s23], $0x2800  }
0x60: {  	[sflag:s23] =	ssyncset.done $0x0  }
0x61: {  	[sflag:s23] =	ssyncadd.s32 $0xFFFFD800  }
0x62: {  	[bflag:$0x0] =	sbarrier.arrive $0xFFFF  }
0x63: {  	[tilespmem:s22], [sflag:$0x1] =	stream.linear.gather [spmem:s4], $0x2800, $0x38;
	[tilespmem:$0x1A080] =	vst v63  }
0x64: {  	_ =	swait.ge [sflag:s23], $0x2800  }
0x65: {  	[sflag:s23] =	ssyncset.done $0x0  }
0x66: {  	[sflag:s23] =	ssyncadd.s32 $0xFFFFD800  }
0x67: {  	[hbm4b:s13+s2] =	stream.linear.scatter [tilespmem:s22], [sflag:$0x1], $0x2800, $0x38;
	[tilespmem:$0x1A080] =	vst v63  }
0x68: {  	_ =	swait.ge [sflag:s23], $0x2800  }
0x69: {  	[sflag:s23] =	ssyncset.done $0x0  }
0x6a: {  	[sflag:s23] =	ssyncadd.s32 $0xFFFFD800  }
0x6b: {  	[tilespmem:s22], [sflag:$0x1] =	stream.linear.gather [spmem:s5], $0x2800, $0x38;
	[tilespmem:$0x1A080] =	vst v63  }
0x6c: {  	_ =	swait.ge [sflag:s23], $0x2800  }
0x6d: {  	[sflag:s23] =	ssyncset.done $0x0  }
0x6e: {  	[sflag:s23] =	ssyncadd.s32 $0xFFFFD800  }
0x6f: {  	[hbm4b:s14+s2] =	stream.linear.scatter [tilespmem:s22], [sflag:$0x1], $0x2800, $0x38;
	[tilespmem:$0x1A080] =	vst v63  }
0x70: {  	_ =	swait.ge [sflag:s23], $0x2800  }
0x71: {  	[sflag:s23] =	ssyncset.done $0x0  }
0x72: {  	[sflag:s23] =	ssyncadd.s32 $0xFFFFD800  }
0x73: {  	[tilespmem:s22], [sflag:$0x1] =	stream.linear.gather [spmem:s6], $0x2800, $0x38;
	[tilespmem:$0x1A080] =	vst v63  }
0x74: {  	_ =	swait.ge [sflag:s23], $0x2800  }
0x75: {  	[sflag:s23] =	ssyncset.done $0x0  }
0x76: {  	[sflag:s23] =	ssyncadd.s32 $0xFFFFD800  }
0x77: {  	[hbm4b:s15+s2] =	stream.linear.scatter [tilespmem:s22], [sflag:$0x1], $0x2800, $0x38;
	[tilespmem:$0x1A080] =	vst v63  }
0x78: {  	_ =	swait.ge [sflag:s23], $0x2800  }
0x79: {  	[sflag:s23] =	ssyncset.done $0x0  }
0x7a: {  	[sflag:s23] =	ssyncadd.s32 $0xFFFFD800  }
0x7b: {  	[tilespmem:s22], [sflag:$0x1] =	stream.linear.gather [spmem:s7], $0x2800, $0x38;
	[tilespmem:$0x1A080] =	vst v63  }
0x7c: {  	_ =	swait.ge [sflag:s23], $0x2800  }
0x7d: {  	[sflag:s23] =	ssyncset.done $0x0  }
0x7e: {  	[sflag:s23] =	ssyncadd.s32 $0xFFFFD800  }
0x7f: {  	[hbm4b:s16+s2] =	stream.linear.scatter [tilespmem:s22], [sflag:$0x1], $0x2800, $0x38;
	[tilespmem:$0x1A080] =	vst v63  }
0x80: {  	_ =	swait.ge [sflag:s23], $0x2800  }
0x81: {  	[sflag:s23] =	ssyncset.done $0x0  }
0x82: {  	[sflag:s23] =	ssyncadd.s32 $0xFFFFD800  }
0x83: {  	[tilespmem:s22], [sflag:$0x1] =	stream.linear.gather [spmem:s8], $0x2800, $0x38;
	[tilespmem:$0x1A080] =	vst v63  }
0x84: {  	_ =	swait.ge [sflag:s23], $0x2800  }
0x85: {  	[sflag:s23] =	ssyncset.done $0x0  }
0x86: {  	[sflag:s23] =	ssyncadd.s32 $0xFFFFD800  }
0x87: {  	[hbm4b:s17+s2] =	stream.linear.scatter [tilespmem:s22], [sflag:$0x1], $0x2800, $0x38;
	[tilespmem:$0x1A080] =	vst v63  }
0x88: {  	_ =	swait.ge [sflag:s23], $0x2800  }
0x89: {  	[sflag:s23] =	ssyncset.done $0x0  }
0x8a: {  	[sflag:s23] =	ssyncadd.s32 $0xFFFFD800  }
0x8b: {  	[tilespmem:s22], [sflag:$0x1] =	stream.linear.gather [spmem:s9], $0x2800, $0x38;
	[tilespmem:$0x1A080] =	vst v63  }
0x8c: {  	_ =	swait.ge [sflag:s23], $0x2800  }
0x8d: {  	[sflag:s23] =	ssyncset.done $0x0  }
0x8e: {  	[sflag:s23] =	ssyncadd.s32 $0xFFFFD800  }
0x8f: {  	[hbm4b:s18+s2] =	stream.linear.scatter [tilespmem:s22], [sflag:$0x1], $0x2800, $0x38;
	[tilespmem:$0x1A080] =	vst v63  }
0x90: {  	_ =	swait.ge [sflag:s23], $0x2800  }
0x91: {  	[sflag:s23] =	ssyncset.done $0x0  }
0x92: {  	[sflag:s23] =	ssyncadd.s32 $0xFFFFD800  }
0x93: {  	[tilespmem:s22], [sflag:$0x1] =	stream.linear.gather [spmem:s10], $0x2800, $0x38;
	[tilespmem:$0x1A080] =	vst v63  }
0x94: {  	_ =	swait.ge [sflag:s23], $0x2800  }
0x95: {  	[sflag:s23] =	ssyncset.done $0x0  }
0x96: {  	[sflag:s23] =	ssyncadd.s32 $0xFFFFD800  }
0x97: {  	[hbm4b:s19+s2] =	stream.linear.scatter [tilespmem:s22], [sflag:$0x1], $0x2800, $0x38;
	[tilespmem:$0x1A080] =	vst v63  }
0x98: {  	_ =	swait.ge [sflag:s23], $0x2800  }
0x99: {  	[sflag:s23] =	ssyncset.done $0x0  }
0x9a: {  	s28 =	simm.s32 @!p0 $0x17880;
	s29 =	simm.s32 @!p0 $0x1;
	[sflag:s23] =	ssyncadd.s32 $0xFFFFD800  }
0x9b: {  	[tilespmem:s28], [sflag:$0x1] =	stream.linear.gather @!p0 [spmem:s11], $0x2800, $0x38;
	[tilespmem:$0x1A080] =	vst v63  }
0x9c: {  	s26 =	sadd.s32 $0x1, s26;
	_ =	swait.ge @!p0 [sflag:s29], $0x2800  }
0x9d: {  	p1 =	sne.s32 s26, s21;
	[sflag:s29] =	ssyncset.done @!p0 $0x0  }
.Ltmp3:
0x9e: {  	s30 =	simm.s32 @!p0 $0x0;
	[sflag:s29] =	ssyncadd.s32 @!p0 $0xFFFFD800;
	(pc) =	sbr.rel @p1 .LBB2_1-.Ltmp3, $4  }
0x9f: {  	[hbm4b:s20+s30] =	stream.linear.scatter @!p0 [tilespmem:s28], [sflag:$0x1], $0x2800, $0x38;
	[tilespmem:$0x1A080] =	vst v63  }
0xa0: {  	_ =	swait.ge @!p0 [sflag:s29], $0x2800  }
0xa1: {  	[sflag:s29] =	ssyncset.done @!p0 $0x0  }
0xa2: {  	[sflag:s29] =	ssyncadd.s32 @!p0 $0xFFFFD800  }
0xa3: {  	_ =	sfence.sel $0x180000  }
0xa4: {  	[bflag:$0x0] =	sbarrier.arrive $0xFFFF  }
0xa5: {  	p0 =	sne.s32 s3, $0x0;
	_ =	strace $0x9000004A  }
0xa6: {  	s0 =	sadd.s32 @!p0 $0x100000, s0;
	[bflag:$0x2] =	sbarrier.arrive $0xFFFF  }
0xa7: {  	[sflag:s0] =	ssyncadd.tile.s32 @!p0 $0x1;
	_ =	shalt  }
.Lfunc_end2:
_tile_overlayer_lowered:
.L_overlay_start_2:
0xa8: {  	(tag) =	ssettag $0x2  }
0xa9: {  	s0 =	rddreg [dreg:$0x0];
	s2 =	stileid.u32  }
0xaa: {  	s1 =	rddreg [dreg:$0x1];
	p0 =	sne.s32 s2, $0x0  }
0xab: {  	s3 =	rddreg [dreg:$0x2];
	[bflag:$0x3] =	sbarrier.arrive $0xFFFF;
	s2 =	simm.s32 @!p0 $0x1C01  }
0xac: {  	[timem:s3], [sflag:s2] =	dma.local @!p0 [hbm:s0], s1  }
0xad: {  	s0 =	simm.s32 @!p0 $0x1  }
0xae: {  	_ =	swait.ge @!p0 [sflag:s0], s1  }
0xaf: {  	s1 =	ssub.s32 @!p0 $0x0, s1;
	[sflag:s0] =	ssyncset.done @!p0 $0x0  }
0xb0: {  	[sflag:s0] =	ssyncadd.s32 @!p0 s1  }
0xb1: {  	[bflag:$0x3] =	sbarrier.arrive $0xFFFF  }
0xb2: {  	_ =	shalt  }

// kernel: kernel.13.cloned.1.call-start
scs
__scs_entry_jumppad:
0x0: {  	(pc) =	sbr.rel $0x88, $3  }
0x1: {  	(tag) =	ssettag $0x0;
	lr =	simm.s32 $0x1  }
0x2: {  	[smem:$0x3F96] =	sst lr;
	_ =	strace $0xD0000000  }
0x3: {  	_ = 	snop  }
0x4: {  	_ = 	snop  }
0x5: {  	_ = 	snop  }
0x6: {  	_ = 	snop  }
0x7: {  	_ = 	snop  }
__scs_overlays_trampoline_lowered:
0x8: {  	[smem:$0x3FA5] =	sst s0  }
0x9: {  	[smem:$0x3FA6] =	sst s1  }
0xa: {  	[smem:$0x3FA7] =	sst s2  }
0xb: {  	[smem:$0x3FA8] =	sst s3  }
0xc: {  	[smem:$0x3FA9] =	sst s4  }
0xd: {  	[smem:$0x3FAA] =	sst s5  }
0xe: {  	[smem:$0x3FAB] =	sst s6  }
0xf: {  	[smem:$0x3FAC] =	sst s7  }
0x10: {  	[smem:$0x3FAD] =	sst s8  }
0x11: {  	[smem:$0x3FAE] =	sst s9;
	s0 =	simm.s32 @!p0 $0x0  }
0x12: {  	s1 =	sld [smem:$0x3F94];
	s0 =	simm.s32 @p0 $0x1  }
0x13: {  	[smem:$0x3FAF] =	sst s0;
	s0 =	simm.s32 @!p1 $0x0  }
0x14: {  	s2 =	sld [smem:$0x3F93];
	s0 =	simm.s32 @p1 $0x1  }
0x15: {  	[smem:$0x3FB0] =	sst s0;
	s0 =	simm.s32 @!p2 $0x0  }
0x16: {  	s3 =	sld [smem:$0x3FDB];
	s0 =	simm.s32 @p2 $0x1  }
0x17: {  	s4 =	simm.s32 $0x1BF5;
	[smem:$0x3FB2] =	sst s0  }
0x18: {  	s0 =	sld [smem:$0x3F95];
	_ =	swait.ge [sflag:s4], $0x0  }
0x19: {  	s7 =	sld [smem:$0x3F96]  }
0x1a: {  	s8 =	sadd.s32 $0xFFFFE003, lr  }
0x1b: {  	s9 =	sadd.s32 $0xFFFFFEF7, lr;
	s5 =	simm.s32 $0xFFFFFFFF;
	p2 =	slt.u32 s8, $0xFFFFF086  }
0x1c: {  	p1 =	slt.u32 s9, $0xF7A;
	s5 =	simm.s32 @!p2 $0x0  }
0x1d: {  	s5 =	simm.s32 @p1 $0x1;
	p0 =	seq.s32 s7, s2  }
0x1e: {  	s7 =	smul.u32 @!p0 $0xF7A, s2;
	p2 =	seq.s32 @!p0 s5, $0x0  }
0x1f: {  	s9 =	smul.u32 $0xF7A, s1;
	s8 =	simm.s32 @!p0 $0x1BF5;
	p2 =	por !p2, p0  }
0x20: {  	[sflag:s8] =	ssyncset.s32 @!p0 $0xFFFFF086;
	s6 =	sadd.s32 @!p0 s3, s7;
	s7 =	simm.s32 @!p0 $0x108  }
0x21: {  	s3 =	sadd.s32 s3, s9;
	s6 =	sadd.s32 @!p0 $0x88, s6;
	s7 =	simm.s32 @p2 $0x1082  }
0x22: {  	[simem:s7], [sflag:s8] =	dma.local @!p0 [hbm:s6], $0xF7A  }
0x23: {  	s9 =	sor.u32 $0xD0000000, s2;
	s6 =	simm.s32 $0x108;
	_ =	swait.ge @!p0 [sflag:s8], $0x0  }
0x24: {  	s3 =	sadd.s32 $0x88, s3;
	s6 =	simm.s32 @!p1 $0x1082;
	[sflag:s4] =	ssyncset.s32 $0xFFFFF086  }
0x25: {  	[simem:s6], [sflag:s4] =	dma.local [hbm:s3], $0xF7A  }
0x26: {  	[smem:$0x3F96] =	sst s1;
	(tag) =	ssettag s2;
	_ =	strace s9  }
0x27: {  	s1 =	sld [smem:$0x3FA6]  }
0x28: {  	s2 =	sld [smem:$0x3FA7]  }
0x29: {  	s4 =	sld [smem:$0x3FA9]  }
0x2a: {  	p0 =	seq.s32 s5, $0x0;
	s5 =	sld [smem:$0x3FAA]  }
0x2b: {  	s6 =	sld [smem:$0x3FAB]  }
0x2c: {  	s7 =	sld [smem:$0x3FAC]  }
0x2d: {  	s3 =	simm.s32 $0x108;
	s8 =	sld [smem:$0x3FAD]  }
0x2e: {  	s3 =	simm.s32 @!p0 $0x1082;
	s9 =	sld [smem:$0x3FAE]  }
0x2f: {  	lr =	sadd.s32 s0, s3;
	s0 =	sld [smem:$0x3FA5]  }
0x30: {  	s3 =	sld [smem:$0x3FA8]  }
0x31: {  	[smem:$0x3FB1] =	sst s10  }
0x32: {  	s10 =	sld [smem:$0x3FAF];
	_ =	sdelay $0x3  }
0x33: {  	p0 =	seq.s32 s10, $0x1;
	s10 =	sld [smem:$0x3FB1];
	_ =	sdelay $0x3  }
0x34: {  	[smem:$0x3FB1] =	sst s10  }
0x35: {  	s10 =	sld [smem:$0x3FB0];
	_ =	sdelay $0x3  }
0x36: {  	p1 =	seq.s32 s10, $0x1;
	s10 =	sld [smem:$0x3FB1];
	_ =	sdelay $0x3  }
0x37: {  	[smem:$0x3FB1] =	sst s10  }
0x38: {  	s10 =	sld [smem:$0x3FB2]  }
0x39: {  	_ = 	snop;
	(pc) =	sbr.ind lr, $3  }
0x3a: {  	_ = 	snop  }
0x3b: {  	_ = 	snop  }
0x3c: {  	p2 =	seq.s32 s10, $0x1;
	s10 =	sld [smem:$0x3FB1]  }
0x3d: {  	_ =	shalt  }
0x3e: {  	_ =	shalt  }
0x3f: {  	_ =	shalt  }
0x40: {  	_ =	shalt  }
0x41: {  	_ =	shalt  }
0x42: {  	_ =	shalt  }
0x43: {  	_ =	shalt  }
0x44: {  	_ =	shalt  }
0x45: {  	_ =	shalt  }
0x46: {  	_ =	shalt  }
0x47: {  	_ =	shalt  }
0x48: {  	_ =	shalt  }
0x49: {  	_ =	shalt  }
0x4a: {  	_ =	shalt  }
0x4b: {  	_ =	shalt  }
0x4c: {  	_ =	shalt  }
0x4d: {  	_ =	shalt  }
0x4e: {  	_ =	shalt  }
0x4f: {  	_ =	shalt  }
0x50: {  	_ =	shalt  }
0x51: {  	_ =	shalt  }
0x52: {  	_ =	shalt  }
0x53: {  	_ =	shalt  }
0x54: {  	_ =	shalt  }
0x55: {  	_ =	shalt  }
0x56: {  	_ =	shalt  }
0x57: {  	_ =	shalt  }
0x58: {  	_ =	shalt  }
0x59: {  	_ =	shalt  }
0x5a: {  	_ =	shalt  }
0x5b: {  	_ =	shalt  }
0x5c: {  	_ =	shalt  }
0x5d: {  	_ =	shalt  }
0x5e: {  	_ =	shalt  }
0x5f: {  	_ =	shalt  }
0x60: {  	_ =	shalt  }
0x61: {  	_ =	shalt  }
0x62: {  	_ =	shalt  }
0x63: {  	_ =	shalt  }
0x64: {  	_ =	shalt  }
0x65: {  	_ =	shalt  }
0x66: {  	_ =	shalt  }
0x67: {  	_ =	shalt  }
0x68: {  	_ =	shalt  }
0x69: {  	_ =	shalt  }
0x6a: {  	_ =	shalt  }
0x6b: {  	_ =	shalt  }
0x6c: {  	_ =	shalt  }
0x6d: {  	_ =	shalt  }
0x6e: {  	_ =	shalt  }
0x6f: {  	_ =	shalt  }
0x70: {  	_ =	shalt  }
0x71: {  	_ =	shalt  }
0x72: {  	_ =	shalt  }
0x73: {  	_ =	shalt  }
0x74: {  	_ =	shalt  }
0x75: {  	_ =	shalt  }
0x76: {  	_ =	shalt  }
0x77: {  	_ =	shalt  }
0x78: {  	_ =	shalt  }
0x79: {  	_ =	shalt  }
0x7a: {  	_ =	shalt  }
0x7b: {  	_ =	shalt  }
0x7c: {  	_ =	shalt  }
0x7d: {  	_ =	shalt  }
0x7e: {  	_ =	shalt  }
0x7f: {  	_ =	shalt  }
0x80: {  	_ =	shalt  }
0x81: {  	_ =	shalt  }
0x82: {  	_ =	shalt  }
0x83: {  	_ =	shalt  }
0x84: {  	_ =	shalt  }
0x85: {  	_ =	shalt  }
0x86: {  	_ =	shalt  }
0x87: {  	_ =	shalt  }
.Lfunc_end0:
.L_simem_size_0:
called_computation.1_lowered:
.L_overlay_start_0:
0x88: {  	s2 =	sld [smem:$0x3FD9]  }
0x89: {  	s3 =	sld [smem:$0x3FFE];
	_ =	sdelay $0x1  }
0x8a: {  	s1 =	srdreg.scid  }
0x8b: {  	s0 =	sand.u32 $0x1, s1  }
0x8c: {  	s17 =	sshll.u32 s0, $0xA;
	s2 =	sadd.s32 s3, s2  }
0x8d: {  	s2 =	sadd.s32 s2, s17  }
0x8e: {  	[smem:$0x3FBD] =	sst s2  }
0x8f: {  	_ = 	snop  }
0x90: {  	s2 =	sld [smem:$0x3FD0];
	(tm) =	ssettm $0x1  }
0x91: {  	s18 =	sld [smem:$0x3FFB];
	_ =	sdelay $0x3  }
0x92: {  	_ =	strace s18  }
0x93: {  	s3 =	sld [smem:$0x3FFC];
	_ =	sdelay $0x3  }
0x94: {  	_ =	strace s3  }
0x95: {  	s3 =	sld [smem:$0x3FFD];
	_ =	sdelay $0x3  }
0x96: {  	_ =	strace s3  }
0x97: {  	_ =	strace $0x8FFFFFFF  }
0x98: {  	s19 =	sld [smem:$0x3FDB];
	_ =	sdelay $0x1  }
0x99: {  	s4 =	simm.s32 $_scs_section_size  }
0x9a: {  	s5 =	simm.s32 $_size__tile_overlayer_lowered;
	s6 =	simm.s32 $_tile_overlayer_lowered  }
0x9b: {  	s22 =	simm.s32 $0x1BFF;
	s21 =	sshll.u32 s6, $0x1;
	s3 =	sadd.s32 s4, s19  }
0x9c: {  	s7 =	simm.s32 $0x0;
	s20 =	sshll.u32 s5, $0x1;
	s5 =	sadd.s32 s21, s3  }
0x9d: {  	[timem:s7], [sflag:s22] =	dma.local [hbm:s5], s20  }
0x9e: {  	_ =	swait.ge [sflag:s22], s20  }
0x9f: {  	s4 =	ssub.s32 $0x0, s20;
	[sflag:s22] =	ssyncset.done $0x0  }
0xa0: {  	[sflag:s22] =	ssyncadd.s32 s4;
	_ =	sdelay $0x1  }
0xa1: {  	s23 =	simm.s32 $0x1B8B  }
0xa2: {  	_ =	swait.ge [sflag:s23], $0x1  }
0xa3: {  	[sflag:s23] =	ssyncset.done $0x0  }
0xa4: {  	s25 =	simm.s32 $0x1B8E;
	s24 =	sld [smem:$0x3FFE];
	[sflag:s23] =	ssyncadd.s32 $0xFFFFFFFF  }
0xa5: {  	s26 =	simm.s32 $execute0_lowered;
	[smem:$0x3FD2] =	sst s25  }
0xa6: {  	s5 =	sshll.u32 s26, $0x1;
	_ =	strace $0x80000046;
	[dreg:$0x1] =	wrdreg $0xFFFFFFFF  }
0xa7: {  	s28 =	simm.s32 $_size_execute0_lowered;
	s3 =	sadd.s32 s3, s5;
	[dreg:$0x0] =	wrdreg $0x0  }
0xa8: {  	s5 =	sshll.u32 s28, $0x1;
	[dreg:$0x2] =	wrdreg s3  }
0xa9: {  	[dreg:$0x3] =	wrdreg s5  }
0xaa: {  	[dreg:$0x4] =	wrdreg $0xC0  }
0xab: {  	_ =	task [dreg:s7], $0x5FFFF  }
0xac: {  	[dreg:$0x1] =	wrdreg $0xFFFFFFFF  }
0xad: {  	[dreg:$0x0] =	wrdreg $0x60  }
0xae: {  	[dreg:$0x2] =	wrdreg s2  }
0xaf: {  	[dreg:$0x3] =	wrdreg s24  }
0xb0: {  	[dreg:$0x4] =	wrdreg $0x0  }
0xb1: {  	[dreg:$0x5] =	wrdreg $0xA  }
0xb2: {  	_ =	task.clear_ibuf [dreg:s7], $0x6FFFF;
	_ =	strace $0x90000046  }
0xb3: {  	s29 =	simm.s32 $0xA;
	_ =	strace $0x80000048  }
0xb4: {  	_ =	swait.ge [sflag:s29], $0x1  }
0xb5: {  	[sflag:s29] =	ssyncadd.s32 $0xFFFFFFFF  }
0xb6: {  	_ =	strace $0x90000048  }
0xb7: {  	_ =	sfence  }
0xb8: {  	s30 =	sld [smem:$0x0];
	_ =	sdelay $0x2  }
0xb9: {  	s31 =	sshll.u32 s1, $0xD;
	s1 =	sshrl.u32 s1, $0x2  }
0xba: {  	s3 =	sand.u32 $0x4000, s31;
	s1 =	sadd.s32 s1, s30  }
0xbb: {  	s0 =	sor.u32 s3, s0;
	s1 =	sshll.u32 s1, $0x11  }
0xbc: {  	s0 =	sor.u32 s1, s0  }
0xbd: {  	s0 =	sadd.s32 $0x8F2B, s0  }
0xbe: {  	[sflag:s0] =	ssyncadd.remote.s32 $0x1  }
0xbf: {  	_ =	sfence.sel $0xFFFF  }
0xc0: {  	[dreg:$0x0] =	wrdreg $0xFFFFFFFF;
	(pc) =	sbr.abs _section_cstart, $3  }
0xc1: {  	[dreg:$0x1] =	wrdreg $0xFFFFFFFF  }
0xc2: {  	_ =	task.clear_ibuf [dreg:s7], $0x2FFFF;
	_ =	strace $0x9FFFFFFF  }
0xc3: {  	(tm) =	ssettm $0x7FFFFFFF  }
tec
execute0_lowered:
.L_overlay_start_1:
0x0: {  	(tag) =	ssettag $0x1  }
0x1: {  	s25 =	stileid.u32  }
0x2: {  	s0 =	srdreg.scid;
	s4 =	sshrl.u32 s25, $0x2;
	s7 =	smul.u32 $0xA000, s25  }
0x3: {  	s1 =	rddreg [dreg:$0x0];
	s15 =	sor.u32 $0x10, s25;
	s5 =	smul.u32 $0x13C00, s4  }
0x4: {  	s2 =	rddreg [dreg:$0x1];
	s16 =	sor.u32 $0x20, s25;
	s26 =	smul.u32 $0xA000, s15  }
0x5: {  	s3 =	rddreg [dreg:$0x2];
	s17 =	sor.u32 $0x30, s25;
	s30 =	smul.u32 $0xA000, s16  }
0x6: {  	s29 =	simm.s32 $0x13880;
	s18 =	sor.u32 $0x40, s25;
	s8 =	smul.u32 $0xA000, s17  }
0x7: {  	s31 =	simm.s32 $0x50;
	s19 =	sor.u32 $0x50, s25;
	s9 =	smul.u32 $0xA000, s18  }
0x8: {  	s28 =	simm.s32 $0x2;
	s20 =	sor.u32 $0x60, s25;
	s11 =	smul.u32 $0xA000, s19  }
0x9: {  	s10 =	sand.u32 $0x1, s0;
	s21 =	sshll.u32 s25, $0x1;
	s12 =	smul.u32 $0xA000, s20  }
0xa: {  	p0 =	sgt.u32 s25, $0xC;
	s0 =	sor.u32 s10, s21;
	s15 =	smul.u32 $0x50, s15  }
0xb: {  	s4 =	simm.s32 $0x0;
	s22 =	ssub.s32 $0x2, s10;
	s16 =	smul.u32 $0x50, s16  }
0xc: {  	s21 =	sor.u32 $0x70, s25;
	s20 =	smul.u32 $0x50, s20;
	s6 =	sshll.u32 s0, $0x7  }
0xd: {  	[smem:$0x7FF] =	sst s4;
	s0 =	sshll.u32 s0, $0xB;
	s23 =	sshrl.u32 s22, $0x1  }
0xe: {  	s24 =	sshrl.u32 s7, $0x2;
	s6 =	sand.u32 $0x380, s6;
	_ =	strace $0x80000047  }
0xf: {  	s14 =	sadd.s32 s0, s2;
	s0 =	sadd.s32 $0x45400, s2;
	s7 =	sshrl.u32 s30, $0x2  }
0x10: {  	s8 =	sshrl.u32 s8, $0x2;
	s9 =	sshrl.u32 s9, $0x2;
	s11 =	sshrl.u32 s11, $0x2  }
0x11: {  	s12 =	sshrl.u32 s12, $0x2;
	s5 =	sor.u32 s5, s6;
	s6 =	sshrl.u32 s26, $0x2  }
0x12: {  	s7 =	sadd.s32 s7, s3;
	s8 =	sadd.s32 s8, s3;
	s9 =	sadd.s32 s9, s3  }
0x13: {  	s14 =	sadd.s32 $0x4400, s14;
	s5 =	sshrl.u32 s5, $0x3;
	s6 =	sadd.s32 s6, s3  }
0x14: {  	s13 =	sadd.s32 s5, s2;
	s2 =	ssub.s32 s22, s23;
	s22 =	smul.u32 $0xA000, s21  }
0x15: {  	[dreg:$0x5] =	wrdreg s14;
	s5 =	sadd.s32 s24, s3;
	s23 =	smul.u32 $0x2710, s10  }
0x16: {  	s24 =	smul.u32 $0x50, s25;
	s10 =	sadd.s32 s11, s3;
	s11 =	sadd.s32 s12, s3  }
0x17: {  	s21 =	smul.u32 $0x50, s21;
	s25 =	simm.s32 $0x3;
	s13 =	sadd.s32 $0x14400, s13  }
0x18: {  	s26 =	sshrl.u32 s22, $0x2;
	s30 =	sadd.s32 s24, s23;
	[dreg:$0x4] =	wrdreg s13  }
0x19: {  	s12 =	sadd.s32 s26, s3;
	s22 =	sshll.u32 s30, $0x4;
	s26 =	sadd.s32 s23, s15  }
0x1a: {  	s30 =	sadd.s32 s23, s16;
	s15 =	smul.u32 $0x50, s17;
	s13 =	sadd.s32 s0, s22  }
0x1b: {  	s20 =	sadd.s32 s23, s20;
	s24 =	sshll.u32 s30, $0x4;
	[dreg:$0x6] =	wrdreg s13  }
0x1c: {  	s13 =	sshll.u32 s26, $0x4;
	s26 =	smul.u32 $0x50, s18;
	s30 =	sadd.s32 s23, s15  }
0x1d: {  	s15 =	smul.u32 $0x50, s19;
	s16 =	sadd.s32 s0, s13;
	s13 =	sshll.u32 s30, $0x4  }
0x1e: {  	s17 =	sadd.s32 s0, s24;
	s14 =	sadd.s32 s23, s26;
	s18 =	sadd.s32 s0, s13  }
0x1f: {  	s24 =	sadd.s32 s23, s15;
	s26 =	sshll.u32 s20, $0x4;
	s19 =	sshll.u32 s14, $0x4  }
0x20: {  	s13 =	sshll.u32 s24, $0x4;
	s14 =	sadd.s32 s23, s21;
	s21 =	sadd.s32 s0, s26  }
0x21: {  	s23 =	smax.u32 s2, $0x1;
	s24 =	simm.s32 $0x1A000;
	s26 =	simm.s32 $0x1  }
0x22: {  	s2 =	simm.s32 $0x0;
	s19 =	sadd.s32 s0, s19;
	s30 =	sshll.u32 s14, $0x4  }
0x23: {  	v0 =	vimm.f32 $0.0e+00;
	s20 =	sadd.s32 s0, s13;
	s22 =	sadd.s32 s0, s30;
	s0 =	simm.s32 $0x1C800  }
.LBB2_1:
0x24: {  	s13 =	sand.u32 $0xFE00, s4  }
0x25: {  	s14 =	sand.u32 $0x70, s4;
	s30 =	sshrl.u32 s13, $0x2  }
0x26: {  	s13 =	simm.s32 $0x40;
	s14 =	sor.u32 s14, s30;
	s30 =	simm.s32 $0x0  }
.LBB2_2:
0x27: {  	p1 =	sne.s32 s13, $0x9FC0  }
0x28: {  	[tilespmem:s14+$0x1A000] =	vst v0;
	s30 =	sadd.s32 $0x10, s30;
	s14 =	smov.u32 s13;
	s13 =	sadd.s32 $0x40, s13  }
.Ltmp0:
0x29: {  	(pc) =	sbr.rel @p1 .LBB2_2-.Ltmp0, $4  }
0x2a: {  	_ = 	snop  }
0x2b: {  	s14 =	sand.u32 $0xFE00, s14  }
0x2c: {  	s15 =	sand.u32 $0x70, s30;
	s14 =	sshrl.u32 s14, $0x2  }
0x2d: {  	s14 =	sor.u32 s15, s14  }
0x2e: {  	[tilespmem:s14+$0x1A000] =	vst v0  }
0x2f: {  	[spmem:s5] =	stream.linear.scatter [tilespmem:s24], [sflag:$0x3], $0x2800, $0x38;
	[tilespmem:$0x1F000] =	vst v63  }
0x30: {  	_ =	swait.ge [sflag:s25], $0x2800  }
0x31: {  	[sflag:s25] =	ssyncset.done $0x0  }
0x32: {  	[sflag:s25] =	ssyncadd.s32 $0xFFFFD800  }
0x33: {  	[spmem:s6] =	stream.linear.scatter [tilespmem:s24], [sflag:$0x3], $0x2800, $0x38;
	[tilespmem:$0x1F000] =	vst v63  }
0x34: {  	_ =	swait.ge [sflag:s25], $0x2800  }
0x35: {  	[sflag:s25] =	ssyncset.done $0x0  }
0x36: {  	[sflag:s25] =	ssyncadd.s32 $0xFFFFD800  }
0x37: {  	[spmem:s7] =	stream.linear.scatter [tilespmem:s24], [sflag:$0x3], $0x2800, $0x38;
	[tilespmem:$0x1F000] =	vst v63  }
0x38: {  	_ =	swait.ge [sflag:s25], $0x2800  }
0x39: {  	[sflag:s25] =	ssyncset.done $0x0  }
0x3a: {  	[sflag:s25] =	ssyncadd.s32 $0xFFFFD800  }
0x3b: {  	[spmem:s8] =	stream.linear.scatter [tilespmem:s24], [sflag:$0x3], $0x2800, $0x38;
	[tilespmem:$0x1F000] =	vst v63  }
0x3c: {  	_ =	swait.ge [sflag:s25], $0x2800  }
0x3d: {  	[sflag:s25] =	ssyncset.done $0x0  }
0x3e: {  	[sflag:s25] =	ssyncadd.s32 $0xFFFFD800  }
0x3f: {  	[spmem:s9] =	stream.linear.scatter [tilespmem:s24], [sflag:$0x3], $0x2800, $0x38;
	[tilespmem:$0x1F000] =	vst v63  }
0x40: {  	_ =	swait.ge [sflag:s25], $0x2800  }
0x41: {  	[sflag:s25] =	ssyncset.done $0x0  }
0x42: {  	[sflag:s25] =	ssyncadd.s32 $0xFFFFD800  }
0x43: {  	[spmem:s10] =	stream.linear.scatter [tilespmem:s24], [sflag:$0x3], $0x2800, $0x38;
	[tilespmem:$0x1F000] =	vst v63  }
0x44: {  	_ =	swait.ge [sflag:s25], $0x2800  }
0x45: {  	[sflag:s25] =	ssyncset.done $0x0  }
0x46: {  	[sflag:s25] =	ssyncadd.s32 $0xFFFFD800  }
0x47: {  	[spmem:s11] =	stream.linear.scatter [tilespmem:s24], [sflag:$0x3], $0x2800, $0x38;
	[tilespmem:$0x1F000] =	vst v63  }
0x48: {  	_ =	swait.ge [sflag:s25], $0x2800  }
0x49: {  	[sflag:s25] =	ssyncset.done $0x0  }
0x4a: {  	s13 =	simm.s32 @!p0 $0x1A000;
	[sflag:s25] =	ssyncadd.s32 $0xFFFFD800  }
0x4b: {  	[spmem:s12] =	stream.linear.scatter @!p0 [tilespmem:s13], [sflag:$0x3], $0x2800, $0x38;
	[tilespmem:$0x1F000] =	vst v63  }
0x4c: {  	s13 =	simm.s32 @!p0 $0x3  }
0x4d: {  	_ =	swait.ge @!p0 [sflag:s13], $0x2800  }
0x4e: {  	[sflag:s13] =	ssyncset.done @!p0 $0x0  }
0x4f: {  	[sflag:s13] =	ssyncadd.s32 @!p0 $0xFFFFD800  }
0x50: {  	[bflag:$0x0] =	sbarrier.arrive $0xFFFF  }
0x51: {  	s14 =	simm.s32 $0x80;
	s15 =	simm.s32 $0x400;
	s13 =	rddreg [dreg:$0x4]  }
0x52: {  	[tilespmem:s29], [sflag:$0x3] =	stream.strided.gather [hbm4b:s13+s14], $0x2780, s15, s14, $0x38;
	[tilespmem:$0x1F000] =	vst v63  }
0x53: {  	_ =	swait.ge [sflag:s25], $0x2780  }
0x54: {  	s13 =	simm.s32 $0x0;
	[sflag:s25] =	ssyncset.done $0x0  }
0x55: {  	s15 =	simm.s32 $0x16000;
	s14 =	rddreg [dreg:$0x5];
	[sflag:s25] =	ssyncadd.s32 $0xFFFFD880  }
0x56: {  	[tilespmem:s15], [sflag:$0x3] =	stream.linear.gather [hbm4b:s14+s13], $0x3E80, $0x38;
	[tilespmem:$0x1F000] =	vst v63  }
0x57: {  	_ =	swait.ge [sflag:s25], $0x3E80  }
0x58: {  	[sflag:s25] =	ssyncset.done $0x0  }
0x59: {  	[sflag:s25] =	ssyncadd.s32 $0xFFFFC180  }
0x5a: {  	[tilespmem:s24], [sflag:$0x1] =	stream.indirect.gather [hbm4b:s1+s31], $0x80, s29, s31, $0xb8;
	[tilespmem:$0x1F000] =	vst v63  }
0x5b: {  	s14 =	simm.s32 $0x138D0  }
0x5c: {  	[tilespmem:s0], [sflag:$0x2] =	stream.indirect.gather [hbm4b:s1+s31], $0x80, s14, s31, $0xb8;
	[tilespmem:$0x1F000] =	vst v63  }
0x5d: {  	_ =	swait.ge [sflag:s26], $0x2800  }
0x5e: {  	[sflag:s26] =	ssyncset.done $0x0  }
0x5f: {  	s15 =	simm.s32 $0x16000;
	[sflag:s26] =	ssyncadd.s32 $0xFFFFD800  }
0x60: {  	[spmem:s3] =	stream.indirect.scatter.add.f32 [tilespmem:s24], [sflag:$0x3], $0x80, s15, s31, $0xb8;
	[tilespmem:$0x1F000] =	vst v63  }
0x61: {  	_ =	swait.ge [sflag:s25], $0x2800  }
0x62: {  	[sflag:s25] =	ssyncset.done $0x0  }
0x63: {  	s14 =	simm.s32 $0x13920;
	[sflag:s25] =	ssyncadd.s32 $0xFFFFD800  }
0x64: {  	[tilespmem:s24], [sflag:$0x1] =	stream.indirect.gather [hbm4b:s1+s31], $0x80, s14, s31, $0xb8;
	[tilespmem:$0x1F000] =	vst v63  }
0x65: {  	_ =	swait.ge [sflag:s28], $0x2800  }
0x66: {  	[sflag:s28] =	ssyncset.done $0x0  }
0x67: {  	s15 =	simm.s32 $0x16080;
	[sflag:s28] =	ssyncadd.s32 $0xFFFFD800  }
0x68: {  	[spmem:s3] =	stream.indirect.scatter.add.f32 [tilespmem:s0], [sflag:$0x3], $0x80, s15, s31, $0xb8;
	[tilespmem:$0x1F000] =	vst v63  }
0x69: {  	_ =	swait.ge [sflag:s25], $0x2800  }
0x6a: {  	s30 =	simm.s32 $0x139C0;
	[sflag:s25] =	ssyncset.done $0x0  }
0x6b: {  	s13 =	simm.s32 $0x400;
	s14 =	simm.s32 $0x13970;
	[sflag:s25] =	ssyncadd.s32 $0xFFFFD800  }
.LBB2_4:
0x6c: {  	[tilespmem:s0], [sflag:$0x2] =	stream.indirect.gather [hbm4b:s1+s31], $0x80, s14, s31, $0xb8;
	[tilespmem:$0x1F000] =	vst v63  }
0x6d: {  	s14 =	smov.u32 s13  }
0x6e: {  	p1 =	sne.s32 s13, $0xF000;
	s13 =	sadd.s32 $0x400, s13;
	_ =	swait.ge [sflag:s26], $0x2800  }
0x6f: {  	s14 =	sshra.s32 s14, $0x2;
	[sflag:s26] =	ssyncset.done $0x0  }
0x70: {  	s15 =	sadd.s32 $0x16000, s14;
	[sflag:s26] =	ssyncadd.s32 $0xFFFFD800  }
0x71: {  	[spmem:s3] =	stream.indirect.scatter.add.f32 [tilespmem:s24], [sflag:$0x3], $0x80, s15, s31, $0xb8;
	[tilespmem:$0x1F000] =	vst v63  }
0x72: {  	_ =	swait.ge [sflag:s25], $0x2800  }
0x73: {  	[sflag:s25] =	ssyncset.done $0x0  }
0x74: {  	[sflag:s25] =	ssyncadd.s32 $0xFFFFD800  }
0x75: {  	[tilespmem:s24], [sflag:$0x1] =	stream.indirect.gather [hbm4b:s1+s31], $0x80, s30, s31, $0xb8;
	[tilespmem:$0x1F000] =	vst v63  }
0x76: {  	_ =	swait.ge [sflag:s28], $0x2800  }
0x77: {  	[sflag:s28] =	ssyncset.done $0x0  }
.Ltmp1:
0x78: {  	s14 =	sadd.s32 $0x16080, s14;
	[sflag:s28] =	ssyncadd.s32 $0xFFFFD800;
	(pc) =	sbr.rel @p1 .LBB2_4-.Ltmp1, $4  }
0x79: {  	[spmem:s3] =	stream.indirect.scatter.add.f32 [tilespmem:s0], [sflag:$0x3], $0x80, s14, s31, $0xb8;
	[tilespmem:$0x1F000] =	vst v63  }
0x7a: {  	_ =	swait.ge [sflag:s25], $0x2800  }
0x7b: {  	[sflag:s25] =	ssyncset.done $0x0  }
0x7c: {  	s14 =	sadd.s32 $0x50, s30;
	s30 =	sadd.s32 $0xA0, s30;
	[sflag:s25] =	ssyncadd.s32 $0xFFFFD800  }
0x7d: {  	[tilespmem:s0], [sflag:$0x2] =	stream.indirect.gather [hbm4b:s1+s31], $0x80, s14, s31, $0xb8;
	[tilespmem:$0x1F000] =	vst v63  }
0x7e: {  	_ =	swait.ge [sflag:s26], $0x2800  }
0x7f: {  	[sflag:s26] =	ssyncset.done $0x0  }
0x80: {  	s13 =	simm.s32 $0x19D00;
	[sflag:s26] =	ssyncadd.s32 $0xFFFFD800  }
0x81: {  	[spmem:s3] =	stream.indirect.scatter.add.f32 [tilespmem:s24], [sflag:$0x3], $0x80, s13, s31, $0xb8;
	[tilespmem:$0x1F000] =	vst v63  }
0x82: {  	_ =	swait.ge [sflag:s25], $0x2800  }
0x83: {  	[sflag:s25] =	ssyncset.done $0x0  }
0x84: {  	[sflag:s25] =	ssyncadd.s32 $0xFFFFD800  }
0x85: {  	[tilespmem:s24], [sflag:$0x1] =	stream.indirect.gather [hbm4b:s1+s31], $0x80, s30, s31, $0xb8;
	[tilespmem:$0x1F000] =	vst v63  }
0x86: {  	_ =	swait.ge [sflag:s28], $0x2800  }
0x87: {  	[sflag:s28] =	ssyncset.done $0x0  }
0x88: {  	s14 =	simm.s32 $0x19D80;
	[sflag:s28] =	ssyncadd.s32 $0xFFFFD800  }
0x89: {  	[spmem:s3] =	stream.indirect.scatter.add.f32 [tilespmem:s0], [sflag:$0x3], $0x80, s14, s31, $0xb8;
	[tilespmem:$0x1F000] =	vst v63  }
0x8a: {  	_ =	swait.ge [sflag:s25], $0x2800  }
0x8b: {  	[sflag:s25] =	ssyncset.done $0x0  }
0x8c: {  	[sflag:s25] =	ssyncadd.s32 $0xFFFFD800  }
0x8d: {  	_ =	swait.ge [sflag:s26], $0x2800  }
0x8e: {  	[sflag:s26] =	ssyncset.done $0x0  }
0x8f: {  	s15 =	simm.s32 $0x19E00;
	[sflag:s26] =	ssyncadd.s32 $0xFFFFD800  }
0x90: {  	[spmem:s3] =	stream.indirect.scatter.add.f32 [tilespmem:s24], [sflag:$0x3], $0x80, s15, s31, $0xb8;
	[tilespmem:$0x1F000] =	vst v63  }
0x91: {  	_ =	swait.ge [sflag:s25], $0x2800  }
0x92: {  	[sflag:s25] =	ssyncset.done $0x0  }
0x93: {  	[sflag:s25] =	ssyncadd.s32 $0xFFFFD800  }
0x94: {  	[bflag:$0x0] =	sbarrier.arrive $0xFFFF  }
0x95: {  	[tilespmem:s24], [sflag:$0x3] =	stream.linear.gather [spmem:s5], $0x2800, $0x38;
	[tilespmem:$0x1F000] =	vst v63  }
0x96: {  	_ =	swait.ge [sflag:s25], $0x2800  }
0x97: {  	[sflag:s25] =	ssyncset.done $0x0  }
0x98: {  	s30 =	rddreg [dreg:$0x6];
	[sflag:s25] =	ssyncadd.s32 $0xFFFFD800  }
0x99: {  	[hbm4b:s30+s4] =	stream.linear.scatter [tilespmem:s24], [sflag:$0x3], $0x2800, $0x38;
	[tilespmem:$0x1F000] =	vst v63  }
0x9a: {  	_ =	swait.ge [sflag:s25], $0x2800  }
0x9b: {  	[sflag:s25] =	ssyncset.done $0x0  }
0x9c: {  	[sflag:s25] =	ssyncadd.s32 $0xFFFFD800  }
0x9d: {  	[tilespmem:s24], [sflag:$0x3] =	stream.linear.gather [spmem:s6], $0x2800, $0x38;
	[tilespmem:$0x1F000] =	vst v63  }
0x9e: {  	_ =	swait.ge [sflag:s25], $0x2800  }
0x9f: {  	[sflag:s25] =	ssyncset.done $0x0  }
0xa0: {  	[sflag:s25] =	ssyncadd.s32 $0xFFFFD800  }
0xa1: {  	[hbm4b:s16+s4] =	stream.linear.scatter [tilespmem:s24], [sflag:$0x3], $0x2800, $0x38;
	[tilespmem:$0x1F000] =	vst v63  }
0xa2: {  	_ =	swait.ge [sflag:s25], $0x2800  }
0xa3: {  	[sflag:s25] =	ssyncset.done $0x0  }
0xa4: {  	[sflag:s25] =	ssyncadd.s32 $0xFFFFD800  }
0xa5: {  	[tilespmem:s24], [sflag:$0x3] =	stream.linear.gather [spmem:s7], $0x2800, $0x38;
	[tilespmem:$0x1F000] =	vst v63  }
0xa6: {  	_ =	swait.ge [sflag:s25], $0x2800  }
0xa7: {  	[sflag:s25] =	ssyncset.done $0x0  }
0xa8: {  	[sflag:s25] =	ssyncadd.s32 $0xFFFFD800  }
0xa9: {  	[hbm4b:s17+s4] =	stream.linear.scatter [tilespmem:s24], [sflag:$0x3], $0x2800, $0x38;
	[tilespmem:$0x1F000] =	vst v63  }
0xaa: {  	_ =	swait.ge [sflag:s25], $0x2800  }
0xab: {  	[sflag:s25] =	ssyncset.done $0x0  }
0xac: {  	[sflag:s25] =	ssyncadd.s32 $0xFFFFD800  }
0xad: {  	[tilespmem:s24], [sflag:$0x3] =	stream.linear.gather [spmem:s8], $0x2800, $0x38;
	[tilespmem:$0x1F000] =	vst v63  }
0xae: {  	_ =	swait.ge [sflag:s25], $0x2800  }
0xaf: {  	[sflag:s25] =	ssyncset.done $0x0  }
0xb0: {  	[sflag:s25] =	ssyncadd.s32 $0xFFFFD800  }
0xb1: {  	[hbm4b:s18+s4] =	stream.linear.scatter [tilespmem:s24], [sflag:$0x3], $0x2800, $0x38;
	[tilespmem:$0x1F000] =	vst v63  }
0xb2: {  	_ =	swait.ge [sflag:s25], $0x2800  }
0xb3: {  	[sflag:s25] =	ssyncset.done $0x0  }
0xb4: {  	[sflag:s25] =	ssyncadd.s32 $0xFFFFD800  }
0xb5: {  	[tilespmem:s24], [sflag:$0x3] =	stream.linear.gather [spmem:s9], $0x2800, $0x38;
	[tilespmem:$0x1F000] =	vst v63  }
0xb6: {  	_ =	swait.ge [sflag:s25], $0x2800  }
0xb7: {  	[sflag:s25] =	ssyncset.done $0x0  }
0xb8: {  	[sflag:s25] =	ssyncadd.s32 $0xFFFFD800  }
0xb9: {  	[hbm4b:s19+s4] =	stream.linear.scatter [tilespmem:s24], [sflag:$0x3], $0x2800, $0x38;
	[tilespmem:$0x1F000] =	vst v63  }
0xba: {  	_ =	swait.ge [sflag:s25], $0x2800  }
0xbb: {  	[sflag:s25] =	ssyncset.done $0x0  }
0xbc: {  	[sflag:s25] =	ssyncadd.s32 $0xFFFFD800  }
0xbd: {  	[tilespmem:s24], [sflag:$0x3] =	stream.linear.gather [spmem:s10], $0x2800, $0x38;
	[tilespmem:$0x1F000] =	vst v63  }
0xbe: {  	_ =	swait.ge [sflag:s25], $0x2800  }
0xbf: {  	[sflag:s25] =	ssyncset.done $0x0  }
0xc0: {  	[sflag:s25] =	ssyncadd.s32 $0xFFFFD800  }
0xc1: {  	[hbm4b:s20+s4] =	stream.linear.scatter [tilespmem:s24], [sflag:$0x3], $0x2800, $0x38;
	[tilespmem:$0x1F000] =	vst v63  }
0xc2: {  	_ =	swait.ge [sflag:s25], $0x2800  }
0xc3: {  	[sflag:s25] =	ssyncset.done $0x0  }
0xc4: {  	[sflag:s25] =	ssyncadd.s32 $0xFFFFD800  }
0xc5: {  	[tilespmem:s24], [sflag:$0x3] =	stream.linear.gather [spmem:s11], $0x2800, $0x38;
	[tilespmem:$0x1F000] =	vst v63  }
0xc6: {  	_ =	swait.ge [sflag:s25], $0x2800  }
0xc7: {  	[sflag:s25] =	ssyncset.done $0x0  }
0xc8: {  	[sflag:s25] =	ssyncadd.s32 $0xFFFFD800  }
0xc9: {  	[hbm4b:s21+s4] =	stream.linear.scatter [tilespmem:s24], [sflag:$0x3], $0x2800, $0x38;
	[tilespmem:$0x1F000] =	vst v63  }
0xca: {  	_ =	swait.ge [sflag:s25], $0x2800  }
0xcb: {  	[sflag:s25] =	ssyncset.done $0x0  }
0xcc: {  	s13 =	simm.s32 @!p0 $0x1A000;
	s14 =	simm.s32 @!p0 $0x3;
	[sflag:s25] =	ssyncadd.s32 $0xFFFFD800  }
0xcd: {  	[tilespmem:s13], [sflag:$0x3] =	stream.linear.gather @!p0 [spmem:s12], $0x2800, $0x38;
	[tilespmem:$0x1F000] =	vst v63  }
0xce: {  	s2 =	sadd.s32 $0x1, s2;
	_ =	swait.ge @!p0 [sflag:s14], $0x2800  }
0xcf: {  	p1 =	sne.s32 s2, s23;
	[sflag:s14] =	ssyncset.done @!p0 $0x0  }
.Ltmp2:
0xd0: {  	s15 =	simm.s32 @!p0 $0x0;
	[sflag:s14] =	ssyncadd.s32 @!p0 $0xFFFFD800;
	(pc) =	sbr.rel @p1 .LBB2_1-.Ltmp2, $4  }
0xd1: {  	[hbm4b:s22+s15] =	stream.linear.scatter @!p0 [tilespmem:s13], [sflag:$0x3], $0x2800, $0x38;
	[tilespmem:$0x1F000] =	vst v63  }
0xd2: {  	_ =	swait.ge @!p0 [sflag:s14], $0x2800  }
0xd3: {  	[sflag:s14] =	ssyncset.done @!p0 $0x0  }
0xd4: {  	[sflag:s14] =	ssyncadd.s32 @!p0 $0xFFFFD800  }
0xd5: {  	_ =	sfence.sel $0x180000  }
0xd6: {  	[bflag:$0x0] =	sbarrier.arrive $0xFFFF  }
0xd7: {  	_ =	strace $0x90000047  }
0xd8: {  	s0 =	stileid.u32;
	[bflag:$0x2] =	sbarrier.arrive $0xFFFF  }
0xd9: {  	p0 =	sne.s32 s0, $0x0;
	s0 =	rddreg [dreg:$0x3]  }
0xda: {  	s0 =	sadd.s32 @!p0 $0x100000, s0  }
0xdb: {  	[sflag:s0] =	ssyncadd.tile.s32 @!p0 $0x1;
	_ =	shalt  }
.Lfunc_end2:
_tile_overlayer_lowered:
.L_overlay_start_2:
0xdc: {  	(tag) =	ssettag $0x2  }
0xdd: {  	s0 =	rddreg [dreg:$0x0];
	s2 =	stileid.u32  }
0xde: {  	s1 =	rddreg [dreg:$0x1];
	p0 =	sne.s32 s2, $0x0  }
0xdf: {  	s3 =	rddreg [dreg:$0x2];
	[bflag:$0x3] =	sbarrier.arrive $0xFFFF;
	s2 =	simm.s32 @!p0 $0x1C03  }
0xe0: {  	[timem:s3], [sflag:s2] =	dma.local @!p0 [hbm:s0], s1  }
0xe1: {  	s0 =	simm.s32 @!p0 $0x3  }
0xe2: {  	_ =	swait.ge @!p0 [sflag:s0], s1  }
0xe3: {  	s1 =	ssub.s32 @!p0 $0x0, s1;
	[sflag:s0] =	ssyncset.done @!p0 $0x0  }
0xe4: {  	[sflag:s0] =	ssyncadd.s32 @!p0 s1  }
0xe5: {  	[bflag:$0x3] =	sbarrier.arrive $0xFFFF  }
0xe6: {  	_ =	shalt  }

// kernel: kernel.16.cloned.1.call-start
scs
__scs_entry_jumppad:
0x0: {  	(pc) =	sbr.rel $0x88, $3  }
0x1: {  	(tag) =	ssettag $0x0;
	lr =	simm.s32 $0x1  }
0x2: {  	[smem:$0x3F96] =	sst lr;
	_ =	strace $0xD0000000  }
0x3: {  	_ = 	snop  }
0x4: {  	_ = 	snop  }
0x5: {  	_ = 	snop  }
0x6: {  	_ = 	snop  }
0x7: {  	_ = 	snop  }
__scs_overlays_trampoline_lowered:
0x8: {  	[smem:$0x3FA5] =	sst s0  }
0x9: {  	[smem:$0x3FA6] =	sst s1  }
0xa: {  	[smem:$0x3FA7] =	sst s2  }
0xb: {  	[smem:$0x3FA8] =	sst s3  }
0xc: {  	[smem:$0x3FA9] =	sst s4  }
0xd: {  	[smem:$0x3FAA] =	sst s5  }
0xe: {  	[smem:$0x3FAB] =	sst s6  }
0xf: {  	[smem:$0x3FAC] =	sst s7  }
0x10: {  	[smem:$0x3FAD] =	sst s8  }
0x11: {  	[smem:$0x3FAE] =	sst s9;
	s0 =	simm.s32 @!p0 $0x0  }
0x12: {  	s1 =	sld [smem:$0x3F94];
	s0 =	simm.s32 @p0 $0x1  }
0x13: {  	[smem:$0x3FAF] =	sst s0;
	s0 =	simm.s32 @!p1 $0x0  }
0x14: {  	s2 =	sld [smem:$0x3F93];
	s0 =	simm.s32 @p1 $0x1  }
0x15: {  	[smem:$0x3FB0] =	sst s0;
	s0 =	simm.s32 @!p2 $0x0  }
0x16: {  	s3 =	sld [smem:$0x3FDB];
	s0 =	simm.s32 @p2 $0x1  }
0x17: {  	s4 =	simm.s32 $0x1BF5;
	[smem:$0x3FB2] =	sst s0  }
0x18: {  	s0 =	sld [smem:$0x3F95];
	_ =	swait.ge [sflag:s4], $0x0  }
0x19: {  	s7 =	sld [smem:$0x3F96]  }
0x1a: {  	s8 =	sadd.s32 $0xFFFFE003, lr  }
0x1b: {  	s9 =	sadd.s32 $0xFFFFFEF7, lr;
	s5 =	simm.s32 $0xFFFFFFFF;
	p2 =	slt.u32 s8, $0xFFFFF086  }
0x1c: {  	p1 =	slt.u32 s9, $0xF7A;
	s5 =	simm.s32 @!p2 $0x0  }
0x1d: {  	s5 =	simm.s32 @p1 $0x1;
	p0 =	seq.s32 s7, s2  }
0x1e: {  	s7 =	smul.u32 @!p0 $0xF7A, s2;
	p2 =	seq.s32 @!p0 s5, $0x0  }
0x1f: {  	s9 =	smul.u32 $0xF7A, s1;
	s8 =	simm.s32 @!p0 $0x1BF5;
	p2 =	por !p2, p0  }
0x20: {  	[sflag:s8] =	ssyncset.s32 @!p0 $0xFFFFF086;
	s6 =	sadd.s32 @!p0 s3, s7;
	s7 =	simm.s32 @!p0 $0x108  }
0x21: {  	s3 =	sadd.s32 s3, s9;
	s6 =	sadd.s32 @!p0 $0x88, s6;
	s7 =	simm.s32 @p2 $0x1082  }
0x22: {  	[simem:s7], [sflag:s8] =	dma.local @!p0 [hbm:s6], $0xF7A  }
0x23: {  	s9 =	sor.u32 $0xD0000000, s2;
	s6 =	simm.s32 $0x108;
	_ =	swait.ge @!p0 [sflag:s8], $0x0  }
0x24: {  	s3 =	sadd.s32 $0x88, s3;
	s6 =	simm.s32 @!p1 $0x1082;
	[sflag:s4] =	ssyncset.s32 $0xFFFFF086  }
0x25: {  	[simem:s6], [sflag:s4] =	dma.local [hbm:s3], $0xF7A  }
0x26: {  	[smem:$0x3F96] =	sst s1;
	(tag) =	ssettag s2;
	_ =	strace s9  }
0x27: {  	s1 =	sld [smem:$0x3FA6]  }
0x28: {  	s2 =	sld [smem:$0x3FA7]  }
0x29: {  	s4 =	sld [smem:$0x3FA9]  }
0x2a: {  	p0 =	seq.s32 s5, $0x0;
	s5 =	sld [smem:$0x3FAA]  }
0x2b: {  	s6 =	sld [smem:$0x3FAB]  }
0x2c: {  	s7 =	sld [smem:$0x3FAC]  }
0x2d: {  	s3 =	simm.s32 $0x108;
	s8 =	sld [smem:$0x3FAD]  }
0x2e: {  	s3 =	simm.s32 @!p0 $0x1082;
	s9 =	sld [smem:$0x3FAE]  }
0x2f: {  	lr =	sadd.s32 s0, s3;
	s0 =	sld [smem:$0x3FA5]  }
0x30: {  	s3 =	sld [smem:$0x3FA8]  }
0x31: {  	[smem:$0x3FB1] =	sst s10  }
0x32: {  	s10 =	sld [smem:$0x3FAF];
	_ =	sdelay $0x3  }
0x33: {  	p0 =	seq.s32 s10, $0x1;
	s10 =	sld [smem:$0x3FB1];
	_ =	sdelay $0x3  }
0x34: {  	[smem:$0x3FB1] =	sst s10  }
0x35: {  	s10 =	sld [smem:$0x3FB0];
	_ =	sdelay $0x3  }
0x36: {  	p1 =	seq.s32 s10, $0x1;
	s10 =	sld [smem:$0x3FB1];
	_ =	sdelay $0x3  }
0x37: {  	[smem:$0x3FB1] =	sst s10  }
0x38: {  	s10 =	sld [smem:$0x3FB2]  }
0x39: {  	_ = 	snop;
	(pc) =	sbr.ind lr, $3  }
0x3a: {  	_ = 	snop  }
0x3b: {  	_ = 	snop  }
0x3c: {  	p2 =	seq.s32 s10, $0x1;
	s10 =	sld [smem:$0x3FB1]  }
0x3d: {  	_ =	shalt  }
0x3e: {  	_ =	shalt  }
0x3f: {  	_ =	shalt  }
0x40: {  	_ =	shalt  }
0x41: {  	_ =	shalt  }
0x42: {  	_ =	shalt  }
0x43: {  	_ =	shalt  }
0x44: {  	_ =	shalt  }
0x45: {  	_ =	shalt  }
0x46: {  	_ =	shalt  }
0x47: {  	_ =	shalt  }
0x48: {  	_ =	shalt  }
0x49: {  	_ =	shalt  }
0x4a: {  	_ =	shalt  }
0x4b: {  	_ =	shalt  }
0x4c: {  	_ =	shalt  }
0x4d: {  	_ =	shalt  }
0x4e: {  	_ =	shalt  }
0x4f: {  	_ =	shalt  }
0x50: {  	_ =	shalt  }
0x51: {  	_ =	shalt  }
0x52: {  	_ =	shalt  }
0x53: {  	_ =	shalt  }
0x54: {  	_ =	shalt  }
0x55: {  	_ =	shalt  }
0x56: {  	_ =	shalt  }
0x57: {  	_ =	shalt  }
0x58: {  	_ =	shalt  }
0x59: {  	_ =	shalt  }
0x5a: {  	_ =	shalt  }
0x5b: {  	_ =	shalt  }
0x5c: {  	_ =	shalt  }
0x5d: {  	_ =	shalt  }
0x5e: {  	_ =	shalt  }
0x5f: {  	_ =	shalt  }
0x60: {  	_ =	shalt  }
0x61: {  	_ =	shalt  }
0x62: {  	_ =	shalt  }
0x63: {  	_ =	shalt  }
0x64: {  	_ =	shalt  }
0x65: {  	_ =	shalt  }
0x66: {  	_ =	shalt  }
0x67: {  	_ =	shalt  }
0x68: {  	_ =	shalt  }
0x69: {  	_ =	shalt  }
0x6a: {  	_ =	shalt  }
0x6b: {  	_ =	shalt  }
0x6c: {  	_ =	shalt  }
0x6d: {  	_ =	shalt  }
0x6e: {  	_ =	shalt  }
0x6f: {  	_ =	shalt  }
0x70: {  	_ =	shalt  }
0x71: {  	_ =	shalt  }
0x72: {  	_ =	shalt  }
0x73: {  	_ =	shalt  }
0x74: {  	_ =	shalt  }
0x75: {  	_ =	shalt  }
0x76: {  	_ =	shalt  }
0x77: {  	_ =	shalt  }
0x78: {  	_ =	shalt  }
0x79: {  	_ =	shalt  }
0x7a: {  	_ =	shalt  }
0x7b: {  	_ =	shalt  }
0x7c: {  	_ =	shalt  }
0x7d: {  	_ =	shalt  }
0x7e: {  	_ =	shalt  }
0x7f: {  	_ =	shalt  }
0x80: {  	_ =	shalt  }
0x81: {  	_ =	shalt  }
0x82: {  	_ =	shalt  }
0x83: {  	_ =	shalt  }
0x84: {  	_ =	shalt  }
0x85: {  	_ =	shalt  }
0x86: {  	_ =	shalt  }
0x87: {  	_ =	shalt  }
.Lfunc_end0:
.L_simem_size_0:
called_computation.2_lowered:
.L_overlay_start_0:
0x88: {  	s2 =	sld [smem:$0x3FD9]  }
0x89: {  	s3 =	sld [smem:$0x3FFE];
	_ =	sdelay $0x1  }
0x8a: {  	s1 =	srdreg.scid  }
0x8b: {  	s0 =	sand.u32 $0x1, s1  }
0x8c: {  	s16 =	sshll.u32 s0, $0xA;
	s2 =	sadd.s32 s3, s2  }
0x8d: {  	s2 =	sadd.s32 s2, s16  }
0x8e: {  	[smem:$0x3FBD] =	sst s2  }
0x8f: {  	_ = 	snop  }
0x90: {  	(tm) =	ssettm $0x1  }
0x91: {  	s17 =	sld [smem:$0x3FFB];
	_ =	sdelay $0x3  }
0x92: {  	_ =	strace s17  }
0x93: {  	s2 =	sld [smem:$0x3FFC];
	_ =	sdelay $0x3  }
0x94: {  	_ =	strace s2  }
0x95: {  	s2 =	sld [smem:$0x3FFD];
	_ =	sdelay $0x3  }
0x96: {  	_ =	strace s2  }
0x97: {  	_ =	strace $0x8FFFFFFF  }
0x98: {  	s18 =	sld [smem:$0x3FDB];
	_ =	sdelay $0x1  }
0x99: {  	s19 =	simm.s32 $_scs_section_size  }
0x9a: {  	s4 =	simm.s32 $_size__tile_overlayer_lowered;
	s5 =	simm.s32 $_tile_overlayer_lowered  }
0x9b: {  	s22 =	simm.s32 $0x1BFF;
	s21 =	sshll.u32 s5, $0x1;
	s2 =	sadd.s32 s19, s18  }
0x9c: {  	s6 =	simm.s32 $0x0;
	s20 =	sshll.u32 s4, $0x1;
	s4 =	sadd.s32 s21, s2  }
0x9d: {  	[timem:s6], [sflag:s22] =	dma.local [hbm:s4], s20  }
0x9e: {  	_ =	swait.ge [sflag:s22], s20  }
0x9f: {  	s3 =	ssub.s32 $0x0, s20;
	[sflag:s22] =	ssyncset.done $0x0  }
0xa0: {  	[sflag:s22] =	ssyncadd.s32 s3;
	_ =	sdelay $0x1  }
0xa1: {  	s23 =	simm.s32 $0x1B8B  }
0xa2: {  	_ =	swait.ge [sflag:s23], $0x1  }
0xa3: {  	[sflag:s23] =	ssyncset.done $0x0  }
0xa4: {  	s25 =	simm.s32 $0x1B8E;
	s24 =	sld [smem:$0x3FFE];
	[sflag:s23] =	ssyncadd.s32 $0xFFFFFFFF  }
0xa5: {  	s26 =	simm.s32 $execute0_lowered;
	[smem:$0x3FD2] =	sst s25  }
0xa6: {  	s4 =	sshll.u32 s26, $0x1;
	_ =	strace $0x8000004C;
	[dreg:$0x1] =	wrdreg $0xFFFFFFFF  }
0xa7: {  	s28 =	simm.s32 $_size_execute0_lowered;
	s2 =	sadd.s32 s2, s4;
	[dreg:$0x0] =	wrdreg $0x0  }
0xa8: {  	s4 =	sshll.u32 s28, $0x1;
	[dreg:$0x2] =	wrdreg s2  }
0xa9: {  	[dreg:$0x3] =	wrdreg s4  }
0xaa: {  	[dreg:$0x4] =	wrdreg $0xC0  }
0xab: {  	_ =	task [dreg:s6], $0x5FFFF  }
0xac: {  	[dreg:$0x1] =	wrdreg $0xFFFFFFFF  }
0xad: {  	[dreg:$0x0] =	wrdreg $0x60  }
0xae: {  	[dreg:$0x2] =	wrdreg s24  }
0xaf: {  	[dreg:$0x3] =	wrdreg $0x0  }
0xb0: {  	[dreg:$0x4] =	wrdreg $0x9  }
0xb1: {  	_ =	task.clear_ibuf [dreg:s6], $0x5FFFF;
	_ =	strace $0x9000004C  }
0xb2: {  	s29 =	simm.s32 $0x9;
	_ =	strace $0x8000004E  }
0xb3: {  	_ =	swait.ge [sflag:s29], $0x1  }
0xb4: {  	[sflag:s29] =	ssyncadd.s32 $0xFFFFFFFF  }
0xb5: {  	_ =	strace $0x9000004E  }
0xb6: {  	_ =	sfence  }
0xb7: {  	s30 =	sld [smem:$0x0];
	_ =	sdelay $0x2  }
0xb8: {  	s31 =	sshll.u32 s1, $0xD;
	s1 =	sshrl.u32 s1, $0x2  }
0xb9: {  	s3 =	sand.u32 $0x4000, s31;
	s1 =	sadd.s32 s1, s30  }
0xba: {  	s0 =	sor.u32 s3, s0;
	s1 =	sshll.u32 s1, $0x11  }
0xbb: {  	s0 =	sor.u32 s1, s0  }
0xbc: {  	s0 =	sadd.s32 $0x8F2B, s0  }
0xbd: {  	[sflag:s0] =	ssyncadd.remote.s32 $0x1  }
0xbe: {  	_ =	sfence.sel $0xFFFF  }
0xbf: {  	[dreg:$0x0] =	wrdreg $0xFFFFFFFF;
	(pc) =	sbr.abs _section_cstart, $3  }
0xc0: {  	[dreg:$0x1] =	wrdreg $0xFFFFFFFF  }
0xc1: {  	_ =	task.clear_ibuf [dreg:s6], $0x2FFFF;
	_ =	strace $0x9FFFFFFF  }
0xc2: {  	(tm) =	ssettm $0x7FFFFFFF  }
0xc3: {  	_ =	shalt  }
tec
execute0_lowered:
.L_overlay_start_1:
0x0: {  	(tag) =	ssettag $0x1  }
0x1: {  	s25 =	stileid.u32  }
0x2: {  	s3 =	sshrl.u32 s25, $0x2;
	s7 =	smul.u32 $0xA000, s25  }
0x3: {  	s15 =	sor.u32 $0x10, s25;
	s4 =	smul.u32 $0x13C00, s3  }
0x4: {  	s16 =	sor.u32 $0x20, s25;
	s26 =	smul.u32 $0xA000, s15  }
0x5: {  	s17 =	sor.u32 $0x30, s25;
	s30 =	smul.u32 $0xA000, s16  }
0x6: {  	s18 =	sor.u32 $0x40, s25;
	s8 =	smul.u32 $0xA000, s17  }
0x7: {  	s0 =	srdreg.scid;
	s19 =	sor.u32 $0x50, s25;
	s9 =	smul.u32 $0xA000, s18  }
0x8: {  	s10 =	sand.u32 $0x1, s0;
	s20 =	sor.u32 $0x60, s25;
	s11 =	smul.u32 $0xA000, s19  }
0x9: {  	s22 =	sshll.u32 s25, $0x1;
	s21 =	sor.u32 $0x70, s25;
	s12 =	smul.u32 $0xA000, s20  }
0xa: {  	s1 =	rddreg [dreg:$0x0];
	s0 =	sor.u32 s10, s22;
	s22 =	smul.u32 $0xA000, s21  }
0xb: {  	s2 =	rddreg [dreg:$0x1];
	s15 =	smul.u32 $0x50, s15  }
0xc: {  	s29 =	simm.s32 $0x13880;
	s31 =	simm.s32 $0x50;
	s16 =	smul.u32 $0x50, s16  }
0xd: {  	s28 =	simm.s32 $0x2;
	p0 =	sgt.u32 s25, $0xC;
	s20 =	smul.u32 $0x50, s20  }
0xe: {  	s3 =	simm.s32 $0x0;
	s23 =	ssub.s32 $0x2, s10;
	s21 =	smul.u32 $0x50, s21  }
0xf: {  	s5 =	sshll.u32 s0, $0x7;
	[smem:$0x7FF] =	sst s3;
	s0 =	sshll.u32 s0, $0xB  }
0x10: {  	s6 =	sshrl.u32 s23, $0x1;
	s24 =	sshrl.u32 s7, $0x2;
	s5 =	sand.u32 $0x380, s5  }
0x11: {  	_ =	strace $0x8000004D;
	s14 =	sadd.s32 s0, s1;
	s0 =	sadd.s32 $0x6C600, s1  }
0x12: {  	s7 =	sshrl.u32 s30, $0x2;
	s8 =	sshrl.u32 s8, $0x2;
	s9 =	sshrl.u32 s9, $0x2  }
0x13: {  	s11 =	sshrl.u32 s11, $0x2;
	s12 =	sshrl.u32 s12, $0x2;
	s5 =	sor.u32 s4, s5  }
0x14: {  	s4 =	sadd.s32 $0x1E200, s1;
	s7 =	sadd.s32 s7, s2;
	s8 =	sadd.s32 s8, s2  }
0x15: {  	s9 =	sadd.s32 s9, s2;
	s14 =	sadd.s32 $0x4400, s14;
	s5 =	sshrl.u32 s5, $0x3  }
0x16: {  	[dreg:$0x4] =	wrdreg s14;
	s13 =	sadd.s32 s5, s1;
	s1 =	ssub.s32 s23, s6  }
0x17: {  	s5 =	sadd.s32 s24, s2;
	s6 =	sshrl.u32 s26, $0x2;
	s23 =	smul.u32 $0x2710, s10  }
0x18: {  	s24 =	smul.u32 $0x50, s25;
	s10 =	sadd.s32 s11, s2;
	s11 =	sadd.s32 s12, s2  }
0x19: {  	s26 =	sshrl.u32 s22, $0x2;
	s25 =	simm.s32 $0x3;
	s6 =	sadd.s32 s6, s2  }
0x1a: {  	s12 =	sadd.s32 s26, s2;
	s13 =	sadd.s32 $0x14400, s13;
	s30 =	sadd.s32 s24, s23  }
0x1b: {  	s26 =	sadd.s32 s23, s15;
	s15 =	smul.u32 $0x50, s17;
	s22 =	sshll.u32 s30, $0x4  }
0x1c: {  	[dreg:$0x3] =	wrdreg s13;
	s30 =	sadd.s32 s23, s16;
	s13 =	sadd.s32 s0, s22  }
0x1d: {  	s24 =	sshll.u32 s30, $0x4;
	s30 =	sadd.s32 s23, s15;
	s15 =	smul.u32 $0x50, s19  }
0x1e: {  	[dreg:$0x5] =	wrdreg s13;
	s13 =	sshll.u32 s26, $0x4;
	s26 =	smul.u32 $0x50, s18  }
0x1f: {  	s20 =	sadd.s32 s23, s20;
	s17 =	sadd.s32 s0, s24;
	s16 =	sadd.s32 s0, s13  }
0x20: {  	s13 =	sshll.u32 s30, $0x4;
	s24 =	sadd.s32 s23, s15;
	s14 =	sadd.s32 s23, s26  }
0x21: {  	s18 =	sadd.s32 s0, s13;
	s13 =	sshll.u32 s24, $0x4;
	s26 =	sshll.u32 s20, $0x4  }
0x22: {  	s24 =	simm.s32 $0x1A000;
	s19 =	sshll.u32 s14, $0x4;
	s14 =	sadd.s32 s23, s21  }
0x23: {  	s20 =	sadd.s32 s0, s13;
	s21 =	sadd.s32 s0, s26;
	s23 =	smax.u32 s1, $0x1  }
0x24: {  	s26 =	simm.s32 $0x1;
	s1 =	simm.s32 $0x0;
	s30 =	sshll.u32 s14, $0x4  }
0x25: {  	v0 =	vimm.f32 $0.0e+00;
	s19 =	sadd.s32 s0, s19;
	s22 =	sadd.s32 s0, s30;
	s0 =	simm.s32 $0x1C800  }
.LBB2_1:
0x26: {  	s13 =	sand.u32 $0xFE00, s3  }
0x27: {  	s14 =	sand.u32 $0x70, s3;
	s30 =	sshrl.u32 s13, $0x2  }
0x28: {  	s13 =	simm.s32 $0x40;
	s14 =	sor.u32 s14, s30;
	s30 =	simm.s32 $0x0  }
.LBB2_2:
0x29: {  	p1 =	sne.s32 s13, $0x9FC0  }
0x2a: {  	[tilespmem:s14+$0x1A000] =	vst v0;
	s30 =	sadd.s32 $0x10, s30;
	s14 =	smov.u32 s13;
	s13 =	sadd.s32 $0x40, s13  }
.Ltmp0:
0x2b: {  	(pc) =	sbr.rel @p1 .LBB2_2-.Ltmp0, $4  }
0x2c: {  	_ = 	snop  }
0x2d: {  	s14 =	sand.u32 $0xFE00, s14  }
0x2e: {  	s15 =	sand.u32 $0x70, s30;
	s14 =	sshrl.u32 s14, $0x2  }
0x2f: {  	s14 =	sor.u32 s15, s14  }
0x30: {  	[tilespmem:s14+$0x1A000] =	vst v0  }
0x31: {  	[spmem:s5] =	stream.linear.scatter [tilespmem:s24], [sflag:$0x3], $0x2800, $0x38;
	[tilespmem:$0x1F000] =	vst v63  }
0x32: {  	_ =	swait.ge [sflag:s25], $0x2800  }
0x33: {  	[sflag:s25] =	ssyncset.done $0x0  }
0x34: {  	[sflag:s25] =	ssyncadd.s32 $0xFFFFD800  }
0x35: {  	[spmem:s6] =	stream.linear.scatter [tilespmem:s24], [sflag:$0x3], $0x2800, $0x38;
	[tilespmem:$0x1F000] =	vst v63  }
0x36: {  	_ =	swait.ge [sflag:s25], $0x2800  }
0x37: {  	[sflag:s25] =	ssyncset.done $0x0  }
0x38: {  	[sflag:s25] =	ssyncadd.s32 $0xFFFFD800  }
0x39: {  	[spmem:s7] =	stream.linear.scatter [tilespmem:s24], [sflag:$0x3], $0x2800, $0x38;
	[tilespmem:$0x1F000] =	vst v63  }
0x3a: {  	_ =	swait.ge [sflag:s25], $0x2800  }
0x3b: {  	[sflag:s25] =	ssyncset.done $0x0  }
0x3c: {  	[sflag:s25] =	ssyncadd.s32 $0xFFFFD800  }
0x3d: {  	[spmem:s8] =	stream.linear.scatter [tilespmem:s24], [sflag:$0x3], $0x2800, $0x38;
	[tilespmem:$0x1F000] =	vst v63  }
0x3e: {  	_ =	swait.ge [sflag:s25], $0x2800  }
0x3f: {  	[sflag:s25] =	ssyncset.done $0x0  }
0x40: {  	[sflag:s25] =	ssyncadd.s32 $0xFFFFD800  }
0x41: {  	[spmem:s9] =	stream.linear.scatter [tilespmem:s24], [sflag:$0x3], $0x2800, $0x38;
	[tilespmem:$0x1F000] =	vst v63  }
0x42: {  	_ =	swait.ge [sflag:s25], $0x2800  }
0x43: {  	[sflag:s25] =	ssyncset.done $0x0  }
0x44: {  	[sflag:s25] =	ssyncadd.s32 $0xFFFFD800  }
0x45: {  	[spmem:s10] =	stream.linear.scatter [tilespmem:s24], [sflag:$0x3], $0x2800, $0x38;
	[tilespmem:$0x1F000] =	vst v63  }
0x46: {  	_ =	swait.ge [sflag:s25], $0x2800  }
0x47: {  	[sflag:s25] =	ssyncset.done $0x0  }
0x48: {  	[sflag:s25] =	ssyncadd.s32 $0xFFFFD800  }
0x49: {  	[spmem:s11] =	stream.linear.scatter [tilespmem:s24], [sflag:$0x3], $0x2800, $0x38;
	[tilespmem:$0x1F000] =	vst v63  }
0x4a: {  	_ =	swait.ge [sflag:s25], $0x2800  }
0x4b: {  	[sflag:s25] =	ssyncset.done $0x0  }
0x4c: {  	s13 =	simm.s32 @!p0 $0x1A000;
	[sflag:s25] =	ssyncadd.s32 $0xFFFFD800  }
0x4d: {  	[spmem:s12] =	stream.linear.scatter @!p0 [tilespmem:s13], [sflag:$0x3], $0x2800, $0x38;
	[tilespmem:$0x1F000] =	vst v63  }
0x4e: {  	s13 =	simm.s32 @!p0 $0x3  }
0x4f: {  	_ =	swait.ge @!p0 [sflag:s13], $0x2800  }
0x50: {  	[sflag:s13] =	ssyncset.done @!p0 $0x0  }
0x51: {  	[sflag:s13] =	ssyncadd.s32 @!p0 $0xFFFFD800  }
0x52: {  	[bflag:$0x0] =	sbarrier.arrive $0xFFFF  }
0x53: {  	s14 =	simm.s32 $0x80;
	s15 =	simm.s32 $0x400;
	s13 =	rddreg [dreg:$0x3]  }
0x54: {  	[tilespmem:s29], [sflag:$0x3] =	stream.strided.gather [hbm4b:s13+s14], $0x2780, s15, s14, $0x38;
	[tilespmem:$0x1F000] =	vst v63  }
0x55: {  	_ =	swait.ge [sflag:s25], $0x2780  }
0x56: {  	s13 =	simm.s32 $0x0;
	[sflag:s25] =	ssyncset.done $0x0  }
0x57: {  	s15 =	simm.s32 $0x16000;
	s14 =	rddreg [dreg:$0x4];
	[sflag:s25] =	ssyncadd.s32 $0xFFFFD880  }
0x58: {  	[tilespmem:s15], [sflag:$0x3] =	stream.linear.gather [hbm4b:s14+s13], $0x3E80, $0x38;
	[tilespmem:$0x1F000] =	vst v63  }
0x59: {  	_ =	swait.ge [sflag:s25], $0x3E80  }
0x5a: {  	[sflag:s25] =	ssyncset.done $0x0  }
0x5b: {  	[sflag:s25] =	ssyncadd.s32 $0xFFFFC180  }
0x5c: {  	[tilespmem:s24], [sflag:$0x1] =	stream.indirect.gather [hbm4b:s4+s31], $0x80, s29, s31, $0xb8;
	[tilespmem:$0x1F000] =	vst v63  }
0x5d: {  	s14 =	simm.s32 $0x138D0  }
0x5e: {  	[tilespmem:s0], [sflag:$0x2] =	stream.indirect.gather [hbm4b:s4+s31], $0x80, s14, s31, $0xb8;
	[tilespmem:$0x1F000] =	vst v63  }
0x5f: {  	_ =	swait.ge [sflag:s26], $0x2800  }
0x60: {  	[sflag:s26] =	ssyncset.done $0x0  }
0x61: {  	s15 =	simm.s32 $0x16000;
	[sflag:s26] =	ssyncadd.s32 $0xFFFFD800  }
0x62: {  	[spmem:s2] =	stream.indirect.scatter.add.f32 [tilespmem:s24], [sflag:$0x3], $0x80, s15, s31, $0xb8;
	[tilespmem:$0x1F000] =	vst v63  }
0x63: {  	_ =	swait.ge [sflag:s25], $0x2800  }
0x64: {  	[sflag:s25] =	ssyncset.done $0x0  }
0x65: {  	s14 =	simm.s32 $0x13920;
	[sflag:s25] =	ssyncadd.s32 $0xFFFFD800  }
0x66: {  	[tilespmem:s24], [sflag:$0x1] =	stream.indirect.gather [hbm4b:s4+s31], $0x80, s14, s31, $0xb8;
	[tilespmem:$0x1F000] =	vst v63  }
0x67: {  	_ =	swait.ge [sflag:s28], $0x2800  }
0x68: {  	[sflag:s28] =	ssyncset.done $0x0  }
0x69: {  	s15 =	simm.s32 $0x16080;
	[sflag:s28] =	ssyncadd.s32 $0xFFFFD800  }
0x6a: {  	[spmem:s2] =	stream.indirect.scatter.add.f32 [tilespmem:s0], [sflag:$0x3], $0x80, s15, s31, $0xb8;
	[tilespmem:$0x1F000] =	vst v63  }
0x6b: {  	_ =	swait.ge [sflag:s25], $0x2800  }
0x6c: {  	s30 =	simm.s32 $0x139C0;
	[sflag:s25] =	ssyncset.done $0x0  }
0x6d: {  	s13 =	simm.s32 $0x400;
	s14 =	simm.s32 $0x13970;
	[sflag:s25] =	ssyncadd.s32 $0xFFFFD800  }
.LBB2_4:
0x6e: {  	[tilespmem:s0], [sflag:$0x2] =	stream.indirect.gather [hbm4b:s4+s31], $0x80, s14, s31, $0xb8;
	[tilespmem:$0x1F000] =	vst v63  }
0x6f: {  	s14 =	smov.u32 s13  }
0x70: {  	p1 =	sne.s32 s13, $0xF000;
	s13 =	sadd.s32 $0x400, s13;
	_ =	swait.ge [sflag:s26], $0x2800  }
0x71: {  	s14 =	sshra.s32 s14, $0x2;
	[sflag:s26] =	ssyncset.done $0x0  }
0x72: {  	s15 =	sadd.s32 $0x16000, s14;
	[sflag:s26] =	ssyncadd.s32 $0xFFFFD800  }
0x73: {  	[spmem:s2] =	stream.indirect.scatter.add.f32 [tilespmem:s24], [sflag:$0x3], $0x80, s15, s31, $0xb8;
	[tilespmem:$0x1F000] =	vst v63  }
0x74: {  	_ =	swait.ge [sflag:s25], $0x2800  }
0x75: {  	[sflag:s25] =	ssyncset.done $0x0  }
0x76: {  	[sflag:s25] =	ssyncadd.s32 $0xFFFFD800  }
0x77: {  	[tilespmem:s24], [sflag:$0x1] =	stream.indirect.gather [hbm4b:s4+s31], $0x80, s30, s31, $0xb8;
	[tilespmem:$0x1F000] =	vst v63  }
0x78: {  	_ =	swait.ge [sflag:s28], $0x2800  }
0x79: {  	[sflag:s28] =	ssyncset.done $0x0  }
.Ltmp1:
0x7a: {  	s14 =	sadd.s32 $0x16080, s14;
	[sflag:s28] =	ssyncadd.s32 $0xFFFFD800;
	(pc) =	sbr.rel @p1 .LBB2_4-.Ltmp1, $4  }
0x7b: {  	[spmem:s2] =	stream.indirect.scatter.add.f32 [tilespmem:s0], [sflag:$0x3], $0x80, s14, s31, $0xb8;
	[tilespmem:$0x1F000] =	vst v63  }
0x7c: {  	_ =	swait.ge [sflag:s25], $0x2800  }
0x7d: {  	[sflag:s25] =	ssyncset.done $0x0  }
0x7e: {  	s14 =	sadd.s32 $0x50, s30;
	s30 =	sadd.s32 $0xA0, s30;
	[sflag:s25] =	ssyncadd.s32 $0xFFFFD800  }
0x7f: {  	[tilespmem:s0], [sflag:$0x2] =	stream.indirect.gather [hbm4b:s4+s31], $0x80, s14, s31, $0xb8;
	[tilespmem:$0x1F000] =	vst v63  }
0x80: {  	_ =	swait.ge [sflag:s26], $0x2800  }
0x81: {  	[sflag:s26] =	ssyncset.done $0x0  }
0x82: {  	s13 =	simm.s32 $0x19D00;
	[sflag:s26] =	ssyncadd.s32 $0xFFFFD800  }
0x83: {  	[spmem:s2] =	stream.indirect.scatter.add.f32 [tilespmem:s24], [sflag:$0x3], $0x80, s13, s31, $0xb8;
	[tilespmem:$0x1F000] =	vst v63  }
0x84: {  	_ =	swait.ge [sflag:s25], $0x2800  }
0x85: {  	[sflag:s25] =	ssyncset.done $0x0  }
0x86: {  	[sflag:s25] =	ssyncadd.s32 $0xFFFFD800  }
0x87: {  	[tilespmem:s24], [sflag:$0x1] =	stream.indirect.gather [hbm4b:s4+s31], $0x80, s30, s31, $0xb8;
	[tilespmem:$0x1F000] =	vst v63  }
0x88: {  	_ =	swait.ge [sflag:s28], $0x2800  }
0x89: {  	[sflag:s28] =	ssyncset.done $0x0  }
0x8a: {  	s14 =	simm.s32 $0x19D80;
	[sflag:s28] =	ssyncadd.s32 $0xFFFFD800  }
0x8b: {  	[spmem:s2] =	stream.indirect.scatter.add.f32 [tilespmem:s0], [sflag:$0x3], $0x80, s14, s31, $0xb8;
	[tilespmem:$0x1F000] =	vst v63  }
0x8c: {  	_ =	swait.ge [sflag:s25], $0x2800  }
0x8d: {  	[sflag:s25] =	ssyncset.done $0x0  }
0x8e: {  	[sflag:s25] =	ssyncadd.s32 $0xFFFFD800  }
0x8f: {  	_ =	swait.ge [sflag:s26], $0x2800  }
0x90: {  	[sflag:s26] =	ssyncset.done $0x0  }
0x91: {  	s15 =	simm.s32 $0x19E00;
	[sflag:s26] =	ssyncadd.s32 $0xFFFFD800  }
0x92: {  	[spmem:s2] =	stream.indirect.scatter.add.f32 [tilespmem:s24], [sflag:$0x3], $0x80, s15, s31, $0xb8;
	[tilespmem:$0x1F000] =	vst v63  }
0x93: {  	_ =	swait.ge [sflag:s25], $0x2800  }
0x94: {  	[sflag:s25] =	ssyncset.done $0x0  }
0x95: {  	[sflag:s25] =	ssyncadd.s32 $0xFFFFD800  }
0x96: {  	[bflag:$0x0] =	sbarrier.arrive $0xFFFF  }
0x97: {  	[tilespmem:s24], [sflag:$0x3] =	stream.linear.gather [spmem:s5], $0x2800, $0x38;
	[tilespmem:$0x1F000] =	vst v63  }
0x98: {  	_ =	swait.ge [sflag:s25], $0x2800  }
0x99: {  	[sflag:s25] =	ssyncset.done $0x0  }
0x9a: {  	s30 =	rddreg [dreg:$0x5];
	[sflag:s25] =	ssyncadd.s32 $0xFFFFD800  }
0x9b: {  	[hbm4b:s30+s3] =	stream.linear.scatter [tilespmem:s24], [sflag:$0x3], $0x2800, $0x38;
	[tilespmem:$0x1F000] =	vst v63  }
0x9c: {  	_ =	swait.ge [sflag:s25], $0x2800  }
0x9d: {  	[sflag:s25] =	ssyncset.done $0x0  }
0x9e: {  	[sflag:s25] =	ssyncadd.s32 $0xFFFFD800  }
0x9f: {  	[tilespmem:s24], [sflag:$0x3] =	stream.linear.gather [spmem:s6], $0x2800, $0x38;
	[tilespmem:$0x1F000] =	vst v63  }
0xa0: {  	_ =	swait.ge [sflag:s25], $0x2800  }
0xa1: {  	[sflag:s25] =	ssyncset.done $0x0  }
0xa2: {  	[sflag:s25] =	ssyncadd.s32 $0xFFFFD800  }
0xa3: {  	[hbm4b:s16+s3] =	stream.linear.scatter [tilespmem:s24], [sflag:$0x3], $0x2800, $0x38;
	[tilespmem:$0x1F000] =	vst v63  }
0xa4: {  	_ =	swait.ge [sflag:s25], $0x2800  }
0xa5: {  	[sflag:s25] =	ssyncset.done $0x0  }
0xa6: {  	[sflag:s25] =	ssyncadd.s32 $0xFFFFD800  }
0xa7: {  	[tilespmem:s24], [sflag:$0x3] =	stream.linear.gather [spmem:s7], $0x2800, $0x38;
	[tilespmem:$0x1F000] =	vst v63  }
0xa8: {  	_ =	swait.ge [sflag:s25], $0x2800  }
0xa9: {  	[sflag:s25] =	ssyncset.done $0x0  }
0xaa: {  	[sflag:s25] =	ssyncadd.s32 $0xFFFFD800  }
0xab: {  	[hbm4b:s17+s3] =	stream.linear.scatter [tilespmem:s24], [sflag:$0x3], $0x2800, $0x38;
	[tilespmem:$0x1F000] =	vst v63  }
0xac: {  	_ =	swait.ge [sflag:s25], $0x2800  }
0xad: {  	[sflag:s25] =	ssyncset.done $0x0  }
0xae: {  	[sflag:s25] =	ssyncadd.s32 $0xFFFFD800  }
0xaf: {  	[tilespmem:s24], [sflag:$0x3] =	stream.linear.gather [spmem:s8], $0x2800, $0x38;
	[tilespmem:$0x1F000] =	vst v63  }
0xb0: {  	_ =	swait.ge [sflag:s25], $0x2800  }
0xb1: {  	[sflag:s25] =	ssyncset.done $0x0  }
0xb2: {  	[sflag:s25] =	ssyncadd.s32 $0xFFFFD800  }
0xb3: {  	[hbm4b:s18+s3] =	stream.linear.scatter [tilespmem:s24], [sflag:$0x3], $0x2800, $0x38;
	[tilespmem:$0x1F000] =	vst v63  }
0xb4: {  	_ =	swait.ge [sflag:s25], $0x2800  }
0xb5: {  	[sflag:s25] =	ssyncset.done $0x0  }
0xb6: {  	[sflag:s25] =	ssyncadd.s32 $0xFFFFD800  }
0xb7: {  	[tilespmem:s24], [sflag:$0x3] =	stream.linear.gather [spmem:s9], $0x2800, $0x38;
	[tilespmem:$0x1F000] =	vst v63  }
0xb8: {  	_ =	swait.ge [sflag:s25], $0x2800  }
0xb9: {  	[sflag:s25] =	ssyncset.done $0x0  }
0xba: {  	[sflag:s25] =	ssyncadd.s32 $0xFFFFD800  }
0xbb: {  	[hbm4b:s19+s3] =	stream.linear.scatter [tilespmem:s24], [sflag:$0x3], $0x2800, $0x38;
	[tilespmem:$0x1F000] =	vst v63  }
0xbc: {  	_ =	swait.ge [sflag:s25], $0x2800  }
0xbd: {  	[sflag:s25] =	ssyncset.done $0x0  }
0xbe: {  	[sflag:s25] =	ssyncadd.s32 $0xFFFFD800  }
0xbf: {  	[tilespmem:s24], [sflag:$0x3] =	stream.linear.gather [spmem:s10], $0x2800, $0x38;
	[tilespmem:$0x1F000] =	vst v63  }
0xc0: {  	_ =	swait.ge [sflag:s25], $0x2800  }
0xc1: {  	[sflag:s25] =	ssyncset.done $0x0  }
0xc2: {  	[sflag:s25] =	ssyncadd.s32 $0xFFFFD800  }
0xc3: {  	[hbm4b:s20+s3] =	stream.linear.scatter [tilespmem:s24], [sflag:$0x3], $0x2800, $0x38;
	[tilespmem:$0x1F000] =	vst v63  }
0xc4: {  	_ =	swait.ge [sflag:s25], $0x2800  }
0xc5: {  	[sflag:s25] =	ssyncset.done $0x0  }
0xc6: {  	[sflag:s25] =	ssyncadd.s32 $0xFFFFD800  }
0xc7: {  	[tilespmem:s24], [sflag:$0x3] =	stream.linear.gather [spmem:s11], $0x2800, $0x38;
	[tilespmem:$0x1F000] =	vst v63  }
0xc8: {  	_ =	swait.ge [sflag:s25], $0x2800  }
0xc9: {  	[sflag:s25] =	ssyncset.done $0x0  }
0xca: {  	[sflag:s25] =	ssyncadd.s32 $0xFFFFD800  }
0xcb: {  	[hbm4b:s21+s3] =	stream.linear.scatter [tilespmem:s24], [sflag:$0x3], $0x2800, $0x38;
	[tilespmem:$0x1F000] =	vst v63  }
0xcc: {  	_ =	swait.ge [sflag:s25], $0x2800  }
0xcd: {  	[sflag:s25] =	ssyncset.done $0x0  }
0xce: {  	s13 =	simm.s32 @!p0 $0x1A000;
	s14 =	simm.s32 @!p0 $0x3;
	[sflag:s25] =	ssyncadd.s32 $0xFFFFD800  }
0xcf: {  	[tilespmem:s13], [sflag:$0x3] =	stream.linear.gather @!p0 [spmem:s12], $0x2800, $0x38;
	[tilespmem:$0x1F000] =	vst v63  }
0xd0: {  	s1 =	sadd.s32 $0x1, s1;
	_ =	swait.ge @!p0 [sflag:s14], $0x2800  }
0xd1: {  	p1 =	sne.s32 s1, s23;
	[sflag:s14] =	ssyncset.done @!p0 $0x0  }
.Ltmp2:
0xd2: {  	s15 =	simm.s32 @!p0 $0x0;
	[sflag:s14] =	ssyncadd.s32 @!p0 $0xFFFFD800;
	(pc) =	sbr.rel @p1 .LBB2_1-.Ltmp2, $4  }
0xd3: {  	[hbm4b:s22+s15] =	stream.linear.scatter @!p0 [tilespmem:s13], [sflag:$0x3], $0x2800, $0x38;
	[tilespmem:$0x1F000] =	vst v63  }
0xd4: {  	_ =	swait.ge @!p0 [sflag:s14], $0x2800  }
0xd5: {  	[sflag:s14] =	ssyncset.done @!p0 $0x0  }
0xd6: {  	[sflag:s14] =	ssyncadd.s32 @!p0 $0xFFFFD800  }
0xd7: {  	_ =	sfence.sel $0x180000  }
0xd8: {  	[bflag:$0x0] =	sbarrier.arrive $0xFFFF  }
0xd9: {  	_ =	strace $0x9000004D  }
0xda: {  	s0 =	stileid.u32;
	[bflag:$0x2] =	sbarrier.arrive $0xFFFF  }
0xdb: {  	p0 =	sne.s32 s0, $0x0;
	s0 =	rddreg [dreg:$0x2]  }
0xdc: {  	s0 =	sadd.s32 @!p0 $0x100000, s0  }
0xdd: {  	[sflag:s0] =	ssyncadd.tile.s32 @!p0 $0x1;
	_ =	shalt  }
.Lfunc_end2:
_tile_overlayer_lowered:
.L_overlay_start_2:
0xde: {  	(tag) =	ssettag $0x2  }
0xdf: {  	s0 =	rddreg [dreg:$0x0];
	s2 =	stileid.u32  }
0xe0: {  	s1 =	rddreg [dreg:$0x1];
	p0 =	sne.s32 s2, $0x0  }
0xe1: {  	s3 =	rddreg [dreg:$0x2];
	[bflag:$0x3] =	sbarrier.arrive $0xFFFF;
	s2 =	simm.s32 @!p0 $0x1C03  }
0xe2: {  	[timem:s3], [sflag:s2] =	dma.local @!p0 [hbm:s0], s1  }
0xe3: {  	s0 =	simm.s32 @!p0 $0x3  }
0xe4: {  	_ =	swait.ge @!p0 [sflag:s0], s1  }
0xe5: {  	s1 =	ssub.s32 @!p0 $0x0, s1;
	[sflag:s0] =	ssyncset.done @!p0 $0x0  }
0xe6: {  	[sflag:s0] =	ssyncadd.s32 @!p0 s1  }
0xe7: {  	[bflag:$0x3] =	sbarrier.arrive $0xFFFF  }
0xe8: {  	_ =	shalt  }

// kernel: kernel.19.cloned.1.call-start
scs
__scs_entry_jumppad:
0x0: {  	(pc) =	sbr.rel $0x88, $3  }
0x1: {  	(tag) =	ssettag $0x0;
	lr =	simm.s32 $0x1  }
0x2: {  	[smem:$0x3F96] =	sst lr;
	_ =	strace $0xD0000000  }
0x3: {  	_ = 	snop  }
0x4: {  	_ = 	snop  }
0x5: {  	_ = 	snop  }
0x6: {  	_ = 	snop  }
0x7: {  	_ = 	snop  }
__scs_overlays_trampoline_lowered:
0x8: {  	[smem:$0x3FA5] =	sst s0  }
0x9: {  	[smem:$0x3FA6] =	sst s1  }
0xa: {  	[smem:$0x3FA7] =	sst s2  }
0xb: {  	[smem:$0x3FA8] =	sst s3  }
0xc: {  	[smem:$0x3FA9] =	sst s4  }
0xd: {  	[smem:$0x3FAA] =	sst s5  }
0xe: {  	[smem:$0x3FAB] =	sst s6  }
0xf: {  	[smem:$0x3FAC] =	sst s7  }
0x10: {  	[smem:$0x3FAD] =	sst s8  }
0x11: {  	[smem:$0x3FAE] =	sst s9;
	s0 =	simm.s32 @!p0 $0x0  }
0x12: {  	s1 =	sld [smem:$0x3F94];
	s0 =	simm.s32 @p0 $0x1  }
0x13: {  	[smem:$0x3FAF] =	sst s0;
	s0 =	simm.s32 @!p1 $0x0  }
0x14: {  	s2 =	sld [smem:$0x3F93];
	s0 =	simm.s32 @p1 $0x1  }
0x15: {  	[smem:$0x3FB0] =	sst s0;
	s0 =	simm.s32 @!p2 $0x0  }
0x16: {  	s3 =	sld [smem:$0x3FDB];
	s0 =	simm.s32 @p2 $0x1  }
0x17: {  	s4 =	simm.s32 $0x1BF5;
	[smem:$0x3FB2] =	sst s0  }
0x18: {  	s0 =	sld [smem:$0x3F95];
	_ =	swait.ge [sflag:s4], $0x0  }
0x19: {  	s7 =	sld [smem:$0x3F96]  }
0x1a: {  	s8 =	sadd.s32 $0xFFFFE003, lr  }
0x1b: {  	s9 =	sadd.s32 $0xFFFFFEF7, lr;
	s5 =	simm.s32 $0xFFFFFFFF;
	p2 =	slt.u32 s8, $0xFFFFF086  }
0x1c: {  	p1 =	slt.u32 s9, $0xF7A;
	s5 =	simm.s32 @!p2 $0x0  }
0x1d: {  	s5 =	simm.s32 @p1 $0x1;
	p0 =	seq.s32 s7, s2  }
0x1e: {  	s7 =	smul.u32 @!p0 $0xF7A, s2;
	p2 =	seq.s32 @!p0 s5, $0x0  }
0x1f: {  	s9 =	smul.u32 $0xF7A, s1;
	s8 =	simm.s32 @!p0 $0x1BF5;
	p2 =	por !p2, p0  }
0x20: {  	[sflag:s8] =	ssyncset.s32 @!p0 $0xFFFFF086;
	s6 =	sadd.s32 @!p0 s3, s7;
	s7 =	simm.s32 @!p0 $0x108  }
0x21: {  	s3 =	sadd.s32 s3, s9;
	s6 =	sadd.s32 @!p0 $0x88, s6;
	s7 =	simm.s32 @p2 $0x1082  }
0x22: {  	[simem:s7], [sflag:s8] =	dma.local @!p0 [hbm:s6], $0xF7A  }
0x23: {  	s9 =	sor.u32 $0xD0000000, s2;
	s6 =	simm.s32 $0x108;
	_ =	swait.ge @!p0 [sflag:s8], $0x0  }
0x24: {  	s3 =	sadd.s32 $0x88, s3;
	s6 =	simm.s32 @!p1 $0x1082;
	[sflag:s4] =	ssyncset.s32 $0xFFFFF086  }
0x25: {  	[simem:s6], [sflag:s4] =	dma.local [hbm:s3], $0xF7A  }
0x26: {  	[smem:$0x3F96] =	sst s1;
	(tag) =	ssettag s2;
	_ =	strace s9  }
0x27: {  	s1 =	sld [smem:$0x3FA6]  }
0x28: {  	s2 =	sld [smem:$0x3FA7]  }
0x29: {  	s4 =	sld [smem:$0x3FA9]  }
0x2a: {  	p0 =	seq.s32 s5, $0x0;
	s5 =	sld [smem:$0x3FAA]  }
0x2b: {  	s6 =	sld [smem:$0x3FAB]  }
0x2c: {  	s7 =	sld [smem:$0x3FAC]  }
0x2d: {  	s3 =	simm.s32 $0x108;
	s8 =	sld [smem:$0x3FAD]  }
0x2e: {  	s3 =	simm.s32 @!p0 $0x1082;
	s9 =	sld [smem:$0x3FAE]  }
0x2f: {  	lr =	sadd.s32 s0, s3;
	s0 =	sld [smem:$0x3FA5]  }
0x30: {  	s3 =	sld [smem:$0x3FA8]  }
0x31: {  	[smem:$0x3FB1] =	sst s10  }
0x32: {  	s10 =	sld [smem:$0x3FAF];
	_ =	sdelay $0x3  }
0x33: {  	p0 =	seq.s32 s10, $0x1;
	s10 =	sld [smem:$0x3FB1];
	_ =	sdelay $0x3  }
0x34: {  	[smem:$0x3FB1] =	sst s10  }
0x35: {  	s10 =	sld [smem:$0x3FB0];
	_ =	sdelay $0x3  }
0x36: {  	p1 =	seq.s32 s10, $0x1;
	s10 =	sld [smem:$0x3FB1];
	_ =	sdelay $0x3  }
0x37: {  	[smem:$0x3FB1] =	sst s10  }
0x38: {  	s10 =	sld [smem:$0x3FB2]  }
0x39: {  	_ = 	snop;
	(pc) =	sbr.ind lr, $3  }
0x3a: {  	_ = 	snop  }
0x3b: {  	_ = 	snop  }
0x3c: {  	p2 =	seq.s32 s10, $0x1;
	s10 =	sld [smem:$0x3FB1]  }
0x3d: {  	_ =	shalt  }
0x3e: {  	_ =	shalt  }
0x3f: {  	_ =	shalt  }
0x40: {  	_ =	shalt  }
0x41: {  	_ =	shalt  }
0x42: {  	_ =	shalt  }
0x43: {  	_ =	shalt  }
0x44: {  	_ =	shalt  }
0x45: {  	_ =	shalt  }
0x46: {  	_ =	shalt  }
0x47: {  	_ =	shalt  }
0x48: {  	_ =	shalt  }
0x49: {  	_ =	shalt  }
0x4a: {  	_ =	shalt  }
0x4b: {  	_ =	shalt  }
0x4c: {  	_ =	shalt  }
0x4d: {  	_ =	shalt  }
0x4e: {  	_ =	shalt  }
0x4f: {  	_ =	shalt  }
0x50: {  	_ =	shalt  }
0x51: {  	_ =	shalt  }
0x52: {  	_ =	shalt  }
0x53: {  	_ =	shalt  }
0x54: {  	_ =	shalt  }
0x55: {  	_ =	shalt  }
0x56: {  	_ =	shalt  }
0x57: {  	_ =	shalt  }
0x58: {  	_ =	shalt  }
0x59: {  	_ =	shalt  }
0x5a: {  	_ =	shalt  }
0x5b: {  	_ =	shalt  }
0x5c: {  	_ =	shalt  }
0x5d: {  	_ =	shalt  }
0x5e: {  	_ =	shalt  }
0x5f: {  	_ =	shalt  }
0x60: {  	_ =	shalt  }
0x61: {  	_ =	shalt  }
0x62: {  	_ =	shalt  }
0x63: {  	_ =	shalt  }
0x64: {  	_ =	shalt  }
0x65: {  	_ =	shalt  }
0x66: {  	_ =	shalt  }
0x67: {  	_ =	shalt  }
0x68: {  	_ =	shalt  }
0x69: {  	_ =	shalt  }
0x6a: {  	_ =	shalt  }
0x6b: {  	_ =	shalt  }
0x6c: {  	_ =	shalt  }
0x6d: {  	_ =	shalt  }
0x6e: {  	_ =	shalt  }
0x6f: {  	_ =	shalt  }
0x70: {  	_ =	shalt  }
0x71: {  	_ =	shalt  }
0x72: {  	_ =	shalt  }
0x73: {  	_ =	shalt  }
0x74: {  	_ =	shalt  }
0x75: {  	_ =	shalt  }
0x76: {  	_ =	shalt  }
0x77: {  	_ =	shalt  }
0x78: {  	_ =	shalt  }
0x79: {  	_ =	shalt  }
0x7a: {  	_ =	shalt  }
0x7b: {  	_ =	shalt  }
0x7c: {  	_ =	shalt  }
0x7d: {  	_ =	shalt  }
0x7e: {  	_ =	shalt  }
0x7f: {  	_ =	shalt  }
0x80: {  	_ =	shalt  }
0x81: {  	_ =	shalt  }
0x82: {  	_ =	shalt  }
0x83: {  	_ =	shalt  }
0x84: {  	_ =	shalt  }
0x85: {  	_ =	shalt  }
0x86: {  	_ =	shalt  }
0x87: {  	_ =	shalt  }
.Lfunc_end0:
.L_simem_size_0:
called_computation.3_lowered:
.L_overlay_start_0:
0x88: {  	s2 =	sld [smem:$0x3FD9]  }
0x89: {  	s3 =	sld [smem:$0x3FFE];
	_ =	sdelay $0x1  }
0x8a: {  	s1 =	srdreg.scid  }
0x8b: {  	s0 =	sand.u32 $0x1, s1  }
0x8c: {  	s16 =	sshll.u32 s0, $0xA;
	s2 =	sadd.s32 s3, s2  }
0x8d: {  	s2 =	sadd.s32 s2, s16  }
0x8e: {  	[smem:$0x3FBD] =	sst s2  }
0x8f: {  	_ = 	snop  }
0x90: {  	(tm) =	ssettm $0x1  }
0x91: {  	s17 =	sld [smem:$0x3FFB];
	_ =	sdelay $0x3  }
0x92: {  	_ =	strace s17  }
0x93: {  	s2 =	sld [smem:$0x3FFC];
	_ =	sdelay $0x3  }
0x94: {  	_ =	strace s2  }
0x95: {  	s2 =	sld [smem:$0x3FFD];
	_ =	sdelay $0x3  }
0x96: {  	_ =	strace s2  }
0x97: {  	_ =	strace $0x8FFFFFFF  }
0x98: {  	s18 =	sld [smem:$0x3FDB];
	_ =	sdelay $0x1  }
0x99: {  	s19 =	simm.s32 $_scs_section_size  }
0x9a: {  	s4 =	simm.s32 $_size__tile_overlayer_lowered;
	s5 =	simm.s32 $_tile_overlayer_lowered  }
0x9b: {  	s22 =	simm.s32 $0x1BFF;
	s21 =	sshll.u32 s5, $0x1;
	s2 =	sadd.s32 s19, s18  }
0x9c: {  	s6 =	simm.s32 $0x0;
	s20 =	sshll.u32 s4, $0x1;
	s4 =	sadd.s32 s21, s2  }
0x9d: {  	[timem:s6], [sflag:s22] =	dma.local [hbm:s4], s20  }
0x9e: {  	_ =	swait.ge [sflag:s22], s20  }
0x9f: {  	s3 =	ssub.s32 $0x0, s20;
	[sflag:s22] =	ssyncset.done $0x0  }
0xa0: {  	[sflag:s22] =	ssyncadd.s32 s3;
	_ =	sdelay $0x1  }
0xa1: {  	s23 =	simm.s32 $0x1B8B  }
0xa2: {  	_ =	swait.ge [sflag:s23], $0x1  }
0xa3: {  	[sflag:s23] =	ssyncset.done $0x0  }
0xa4: {  	s25 =	simm.s32 $0x1B8E;
	s24 =	sld [smem:$0x3FFE];
	[sflag:s23] =	ssyncadd.s32 $0xFFFFFFFF  }
0xa5: {  	s26 =	simm.s32 $execute0_lowered;
	[smem:$0x3FD2] =	sst s25  }
0xa6: {  	s4 =	sshll.u32 s26, $0x1;
	_ =	strace $0x8000004F;
	[dreg:$0x1] =	wrdreg $0xFFFFFFFF  }
0xa7: {  	s28 =	simm.s32 $_size_execute0_lowered;
	s2 =	sadd.s32 s2, s4;
	[dreg:$0x0] =	wrdreg $0x0  }
0xa8: {  	s4 =	sshll.u32 s28, $0x1;
	[dreg:$0x2] =	wrdreg s2  }
0xa9: {  	[dreg:$0x3] =	wrdreg s4  }
0xaa: {  	[dreg:$0x4] =	wrdreg $0xC0  }
0xab: {  	_ =	task [dreg:s6], $0x5FFFF  }
0xac: {  	[dreg:$0x1] =	wrdreg $0xFFFFFFFF  }
0xad: {  	[dreg:$0x0] =	wrdreg $0x60  }
0xae: {  	[dreg:$0x2] =	wrdreg s24  }
0xaf: {  	[dreg:$0x3] =	wrdreg $0x0  }
0xb0: {  	[dreg:$0x4] =	wrdreg $0x9  }
0xb1: {  	_ =	task.clear_ibuf [dreg:s6], $0x5FFFF;
	_ =	strace $0x9000004F  }
0xb2: {  	s29 =	simm.s32 $0x9;
	_ =	strace $0x80000051  }
0xb3: {  	_ =	swait.ge [sflag:s29], $0x1  }
0xb4: {  	[sflag:s29] =	ssyncadd.s32 $0xFFFFFFFF  }
0xb5: {  	_ =	strace $0x90000051  }
0xb6: {  	_ =	sfence  }
0xb7: {  	s30 =	sld [smem:$0x0];
	_ =	sdelay $0x2  }
0xb8: {  	s31 =	sshll.u32 s1, $0xD;
	s1 =	sshrl.u32 s1, $0x2  }
0xb9: {  	s3 =	sand.u32 $0x4000, s31;
	s1 =	sadd.s32 s1, s30  }
0xba: {  	s0 =	sor.u32 s3, s0;
	s1 =	sshll.u32 s1, $0x11  }
0xbb: {  	s0 =	sor.u32 s1, s0  }
0xbc: {  	s0 =	sadd.s32 $0x8F2B, s0  }
0xbd: {  	[sflag:s0] =	ssyncadd.remote.s32 $0x1  }
0xbe: {  	_ =	sfence.sel $0xFFFF  }
0xbf: {  	[dreg:$0x0] =	wrdreg $0xFFFFFFFF;
	(pc) =	sbr.abs _section_cstart, $3  }
0xc0: {  	[dreg:$0x1] =	wrdreg $0xFFFFFFFF  }
0xc1: {  	_ =	task.clear_ibuf [dreg:s6], $0x2FFFF;
	_ =	strace $0x9FFFFFFF  }
0xc2: {  	(tm) =	ssettm $0x7FFFFFFF  }
0xc3: {  	_ =	shalt  }
tec
execute0_lowered:
.L_overlay_start_1:
0x0: {  	(tag) =	ssettag $0x1  }
0x1: {  	s25 =	stileid.u32  }
0x2: {  	s3 =	sshrl.u32 s25, $0x2;
	s7 =	smul.u32 $0xA000, s25  }
0x3: {  	s15 =	sor.u32 $0x10, s25;
	s4 =	smul.u32 $0x13C00, s3  }
0x4: {  	s16 =	sor.u32 $0x20, s25;
	s26 =	smul.u32 $0xA000, s15  }
0x5: {  	s17 =	sor.u32 $0x30, s25;
	s30 =	smul.u32 $0xA000, s16  }
0x6: {  	s18 =	sor.u32 $0x40, s25;
	s8 =	smul.u32 $0xA000, s17  }
0x7: {  	s0 =	srdreg.scid;
	s19 =	sor.u32 $0x50, s25;
	s9 =	smul.u32 $0xA000, s18  }
0x8: {  	s10 =	sand.u32 $0x1, s0;
	s20 =	sor.u32 $0x60, s25;
	s11 =	smul.u32 $0xA000, s19  }
0x9: {  	s22 =	sshll.u32 s25, $0x1;
	s21 =	sor.u32 $0x70, s25;
	s12 =	smul.u32 $0xA000, s20  }
0xa: {  	s1 =	rddreg [dreg:$0x0];
	s0 =	sor.u32 s10, s22;
	s22 =	smul.u32 $0xA000, s21  }
0xb: {  	s2 =	rddreg [dreg:$0x1];
	s15 =	smul.u32 $0x50, s15  }
0xc: {  	s29 =	simm.s32 $0x13880;
	s31 =	simm.s32 $0x50;
	s16 =	smul.u32 $0x50, s16  }
0xd: {  	s28 =	simm.s32 $0x2;
	p0 =	sgt.u32 s25, $0xC;
	s20 =	smul.u32 $0x50, s20  }
0xe: {  	s3 =	simm.s32 $0x0;
	s23 =	ssub.s32 $0x2, s10;
	s21 =	smul.u32 $0x50, s21  }
0xf: {  	s5 =	sshll.u32 s0, $0x7;
	[smem:$0x7FF] =	sst s3;
	s0 =	sshll.u32 s0, $0xB  }
0x10: {  	s6 =	sshrl.u32 s23, $0x1;
	s24 =	sshrl.u32 s7, $0x2;
	s5 =	sand.u32 $0x380, s5  }
0x11: {  	_ =	strace $0x80000050;
	s14 =	sadd.s32 s0, s1;
	s0 =	sadd.s32 $0x6C600, s1  }
0x12: {  	s7 =	sshrl.u32 s30, $0x2;
	s8 =	sshrl.u32 s8, $0x2;
	s9 =	sshrl.u32 s9, $0x2  }
0x13: {  	s11 =	sshrl.u32 s11, $0x2;
	s12 =	sshrl.u32 s12, $0x2;
	s5 =	sor.u32 s4, s5  }
0x14: {  	s4 =	sadd.s32 $0x1E200, s1;
	s7 =	sadd.s32 s7, s2;
	s8 =	sadd.s32 s8, s2  }
0x15: {  	s9 =	sadd.s32 s9, s2;
	s14 =	sadd.s32 $0x4400, s14;
	s5 =	sshrl.u32 s5, $0x3  }
0x16: {  	[dreg:$0x4] =	wrdreg s14;
	s13 =	sadd.s32 s5, s1;
	s1 =	ssub.s32 s23, s6  }
0x17: {  	s5 =	sadd.s32 s24, s2;
	s6 =	sshrl.u32 s26, $0x2;
	s23 =	smul.u32 $0x2710, s10  }
0x18: {  	s24 =	smul.u32 $0x50, s25;
	s10 =	sadd.s32 s11, s2;
	s11 =	sadd.s32 s12, s2  }
0x19: {  	s26 =	sshrl.u32 s22, $0x2;
	s25 =	simm.s32 $0x3;
	s6 =	sadd.s32 s6, s2  }
0x1a: {  	s12 =	sadd.s32 s26, s2;
	s13 =	sadd.s32 $0x14400, s13;
	s30 =	sadd.s32 s24, s23  }
0x1b: {  	s26 =	sadd.s32 s23, s15;
	s15 =	smul.u32 $0x50, s17;
	s22 =	sshll.u32 s30, $0x4  }
0x1c: {  	[dreg:$0x3] =	wrdreg s13;
	s30 =	sadd.s32 s23, s16;
	s13 =	sadd.s32 s0, s22  }
0x1d: {  	s24 =	sshll.u32 s30, $0x4;
	s30 =	sadd.s32 s23, s15;
	s15 =	smul.u32 $0x50, s19  }
0x1e: {  	[dreg:$0x5] =	wrdreg s13;
	s13 =	sshll.u32 s26, $0x4;
	s26 =	smul.u32 $0x50, s18  }
0x1f: {  	s20 =	sadd.s32 s23, s20;
	s17 =	sadd.s32 s0, s24;
	s16 =	sadd.s32 s0, s13  }
0x20: {  	s13 =	sshll.u32 s30, $0x4;
	s24 =	sadd.s32 s23, s15;
	s14 =	sadd.s32 s23, s26  }
0x21: {  	s18 =	sadd.s32 s0, s13;
	s13 =	sshll.u32 s24, $0x4;
	s26 =	sshll.u32 s20, $0x4  }
0x22: {  	s24 =	simm.s32 $0x1A000;
	s19 =	sshll.u32 s14, $0x4;
	s14 =	sadd.s32 s23, s21  }
0x23: {  	s20 =	sadd.s32 s0, s13;
	s21 =	sadd.s32 s0, s26;
	s23 =	smax.u32 s1, $0x1  }
0x24: {  	s26 =	simm.s32 $0x1;
	s1 =	simm.s32 $0x0;
	s30 =	sshll.u32 s14, $0x4  }
0x25: {  	v0 =	vimm.f32 $0.0e+00;
	s19 =	sadd.s32 s0, s19;
	s22 =	sadd.s32 s0, s30;
	s0 =	simm.s32 $0x1C800  }
.LBB2_1:
0x26: {  	s13 =	sand.u32 $0xFE00, s3  }
0x27: {  	s14 =	sand.u32 $0x70, s3;
	s30 =	sshrl.u32 s13, $0x2  }
0x28: {  	s13 =	simm.s32 $0x40;
	s14 =	sor.u32 s14, s30;
	s30 =	simm.s32 $0x0  }
.LBB2_2:
0x29: {  	p1 =	sne.s32 s13, $0x9FC0  }
0x2a: {  	[tilespmem:s14+$0x1A000] =	vst v0;
	s30 =	sadd.s32 $0x10, s30;
	s14 =	smov.u32 s13;
	s13 =	sadd.s32 $0x40, s13  }
.Ltmp0:
0x2b: {  	(pc) =	sbr.rel @p1 .LBB2_2-.Ltmp0, $4  }
0x2c: {  	_ = 	snop  }
0x2d: {  	s14 =	sand.u32 $0xFE00, s14  }
0x2e: {  	s15 =	sand.u32 $0x70, s30;
	s14 =	sshrl.u32 s14, $0x2  }
0x2f: {  	s14 =	sor.u32 s15, s14  }
0x30: {  	[tilespmem:s14+$0x1A000] =	vst v0  }
0x31: {  	[spmem:s5] =	stream.linear.scatter [tilespmem:s24], [sflag:$0x3], $0x2800, $0x38;
	[tilespmem:$0x1F000] =	vst v63  }
0x32: {  	_ =	swait.ge [sflag:s25], $0x2800  }
0x33: {  	[sflag:s25] =	ssyncset.done $0x0  }
0x34: {  	[sflag:s25] =	ssyncadd.s32 $0xFFFFD800  }
0x35: {  	[spmem:s6] =	stream.linear.scatter [tilespmem:s24], [sflag:$0x3], $0x2800, $0x38;
	[tilespmem:$0x1F000] =	vst v63  }
0x36: {  	_ =	swait.ge [sflag:s25], $0x2800  }
0x37: {  	[sflag:s25] =	ssyncset.done $0x0  }
0x38: {  	[sflag:s25] =	ssyncadd.s32 $0xFFFFD800  }
0x39: {  	[spmem:s7] =	stream.linear.scatter [tilespmem:s24], [sflag:$0x3], $0x2800, $0x38;
	[tilespmem:$0x1F000] =	vst v63  }
0x3a: {  	_ =	swait.ge [sflag:s25], $0x2800  }
0x3b: {  	[sflag:s25] =	ssyncset.done $0x0  }
0x3c: {  	[sflag:s25] =	ssyncadd.s32 $0xFFFFD800  }
0x3d: {  	[spmem:s8] =	stream.linear.scatter [tilespmem:s24], [sflag:$0x3], $0x2800, $0x38;
	[tilespmem:$0x1F000] =	vst v63  }
0x3e: {  	_ =	swait.ge [sflag:s25], $0x2800  }
0x3f: {  	[sflag:s25] =	ssyncset.done $0x0  }
0x40: {  	[sflag:s25] =	ssyncadd.s32 $0xFFFFD800  }
0x41: {  	[spmem:s9] =	stream.linear.scatter [tilespmem:s24], [sflag:$0x3], $0x2800, $0x38;
	[tilespmem:$0x1F000] =	vst v63  }
0x42: {  	_ =	swait.ge [sflag:s25], $0x2800  }
0x43: {  	[sflag:s25] =	ssyncset.done $0x0  }
0x44: {  	[sflag:s25] =	ssyncadd.s32 $0xFFFFD800  }
0x45: {  	[spmem:s10] =	stream.linear.scatter [tilespmem:s24], [sflag:$0x3], $0x2800, $0x38;
	[tilespmem:$0x1F000] =	vst v63  }
0x46: {  	_ =	swait.ge [sflag:s25], $0x2800  }
0x47: {  	[sflag:s25] =	ssyncset.done $0x0  }
0x48: {  	[sflag:s25] =	ssyncadd.s32 $0xFFFFD800  }
0x49: {  	[spmem:s11] =	stream.linear.scatter [tilespmem:s24], [sflag:$0x3], $0x2800, $0x38;
	[tilespmem:$0x1F000] =	vst v63  }
0x4a: {  	_ =	swait.ge [sflag:s25], $0x2800  }
0x4b: {  	[sflag:s25] =	ssyncset.done $0x0  }
0x4c: {  	s13 =	simm.s32 @!p0 $0x1A000;
	[sflag:s25] =	ssyncadd.s32 $0xFFFFD800  }
0x4d: {  	[spmem:s12] =	stream.linear.scatter @!p0 [tilespmem:s13], [sflag:$0x3], $0x2800, $0x38;
	[tilespmem:$0x1F000] =	vst v63  }
0x4e: {  	s13 =	simm.s32 @!p0 $0x3  }
0x4f: {  	_ =	swait.ge @!p0 [sflag:s13], $0x2800  }
0x50: {  	[sflag:s13] =	ssyncset.done @!p0 $0x0  }
0x51: {  	[sflag:s13] =	ssyncadd.s32 @!p0 $0xFFFFD800  }
0x52: {  	[bflag:$0x0] =	sbarrier.arrive $0xFFFF  }
0x53: {  	s14 =	simm.s32 $0x80;
	s15 =	simm.s32 $0x400;
	s13 =	rddreg [dreg:$0x3]  }
0x54: {  	[tilespmem:s29], [sflag:$0x3] =	stream.strided.gather [hbm4b:s13+s14], $0x2780, s15, s14, $0x38;
	[tilespmem:$0x1F000] =	vst v63  }
0x55: {  	_ =	swait.ge [sflag:s25], $0x2780  }
0x56: {  	s13 =	simm.s32 $0x0;
	[sflag:s25] =	ssyncset.done $0x0  }
0x57: {  	s15 =	simm.s32 $0x16000;
	s14 =	rddreg [dreg:$0x4];
	[sflag:s25] =	ssyncadd.s32 $0xFFFFD880  }
0x58: {  	[tilespmem:s15], [sflag:$0x3] =	stream.linear.gather [hbm4b:s14+s13], $0x3E80, $0x38;
	[tilespmem:$0x1F000] =	vst v63  }
0x59: {  	_ =	swait.ge [sflag:s25], $0x3E80  }
0x5a: {  	[sflag:s25] =	ssyncset.done $0x0  }
0x5b: {  	[sflag:s25] =	ssyncadd.s32 $0xFFFFC180  }
0x5c: {  	[tilespmem:s24], [sflag:$0x1] =	stream.indirect.gather [hbm4b:s4+s31], $0x80, s29, s31, $0xb8;
	[tilespmem:$0x1F000] =	vst v63  }
0x5d: {  	s14 =	simm.s32 $0x138D0  }
0x5e: {  	[tilespmem:s0], [sflag:$0x2] =	stream.indirect.gather [hbm4b:s4+s31], $0x80, s14, s31, $0xb8;
	[tilespmem:$0x1F000] =	vst v63  }
0x5f: {  	_ =	swait.ge [sflag:s26], $0x2800  }
0x60: {  	[sflag:s26] =	ssyncset.done $0x0  }
0x61: {  	s15 =	simm.s32 $0x16000;
	[sflag:s26] =	ssyncadd.s32 $0xFFFFD800  }
0x62: {  	[spmem:s2] =	stream.indirect.scatter.add.f32 [tilespmem:s24], [sflag:$0x3], $0x80, s15, s31, $0xb8;
	[tilespmem:$0x1F000] =	vst v63  }
0x63: {  	_ =	swait.ge [sflag:s25], $0x2800  }
0x64: {  	[sflag:s25] =	ssyncset.done $0x0  }
0x65: {  	s14 =	simm.s32 $0x13920;
	[sflag:s25] =	ssyncadd.s32 $0xFFFFD800  }
0x66: {  	[tilespmem:s24], [sflag:$0x1] =	stream.indirect.gather [hbm4b:s4+s31], $0x80, s14, s31, $0xb8;
	[tilespmem:$0x1F000] =	vst v63  }
0x67: {  	_ =	swait.ge [sflag:s28], $0x2800  }
0x68: {  	[sflag:s28] =	ssyncset.done $0x0  }
0x69: {  	s15 =	simm.s32 $0x16080;
	[sflag:s28] =	ssyncadd.s32 $0xFFFFD800  }
0x6a: {  	[spmem:s2] =	stream.indirect.scatter.add.f32 [tilespmem:s0], [sflag:$0x3], $0x80, s15, s31, $0xb8;
	[tilespmem:$0x1F000] =	vst v63  }
0x6b: {  	_ =	swait.ge [sflag:s25], $0x2800  }
0x6c: {  	s30 =	simm.s32 $0x139C0;
	[sflag:s25] =	ssyncset.done $0x0  }
0x6d: {  	s13 =	simm.s32 $0x400;
	s14 =	simm.s32 $0x13970;
	[sflag:s25] =	ssyncadd.s32 $0xFFFFD800  }
.LBB2_4:
0x6e: {  	[tilespmem:s0], [sflag:$0x2] =	stream.indirect.gather [hbm4b:s4+s31], $0x80, s14, s31, $0xb8;
	[tilespmem:$0x1F000] =	vst v63  }
0x6f: {  	s14 =	smov.u32 s13  }
0x70: {  	p1 =	sne.s32 s13, $0xF000;
	s13 =	sadd.s32 $0x400, s13;
	_ =	swait.ge [sflag:s26], $0x2800  }
0x71: {  	s14 =	sshra.s32 s14, $0x2;
	[sflag:s26] =	ssyncset.done $0x0  }
0x72: {  	s15 =	sadd.s32 $0x16000, s14;
	[sflag:s26] =	ssyncadd.s32 $0xFFFFD800  }
0x73: {  	[spmem:s2] =	stream.indirect.scatter.add.f32 [tilespmem:s24], [sflag:$0x3], $0x80, s15, s31, $0xb8;
	[tilespmem:$0x1F000] =	vst v63  }
0x74: {  	_ =	swait.ge [sflag:s25], $0x2800  }
0x75: {  	[sflag:s25] =	ssyncset.done $0x0  }
0x76: {  	[sflag:s25] =	ssyncadd.s32 $0xFFFFD800  }
0x77: {  	[tilespmem:s24], [sflag:$0x1] =	stream.indirect.gather [hbm4b:s4+s31], $0x80, s30, s31, $0xb8;
	[tilespmem:$0x1F000] =	vst v63  }
0x78: {  	_ =	swait.ge [sflag:s28], $0x2800  }
0x79: {  	[sflag:s28] =	ssyncset.done $0x0  }
.Ltmp1:
0x7a: {  	s14 =	sadd.s32 $0x16080, s14;
	[sflag:s28] =	ssyncadd.s32 $0xFFFFD800;
	(pc) =	sbr.rel @p1 .LBB2_4-.Ltmp1, $4  }
0x7b: {  	[spmem:s2] =	stream.indirect.scatter.add.f32 [tilespmem:s0], [sflag:$0x3], $0x80, s14, s31, $0xb8;
	[tilespmem:$0x1F000] =	vst v63  }
0x7c: {  	_ =	swait.ge [sflag:s25], $0x2800  }
0x7d: {  	[sflag:s25] =	ssyncset.done $0x0  }
0x7e: {  	s14 =	sadd.s32 $0x50, s30;
	s30 =	sadd.s32 $0xA0, s30;
	[sflag:s25] =	ssyncadd.s32 $0xFFFFD800  }
0x7f: {  	[tilespmem:s0], [sflag:$0x2] =	stream.indirect.gather [hbm4b:s4+s31], $0x80, s14, s31, $0xb8;
	[tilespmem:$0x1F000] =	vst v63  }
0x80: {  	_ =	swait.ge [sflag:s26], $0x2800  }
0x81: {  	[sflag:s26] =	ssyncset.done $0x0  }
0x82: {  	s13 =	simm.s32 $0x19D00;
	[sflag:s26] =	ssyncadd.s32 $0xFFFFD800  }
0x83: {  	[spmem:s2] =	stream.indirect.scatter.add.f32 [tilespmem:s24], [sflag:$0x3], $0x80, s13, s31, $0xb8;
	[tilespmem:$0x1F000] =	vst v63  }
0x84: {  	_ =	swait.ge [sflag:s25], $0x2800  }
0x85: {  	[sflag:s25] =	ssyncset.done $0x0  }
0x86: {  	[sflag:s25] =	ssyncadd.s32 $0xFFFFD800  }
0x87: {  	[tilespmem:s24], [sflag:$0x1] =	stream.indirect.gather [hbm4b:s4+s31], $0x80, s30, s31, $0xb8;
	[tilespmem:$0x1F000] =	vst v63  }
0x88: {  	_ =	swait.ge [sflag:s28], $0x2800  }
0x89: {  	[sflag:s28] =	ssyncset.done $0x0  }
0x8a: {  	s14 =	simm.s32 $0x19D80;
	[sflag:s28] =	ssyncadd.s32 $0xFFFFD800  }
0x8b: {  	[spmem:s2] =	stream.indirect.scatter.add.f32 [tilespmem:s0], [sflag:$0x3], $0x80, s14, s31, $0xb8;
	[tilespmem:$0x1F000] =	vst v63  }
0x8c: {  	_ =	swait.ge [sflag:s25], $0x2800  }
0x8d: {  	[sflag:s25] =	ssyncset.done $0x0  }
0x8e: {  	[sflag:s25] =	ssyncadd.s32 $0xFFFFD800  }
0x8f: {  	_ =	swait.ge [sflag:s26], $0x2800  }
0x90: {  	[sflag:s26] =	ssyncset.done $0x0  }
0x91: {  	s15 =	simm.s32 $0x19E00;
	[sflag:s26] =	ssyncadd.s32 $0xFFFFD800  }
0x92: {  	[spmem:s2] =	stream.indirect.scatter.add.f32 [tilespmem:s24], [sflag:$0x3], $0x80, s15, s31, $0xb8;
	[tilespmem:$0x1F000] =	vst v63  }
0x93: {  	_ =	swait.ge [sflag:s25], $0x2800  }
0x94: {  	[sflag:s25] =	ssyncset.done $0x0  }
0x95: {  	[sflag:s25] =	ssyncadd.s32 $0xFFFFD800  }
0x96: {  	[bflag:$0x0] =	sbarrier.arrive $0xFFFF  }
0x97: {  	[tilespmem:s24], [sflag:$0x3] =	stream.linear.gather [spmem:s5], $0x2800, $0x38;
	[tilespmem:$0x1F000] =	vst v63  }
0x98: {  	_ =	swait.ge [sflag:s25], $0x2800  }
0x99: {  	[sflag:s25] =	ssyncset.done $0x0  }
0x9a: {  	s30 =	rddreg [dreg:$0x5];
	[sflag:s25] =	ssyncadd.s32 $0xFFFFD800  }
0x9b: {  	[hbm4b:s30+s3] =	stream.linear.scatter [tilespmem:s24], [sflag:$0x3], $0x2800, $0x38;
	[tilespmem:$0x1F000] =	vst v63  }
0x9c: {  	_ =	swait.ge [sflag:s25], $0x2800  }
0x9d: {  	[sflag:s25] =	ssyncset.done $0x0  }
0x9e: {  	[sflag:s25] =	ssyncadd.s32 $0xFFFFD800  }
0x9f: {  	[tilespmem:s24], [sflag:$0x3] =	stream.linear.gather [spmem:s6], $0x2800, $0x38;
	[tilespmem:$0x1F000] =	vst v63  }
0xa0: {  	_ =	swait.ge [sflag:s25], $0x2800  }
0xa1: {  	[sflag:s25] =	ssyncset.done $0x0  }
0xa2: {  	[sflag:s25] =	ssyncadd.s32 $0xFFFFD800  }
0xa3: {  	[hbm4b:s16+s3] =	stream.linear.scatter [tilespmem:s24], [sflag:$0x3], $0x2800, $0x38;
	[tilespmem:$0x1F000] =	vst v63  }
0xa4: {  	_ =	swait.ge [sflag:s25], $0x2800  }
0xa5: {  	[sflag:s25] =	ssyncset.done $0x0  }
0xa6: {  	[sflag:s25] =	ssyncadd.s32 $0xFFFFD800  }
0xa7: {  	[tilespmem:s24], [sflag:$0x3] =	stream.linear.gather [spmem:s7], $0x2800, $0x38;
	[tilespmem:$0x1F000] =	vst v63  }
0xa8: {  	_ =	swait.ge [sflag:s25], $0x2800  }
0xa9: {  	[sflag:s25] =	ssyncset.done $0x0  }
0xaa: {  	[sflag:s25] =	ssyncadd.s32 $0xFFFFD800  }
0xab: {  	[hbm4b:s17+s3] =	stream.linear.scatter [tilespmem:s24], [sflag:$0x3], $0x2800, $0x38;
	[tilespmem:$0x1F000] =	vst v63  }
0xac: {  	_ =	swait.ge [sflag:s25], $0x2800  }
0xad: {  	[sflag:s25] =	ssyncset.done $0x0  }
0xae: {  	[sflag:s25] =	ssyncadd.s32 $0xFFFFD800  }
0xaf: {  	[tilespmem:s24], [sflag:$0x3] =	stream.linear.gather [spmem:s8], $0x2800, $0x38;
	[tilespmem:$0x1F000] =	vst v63  }
0xb0: {  	_ =	swait.ge [sflag:s25], $0x2800  }
0xb1: {  	[sflag:s25] =	ssyncset.done $0x0  }
0xb2: {  	[sflag:s25] =	ssyncadd.s32 $0xFFFFD800  }
0xb3: {  	[hbm4b:s18+s3] =	stream.linear.scatter [tilespmem:s24], [sflag:$0x3], $0x2800, $0x38;
	[tilespmem:$0x1F000] =	vst v63  }
0xb4: {  	_ =	swait.ge [sflag:s25], $0x2800  }
0xb5: {  	[sflag:s25] =	ssyncset.done $0x0  }
0xb6: {  	[sflag:s25] =	ssyncadd.s32 $0xFFFFD800  }
0xb7: {  	[tilespmem:s24], [sflag:$0x3] =	stream.linear.gather [spmem:s9], $0x2800, $0x38;
	[tilespmem:$0x1F000] =	vst v63  }
0xb8: {  	_ =	swait.ge [sflag:s25], $0x2800  }
0xb9: {  	[sflag:s25] =	ssyncset.done $0x0  }
0xba: {  	[sflag:s25] =	ssyncadd.s32 $0xFFFFD800  }
0xbb: {  	[hbm4b:s19+s3] =	stream.linear.scatter [tilespmem:s24], [sflag:$0x3], $0x2800, $0x38;
	[tilespmem:$0x1F000] =	vst v63  }
0xbc: {  	_ =	swait.ge [sflag:s25], $0x2800  }
0xbd: {  	[sflag:s25] =	ssyncset.done $0x0  }
0xbe: {  	[sflag:s25] =	ssyncadd.s32 $0xFFFFD800  }
0xbf: {  	[tilespmem:s24], [sflag:$0x3] =	stream.linear.gather [spmem:s10], $0x2800, $0x38;
	[tilespmem:$0x1F000] =	vst v63  }
0xc0: {  	_ =	swait.ge [sflag:s25], $0x2800  }
0xc1: {  	[sflag:s25] =	ssyncset.done $0x0  }
0xc2: {  	[sflag:s25] =	ssyncadd.s32 $0xFFFFD800  }
0xc3: {  	[hbm4b:s20+s3] =	stream.linear.scatter [tilespmem:s24], [sflag:$0x3], $0x2800, $0x38;
	[tilespmem:$0x1F000] =	vst v63  }
0xc4: {  	_ =	swait.ge [sflag:s25], $0x2800  }
0xc5: {  	[sflag:s25] =	ssyncset.done $0x0  }
0xc6: {  	[sflag:s25] =	ssyncadd.s32 $0xFFFFD800  }
0xc7: {  	[tilespmem:s24], [sflag:$0x3] =	stream.linear.gather [spmem:s11], $0x2800, $0x38;
	[tilespmem:$0x1F000] =	vst v63  }
0xc8: {  	_ =	swait.ge [sflag:s25], $0x2800  }
0xc9: {  	[sflag:s25] =	ssyncset.done $0x0  }
0xca: {  	[sflag:s25] =	ssyncadd.s32 $0xFFFFD800  }
0xcb: {  	[hbm4b:s21+s3] =	stream.linear.scatter [tilespmem:s24], [sflag:$0x3], $0x2800, $0x38;
	[tilespmem:$0x1F000] =	vst v63  }
0xcc: {  	_ =	swait.ge [sflag:s25], $0x2800  }
0xcd: {  	[sflag:s25] =	ssyncset.done $0x0  }
0xce: {  	s13 =	simm.s32 @!p0 $0x1A000;
	s14 =	simm.s32 @!p0 $0x3;
	[sflag:s25] =	ssyncadd.s32 $0xFFFFD800  }
0xcf: {  	[tilespmem:s13], [sflag:$0x3] =	stream.linear.gather @!p0 [spmem:s12], $0x2800, $0x38;
	[tilespmem:$0x1F000] =	vst v63  }
0xd0: {  	s1 =	sadd.s32 $0x1, s1;
	_ =	swait.ge @!p0 [sflag:s14], $0x2800  }
0xd1: {  	p1 =	sne.s32 s1, s23;
	[sflag:s14] =	ssyncset.done @!p0 $0x0  }
.Ltmp2:
0xd2: {  	s15 =	simm.s32 @!p0 $0x0;
	[sflag:s14] =	ssyncadd.s32 @!p0 $0xFFFFD800;
	(pc) =	sbr.rel @p1 .LBB2_1-.Ltmp2, $4  }
0xd3: {  	[hbm4b:s22+s15] =	stream.linear.scatter @!p0 [tilespmem:s13], [sflag:$0x3], $0x2800, $0x38;
	[tilespmem:$0x1F000] =	vst v63  }
0xd4: {  	_ =	swait.ge @!p0 [sflag:s14], $0x2800  }
0xd5: {  	[sflag:s14] =	ssyncset.done @!p0 $0x0  }
0xd6: {  	[sflag:s14] =	ssyncadd.s32 @!p0 $0xFFFFD800  }
0xd7: {  	_ =	sfence.sel $0x180000  }
0xd8: {  	[bflag:$0x0] =	sbarrier.arrive $0xFFFF  }
0xd9: {  	_ =	strace $0x90000050  }
0xda: {  	s0 =	stileid.u32;
	[bflag:$0x2] =	sbarrier.arrive $0xFFFF  }
0xdb: {  	p0 =	sne.s32 s0, $0x0;
	s0 =	rddreg [dreg:$0x2]  }
0xdc: {  	s0 =	sadd.s32 @!p0 $0x100000, s0  }
0xdd: {  	[sflag:s0] =	ssyncadd.tile.s32 @!p0 $0x1;
	_ =	shalt  }
.Lfunc_end2:
_tile_overlayer_lowered:
.L_overlay_start_2:
0xde: {  	(tag) =	ssettag $0x2  }
0xdf: {  	s0 =	rddreg [dreg:$0x0];
	s2 =	stileid.u32  }
0xe0: {  	s1 =	rddreg [dreg:$0x1];
	p0 =	sne.s32 s2, $0x0  }
0xe1: {  	s3 =	rddreg [dreg:$0x2];
	[bflag:$0x3] =	sbarrier.arrive $0xFFFF;
	s2 =	simm.s32 @!p0 $0x1C03  }
0xe2: {  	[timem:s3], [sflag:s2] =	dma.local @!p0 [hbm:s0], s1  }
0xe3: {  	s0 =	simm.s32 @!p0 $0x3  }
0xe4: {  	_ =	swait.ge @!p0 [sflag:s0], s1  }
0xe5: {  	s1 =	ssub.s32 @!p0 $0x0, s1;
	[sflag:s0] =	ssyncset.done @!p0 $0x0  }
0xe6: {  	[sflag:s0] =	ssyncadd.s32 @!p0 s1  }
0xe7: {  	[bflag:$0x3] =	sbarrier.arrive $0xFFFF  }
0xe8: {  	_ =	shalt  }

</sc_bundles>
